<compile_context>
chip_gen: v7x
topology: tpu7x:2x2x1
jax: 0.10.2.dev20260603
libtpu: 0.0.44.dev20260713+nightly
codegen_flags: <defaults>
</compile_context>

<pallas_src>
import functools

import jax
import jax.numpy as jnp
from jax import lax
from jax.experimental import pallas as pl
from jax.experimental.pallas import tpu as pltpu
from jax.experimental.pallas import tpu_sc as plsc

_NC = 2
_NS = 16
_NW = _NC * _NS

_B = 4096
_L = 200
_D = 16
_LC = 8
_CHUNK = _LC * 128
_NCHUNK = _L // _LC


_V = 1000000
_NT = 7813
_FULL_T = 7812


@jax.jit
def _sc_detile(tab_t):
    mesh = plsc.VectorSubcoreMesh(core_axis_name="c", subcore_axis_name="s")
    mw = 512
    pitch = 515

    @functools.partial(
        pl.kernel,
        out_type=jax.ShapeDtypeStruct((_V // 64, 8, 128), jnp.float32),
        mesh=mesh,
        scratch_types=[
            pltpu.VMEM((16, pitch), jnp.float32),
            pltpu.VMEM((16, pitch), jnp.float32),
            pltpu.VMEM((8, 8, 128), jnp.float32),
            pltpu.VMEM((8, 8, 128), jnp.float32),
            pltpu.VMEM((8720,), jnp.float32),
            pltpu.VMEM((8720,), jnp.float32),
            pltpu.SemaphoreType.DMA,
            pltpu.SemaphoreType.DMA,
            pltpu.SemaphoreType.DMA,
            pltpu.SemaphoreType.DMA,
        ],
        compiler_params=pltpu.CompilerParams(
            use_tc_tiling_on_sc=True, needs_layout_passes=False),
    )
    def k(tab_hbm, out_hbm, x0, x1, y0, y1, sc0, sc1, sg0, sg1, ss0, ss1):
        x = (x0, x1)
        y = (y0, y1)
        scr = (sc0, sc1)
        sem_g = (sg0, sg1)
        sem_s = (ss0, ss1)
        wid = lax.axis_index("s") * _NC + lax.axis_index("c")
        iota = lax.iota(jnp.int32, 16)

        base = wid * 61 + jnp.minimum(wid, 1)
        cnt = jnp.where(wid < 1, 62, 61)

        def in_cp(t, u, ncol=mw):
            a = pltpu.make_async_copy(
                tab_hbm.at[pl.ds(0, 8), pl.ds(t * mw, ncol)],
                x[u].at[pl.ds(0, 8), pl.ds(0, ncol)], sem_g[u])
            b = pltpu.make_async_copy(
                tab_hbm.at[pl.ds(8, 8), pl.ds(t * mw, ncol)],
                x[u].at[pl.ds(8, 8), pl.ds(0, ncol)], sem_g[u])
            return a, b

        def out_cp(t, u, nrow=8):
            return pltpu.make_async_copy(
                y[u].at[pl.ds(0, nrow)], out_hbm.at[pl.ds(t * 8, nrow)],
                sem_s[u])

        def transpose(u, ngroup=64):
            xv, yv, sv = x[u], y[u], scr[u]
            pitch17 = iota * 17

            for d in range(16):

                def s_body(g, c, d=d):
                    vec = xv[d, pl.ds(g * 16, 16)]
                    plsc.store_scatter(sv, [pitch17 + (g * 272 + d)], vec)
                    return c

                lax.fori_loop(0, ngroup // 2, s_body, 0)

            def c_body(g, c):
                row_ref = yv.at[g // 8, g % 8]
                for s in range(8):
                    v2 = g * 8 + s
                    row_ref[pl.ds(s * 16, 16)] = sv[pl.ds(v2 * 17, 16)]
                return c

            lax.fori_loop(0, ngroup, c_body, 0)

        def start(t, u):
            a, b = in_cp(t, u)
            a.start()
            b.start()

        def wait_in(t, u):
            a, b = in_cp(t, u)
            a.wait()
            b.wait()

        start(base, 0)
        start(base + 1, 1)

        def body(j, carry):
            for u in (0, 1):
                t = base + 2 * j + u
                wait_in(t, u)

                @pl.when(j > 0)
                def _():
                    out_cp(t - 2, u).wait()

                transpose(u)
                out_cp(t, u).start()

                @pl.when(2 * j + u + 2 < cnt)
                def _():
                    start(t + 2, u)

            return carry

        lax.fori_loop(0, 30, body, 0)

        t60 = base + 60
        wait_in(t60, 0)
        out_cp(t60 - 2, 0).wait()
        transpose(0)
        out_cp(t60, 0).start()

        @pl.when(cnt == 62)
        def _():
            t61 = base + 61
            wait_in(t61, 1)
            out_cp(t61 - 2, 1).wait()
            transpose(1)
            out_cp(t61, 1).start()
            out_cp(t61, 1).wait()

        @pl.when(cnt == 61)
        def _():
            out_cp(base + 59, 1).wait()

        out_cp(t60, 0).wait()

        @pl.when(wid == _NW - 1)
        def _():
            tl = jnp.int32(_FULL_T)
            a = pltpu.make_async_copy(
                tab_hbm.at[pl.ds(0, 8), pl.ds(tl * 128, 128)],
                x[0].at[pl.ds(0, 8), pl.ds(0, 128)], sem_g[0])
            b = pltpu.make_async_copy(
                tab_hbm.at[pl.ds(8, 8), pl.ds(tl * 128, 128)],
                x[0].at[pl.ds(8, 8), pl.ds(0, 128)], sem_g[0])
            a.start()
            b.start()
            a.wait()
            b.wait()
            transpose(0, ngroup=8)
            fin = pltpu.make_async_copy(
                y[0].at[pl.ds(0, 1)],
                out_hbm.at[pl.ds(_FULL_T * 2, 1)], sem_s[0])
            fin.start()
            fin.wait()

    return k(tab_t)


@jax.jit
def _sc_gather(idx3, table):
    mesh = plsc.VectorSubcoreMesh(core_axis_name="c", subcore_axis_name="s")

    @functools.partial(
        pl.kernel,
        out_type=jax.ShapeDtypeStruct((_L, 2, _NW, 8, 128), jnp.float32),
        mesh=mesh,
        scratch_types=[
            pltpu.VMEM((_NCHUNK, _CHUNK), jnp.int32),
            pltpu.VMEM((_CHUNK, _D), jnp.float32),
            pltpu.VMEM((_CHUNK, _D), jnp.float32),
            pltpu.VMEM((_LC, 2, 8, 129), jnp.float32),
            pltpu.VMEM((_LC, 2, 8, 129), jnp.float32),
            pltpu.SemaphoreType.DMA,
            pltpu.SemaphoreType.DMA,
            pltpu.SemaphoreType.DMA,
            pltpu.SemaphoreType.DMA,
        ],
        compiler_params=pltpu.CompilerParams(
            use_tc_tiling_on_sc=False, needs_layout_passes=False),
    )
    def k(idx_hbm, table_hbm, out_hbm, idx_v, rows0, rows1, tr0, tr1,
          sg0, sg1, ss0, ss1):
        rows = (rows0, rows1)
        trans = (tr0, tr1)
        sem_g = (sg0, sg1)
        sem_s = (ss0, ss1)
        wid = lax.axis_index("s") * _NC + lax.axis_index("c")
        pltpu.sync_copy(idx_hbm.at[:, wid], idx_v)

        iota = lax.iota(jnp.int32, 16)
        d1v = iota >> 3
        d2v = iota & 7

        def gather_cp(i, u):
            return pltpu.make_async_copy(
                table_hbm.at[idx_v.at[i]], rows[u], sem_g[u])

        def store_cp(i, u):
            return pltpu.make_async_copy(
                trans[u].at[:, :, :, pl.ds(0, 128)],
                out_hbm.at[pl.ds(i * _LC, _LC), :, wid], sem_s[u])

        def transpose(u):
            rv, tv = rows[u], trans[u]
            for l_i in range(_LC):
                lv = jnp.full((16,), l_i, jnp.int32)

                def row_group(g, c):
                    for s in range(8):
                        b = g * 8 + s
                        row = rv[l_i * 128 + b]
                        bv = jnp.full((16,), 0, jnp.int32) + b
                        plsc.store_scatter(tv, [lv, d1v, d2v, bv], row)
                    return c

                lax.fori_loop(0, 16, row_group, 0)

        gather_cp(0, 0).start()
        gather_cp(1, 1).start()

        def body(j, carry):
            for u in (0, 1):
                i = 2 * j + u
                gather_cp(i, u).wait()

                @pl.when(j > 0)
                def _():
                    store_cp(i - 2, u).wait()

                transpose(u)
                store_cp(i, u).start()

                @pl.when(i + 2 < _NCHUNK)
                def _():
                    gather_cp(i + 2, u).start()

            return carry

        lax.fori_loop(0, (_NCHUNK - 1) // 2, body, 0)

        last = _NCHUNK - 1
        gather_cp(last, 0).wait()
        store_cp(last - 2, 0).wait()
        transpose(0)
        store_cp(last, 0).start()
        store_cp(last - 1, 1).wait()
        store_cp(last, 0).wait()

    return k(idx3, table)


def kernel(batch_seq, table):
    idx3 = (batch_seq.reshape(_NW, 128, _L // 8, 8).transpose(2, 0, 3, 1)
            .reshape(_L // 8, _NW, 1024).astype(jnp.int32))
    tab_lin = _sc_detile(table.T).reshape(_V, _D)
    out5 = _sc_gather(idx3, tab_lin)
    return out5.transpose(2, 4, 0, 1, 3).reshape(_B, _L, _D)

# --- scband reference (transcript-rebuilt; emitter-appended) ---
"""Pipeline reference for scband-embedding-39204461478142 (READ-ONLY COPY).

The authoritative reference and input builder live on the scoring server;
editing this copy changes nothing except your own understanding.
"""

import jax, jax.numpy as jnp
import numpy as np

NUM_EMBEDDINGS = 1000000
EMBEDDING_DIM = 16
BATCH = 4096
HIST_LEN = 200


def setup_inputs(seed: int = 0) -> dict:
    key = jax.random.key(seed)
    k_idx, k_tab = jax.random.split(key)
    batch_seq = jax.random.randint(k_idx, (BATCH, HIST_LEN), 0, NUM_EMBEDDINGS, dtype=jnp.int64 if jax.config.jax_enable_x64 else jnp.int32)
    table = jax.random.normal(k_tab, (NUM_EMBEDDINGS, EMBEDDING_DIM), dtype=jnp.float32) * 0.02
    return {"batch_seq": batch_seq, "table": table}


def reference(batch_seq, table):
    # Embedding lookup: gather rows of the table by index.
    emb = jnp.take(table, batch_seq, axis=0)  # [B, L, D]
    # Dropout in eval mode is identity (deterministic reference).
    out = emb
    return out

if __name__ == "__main__":
    import jax
    _d = setup_inputs()
    print(jax.jit(kernel)(*tuple(_d.values())))

</pallas_src>

<mosaic_0001>
#map = affine_map<(d0, d1) -> (0, 0)>
#map1 = affine_map<(d0, d1) -> (0, 0, 0)>
module attributes {stable_mosaic.version = 14 : i64} {
  func.func @k(%arg0: i32, %arg1: i32, %arg2: memref<16x1000000xf32, #tpu.memory_space<hbm>>, %arg3: memref<15625x8x128xf32, #tpu.memory_space<hbm>>, %arg4: memref<16x515xf32, #tpu.memory_space<vmem>>, %arg5: memref<16x515xf32, #tpu.memory_space<vmem>>, %arg6: memref<8x8x128xf32, #tpu.memory_space<vmem>>, %arg7: memref<8x8x128xf32, #tpu.memory_space<vmem>>, %arg8: memref<8720xf32, #tpu.memory_space<vmem>>, %arg9: memref<8720xf32, #tpu.memory_space<vmem>>, %arg10: memref<!tpu.dma_semaphore, #tpu.memory_space<semaphore_mem>>, %arg11: memref<!tpu.dma_semaphore, #tpu.memory_space<semaphore_mem>>, %arg12: memref<!tpu.dma_semaphore, #tpu.memory_space<semaphore_mem>>, %arg13: memref<!tpu.dma_semaphore, #tpu.memory_space<semaphore_mem>>) attributes {dimension_semantics = [#tpu.dimension_semantics<core_parallel>, #tpu.dimension_semantics<subcore_parallel>], iteration_bounds = array<i64: 2, 16>, scalar_prefetch = 0 : i64, scratch_operands = 10 : i64, tpu.core_type = #tpu.core_type<sc_vector_subcore>, window_params = [{transform_indices = #map}, {transform_indices = #map1}]} {
    %mul3A = arith.constant 2 : i32
    %mul3A_0 = arith.muli %arg1, %mul3A : i32
    %add3A = arith.addi %mul3A_0, %arg0 : i32
    %iota3A = tpu.iota {dimensions = array<i32: 0>} : vector<16xi32>
    %mul3A_1 = arith.constant 61 : i32
    %mul3A_2 = arith.muli %add3A, %mul3A_1 : i32
    %min3A = arith.constant 1 : i32
    %min3A_3 = arith.minsi %add3A, %min3A : i32
    %add3A_4 = arith.addi %mul3A_2, %min3A_3 : i32
    %lt3A = arith.constant 1 : i32
    %lt3A_5 = arith.cmpi slt, %add3A, %lt3A : i32
    %jit3A = arith.constant 62 : i32
    %jit3A_6 = arith.constant 61 : i32
    %select_n3A = arith.select %lt3A_5, %jit3A, %jit3A_6 : i32
    %mul3A_7 = arith.constant 512 : i32
    %mul3A_8 = arith.muli %add3A_4, %mul3A_7 : i32
    %mul3A_9 = arith.constant 512 : i32
    %mul3A_10 = arith.muli %add3A_4, %mul3A_9 : i32
    %dma_start3A = arith.constant 0 : i32
    %dma_start3A_11 = arith.constant 0 : i32
    %dma_start3A_12 = tpu.memref_slice %arg4[%dma_start3A, %dma_start3A_11] : memref<16x515xf32, #tpu.memory_space<vmem>> -> memref<8x512xf32, #tpu.memory_space<vmem>>
    %dma_start3A_13 = arith.constant 0 : i32
    %dma_start3A_14 = tpu.memref_slice %arg2[%dma_start3A_13, %mul3A_8] : memref<16x1000000xf32, #tpu.memory_space<hbm>> -> memref<8x512xf32, #tpu.memory_space<hbm>>
    %dma_start3A_15 = arith.constant 0 : i32
    %dma_start3A_16 = arith.constant 0 : i32
    %dma_start3A_17 = tpu.memref_slice %arg4[%dma_start3A_15, %dma_start3A_16] : memref<16x515xf32, #tpu.memory_space<vmem>> -> memref<8x512xf32, #tpu.memory_space<vmem>>
    %dma_start3A_18 = arith.constant 0 : i32
    %dma_start3A_19 = tpu.memref_slice %arg2[%dma_start3A_18, %mul3A_8] : memref<16x1000000xf32, #tpu.memory_space<hbm>> -> memref<8x512xf32, #tpu.memory_space<hbm>>
    tpu.enqueue_dma source(%dma_start3A_19 : memref<8x512xf32, #tpu.memory_space<hbm>>) target(%dma_start3A_17 : memref<8x512xf32, #tpu.memory_space<vmem>>) target_semaphore(%arg10 : memref<!tpu.dma_semaphore, #tpu.memory_space<semaphore_mem>>)
    %dma_start3A_20 = arith.constant 8 : i32
    %dma_start3A_21 = arith.constant 0 : i32
    %dma_start3A_22 = tpu.memref_slice %arg4[%dma_start3A_20, %dma_start3A_21] : memref<16x515xf32, #tpu.memory_space<vmem>> -> memref<8x512xf32, #tpu.memory_space<vmem>>
    %dma_start3A_23 = arith.constant 8 : i32
    %dma_start3A_24 = tpu.memref_slice %arg2[%dma_start3A_23, %mul3A_10] : memref<16x1000000xf32, #tpu.memory_space<hbm>> -> memref<8x512xf32, #tpu.memory_space<hbm>>
    %dma_start3A_25 = arith.constant 8 : i32
    %dma_start3A_26 = arith.constant 0 : i32
    %dma_start3A_27 = tpu.memref_slice %arg4[%dma_start3A_25, %dma_start3A_26] : memref<16x515xf32, #tpu.memory_space<vmem>> -> memref<8x512xf32, #tpu.memory_space<vmem>>
    %dma_start3A_28 = arith.constant 8 : i32
    %dma_start3A_29 = tpu.memref_slice %arg2[%dma_start3A_28, %mul3A_10] : memref<16x1000000xf32, #tpu.memory_space<hbm>> -> memref<8x512xf32, #tpu.memory_space<hbm>>
    tpu.enqueue_dma source(%dma_start3A_29 : memref<8x512xf32, #tpu.memory_space<hbm>>) target(%dma_start3A_27 : memref<8x512xf32, #tpu.memory_space<vmem>>) target_semaphore(%arg10 : memref<!tpu.dma_semaphore, #tpu.memory_space<semaphore_mem>>)
    %add3A_30 = arith.constant 1 : i32
    %add3A_31 = arith.addi %add3A_4, %add3A_30 : i32
    %mul3A_32 = arith.constant 512 : i32
    %mul3A_33 = arith.muli %add3A_31, %mul3A_32 : i32
    %mul3A_34 = arith.constant 512 : i32
    %mul3A_35 = arith.muli %add3A_31, %mul3A_34 : i32
    %dma_start3A_36 = arith.constant 0 : i32
    %dma_start3A_37 = arith.constant 0 : i32
    %dma_start3A_38 = tpu.memref_slice %arg5[%dma_start3A_36, %dma_start3A_37] : memref<16x515xf32, #tpu.memory_space<vmem>> -> memref<8x512xf32, #tpu.memory_space<vmem>>
    %dma_start3A_39 = arith.constant 0 : i32
    %dma_start3A_40 = tpu.memref_slice %arg2[%dma_start3A_39, %mul3A_33] : memref<16x1000000xf32, #tpu.memory_space<hbm>> -> memref<8x512xf32, #tpu.memory_space<hbm>>
    %dma_start3A_41 = arith.constant 0 : i32
    %dma_start3A_42 = arith.constant 0 : i32
    %dma_start3A_43 = tpu.memref_slice %arg5[%dma_start3A_41, %dma_start3A_42] : memref<16x515xf32, #tpu.memory_space<vmem>> -> memref<8x512xf32, #tpu.memory_space<vmem>>
    %dma_start3A_44 = arith.constant 0 : i32
    %dma_start3A_45 = tpu.memref_slice %arg2[%dma_start3A_44, %mul3A_33] : memref<16x1000000xf32, #tpu.memory_space<hbm>> -> memref<8x512xf32, #tpu.memory_space<hbm>>
    tpu.enqueue_dma source(%dma_start3A_45 : memref<8x512xf32, #tpu.memory_space<hbm>>) target(%dma_start3A_43 : memref<8x512xf32, #tpu.memory_space<vmem>>) target_semaphore(%arg11 : memref<!tpu.dma_semaphore, #tpu.memory_space<semaphore_mem>>)
    %dma_start3A_46 = arith.constant 8 : i32
    %dma_start3A_47 = arith.constant 0 : i32
    %dma_start3A_48 = tpu.memref_slice %arg5[%dma_start3A_46, %dma_start3A_47] : memref<16x515xf32, #tpu.memory_space<vmem>> -> memref<8x512xf32, #tpu.memory_space<vmem>>
    %dma_start3A_49 = arith.constant 8 : i32
    %dma_start3A_50 = tpu.memref_slice %arg2[%dma_start3A_49, %mul3A_35] : memref<16x1000000xf32, #tpu.memory_space<hbm>> -> memref<8x512xf32, #tpu.memory_space<hbm>>
    %dma_start3A_51 = arith.constant 8 : i32
    %dma_start3A_52 = arith.constant 0 : i32
    %dma_start3A_53 = tpu.memref_slice %arg5[%dma_start3A_51, %dma_start3A_52] : memref<16x515xf32, #tpu.memory_space<vmem>> -> memref<8x512xf32, #tpu.memory_space<vmem>>
    %dma_start3A_54 = arith.constant 8 : i32
    %dma_start3A_55 = tpu.memref_slice %arg2[%dma_start3A_54, %mul3A_35] : memref<16x1000000xf32, #tpu.memory_space<hbm>> -> memref<8x512xf32, #tpu.memory_space<hbm>>
    tpu.enqueue_dma source(%dma_start3A_55 : memref<8x512xf32, #tpu.memory_space<hbm>>) target(%dma_start3A_53 : memref<8x512xf32, #tpu.memory_space<vmem>>) target_semaphore(%arg11 : memref<!tpu.dma_semaphore, #tpu.memory_space<semaphore_mem>>)
    %scan3A = arith.constant 0 : i32
    %scan3A_56 = arith.constant 0 : i32
    %scan3A_57 = arith.constant 30 : i32
    %scan3A_58 = arith.addi %scan3A_56, %scan3A_57 : i32
    %scan3A_59 = arith.constant 1 : i32
    scf.for %scan3A_252 = %scan3A_56 to %scan3A_58 step %scan3A_59  : i32 {
      %mul3A_253 = arith.constant 2 : i32
      %mul3A_254 = arith.muli %mul3A_253, %scan3A_252 : i32
      %add3A_255 = arith.addi %add3A_4, %mul3A_254 : i32
      %add3A_256 = arith.constant 0 : i32
      %add3A_257 = arith.addi %add3A_255, %add3A_256 : i32
      %mul3A_258 = arith.constant 512 : i32
      %mul3A_259 = arith.muli %add3A_257, %mul3A_258 : i32
      %mul3A_260 = arith.constant 512 : i32
      %mul3A_261 = arith.muli %add3A_257, %mul3A_260 : i32
      %dma_wait3A_262 = arith.constant 0 : i32
      %dma_wait3A_263 = arith.constant 0 : i32
      %dma_wait3A_264 = tpu.memref_slice %arg4[%dma_wait3A_262, %dma_wait3A_263] : memref<16x515xf32, #tpu.memory_space<vmem>> -> memref<8x512xf32, #tpu.memory_space<vmem>>
      %dma_wait3A_265 = arith.constant 0 : i32
      %dma_wait3A_266 = tpu.memref_slice %arg2[%dma_wait3A_265, %mul3A_259] : memref<16x1000000xf32, #tpu.memory_space<hbm>> -> memref<8x512xf32, #tpu.memory_space<hbm>>
      %dma_wait3A_267 = arith.constant 0 : i32
      %dma_wait3A_268 = arith.constant 0 : i32
      %dma_wait3A_269 = tpu.memref_slice %arg4[%dma_wait3A_267, %dma_wait3A_268] : memref<16x515xf32, #tpu.memory_space<vmem>> -> memref<8x512xf32, #tpu.memory_space<vmem>>
      %dma_wait3A_270 = arith.constant 0 : i32
      %dma_wait3A_271 = tpu.memref_slice %arg2[%dma_wait3A_270, %mul3A_259] : memref<16x1000000xf32, #tpu.memory_space<hbm>> -> memref<8x512xf32, #tpu.memory_space<hbm>>
      tpu.wait_dma2 semaphore(%arg10 : memref<!tpu.dma_semaphore, #tpu.memory_space<semaphore_mem>>) src(%dma_wait3A_271 : memref<8x512xf32, #tpu.memory_space<hbm>>) dst(%dma_wait3A_269 : memref<8x512xf32, #tpu.memory_space<vmem>>)
      %dma_wait3A_272 = arith.constant 8 : i32
      %dma_wait3A_273 = arith.constant 0 : i32
      %dma_wait3A_274 = tpu.memref_slice %arg4[%dma_wait3A_272, %dma_wait3A_273] : memref<16x515xf32, #tpu.memory_space<vmem>> -> memref<8x512xf32, #tpu.memory_space<vmem>>
      %dma_wait3A_275 = arith.constant 8 : i32
      %dma_wait3A_276 = tpu.memref_slice %arg2[%dma_wait3A_275, %mul3A_261] : memref<16x1000000xf32, #tpu.memory_space<hbm>> -> memref<8x512xf32, #tpu.memory_space<hbm>>
      %dma_wait3A_277 = arith.constant 8 : i32
      %dma_wait3A_278 = arith.constant 0 : i32
      %dma_wait3A_279 = tpu.memref_slice %arg4[%dma_wait3A_277, %dma_wait3A_278] : memref<16x515xf32, #tpu.memory_space<vmem>> -> memref<8x512xf32, #tpu.memory_space<vmem>>
      %dma_wait3A_280 = arith.constant 8 : i32
      %dma_wait3A_281 = tpu.memref_slice %arg2[%dma_wait3A_280, %mul3A_261] : memref<16x1000000xf32, #tpu.memory_space<hbm>> -> memref<8x512xf32, #tpu.memory_space<hbm>>
      tpu.wait_dma2 semaphore(%arg10 : memref<!tpu.dma_semaphore, #tpu.memory_space<semaphore_mem>>) src(%dma_wait3A_281 : memref<8x512xf32, #tpu.memory_space<hbm>>) dst(%dma_wait3A_279 : memref<8x512xf32, #tpu.memory_space<vmem>>)
      %gt3A = arith.constant 0 : i32
      %gt3A_282 = arith.cmpi sgt, %scan3A_252, %gt3A : i32
      %convert_element_type3A_283 = arith.extui %gt3A_282 : i1 to i32
      %cond3A_284 = arith.constant 0 : i32
      %cond3A_285 = arith.cmpi ne, %convert_element_type3A_283, %cond3A_284 : i32
      scf.if %cond3A_285 {
        %sub3A_582 = arith.constant 2 : i32
        %sub3A_583 = arith.subi %add3A_257, %sub3A_582 : i32
        %mul3A_584 = arith.constant 8 : i32
        %mul3A_585 = arith.muli %sub3A_583, %mul3A_584 : i32
        %dma_wait3A_586 = arith.constant 0 : i32
        %dma_wait3A_587 = arith.constant 0 : i32
        %dma_wait3A_588 = arith.constant 0 : i32
        %dma_wait3A_589 = tpu.memref_slice %arg6[%dma_wait3A_586, %dma_wait3A_587, %dma_wait3A_588] : memref<8x8x128xf32, #tpu.memory_space<vmem>> -> memref<8x8x128xf32, #tpu.memory_space<vmem>>
        %dma_wait3A_590 = arith.constant 0 : i32
        %dma_wait3A_591 = arith.constant 0 : i32
        %dma_wait3A_592 = tpu.memref_slice %arg3[%mul3A_585, %dma_wait3A_590, %dma_wait3A_591] : memref<15625x8x128xf32, #tpu.memory_space<hbm>> -> memref<8x8x128xf32, #tpu.memory_space<hbm>>
        %dma_wait3A_593 = arith.constant 0 : i32
        %dma_wait3A_594 = arith.constant 0 : i32
        %dma_wait3A_595 = tpu.memref_slice %arg3[%mul3A_585, %dma_wait3A_593, %dma_wait3A_594] : memref<15625x8x128xf32, #tpu.memory_space<hbm>> -> memref<8x8x128xf32, #tpu.memory_space<hbm>>
        %dma_wait3A_596 = arith.constant 0 : i32
        %dma_wait3A_597 = arith.constant 0 : i32
        %dma_wait3A_598 = arith.constant 0 : i32
        %dma_wait3A_599 = tpu.memref_slice %arg6[%dma_wait3A_596, %dma_wait3A_597, %dma_wait3A_598] : memref<8x8x128xf32, #tpu.memory_space<vmem>> -> memref<8x8x128xf32, #tpu.memory_space<vmem>>
        tpu.wait_dma2 semaphore(%arg12 : memref<!tpu.dma_semaphore, #tpu.memory_space<semaphore_mem>>) src(%dma_wait3A_599 : memref<8x8x128xf32, #tpu.memory_space<vmem>>) dst(%dma_wait3A_595 : memref<8x8x128xf32, #tpu.memory_space<hbm>>)
      } else {
      }
      %mul3A_286 = arith.constant 17 : i32
      %mul3A_287 = vector.broadcast %mul3A_286 : i32 to vector<16xi32>
      %mul3A_288 = arith.muli %iota3A, %mul3A_287 : vector<16xi32>
      %scan3A_289 = arith.constant 0 : i32
      %scan3A_290 = arith.constant 0 : i32
      %scan3A_291 = arith.constant 32 : i32
      %scan3A_292 = arith.addi %scan3A_290, %scan3A_291 : i32
      %scan3A_293 = arith.constant 1 : i32
      scf.for %scan3A_582 = %scan3A_290 to %scan3A_292 step %scan3A_293  : i32 {
        %mul3A_583 = arith.constant 16 : i32
        %mul3A_584 = arith.muli %scan3A_582, %mul3A_583 : i32
        %get3A = arith.constant 0 : i32
        %get3A_585 = arith.index_cast %get3A : i32 to index
        %get3A_586 = arith.index_cast %mul3A_584 : i32 to index
        %get3A_587 = tpu.vector_load %arg4[%get3A_585, %get3A_586] {strides = array<i32>} : memref<16x515xf32, #tpu.memory_space<vmem>>, vector<16xf32>,
        %mul3A_588 = arith.constant 272 : i32
        %mul3A_589 = arith.muli %scan3A_582, %mul3A_588 : i32
        %add3A_590 = arith.constant 0 : i32
        %add3A_591 = arith.addi %mul3A_589, %add3A_590 : i32
        %add3A_592 = vector.broadcast %add3A_591 : i32 to vector<16xi32>
        %add3A_593 = arith.addi %mul3A_288, %add3A_592 : vector<16xi32>
        tpu.vector_store_idx %arg8[%add3A_593], %get3A_587 : memref<8720xf32, #tpu.memory_space<vmem>>[vector<16xi32>], vector<16xf32>,
      }
      %scan3A_294 = arith.constant 32 : i32
      %scan3A_295 = arith.constant 0 : i32
      %scan3A_296 = arith.constant 0 : i32
      %scan3A_297 = arith.constant 32 : i32
      %scan3A_298 = arith.addi %scan3A_296, %scan3A_297 : i32
      %scan3A_299 = arith.constant 1 : i32
      scf.for %scan3A_582 = %scan3A_296 to %scan3A_298 step %scan3A_299  : i32 {
        %mul3A_583 = arith.constant 16 : i32
        %mul3A_584 = arith.muli %scan3A_582, %mul3A_583 : i32
        %get3A = arith.constant 1 : i32
        %get3A_585 = arith.index_cast %get3A : i32 to index
        %get3A_586 = arith.index_cast %mul3A_584 : i32 to index
        %get3A_587 = tpu.vector_load %arg4[%get3A_585, %get3A_586] {strides = array<i32>} : memref<16x515xf32, #tpu.memory_space<vmem>>, vector<16xf32>,
        %mul3A_588 = arith.constant 272 : i32
        %mul3A_589 = arith.muli %scan3A_582, %mul3A_588 : i32
        %add3A_590 = arith.constant 1 : i32
        %add3A_591 = arith.addi %mul3A_589, %add3A_590 : i32
        %add3A_592 = vector.broadcast %add3A_591 : i32 to vector<16xi32>
        %add3A_593 = arith.addi %mul3A_288, %add3A_592 : vector<16xi32>
        tpu.vector_store_idx %arg8[%add3A_593], %get3A_587 : memref<8720xf32, #tpu.memory_space<vmem>>[vector<16xi32>], vector<16xf32>,
      }
      %scan3A_300 = arith.constant 32 : i32
      %scan3A_301 = arith.constant 0 : i32
      %scan3A_302 = arith.constant 0 : i32
      %scan3A_303 = arith.constant 32 : i32
      %scan3A_304 = arith.addi %scan3A_302, %scan3A_303 : i32
      %scan3A_305 = arith.constant 1 : i32
      scf.for %scan3A_582 = %scan3A_302 to %scan3A_304 step %scan3A_305  : i32 {
        %mul3A_583 = arith.constant 16 : i32
        %mul3A_584 = arith.muli %scan3A_582, %mul3A_583 : i32
        %get3A = arith.constant 2 : i32
        %get3A_585 = arith.index_cast %get3A : i32 to index
        %get3A_586 = arith.index_cast %mul3A_584 : i32 to index
        %get3A_587 = tpu.vector_load %arg4[%get3A_585, %get3A_586] {strides = array<i32>} : memref<16x515xf32, #tpu.memory_space<vmem>>, vector<16xf32>,
        %mul3A_588 = arith.constant 272 : i32
        %mul3A_589 = arith.muli %scan3A_582, %mul3A_588 : i32
        %add3A_590 = arith.constant 2 : i32
        %add3A_591 = arith.addi %mul3A_589, %add3A_590 : i32
        %add3A_592 = vector.broadcast %add3A_591 : i32 to vector<16xi32>
        %add3A_593 = arith.addi %mul3A_288, %add3A_592 : vector<16xi32>
        tpu.vector_store_idx %arg8[%add3A_593], %get3A_587 : memref<8720xf32, #tpu.memory_space<vmem>>[vector<16xi32>], vector<16xf32>,
      }
      %scan3A_306 = arith.constant 32 : i32
      %scan3A_307 = arith.constant 0 : i32
      %scan3A_308 = arith.constant 0 : i32
      %scan3A_309 = arith.constant 32 : i32
      %scan3A_310 = arith.addi %scan3A_308, %scan3A_309 : i32
      %scan3A_311 = arith.constant 1 : i32
      scf.for %scan3A_582 = %scan3A_308 to %scan3A_310 step %scan3A_311  : i32 {
        %mul3A_583 = arith.constant 16 : i32
        %mul3A_584 = arith.muli %scan3A_582, %mul3A_583 : i32
        %get3A = arith.constant 3 : i32
        %get3A_585 = arith.index_cast %get3A : i32 to index
        %get3A_586 = arith.index_cast %mul3A_584 : i32 to index
        %get3A_587 = tpu.vector_load %arg4[%get3A_585, %get3A_586] {strides = array<i32>} : memref<16x515xf32, #tpu.memory_space<vmem>>, vector<16xf32>,
        %mul3A_588 = arith.constant 272 : i32
        %mul3A_589 = arith.muli %scan3A_582, %mul3A_588 : i32
        %add3A_590 = arith.constant 3 : i32
        %add3A_591 = arith.addi %mul3A_589, %add3A_590 : i32
        %add3A_592 = vector.broadcast %add3A_591 : i32 to vector<16xi32>
        %add3A_593 = arith.addi %mul3A_288, %add3A_592 : vector<16xi32>
        tpu.vector_store_idx %arg8[%add3A_593], %get3A_587 : memref<8720xf32, #tpu.memory_space<vmem>>[vector<16xi32>], vector<16xf32>,
      }
      %scan3A_312 = arith.constant 32 : i32
      %scan3A_313 = arith.constant 0 : i32
      %scan3A_314 = arith.constant 0 : i32
      %scan3A_315 = arith.constant 32 : i32
      %scan3A_316 = arith.addi %scan3A_314, %scan3A_315 : i32
      %scan3A_317 = arith.constant 1 : i32
      scf.for %scan3A_582 = %scan3A_314 to %scan3A_316 step %scan3A_317  : i32 {
        %mul3A_583 = arith.constant 16 : i32
        %mul3A_584 = arith.muli %scan3A_582, %mul3A_583 : i32
        %get3A = arith.constant 4 : i32
        %get3A_585 = arith.index_cast %get3A : i32 to index
        %get3A_586 = arith.index_cast %mul3A_584 : i32 to index
        %get3A_587 = tpu.vector_load %arg4[%get3A_585, %get3A_586] {strides = array<i32>} : memref<16x515xf32, #tpu.memory_space<vmem>>, vector<16xf32>,
        %mul3A_588 = arith.constant 272 : i32
        %mul3A_589 = arith.muli %scan3A_582, %mul3A_588 : i32
        %add3A_590 = arith.constant 4 : i32
        %add3A_591 = arith.addi %mul3A_589, %add3A_590 : i32
        %add3A_592 = vector.broadcast %add3A_591 : i32 to vector<16xi32>
        %add3A_593 = arith.addi %mul3A_288, %add3A_592 : vector<16xi32>
        tpu.vector_store_idx %arg8[%add3A_593], %get3A_587 : memref<8720xf32, #tpu.memory_space<vmem>>[vector<16xi32>], vector<16xf32>,
      }
      %scan3A_318 = arith.constant 32 : i32
      %scan3A_319 = arith.constant 0 : i32
      %scan3A_320 = arith.constant 0 : i32
      %scan3A_321 = arith.constant 32 : i32
      %scan3A_322 = arith.addi %scan3A_320, %scan3A_321 : i32
      %scan3A_323 = arith.constant 1 : i32
      scf.for %scan3A_582 = %scan3A_320 to %scan3A_322 step %scan3A_323  : i32 {
        %mul3A_583 = arith.constant 16 : i32
        %mul3A_584 = arith.muli %scan3A_582, %mul3A_583 : i32
        %get3A = arith.constant 5 : i32
        %get3A_585 = arith.index_cast %get3A : i32 to index
        %get3A_586 = arith.index_cast %mul3A_584 : i32 to index
        %get3A_587 = tpu.vector_load %arg4[%get3A_585, %get3A_586] {strides = array<i32>} : memref<16x515xf32, #tpu.memory_space<vmem>>, vector<16xf32>,
        %mul3A_588 = arith.constant 272 : i32
        %mul3A_589 = arith.muli %scan3A_582, %mul3A_588 : i32
        %add3A_590 = arith.constant 5 : i32
        %add3A_591 = arith.addi %mul3A_589, %add3A_590 : i32
        %add3A_592 = vector.broadcast %add3A_591 : i32 to vector<16xi32>
        %add3A_593 = arith.addi %mul3A_288, %add3A_592 : vector<16xi32>
        tpu.vector_store_idx %arg8[%add3A_593], %get3A_587 : memref<8720xf32, #tpu.memory_space<vmem>>[vector<16xi32>], vector<16xf32>,
      }
      %scan3A_324 = arith.constant 32 : i32
      %scan3A_325 = arith.constant 0 : i32
      %scan3A_326 = arith.constant 0 : i32
      %scan3A_327 = arith.constant 32 : i32
      %scan3A_328 = arith.addi %scan3A_326, %scan3A_327 : i32
      %scan3A_329 = arith.constant 1 : i32
      scf.for %scan3A_582 = %scan3A_326 to %scan3A_328 step %scan3A_329  : i32 {
        %mul3A_583 = arith.constant 16 : i32
        %mul3A_584 = arith.muli %scan3A_582, %mul3A_583 : i32
        %get3A = arith.constant 6 : i32
        %get3A_585 = arith.index_cast %get3A : i32 to index
        %get3A_586 = arith.index_cast %mul3A_584 : i32 to index
        %get3A_587 = tpu.vector_load %arg4[%get3A_585, %get3A_586] {strides = array<i32>} : memref<16x515xf32, #tpu.memory_space<vmem>>, vector<16xf32>,
        %mul3A_588 = arith.constant 272 : i32
        %mul3A_589 = arith.muli %scan3A_582, %mul3A_588 : i32
        %add3A_590 = arith.constant 6 : i32
        %add3A_591 = arith.addi %mul3A_589, %add3A_590 : i32
        %add3A_592 = vector.broadcast %add3A_591 : i32 to vector<16xi32>
        %add3A_593 = arith.addi %mul3A_288, %add3A_592 : vector<16xi32>
        tpu.vector_store_idx %arg8[%add3A_593], %get3A_587 : memref<8720xf32, #tpu.memory_space<vmem>>[vector<16xi32>], vector<16xf32>,
      }
      %scan3A_330 = arith.constant 32 : i32
      %scan3A_331 = arith.constant 0 : i32
      %scan3A_332 = arith.constant 0 : i32
      %scan3A_333 = arith.constant 32 : i32
      %scan3A_334 = arith.addi %scan3A_332, %scan3A_333 : i32
      %scan3A_335 = arith.constant 1 : i32
      scf.for %scan3A_582 = %scan3A_332 to %scan3A_334 step %scan3A_335  : i32 {
        %mul3A_583 = arith.constant 16 : i32
        %mul3A_584 = arith.muli %scan3A_582, %mul3A_583 : i32
        %get3A = arith.constant 7 : i32
        %get3A_585 = arith.index_cast %get3A : i32 to index
        %get3A_586 = arith.index_cast %mul3A_584 : i32 to index
        %get3A_587 = tpu.vector_load %arg4[%get3A_585, %get3A_586] {strides = array<i32>} : memref<16x515xf32, #tpu.memory_space<vmem>>, vector<16xf32>,
        %mul3A_588 = arith.constant 272 : i32
        %mul3A_589 = arith.muli %scan3A_582, %mul3A_588 : i32
        %add3A_590 = arith.constant 7 : i32
        %add3A_591 = arith.addi %mul3A_589, %add3A_590 : i32
        %add3A_592 = vector.broadcast %add3A_591 : i32 to vector<16xi32>
        %add3A_593 = arith.addi %mul3A_288, %add3A_592 : vector<16xi32>
        tpu.vector_store_idx %arg8[%add3A_593], %get3A_587 : memref<8720xf32, #tpu.memory_space<vmem>>[vector<16xi32>], vector<16xf32>,
      }
      %scan3A_336 = arith.constant 32 : i32
      %scan3A_337 = arith.constant 0 : i32
      %scan3A_338 = arith.constant 0 : i32
      %scan3A_339 = arith.constant 32 : i32
      %scan3A_340 = arith.addi %scan3A_338, %scan3A_339 : i32
      %scan3A_341 = arith.constant 1 : i32
      scf.for %scan3A_582 = %scan3A_338 to %scan3A_340 step %scan3A_341  : i32 {
        %mul3A_583 = arith.constant 16 : i32
        %mul3A_584 = arith.muli %scan3A_582, %mul3A_583 : i32
        %get3A = arith.constant 8 : i32
        %get3A_585 = arith.index_cast %get3A : i32 to index
        %get3A_586 = arith.index_cast %mul3A_584 : i32 to index
        %get3A_587 = tpu.vector_load %arg4[%get3A_585, %get3A_586] {strides = array<i32>} : memref<16x515xf32, #tpu.memory_space<vmem>>, vector<16xf32>,
        %mul3A_588 = arith.constant 272 : i32
        %mul3A_589 = arith.muli %scan3A_582, %mul3A_588 : i32
        %add3A_590 = arith.constant 8 : i32
        %add3A_591 = arith.addi %mul3A_589, %add3A_590 : i32
        %add3A_592 = vector.broadcast %add3A_591 : i32 to vector<16xi32>
        %add3A_593 = arith.addi %mul3A_288, %add3A_592 : vector<16xi32>
        tpu.vector_store_idx %arg8[%add3A_593], %get3A_587 : memref<8720xf32, #tpu.memory_space<vmem>>[vector<16xi32>], vector<16xf32>,
      }
      %scan3A_342 = arith.constant 32 : i32
      %scan3A_343 = arith.constant 0 : i32
      %scan3A_344 = arith.constant 0 : i32
      %scan3A_345 = arith.constant 32 : i32
      %scan3A_346 = arith.addi %scan3A_344, %scan3A_345 : i32
      %scan3A_347 = arith.constant 1 : i32
      scf.for %scan3A_582 = %scan3A_344 to %scan3A_346 step %scan3A_347  : i32 {
        %mul3A_583 = arith.constant 16 : i32
        %mul3A_584 = arith.muli %scan3A_582, %mul3A_583 : i32
        %get3A = arith.constant 9 : i32
        %get3A_585 = arith.index_cast %get3A : i32 to index
        %get3A_586 = arith.index_cast %mul3A_584 : i32 to index
        %get3A_587 = tpu.vector_load %arg4[%get3A_585, %get3A_586] {strides = array<i32>} : memref<16x515xf32, #tpu.memory_space<vmem>>, vector<16xf32>,
        %mul3A_588 = arith.constant 272 : i32
        %mul3A_589 = arith.muli %scan3A_582, %mul3A_588 : i32
        %add3A_590 = arith.constant 9 : i32
        %add3A_591 = arith.addi %mul3A_589, %add3A_590 : i32
        %add3A_592 = vector.broadcast %add3A_591 : i32 to vector<16xi32>
        %add3A_593 = arith.addi %mul3A_288, %add3A_592 : vector<16xi32>
        tpu.vector_store_idx %arg8[%add3A_593], %get3A_587 : memref<8720xf32, #tpu.memory_space<vmem>>[vector<16xi32>], vector<16xf32>,
      }
      %scan3A_348 = arith.constant 32 : i32
      %scan3A_349 = arith.constant 0 : i32
      %scan3A_350 = arith.constant 0 : i32
      %scan3A_351 = arith.constant 32 : i32
      %scan3A_352 = arith.addi %scan3A_350, %scan3A_351 : i32
      %scan3A_353 = arith.constant 1 : i32
      scf.for %scan3A_582 = %scan3A_350 to %scan3A_352 step %scan3A_353  : i32 {
        %mul3A_583 = arith.constant 16 : i32
        %mul3A_584 = arith.muli %scan3A_582, %mul3A_583 : i32
        %get3A = arith.constant 10 : i32
        %get3A_585 = arith.index_cast %get3A : i32 to index
        %get3A_586 = arith.index_cast %mul3A_584 : i32 to index
        %get3A_587 = tpu.vector_load %arg4[%get3A_585, %get3A_586] {strides = array<i32>} : memref<16x515xf32, #tpu.memory_space<vmem>>, vector<16xf32>,
        %mul3A_588 = arith.constant 272 : i32
        %mul3A_589 = arith.muli %scan3A_582, %mul3A_588 : i32
        %add3A_590 = arith.constant 10 : i32
        %add3A_591 = arith.addi %mul3A_589, %add3A_590 : i32
        %add3A_592 = vector.broadcast %add3A_591 : i32 to vector<16xi32>
        %add3A_593 = arith.addi %mul3A_288, %add3A_592 : vector<16xi32>
        tpu.vector_store_idx %arg8[%add3A_593], %get3A_587 : memref<8720xf32, #tpu.memory_space<vmem>>[vector<16xi32>], vector<16xf32>,
      }
      %scan3A_354 = arith.constant 32 : i32
      %scan3A_355 = arith.constant 0 : i32
      %scan3A_356 = arith.constant 0 : i32
      %scan3A_357 = arith.constant 32 : i32
      %scan3A_358 = arith.addi %scan3A_356, %scan3A_357 : i32
      %scan3A_359 = arith.constant 1 : i32
      scf.for %scan3A_582 = %scan3A_356 to %scan3A_358 step %scan3A_359  : i32 {
        %mul3A_583 = arith.constant 16 : i32
        %mul3A_584 = arith.muli %scan3A_582, %mul3A_583 : i32
        %get3A = arith.constant 11 : i32
        %get3A_585 = arith.index_cast %get3A : i32 to index
        %get3A_586 = arith.index_cast %mul3A_584 : i32 to index
        %get3A_587 = tpu.vector_load %arg4[%get3A_585, %get3A_586] {strides = array<i32>} : memref<16x515xf32, #tpu.memory_space<vmem>>, vector<16xf32>,
        %mul3A_588 = arith.constant 272 : i32
        %mul3A_589 = arith.muli %scan3A_582, %mul3A_588 : i32
        %add3A_590 = arith.constant 11 : i32
        %add3A_591 = arith.addi %mul3A_589, %add3A_590 : i32
        %add3A_592 = vector.broadcast %add3A_591 : i32 to vector<16xi32>
        %add3A_593 = arith.addi %mul3A_288, %add3A_592 : vector<16xi32>
        tpu.vector_store_idx %arg8[%add3A_593], %get3A_587 : memref<8720xf32, #tpu.memory_space<vmem>>[vector<16xi32>], vector<16xf32>,
      }
      %scan3A_360 = arith.constant 32 : i32
      %scan3A_361 = arith.constant 0 : i32
      %scan3A_362 = arith.constant 0 : i32
      %scan3A_363 = arith.constant 32 : i32
      %scan3A_364 = arith.addi %scan3A_362, %scan3A_363 : i32
      %scan3A_365 = arith.constant 1 : i32
      scf.for %scan3A_582 = %scan3A_362 to %scan3A_364 step %scan3A_365  : i32 {
        %mul3A_583 = arith.constant 16 : i32
        %mul3A_584 = arith.muli %scan3A_582, %mul3A_583 : i32
        %get3A = arith.constant 12 : i32
        %get3A_585 = arith.index_cast %get3A : i32 to index
        %get3A_586 = arith.index_cast %mul3A_584 : i32 to index
        %get3A_587 = tpu.vector_load %arg4[%get3A_585, %get3A_586] {strides = array<i32>} : memref<16x515xf32, #tpu.memory_space<vmem>>, vector<16xf32>,
        %mul3A_588 = arith.constant 272 : i32
        %mul3A_589 = arith.muli %scan3A_582, %mul3A_588 : i32
        %add3A_590 = arith.constant 12 : i32
        %add3A_591 = arith.addi %mul3A_589, %add3A_590 : i32
        %add3A_592 = vector.broadcast %add3A_591 : i32 to vector<16xi32>
        %add3A_593 = arith.addi %mul3A_288, %add3A_592 : vector<16xi32>
        tpu.vector_store_idx %arg8[%add3A_593], %get3A_587 : memref<8720xf32, #tpu.memory_space<vmem>>[vector<16xi32>], vector<16xf32>,
      }
      %scan3A_366 = arith.constant 32 : i32
      %scan3A_367 = arith.constant 0 : i32
      %scan3A_368 = arith.constant 0 : i32
      %scan3A_369 = arith.constant 32 : i32
      %scan3A_370 = arith.addi %scan3A_368, %scan3A_369 : i32
      %scan3A_371 = arith.constant 1 : i32
      scf.for %scan3A_582 = %scan3A_368 to %scan3A_370 step %scan3A_371  : i32 {
        %mul3A_583 = arith.constant 16 : i32
        %mul3A_584 = arith.muli %scan3A_582, %mul3A_583 : i32
        %get3A = arith.constant 13 : i32
        %get3A_585 = arith.index_cast %get3A : i32 to index
        %get3A_586 = arith.index_cast %mul3A_584 : i32 to index
        %get3A_587 = tpu.vector_load %arg4[%get3A_585, %get3A_586] {strides = array<i32>} : memref<16x515xf32, #tpu.memory_space<vmem>>, vector<16xf32>,
        %mul3A_588 = arith.constant 272 : i32
        %mul3A_589 = arith.muli %scan3A_582, %mul3A_588 : i32
        %add3A_590 = arith.constant 13 : i32
        %add3A_591 = arith.addi %mul3A_589, %add3A_590 : i32
        %add3A_592 = vector.broadcast %add3A_591 : i32 to vector<16xi32>
        %add3A_593 = arith.addi %mul3A_288, %add3A_592 : vector<16xi32>
        tpu.vector_store_idx %arg8[%add3A_593], %get3A_587 : memref<8720xf32, #tpu.memory_space<vmem>>[vector<16xi32>], vector<16xf32>,
      }
      %scan3A_372 = arith.constant 32 : i32
      %scan3A_373 = arith.constant 0 : i32
      %scan3A_374 = arith.constant 0 : i32
      %scan3A_375 = arith.constant 32 : i32
      %scan3A_376 = arith.addi %scan3A_374, %scan3A_375 : i32
      %scan3A_377 = arith.constant 1 : i32
      scf.for %scan3A_582 = %scan3A_374 to %scan3A_376 step %scan3A_377  : i32 {
        %mul3A_583 = arith.constant 16 : i32
        %mul3A_584 = arith.muli %scan3A_582, %mul3A_583 : i32
        %get3A = arith.constant 14 : i32
        %get3A_585 = arith.index_cast %get3A : i32 to index
        %get3A_586 = arith.index_cast %mul3A_584 : i32 to index
        %get3A_587 = tpu.vector_load %arg4[%get3A_585, %get3A_586] {strides = array<i32>} : memref<16x515xf32, #tpu.memory_space<vmem>>, vector<16xf32>,
        %mul3A_588 = arith.constant 272 : i32
        %mul3A_589 = arith.muli %scan3A_582, %mul3A_588 : i32
        %add3A_590 = arith.constant 14 : i32
        %add3A_591 = arith.addi %mul3A_589, %add3A_590 : i32
        %add3A_592 = vector.broadcast %add3A_591 : i32 to vector<16xi32>
        %add3A_593 = arith.addi %mul3A_288, %add3A_592 : vector<16xi32>
        tpu.vector_store_idx %arg8[%add3A_593], %get3A_587 : memref<8720xf32, #tpu.memory_space<vmem>>[vector<16xi32>], vector<16xf32>,
      }
      %scan3A_378 = arith.constant 32 : i32
      %scan3A_379 = arith.constant 0 : i32
      %scan3A_380 = arith.constant 0 : i32
      %scan3A_381 = arith.constant 32 : i32
      %scan3A_382 = arith.addi %scan3A_380, %scan3A_381 : i32
      %scan3A_383 = arith.constant 1 : i32
      scf.for %scan3A_582 = %scan3A_380 to %scan3A_382 step %scan3A_383  : i32 {
        %mul3A_583 = arith.constant 16 : i32
        %mul3A_584 = arith.muli %scan3A_582, %mul3A_583 : i32
        %get3A = arith.constant 15 : i32
        %get3A_585 = arith.index_cast %get3A : i32 to index
        %get3A_586 = arith.index_cast %mul3A_584 : i32 to index
        %get3A_587 = tpu.vector_load %arg4[%get3A_585, %get3A_586] {strides = array<i32>} : memref<16x515xf32, #tpu.memory_space<vmem>>, vector<16xf32>,
        %mul3A_588 = arith.constant 272 : i32
        %mul3A_589 = arith.muli %scan3A_582, %mul3A_588 : i32
        %add3A_590 = arith.constant 15 : i32
        %add3A_591 = arith.addi %mul3A_589, %add3A_590 : i32
        %add3A_592 = vector.broadcast %add3A_591 : i32 to vector<16xi32>
        %add3A_593 = arith.addi %mul3A_288, %add3A_592 : vector<16xi32>
        tpu.vector_store_idx %arg8[%add3A_593], %get3A_587 : memref<8720xf32, #tpu.memory_space<vmem>>[vector<16xi32>], vector<16xf32>,
      }
      %scan3A_384 = arith.constant 32 : i32
      %scan3A_385 = arith.constant 0 : i32
      %scan3A_386 = arith.constant 0 : i32
      %scan3A_387 = arith.constant 64 : i32
      %scan3A_388 = arith.addi %scan3A_386, %scan3A_387 : i32
      %scan3A_389 = arith.constant 1 : i32
      scf.for %scan3A_582 = %scan3A_386 to %scan3A_388 step %scan3A_389  : i32 {
        %jit3A_583 = arith.constant 8 : i32
        %div3A = arith.divsi %scan3A_582, %jit3A_583 : i32
        %sign3A = arith.constant 0 : i32
        %sign3A_584 = arith.cmpi sgt, %scan3A_582, %sign3A : i32
        %sign3A_585 = arith.extui %sign3A_584 : i1 to i32
        %sign3A_586 = arith.constant 0 : i32
        %sign3A_587 = arith.cmpi slt, %scan3A_582, %sign3A_586 : i32
        %sign3A_588 = arith.extui %sign3A_587 : i1 to i32
        %sign3A_589 = arith.subi %sign3A_585, %sign3A_588 : i32
        %sign3A_590 = arith.constant 0 : i32
        %sign3A_591 = arith.cmpi sgt, %jit3A_583, %sign3A_590 : i32
        %sign3A_592 = arith.extui %sign3A_591 : i1 to i32
        %sign3A_593 = arith.constant 0 : i32
        %sign3A_594 = arith.cmpi slt, %jit3A_583, %sign3A_593 : i32
        %sign3A_595 = arith.extui %sign3A_594 : i1 to i32
        %sign3A_596 = arith.subi %sign3A_592, %sign3A_595 : i32
        %ne3A = arith.cmpi ne, %sign3A_589, %sign3A_596 : i32
        %rem3A = arith.remsi %scan3A_582, %jit3A_583 : i32
        %ne3A_597 = arith.constant 0 : i32
        %ne3A_598 = arith.cmpi ne, %rem3A, %ne3A_597 : i32
        %and3A = arith.andi %ne3A, %ne3A_598 : i1
        %sub3A_599 = arith.constant 1 : i32
        %sub3A_600 = arith.subi %div3A, %sub3A_599 : i32
        %select_n3A_601 = arith.select %and3A, %sub3A_600, %div3A : i32
        %jit3A_602 = arith.constant 8 : i32
        %eq3A_603 = arith.constant 0 : i32
        %eq3A_604 = arith.cmpi eq, %jit3A_602, %eq3A_603 : i32
        %jit3A_605 = arith.constant 1 : i32
        %select_n3A_606 = arith.select %eq3A_604, %jit3A_605, %jit3A_602 : i32
        %rem3A_607 = arith.remsi %scan3A_582, %select_n3A_606 : i32
        %ne3A_608 = arith.constant 0 : i32
        %ne3A_609 = arith.cmpi ne, %rem3A_607, %ne3A_608 : i32
        %lt3A_610 = arith.constant 0 : i32
        %lt3A_611 = arith.cmpi slt, %rem3A_607, %lt3A_610 : i32
        %lt3A_612 = arith.constant 0 : i32
        %lt3A_613 = arith.cmpi slt, %select_n3A_606, %lt3A_612 : i32
        %ne3A_614 = arith.xori %lt3A_611, %lt3A_613 : i1
        %and3A_615 = arith.andi %ne3A_614, %ne3A_609 : i1
        %add3A_616 = arith.addi %rem3A_607, %select_n3A_606 : i32
        %select_n3A_617 = arith.select %and3A_615, %add3A_616, %rem3A_607 : i32
        %mul3A_618 = arith.constant 8 : i32
        %mul3A_619 = arith.muli %scan3A_582, %mul3A_618 : i32
        %add3A_620 = arith.constant 0 : i32
        %add3A_621 = arith.addi %mul3A_619, %add3A_620 : i32
        %mul3A_622 = arith.constant 17 : i32
        %mul3A_623 = arith.muli %add3A_621, %mul3A_622 : i32
        %get3A = arith.index_cast %mul3A_623 : i32 to index
        %get3A_624 = tpu.vector_load %arg8[%get3A] {strides = array<i32>} : memref<8720xf32, #tpu.memory_space<vmem>>, vector<16xf32>,
        %swap3A = arith.constant 0 : i32
        %swap3A_625 = tpu.memref_slice %arg6[%select_n3A_601, %select_n3A_617, %swap3A] : memref<8x8x128xf32, #tpu.memory_space<vmem>> -> memref<1x1x128xf32, #tpu.memory_space<vmem>>
        %swap3A_626 = tpu.memref_squeeze %swap3A_625 : memref<1x1x128xf32, #tpu.memory_space<vmem>> -> memref<128xf32, #tpu.memory_space<vmem>>
        %swap3A_627 = arith.constant 0 : index
        %swap3A_628 = tpu.vector_load %swap3A_626[%swap3A_627] {strides = array<i32>} : memref<128xf32, #tpu.memory_space<vmem>>, vector<16xf32>,
        tpu.vector_store %swap3A_626[%swap3A_627], %get3A_624 {strides = array<i32>} : memref<128xf32, #tpu.memory_space<vmem>>, vector<16xf32>,
        %mul3A_629 = arith.constant 8 : i32
        %mul3A_630 = arith.muli %scan3A_582, %mul3A_629 : i32
        %add3A_631 = arith.constant 1 : i32
        %add3A_632 = arith.addi %mul3A_630, %add3A_631 : i32
        %mul3A_633 = arith.constant 17 : i32
        %mul3A_634 = arith.muli %add3A_632, %mul3A_633 : i32
        %get3A_635 = arith.index_cast %mul3A_634 : i32 to index
        %get3A_636 = tpu.vector_load %arg8[%get3A_635] {strides = array<i32>} : memref<8720xf32, #tpu.memory_space<vmem>>, vector<16xf32>,
        %swap3A_637 = arith.constant 0 : i32
        %swap3A_638 = tpu.memref_slice %arg6[%select_n3A_601, %select_n3A_617, %swap3A_637] : memref<8x8x128xf32, #tpu.memory_space<vmem>> -> memref<1x1x128xf32, #tpu.memory_space<vmem>>
        %swap3A_639 = tpu.memref_squeeze %swap3A_638 : memref<1x1x128xf32, #tpu.memory_space<vmem>> -> memref<128xf32, #tpu.memory_space<vmem>>
        %swap3A_640 = arith.constant 16 : index
        %swap3A_641 = tpu.vector_load %swap3A_639[%swap3A_640] {strides = array<i32>} : memref<128xf32, #tpu.memory_space<vmem>>, vector<16xf32>,
        tpu.vector_store %swap3A_639[%swap3A_640], %get3A_636 {strides = array<i32>} : memref<128xf32, #tpu.memory_space<vmem>>, vector<16xf32>,
        %mul3A_642 = arith.constant 8 : i32
        %mul3A_643 = arith.muli %scan3A_582, %mul3A_642 : i32
        %add3A_644 = arith.constant 2 : i32
        %add3A_645 = arith.addi %mul3A_643, %add3A_644 : i32
        %mul3A_646 = arith.constant 17 : i32
        %mul3A_647 = arith.muli %add3A_645, %mul3A_646 : i32
        %get3A_648 = arith.index_cast %mul3A_647 : i32 to index
        %get3A_649 = tpu.vector_load %arg8[%get3A_648] {strides = array<i32>} : memref<8720xf32, #tpu.memory_space<vmem>>, vector<16xf32>,
        %swap3A_650 = arith.constant 0 : i32
        %swap3A_651 = tpu.memref_slice %arg6[%select_n3A_601, %select_n3A_617, %swap3A_650] : memref<8x8x128xf32, #tpu.memory_space<vmem>> -> memref<1x1x128xf32, #tpu.memory_space<vmem>>
        %swap3A_652 = tpu.memref_squeeze %swap3A_651 : memref<1x1x128xf32, #tpu.memory_space<vmem>> -> memref<128xf32, #tpu.memory_space<vmem>>
        %swap3A_653 = arith.constant 32 : index
        %swap3A_654 = tpu.vector_load %swap3A_652[%swap3A_653] {strides = array<i32>} : memref<128xf32, #tpu.memory_space<vmem>>, vector<16xf32>,
        tpu.vector_store %swap3A_652[%swap3A_653], %get3A_649 {strides = array<i32>} : memref<128xf32, #tpu.memory_space<vmem>>, vector<16xf32>,
        %mul3A_655 = arith.constant 8 : i32
        %mul3A_656 = arith.muli %scan3A_582, %mul3A_655 : i32
        %add3A_657 = arith.constant 3 : i32
        %add3A_658 = arith.addi %mul3A_656, %add3A_657 : i32
        %mul3A_659 = arith.constant 17 : i32
        %mul3A_660 = arith.muli %add3A_658, %mul3A_659 : i32
        %get3A_661 = arith.index_cast %mul3A_660 : i32 to index
        %get3A_662 = tpu.vector_load %arg8[%get3A_661] {strides = array<i32>} : memref<8720xf32, #tpu.memory_space<vmem>>, vector<16xf32>,
        %swap3A_663 = arith.constant 0 : i32
        %swap3A_664 = tpu.memref_slice %arg6[%select_n3A_601, %select_n3A_617, %swap3A_663] : memref<8x8x128xf32, #tpu.memory_space<vmem>> -> memref<1x1x128xf32, #tpu.memory_space<vmem>>
        %swap3A_665 = tpu.memref_squeeze %swap3A_664 : memref<1x1x128xf32, #tpu.memory_space<vmem>> -> memref<128xf32, #tpu.memory_space<vmem>>
        %swap3A_666 = arith.constant 48 : index
        %swap3A_667 = tpu.vector_load %swap3A_665[%swap3A_666] {strides = array<i32>} : memref<128xf32, #tpu.memory_space<vmem>>, vector<16xf32>,
        tpu.vector_store %swap3A_665[%swap3A_666], %get3A_662 {strides = array<i32>} : memref<128xf32, #tpu.memory_space<vmem>>, vector<16xf32>,
        %mul3A_668 = arith.constant 8 : i32
        %mul3A_669 = arith.muli %scan3A_582, %mul3A_668 : i32
        %add3A_670 = arith.constant 4 : i32
        %add3A_671 = arith.addi %mul3A_669, %add3A_670 : i32
        %mul3A_672 = arith.constant 17 : i32
        %mul3A_673 = arith.muli %add3A_671, %mul3A_672 : i32
        %get3A_674 = arith.index_cast %mul3A_673 : i32 to index
        %get3A_675 = tpu.vector_load %arg8[%get3A_674] {strides = array<i32>} : memref<8720xf32, #tpu.memory_space<vmem>>, vector<16xf32>,
        %swap3A_676 = arith.constant 0 : i32
        %swap3A_677 = tpu.memref_slice %arg6[%select_n3A_601, %select_n3A_617, %swap3A_676] : memref<8x8x128xf32, #tpu.memory_space<vmem>> -> memref<1x1x128xf32, #tpu.memory_space<vmem>>
        %swap3A_678 = tpu.memref_squeeze %swap3A_677 : memref<1x1x128xf32, #tpu.memory_space<vmem>> -> memref<128xf32, #tpu.memory_space<vmem>>
        %swap3A_679 = arith.constant 64 : index
        %swap3A_680 = tpu.vector_load %swap3A_678[%swap3A_679] {strides = array<i32>} : memref<128xf32, #tpu.memory_space<vmem>>, vector<16xf32>,
        tpu.vector_store %swap3A_678[%swap3A_679], %get3A_675 {strides = array<i32>} : memref<128xf32, #tpu.memory_space<vmem>>, vector<16xf32>,
        %mul3A_681 = arith.constant 8 : i32
        %mul3A_682 = arith.muli %scan3A_582, %mul3A_681 : i32
        %add3A_683 = arith.constant 5 : i32
        %add3A_684 = arith.addi %mul3A_682, %add3A_683 : i32
        %mul3A_685 = arith.constant 17 : i32
        %mul3A_686 = arith.muli %add3A_684, %mul3A_685 : i32
        %get3A_687 = arith.index_cast %mul3A_686 : i32 to index
        %get3A_688 = tpu.vector_load %arg8[%get3A_687] {strides = array<i32>} : memref<8720xf32, #tpu.memory_space<vmem>>, vector<16xf32>,
        %swap3A_689 = arith.constant 0 : i32
        %swap3A_690 = tpu.memref_slice %arg6[%select_n3A_601, %select_n3A_617, %swap3A_689] : memref<8x8x128xf32, #tpu.memory_space<vmem>> -> memref<1x1x128xf32, #tpu.memory_space<vmem>>
        %swap3A_691 = tpu.memref_squeeze %swap3A_690 : memref<1x1x128xf32, #tpu.memory_space<vmem>> -> memref<128xf32, #tpu.memory_space<vmem>>
        %swap3A_692 = arith.constant 80 : index
        %swap3A_693 = tpu.vector_load %swap3A_691[%swap3A_692] {strides = array<i32>} : memref<128xf32, #tpu.memory_space<vmem>>, vector<16xf32>,
        tpu.vector_store %swap3A_691[%swap3A_692], %get3A_688 {strides = array<i32>} : memref<128xf32, #tpu.memory_space<vmem>>, vector<16xf32>,
        %mul3A_694 = arith.constant 8 : i32
        %mul3A_695 = arith.muli %scan3A_582, %mul3A_694 : i32
        %add3A_696 = arith.constant 6 : i32
        %add3A_697 = arith.addi %mul3A_695, %add3A_696 : i32
        %mul3A_698 = arith.constant 17 : i32
        %mul3A_699 = arith.muli %add3A_697, %mul3A_698 : i32
        %get3A_700 = arith.index_cast %mul3A_699 : i32 to index
        %get3A_701 = tpu.vector_load %arg8[%get3A_700] {strides = array<i32>} : memref<8720xf32, #tpu.memory_space<vmem>>, vector<16xf32>,
        %swap3A_702 = arith.constant 0 : i32
        %swap3A_703 = tpu.memref_slice %arg6[%select_n3A_601, %select_n3A_617, %swap3A_702] : memref<8x8x128xf32, #tpu.memory_space<vmem>> -> memref<1x1x128xf32, #tpu.memory_space<vmem>>
        %swap3A_704 = tpu.memref_squeeze %swap3A_703 : memref<1x1x128xf32, #tpu.memory_space<vmem>> -> memref<128xf32, #tpu.memory_space<vmem>>
        %swap3A_705 = arith.constant 96 : index
        %swap3A_706 = tpu.vector_load %swap3A_704[%swap3A_705] {strides = array<i32>} : memref<128xf32, #tpu.memory_space<vmem>>, vector<16xf32>,
        tpu.vector_store %swap3A_704[%swap3A_705], %get3A_701 {strides = array<i32>} : memref<128xf32, #tpu.memory_space<vmem>>, vector<16xf32>,
        %mul3A_707 = arith.constant 8 : i32
        %mul3A_708 = arith.muli %scan3A_582, %mul3A_707 : i32
        %add3A_709 = arith.constant 7 : i32
        %add3A_710 = arith.addi %mul3A_708, %add3A_709 : i32
        %mul3A_711 = arith.constant 17 : i32
        %mul3A_712 = arith.muli %add3A_710, %mul3A_711 : i32
        %get3A_713 = arith.index_cast %mul3A_712 : i32 to index
        %get3A_714 = tpu.vector_load %arg8[%get3A_713] {strides = array<i32>} : memref<8720xf32, #tpu.memory_space<vmem>>, vector<16xf32>,
        %swap3A_715 = arith.constant 0 : i32
        %swap3A_716 = tpu.memref_slice %arg6[%select_n3A_601, %select_n3A_617, %swap3A_715] : memref<8x8x128xf32, #tpu.memory_space<vmem>> -> memref<1x1x128xf32, #tpu.memory_space<vmem>>
        %swap3A_717 = tpu.memref_squeeze %swap3A_716 : memref<1x1x128xf32, #tpu.memory_space<vmem>> -> memref<128xf32, #tpu.memory_space<vmem>>
        %swap3A_718 = arith.constant 112 : index
        %swap3A_719 = tpu.vector_load %swap3A_717[%swap3A_718] {strides = array<i32>} : memref<128xf32, #tpu.memory_space<vmem>>, vector<16xf32>,
        tpu.vector_store %swap3A_717[%swap3A_718], %get3A_714 {strides = array<i32>} : memref<128xf32, #tpu.memory_space<vmem>>, vector<16xf32>,
      }
      %scan3A_390 = arith.constant 64 : i32
      %mul3A_391 = arith.constant 8 : i32
      %mul3A_392 = arith.muli %add3A_257, %mul3A_391 : i32
      %dma_start3A_393 = arith.constant 0 : i32
      %dma_start3A_394 = arith.constant 0 : i32
      %dma_start3A_395 = arith.constant 0 : i32
      %dma_start3A_396 = tpu.memref_slice %arg6[%dma_start3A_393, %dma_start3A_394, %dma_start3A_395] : memref<8x8x128xf32, #tpu.memory_space<vmem>> -> memref<8x8x128xf32, #tpu.memory_space<vmem>>
      %dma_start3A_397 = arith.constant 0 : i32
      %dma_start3A_398 = arith.constant 0 : i32
      %dma_start3A_399 = tpu.memref_slice %arg3[%mul3A_392, %dma_start3A_397, %dma_start3A_398] : memref<15625x8x128xf32, #tpu.memory_space<hbm>> -> memref<8x8x128xf32, #tpu.memory_space<hbm>>
      %dma_start3A_400 = arith.constant 0 : i32
      %dma_start3A_401 = arith.constant 0 : i32
      %dma_start3A_402 = tpu.memref_slice %arg3[%mul3A_392, %dma_start3A_400, %dma_start3A_401] : memref<15625x8x128xf32, #tpu.memory_space<hbm>> -> memref<8x8x128xf32, #tpu.memory_space<hbm>>
      %dma_start3A_403 = arith.constant 0 : i32
      %dma_start3A_404 = arith.constant 0 : i32
      %dma_start3A_405 = arith.constant 0 : i32
      %dma_start3A_406 = tpu.memref_slice %arg6[%dma_start3A_403, %dma_start3A_404, %dma_start3A_405] : memref<8x8x128xf32, #tpu.memory_space<vmem>> -> memref<8x8x128xf32, #tpu.memory_space<vmem>>
      tpu.enqueue_dma source(%dma_start3A_406 : memref<8x8x128xf32, #tpu.memory_space<vmem>>) target(%dma_start3A_402 : memref<8x8x128xf32, #tpu.memory_space<hbm>>) target_semaphore(%arg12 : memref<!tpu.dma_semaphore, #tpu.memory_space<semaphore_mem>>)
      %mul3A_407 = arith.constant 2 : i32
      %mul3A_408 = arith.muli %mul3A_407, %scan3A_252 : i32
      %add3A_409 = arith.constant 0 : i32
      %add3A_410 = arith.addi %mul3A_408, %add3A_409 : i32
      %add3A_411 = arith.constant 2 : i32
      %add3A_412 = arith.addi %add3A_410, %add3A_411 : i32
      %lt3A_413 = arith.cmpi slt, %add3A_412, %select_n3A : i32
      %convert_element_type3A_414 = arith.extui %lt3A_413 : i1 to i32
      %cond3A_415 = arith.constant 0 : i32
      %cond3A_416 = arith.cmpi ne, %convert_element_type3A_414, %cond3A_415 : i32
      scf.if %cond3A_416 {
        %add3A_582 = arith.constant 2 : i32
        %add3A_583 = arith.addi %add3A_257, %add3A_582 : i32
        %mul3A_584 = arith.constant 512 : i32
        %mul3A_585 = arith.muli %add3A_583, %mul3A_584 : i32
        %mul3A_586 = arith.constant 512 : i32
        %mul3A_587 = arith.muli %add3A_583, %mul3A_586 : i32
        %dma_start3A_588 = arith.constant 0 : i32
        %dma_start3A_589 = arith.constant 0 : i32
        %dma_start3A_590 = tpu.memref_slice %arg4[%dma_start3A_588, %dma_start3A_589] : memref<16x515xf32, #tpu.memory_space<vmem>> -> memref<8x512xf32, #tpu.memory_space<vmem>>
        %dma_start3A_591 = arith.constant 0 : i32
        %dma_start3A_592 = tpu.memref_slice %arg2[%dma_start3A_591, %mul3A_585] : memref<16x1000000xf32, #tpu.memory_space<hbm>> -> memref<8x512xf32, #tpu.memory_space<hbm>>
        %dma_start3A_593 = arith.constant 0 : i32
        %dma_start3A_594 = arith.constant 0 : i32
        %dma_start3A_595 = tpu.memref_slice %arg4[%dma_start3A_593, %dma_start3A_594] : memref<16x515xf32, #tpu.memory_space<vmem>> -> memref<8x512xf32, #tpu.memory_space<vmem>>
        %dma_start3A_596 = arith.constant 0 : i32
        %dma_start3A_597 = tpu.memref_slice %arg2[%dma_start3A_596, %mul3A_585] : memref<16x1000000xf32, #tpu.memory_space<hbm>> -> memref<8x512xf32, #tpu.memory_space<hbm>>
        tpu.enqueue_dma source(%dma_start3A_597 : memref<8x512xf32, #tpu.memory_space<hbm>>) target(%dma_start3A_595 : memref<8x512xf32, #tpu.memory_space<vmem>>) target_semaphore(%arg10 : memref<!tpu.dma_semaphore, #tpu.memory_space<semaphore_mem>>)
        %dma_start3A_598 = arith.constant 8 : i32
        %dma_start3A_599 = arith.constant 0 : i32
        %dma_start3A_600 = tpu.memref_slice %arg4[%dma_start3A_598, %dma_start3A_599] : memref<16x515xf32, #tpu.memory_space<vmem>> -> memref<8x512xf32, #tpu.memory_space<vmem>>
        %dma_start3A_601 = arith.constant 8 : i32
        %dma_start3A_602 = tpu.memref_slice %arg2[%dma_start3A_601, %mul3A_587] : memref<16x1000000xf32, #tpu.memory_space<hbm>> -> memref<8x512xf32, #tpu.memory_space<hbm>>
        %dma_start3A_603 = arith.constant 8 : i32
        %dma_start3A_604 = arith.constant 0 : i32
        %dma_start3A_605 = tpu.memref_slice %arg4[%dma_start3A_603, %dma_start3A_604] : memref<16x515xf32, #tpu.memory_space<vmem>> -> memref<8x512xf32, #tpu.memory_space<vmem>>
        %dma_start3A_606 = arith.constant 8 : i32
        %dma_start3A_607 = tpu.memref_slice %arg2[%dma_start3A_606, %mul3A_587] : memref<16x1000000xf32, #tpu.memory_space<hbm>> -> memref<8x512xf32, #tpu.memory_space<hbm>>
        tpu.enqueue_dma source(%dma_start3A_607 : memref<8x512xf32, #tpu.memory_space<hbm>>) target(%dma_start3A_605 : memref<8x512xf32, #tpu.memory_space<vmem>>) target_semaphore(%arg10 : memref<!tpu.dma_semaphore, #tpu.memory_space<semaphore_mem>>)
      } else {
      }
      %mul3A_417 = arith.constant 2 : i32
      %mul3A_418 = arith.muli %mul3A_417, %scan3A_252 : i32
      %add3A_419 = arith.addi %add3A_4, %mul3A_418 : i32
      %add3A_420 = arith.constant 1 : i32
      %add3A_421 = arith.addi %add3A_419, %add3A_420 : i32
      %mul3A_422 = arith.constant 512 : i32
      %mul3A_423 = arith.muli %add3A_421, %mul3A_422 : i32
      %mul3A_424 = arith.constant 512 : i32
      %mul3A_425 = arith.muli %add3A_421, %mul3A_424 : i32
      %dma_wait3A_426 = arith.constant 0 : i32
      %dma_wait3A_427 = arith.constant 0 : i32
      %dma_wait3A_428 = tpu.memref_slice %arg5[%dma_wait3A_426, %dma_wait3A_427] : memref<16x515xf32, #tpu.memory_space<vmem>> -> memref<8x512xf32, #tpu.memory_space<vmem>>
      %dma_wait3A_429 = arith.constant 0 : i32
      %dma_wait3A_430 = tpu.memref_slice %arg2[%dma_wait3A_429, %mul3A_423] : memref<16x1000000xf32, #tpu.memory_space<hbm>> -> memref<8x512xf32, #tpu.memory_space<hbm>>
      %dma_wait3A_431 = arith.constant 0 : i32
      %dma_wait3A_432 = arith.constant 0 : i32
      %dma_wait3A_433 = tpu.memref_slice %arg5[%dma_wait3A_431, %dma_wait3A_432] : memref<16x515xf32, #tpu.memory_space<vmem>> -> memref<8x512xf32, #tpu.memory_space<vmem>>
      %dma_wait3A_434 = arith.constant 0 : i32
      %dma_wait3A_435 = tpu.memref_slice %arg2[%dma_wait3A_434, %mul3A_423] : memref<16x1000000xf32, #tpu.memory_space<hbm>> -> memref<8x512xf32, #tpu.memory_space<hbm>>
      tpu.wait_dma2 semaphore(%arg11 : memref<!tpu.dma_semaphore, #tpu.memory_space<semaphore_mem>>) src(%dma_wait3A_435 : memref<8x512xf32, #tpu.memory_space<hbm>>) dst(%dma_wait3A_433 : memref<8x512xf32, #tpu.memory_space<vmem>>)
      %dma_wait3A_436 = arith.constant 8 : i32
      %dma_wait3A_437 = arith.constant 0 : i32
      %dma_wait3A_438 = tpu.memref_slice %arg5[%dma_wait3A_436, %dma_wait3A_437] : memref<16x515xf32, #tpu.memory_space<vmem>> -> memref<8x512xf32, #tpu.memory_space<vmem>>
      %dma_wait3A_439 = arith.constant 8 : i32
      %dma_wait3A_440 = tpu.memref_slice %arg2[%dma_wait3A_439, %mul3A_425] : memref<16x1000000xf32, #tpu.memory_space<hbm>> -> memref<8x512xf32, #tpu.memory_space<hbm>>
      %dma_wait3A_441 = arith.constant 8 : i32
      %dma_wait3A_442 = arith.constant 0 : i32
      %dma_wait3A_443 = tpu.memref_slice %arg5[%dma_wait3A_441, %dma_wait3A_442] : memref<16x515xf32, #tpu.memory_space<vmem>> -> memref<8x512xf32, #tpu.memory_space<vmem>>
      %dma_wait3A_444 = arith.constant 8 : i32
      %dma_wait3A_445 = tpu.memref_slice %arg2[%dma_wait3A_444, %mul3A_425] : memref<16x1000000xf32, #tpu.memory_space<hbm>> -> memref<8x512xf32, #tpu.memory_space<hbm>>
      tpu.wait_dma2 semaphore(%arg11 : memref<!tpu.dma_semaphore, #tpu.memory_space<semaphore_mem>>) src(%dma_wait3A_445 : memref<8x512xf32, #tpu.memory_space<hbm>>) dst(%dma_wait3A_443 : memref<8x512xf32, #tpu.memory_space<vmem>>)
      %gt3A_446 = arith.constant 0 : i32
      %gt3A_447 = arith.cmpi sgt, %scan3A_252, %gt3A_446 : i32
      %convert_element_type3A_448 = arith.extui %gt3A_447 : i1 to i32
      %cond3A_449 = arith.constant 0 : i32
      %cond3A_450 = arith.cmpi ne, %convert_element_type3A_448, %cond3A_449 : i32
      scf.if %cond3A_450 {
        %sub3A_582 = arith.constant 2 : i32
        %sub3A_583 = arith.subi %add3A_421, %sub3A_582 : i32
        %mul3A_584 = arith.constant 8 : i32
        %mul3A_585 = arith.muli %sub3A_583, %mul3A_584 : i32
        %dma_wait3A_586 = arith.constant 0 : i32
        %dma_wait3A_587 = arith.constant 0 : i32
        %dma_wait3A_588 = arith.constant 0 : i32
        %dma_wait3A_589 = tpu.memref_slice %arg7[%dma_wait3A_586, %dma_wait3A_587, %dma_wait3A_588] : memref<8x8x128xf32, #tpu.memory_space<vmem>> -> memref<8x8x128xf32, #tpu.memory_space<vmem>>
        %dma_wait3A_590 = arith.constant 0 : i32
        %dma_wait3A_591 = arith.constant 0 : i32
        %dma_wait3A_592 = tpu.memref_slice %arg3[%mul3A_585, %dma_wait3A_590, %dma_wait3A_591] : memref<15625x8x128xf32, #tpu.memory_space<hbm>> -> memref<8x8x128xf32, #tpu.memory_space<hbm>>
        %dma_wait3A_593 = arith.constant 0 : i32
        %dma_wait3A_594 = arith.constant 0 : i32
        %dma_wait3A_595 = tpu.memref_slice %arg3[%mul3A_585, %dma_wait3A_593, %dma_wait3A_594] : memref<15625x8x128xf32, #tpu.memory_space<hbm>> -> memref<8x8x128xf32, #tpu.memory_space<hbm>>
        %dma_wait3A_596 = arith.constant 0 : i32
        %dma_wait3A_597 = arith.constant 0 : i32
        %dma_wait3A_598 = arith.constant 0 : i32
        %dma_wait3A_599 = tpu.memref_slice %arg7[%dma_wait3A_596, %dma_wait3A_597, %dma_wait3A_598] : memref<8x8x128xf32, #tpu.memory_space<vmem>> -> memref<8x8x128xf32, #tpu.memory_space<vmem>>
        tpu.wait_dma2 semaphore(%arg13 : memref<!tpu.dma_semaphore, #tpu.memory_space<semaphore_mem>>) src(%dma_wait3A_599 : memref<8x8x128xf32, #tpu.memory_space<vmem>>) dst(%dma_wait3A_595 : memref<8x8x128xf32, #tpu.memory_space<hbm>>)
      } else {
      }
      %mul3A_451 = arith.constant 17 : i32
      %mul3A_452 = vector.broadcast %mul3A_451 : i32 to vector<16xi32>
      %mul3A_453 = arith.muli %iota3A, %mul3A_452 : vector<16xi32>
      %scan3A_454 = arith.constant 0 : i32
      %scan3A_455 = arith.constant 0 : i32
      %scan3A_456 = arith.constant 32 : i32
      %scan3A_457 = arith.addi %scan3A_455, %scan3A_456 : i32
      %scan3A_458 = arith.constant 1 : i32
      scf.for %scan3A_582 = %scan3A_455 to %scan3A_457 step %scan3A_458  : i32 {
        %mul3A_583 = arith.constant 16 : i32
        %mul3A_584 = arith.muli %scan3A_582, %mul3A_583 : i32
        %get3A = arith.constant 0 : i32
        %get3A_585 = arith.index_cast %get3A : i32 to index
        %get3A_586 = arith.index_cast %mul3A_584 : i32 to index
        %get3A_587 = tpu.vector_load %arg5[%get3A_585, %get3A_586] {strides = array<i32>} : memref<16x515xf32, #tpu.memory_space<vmem>>, vector<16xf32>,
        %mul3A_588 = arith.constant 272 : i32
        %mul3A_589 = arith.muli %scan3A_582, %mul3A_588 : i32
        %add3A_590 = arith.constant 0 : i32
        %add3A_591 = arith.addi %mul3A_589, %add3A_590 : i32
        %add3A_592 = vector.broadcast %add3A_591 : i32 to vector<16xi32>
        %add3A_593 = arith.addi %mul3A_453, %add3A_592 : vector<16xi32>
        tpu.vector_store_idx %arg9[%add3A_593], %get3A_587 : memref<8720xf32, #tpu.memory_space<vmem>>[vector<16xi32>], vector<16xf32>,
      }
      %scan3A_459 = arith.constant 32 : i32
      %scan3A_460 = arith.constant 0 : i32
      %scan3A_461 = arith.constant 0 : i32
      %scan3A_462 = arith.constant 32 : i32
      %scan3A_463 = arith.addi %scan3A_461, %scan3A_462 : i32
      %scan3A_464 = arith.constant 1 : i32
      scf.for %scan3A_582 = %scan3A_461 to %scan3A_463 step %scan3A_464  : i32 {
        %mul3A_583 = arith.constant 16 : i32
        %mul3A_584 = arith.muli %scan3A_582, %mul3A_583 : i32
        %get3A = arith.constant 1 : i32
        %get3A_585 = arith.index_cast %get3A : i32 to index
        %get3A_586 = arith.index_cast %mul3A_584 : i32 to index
        %get3A_587 = tpu.vector_load %arg5[%get3A_585, %get3A_586] {strides = array<i32>} : memref<16x515xf32, #tpu.memory_space<vmem>>, vector<16xf32>,
        %mul3A_588 = arith.constant 272 : i32
        %mul3A_589 = arith.muli %scan3A_582, %mul3A_588 : i32
        %add3A_590 = arith.constant 1 : i32
        %add3A_591 = arith.addi %mul3A_589, %add3A_590 : i32
        %add3A_592 = vector.broadcast %add3A_591 : i32 to vector<16xi32>
        %add3A_593 = arith.addi %mul3A_453, %add3A_592 : vector<16xi32>
        tpu.vector_store_idx %arg9[%add3A_593], %get3A_587 : memref<8720xf32, #tpu.memory_space<vmem>>[vector<16xi32>], vector<16xf32>,
      }
      %scan3A_465 = arith.constant 32 : i32
      %scan3A_466 = arith.constant 0 : i32
      %scan3A_467 = arith.constant 0 : i32
      %scan3A_468 = arith.constant 32 : i32
      %scan3A_469 = arith.addi %scan3A_467, %scan3A_468 : i32
      %scan3A_470 = arith.constant 1 : i32
      scf.for %scan3A_582 = %scan3A_467 to %scan3A_469 step %scan3A_470  : i32 {
        %mul3A_583 = arith.constant 16 : i32
        %mul3A_584 = arith.muli %scan3A_582, %mul3A_583 : i32
        %get3A = arith.constant 2 : i32
        %get3A_585 = arith.index_cast %get3A : i32 to index
        %get3A_586 = arith.index_cast %mul3A_584 : i32 to index
        %get3A_587 = tpu.vector_load %arg5[%get3A_585, %get3A_586] {strides = array<i32>} : memref<16x515xf32, #tpu.memory_space<vmem>>, vector<16xf32>,
        %mul3A_588 = arith.constant 272 : i32
        %mul3A_589 = arith.muli %scan3A_582, %mul3A_588 : i32
        %add3A_590 = arith.constant 2 : i32
        %add3A_591 = arith.addi %mul3A_589, %add3A_590 : i32
        %add3A_592 = vector.broadcast %add3A_591 : i32 to vector<16xi32>
        %add3A_593 = arith.addi %mul3A_453, %add3A_592 : vector<16xi32>
        tpu.vector_store_idx %arg9[%add3A_593], %get3A_587 : memref<8720xf32, #tpu.memory_space<vmem>>[vector<16xi32>], vector<16xf32>,
      }
      %scan3A_471 = arith.constant 32 : i32
      %scan3A_472 = arith.constant 0 : i32
      %scan3A_473 = arith.constant 0 : i32
      %scan3A_474 = arith.constant 32 : i32
      %scan3A_475 = arith.addi %scan3A_473, %scan3A_474 : i32
      %scan3A_476 = arith.constant 1 : i32
      scf.for %scan3A_582 = %scan3A_473 to %scan3A_475 step %scan3A_476  : i32 {
        %mul3A_583 = arith.constant 16 : i32
        %mul3A_584 = arith.muli %scan3A_582, %mul3A_583 : i32
        %get3A = arith.constant 3 : i32
        %get3A_585 = arith.index_cast %get3A : i32 to index
        %get3A_586 = arith.index_cast %mul3A_584 : i32 to index
        %get3A_587 = tpu.vector_load %arg5[%get3A_585, %get3A_586] {strides = array<i32>} : memref<16x515xf32, #tpu.memory_space<vmem>>, vector<16xf32>,
        %mul3A_588 = arith.constant 272 : i32
        %mul3A_589 = arith.muli %scan3A_582, %mul3A_588 : i32
        %add3A_590 = arith.constant 3 : i32
        %add3A_591 = arith.addi %mul3A_589, %add3A_590 : i32
        %add3A_592 = vector.broadcast %add3A_591 : i32 to vector<16xi32>
        %add3A_593 = arith.addi %mul3A_453, %add3A_592 : vector<16xi32>
        tpu.vector_store_idx %arg9[%add3A_593], %get3A_587 : memref<8720xf32, #tpu.memory_space<vmem>>[vector<16xi32>], vector<16xf32>,
      }
      %scan3A_477 = arith.constant 32 : i32
      %scan3A_478 = arith.constant 0 : i32
      %scan3A_479 = arith.constant 0 : i32
      %scan3A_480 = arith.constant 32 : i32
      %scan3A_481 = arith.addi %scan3A_479, %scan3A_480 : i32
      %scan3A_482 = arith.constant 1 : i32
      scf.for %scan3A_582 = %scan3A_479 to %scan3A_481 step %scan3A_482  : i32 {
        %mul3A_583 = arith.constant 16 : i32
        %mul3A_584 = arith.muli %scan3A_582, %mul3A_583 : i32
        %get3A = arith.constant 4 : i32
        %get3A_585 = arith.index_cast %get3A : i32 to index
        %get3A_586 = arith.index_cast %mul3A_584 : i32 to index
        %get3A_587 = tpu.vector_load %arg5[%get3A_585, %get3A_586] {strides = array<i32>} : memref<16x515xf32, #tpu.memory_space<vmem>>, vector<16xf32>,
        %mul3A_588 = arith.constant 272 : i32
        %mul3A_589 = arith.muli %scan3A_582, %mul3A_588 : i32
        %add3A_590 = arith.constant 4 : i32
        %add3A_591 = arith.addi %mul3A_589, %add3A_590 : i32
        %add3A_592 = vector.broadcast %add3A_591 : i32 to vector<16xi32>
        %add3A_593 = arith.addi %mul3A_453, %add3A_592 : vector<16xi32>
        tpu.vector_store_idx %arg9[%add3A_593], %get3A_587 : memref<8720xf32, #tpu.memory_space<vmem>>[vector<16xi32>], vector<16xf32>,
      }
      %scan3A_483 = arith.constant 32 : i32
      %scan3A_484 = arith.constant 0 : i32
      %scan3A_485 = arith.constant 0 : i32
      %scan3A_486 = arith.constant 32 : i32
      %scan3A_487 = arith.addi %scan3A_485, %scan3A_486 : i32
      %scan3A_488 = arith.constant 1 : i32
      scf.for %scan3A_582 = %scan3A_485 to %scan3A_487 step %scan3A_488  : i32 {
        %mul3A_583 = arith.constant 16 : i32
        %mul3A_584 = arith.muli %scan3A_582, %mul3A_583 : i32
        %get3A = arith.constant 5 : i32
        %get3A_585 = arith.index_cast %get3A : i32 to index
        %get3A_586 = arith.index_cast %mul3A_584 : i32 to index
        %get3A_587 = tpu.vector_load %arg5[%get3A_585, %get3A_586] {strides = array<i32>} : memref<16x515xf32, #tpu.memory_space<vmem>>, vector<16xf32>,
        %mul3A_588 = arith.constant 272 : i32
        %mul3A_589 = arith.muli %scan3A_582, %mul3A_588 : i32
        %add3A_590 = arith.constant 5 : i32
        %add3A_591 = arith.addi %mul3A_589, %add3A_590 : i32
        %add3A_592 = vector.broadcast %add3A_591 : i32 to vector<16xi32>
        %add3A_593 = arith.addi %mul3A_453, %add3A_592 : vector<16xi32>
        tpu.vector_store_idx %arg9[%add3A_593], %get3A_587 : memref<8720xf32, #tpu.memory_space<vmem>>[vector<16xi32>], vector<16xf32>,
      }
      %scan3A_489 = arith.constant 32 : i32
      %scan3A_490 = arith.constant 0 : i32
      %scan3A_491 = arith.constant 0 : i32
      %scan3A_492 = arith.constant 32 : i32
      %scan3A_493 = arith.addi %scan3A_491, %scan3A_492 : i32
      %scan3A_494 = arith.constant 1 : i32
      scf.for %scan3A_582 = %scan3A_491 to %scan3A_493 step %scan3A_494  : i32 {
        %mul3A_583 = arith.constant 16 : i32
        %mul3A_584 = arith.muli %scan3A_582, %mul3A_583 : i32
        %get3A = arith.constant 6 : i32
        %get3A_585 = arith.index_cast %get3A : i32 to index
        %get3A_586 = arith.index_cast %mul3A_584 : i32 to index
        %get3A_587 = tpu.vector_load %arg5[%get3A_585, %get3A_586] {strides = array<i32>} : memref<16x515xf32, #tpu.memory_space<vmem>>, vector<16xf32>,
        %mul3A_588 = arith.constant 272 : i32
        %mul3A_589 = arith.muli %scan3A_582, %mul3A_588 : i32
        %add3A_590 = arith.constant 6 : i32
        %add3A_591 = arith.addi %mul3A_589, %add3A_590 : i32
        %add3A_592 = vector.broadcast %add3A_591 : i32 to vector<16xi32>
        %add3A_593 = arith.addi %mul3A_453, %add3A_592 : vector<16xi32>
        tpu.vector_store_idx %arg9[%add3A_593], %get3A_587 : memref<8720xf32, #tpu.memory_space<vmem>>[vector<16xi32>], vector<16xf32>,
      }
      %scan3A_495 = arith.constant 32 : i32
      %scan3A_496 = arith.constant 0 : i32
      %scan3A_497 = arith.constant 0 : i32
      %scan3A_498 = arith.constant 32 : i32
      %scan3A_499 = arith.addi %scan3A_497, %scan3A_498 : i32
      %scan3A_500 = arith.constant 1 : i32
      scf.for %scan3A_582 = %scan3A_497 to %scan3A_499 step %scan3A_500  : i32 {
        %mul3A_583 = arith.constant 16 : i32
        %mul3A_584 = arith.muli %scan3A_582, %mul3A_583 : i32
        %get3A = arith.constant 7 : i32
        %get3A_585 = arith.index_cast %get3A : i32 to index
        %get3A_586 = arith.index_cast %mul3A_584 : i32 to index
        %get3A_587 = tpu.vector_load %arg5[%get3A_585, %get3A_586] {strides = array<i32>} : memref<16x515xf32, #tpu.memory_space<vmem>>, vector<16xf32>,
        %mul3A_588 = arith.constant 272 : i32
        %mul3A_589 = arith.muli %scan3A_582, %mul3A_588 : i32
        %add3A_590 = arith.constant 7 : i32
        %add3A_591 = arith.addi %mul3A_589, %add3A_590 : i32
        %add3A_592 = vector.broadcast %add3A_591 : i32 to vector<16xi32>
        %add3A_593 = arith.addi %mul3A_453, %add3A_592 : vector<16xi32>
        tpu.vector_store_idx %arg9[%add3A_593], %get3A_587 : memref<8720xf32, #tpu.memory_space<vmem>>[vector<16xi32>], vector<16xf32>,
      }
      %scan3A_501 = arith.constant 32 : i32
      %scan3A_502 = arith.constant 0 : i32
      %scan3A_503 = arith.constant 0 : i32
      %scan3A_504 = arith.constant 32 : i32
      %scan3A_505 = arith.addi %scan3A_503, %scan3A_504 : i32
      %scan3A_506 = arith.constant 1 : i32
      scf.for %scan3A_582 = %scan3A_503 to %scan3A_505 step %scan3A_506  : i32 {
        %mul3A_583 = arith.constant 16 : i32
        %mul3A_584 = arith.muli %scan3A_582, %mul3A_583 : i32
        %get3A = arith.constant 8 : i32
        %get3A_585 = arith.index_cast %get3A : i32 to index
        %get3A_586 = arith.index_cast %mul3A_584 : i32 to index
        %get3A_587 = tpu.vector_load %arg5[%get3A_585, %get3A_586] {strides = array<i32>} : memref<16x515xf32, #tpu.memory_space<vmem>>, vector<16xf32>,
        %mul3A_588 = arith.constant 272 : i32
        %mul3A_589 = arith.muli %scan3A_582, %mul3A_588 : i32
        %add3A_590 = arith.constant 8 : i32
        %add3A_591 = arith.addi %mul3A_589, %add3A_590 : i32
        %add3A_592 = vector.broadcast %add3A_591 : i32 to vector<16xi32>
        %add3A_593 = arith.addi %mul3A_453, %add3A_592 : vector<16xi32>
        tpu.vector_store_idx %arg9[%add3A_593], %get3A_587 : memref<8720xf32, #tpu.memory_space<vmem>>[vector<16xi32>], vector<16xf32>,
      }
      %scan3A_507 = arith.constant 32 : i32
      %scan3A_508 = arith.constant 0 : i32
      %scan3A_509 = arith.constant 0 : i32
      %scan3A_510 = arith.constant 32 : i32
      %scan3A_511 = arith.addi %scan3A_509, %scan3A_510 : i32
      %scan3A_512 = arith.constant 1 : i32
      scf.for %scan3A_582 = %scan3A_509 to %scan3A_511 step %scan3A_512  : i32 {
        %mul3A_583 = arith.constant 16 : i32
        %mul3A_584 = arith.muli %scan3A_582, %mul3A_583 : i32
        %get3A = arith.constant 9 : i32
        %get3A_585 = arith.index_cast %get3A : i32 to index
        %get3A_586 = arith.index_cast %mul3A_584 : i32 to index
        %get3A_587 = tpu.vector_load %arg5[%get3A_585, %get3A_586] {strides = array<i32>} : memref<16x515xf32, #tpu.memory_space<vmem>>, vector<16xf32>,
        %mul3A_588 = arith.constant 272 : i32
        %mul3A_589 = arith.muli %scan3A_582, %mul3A_588 : i32
        %add3A_590 = arith.constant 9 : i32
        %add3A_591 = arith.addi %mul3A_589, %add3A_590 : i32
        %add3A_592 = vector.broadcast %add3A_591 : i32 to vector<16xi32>
        %add3A_593 = arith.addi %mul3A_453, %add3A_592 : vector<16xi32>
        tpu.vector_store_idx %arg9[%add3A_593], %get3A_587 : memref<8720xf32, #tpu.memory_space<vmem>>[vector<16xi32>], vector<16xf32>,
      }
      %scan3A_513 = arith.constant 32 : i32
      %scan3A_514 = arith.constant 0 : i32
      %scan3A_515 = arith.constant 0 : i32
      %scan3A_516 = arith.constant 32 : i32
      %scan3A_517 = arith.addi %scan3A_515, %scan3A_516 : i32
      %scan3A_518 = arith.constant 1 : i32
      scf.for %scan3A_582 = %scan3A_515 to %scan3A_517 step %scan3A_518  : i32 {
        %mul3A_583 = arith.constant 16 : i32
        %mul3A_584 = arith.muli %scan3A_582, %mul3A_583 : i32
        %get3A = arith.constant 10 : i32
        %get3A_585 = arith.index_cast %get3A : i32 to index
        %get3A_586 = arith.index_cast %mul3A_584 : i32 to index
        %get3A_587 = tpu.vector_load %arg5[%get3A_585, %get3A_586] {strides = array<i32>} : memref<16x515xf32, #tpu.memory_space<vmem>>, vector<16xf32>,
        %mul3A_588 = arith.constant 272 : i32
        %mul3A_589 = arith.muli %scan3A_582, %mul3A_588 : i32
        %add3A_590 = arith.constant 10 : i32
        %add3A_591 = arith.addi %mul3A_589, %add3A_590 : i32
        %add3A_592 = vector.broadcast %add3A_591 : i32 to vector<16xi32>
        %add3A_593 = arith.addi %mul3A_453, %add3A_592 : vector<16xi32>
        tpu.vector_store_idx %arg9[%add3A_593], %get3A_587 : memref<8720xf32, #tpu.memory_space<vmem>>[vector<16xi32>], vector<16xf32>,
      }
      %scan3A_519 = arith.constant 32 : i32
      %scan3A_520 = arith.constant 0 : i32
      %scan3A_521 = arith.constant 0 : i32
      %scan3A_522 = arith.constant 32 : i32
      %scan3A_523 = arith.addi %scan3A_521, %scan3A_522 : i32
      %scan3A_524 = arith.constant 1 : i32
      scf.for %scan3A_582 = %scan3A_521 to %scan3A_523 step %scan3A_524  : i32 {
        %mul3A_583 = arith.constant 16 : i32
        %mul3A_584 = arith.muli %scan3A_582, %mul3A_583 : i32
        %get3A = arith.constant 11 : i32
        %get3A_585 = arith.index_cast %get3A : i32 to index
        %get3A_586 = arith.index_cast %mul3A_584 : i32 to index
        %get3A_587 = tpu.vector_load %arg5[%get3A_585, %get3A_586] {strides = array<i32>} : memref<16x515xf32, #tpu.memory_space<vmem>>, vector<16xf32>,
        %mul3A_588 = arith.constant 272 : i32
        %mul3A_589 = arith.muli %scan3A_582, %mul3A_588 : i32
        %add3A_590 = arith.constant 11 : i32
        %add3A_591 = arith.addi %mul3A_589, %add3A_590 : i32
        %add3A_592 = vector.broadcast %add3A_591 : i32 to vector<16xi32>
        %add3A_593 = arith.addi %mul3A_453, %add3A_592 : vector<16xi32>
        tpu.vector_store_idx %arg9[%add3A_593], %get3A_587 : memref<8720xf32, #tpu.memory_space<vmem>>[vector<16xi32>], vector<16xf32>,
      }
      %scan3A_525 = arith.constant 32 : i32
      %scan3A_526 = arith.constant 0 : i32
      %scan3A_527 = arith.constant 0 : i32
      %scan3A_528 = arith.constant 32 : i32
      %scan3A_529 = arith.addi %scan3A_527, %scan3A_528 : i32
      %scan3A_530 = arith.constant 1 : i32
      scf.for %scan3A_582 = %scan3A_527 to %scan3A_529 step %scan3A_530  : i32 {
        %mul3A_583 = arith.constant 16 : i32
        %mul3A_584 = arith.muli %scan3A_582, %mul3A_583 : i32
        %get3A = arith.constant 12 : i32
        %get3A_585 = arith.index_cast %get3A : i32 to index
        %get3A_586 = arith.index_cast %mul3A_584 : i32 to index
        %get3A_587 = tpu.vector_load %arg5[%get3A_585, %get3A_586] {strides = array<i32>} : memref<16x515xf32, #tpu.memory_space<vmem>>, vector<16xf32>,
        %mul3A_588 = arith.constant 272 : i32
        %mul3A_589 = arith.muli %scan3A_582, %mul3A_588 : i32
        %add3A_590 = arith.constant 12 : i32
        %add3A_591 = arith.addi %mul3A_589, %add3A_590 : i32
        %add3A_592 = vector.broadcast %add3A_591 : i32 to vector<16xi32>
        %add3A_593 = arith.addi %mul3A_453, %add3A_592 : vector<16xi32>
        tpu.vector_store_idx %arg9[%add3A_593], %get3A_587 : memref<8720xf32, #tpu.memory_space<vmem>>[vector<16xi32>], vector<16xf32>,
      }
      %scan3A_531 = arith.constant 32 : i32
      %scan3A_532 = arith.constant 0 : i32
      %scan3A_533 = arith.constant 0 : i32
      %scan3A_534 = arith.constant 32 : i32
      %scan3A_535 = arith.addi %scan3A_533, %scan3A_534 : i32
      %scan3A_536 = arith.constant 1 : i32
      scf.for %scan3A_582 = %scan3A_533 to %scan3A_535 step %scan3A_536  : i32 {
        %mul3A_583 = arith.constant 16 : i32
        %mul3A_584 = arith.muli %scan3A_582, %mul3A_583 : i32
        %get3A = arith.constant 13 : i32
        %get3A_585 = arith.index_cast %get3A : i32 to index
        %get3A_586 = arith.index_cast %mul3A_584 : i32 to index
        %get3A_587 = tpu.vector_load %arg5[%get3A_585, %get3A_586] {strides = array<i32>} : memref<16x515xf32, #tpu.memory_space<vmem>>, vector<16xf32>,
        %mul3A_588 = arith.constant 272 : i32
        %mul3A_589 = arith.muli %scan3A_582, %mul3A_588 : i32
        %add3A_590 = arith.constant 13 : i32
        %add3A_591 = arith.addi %mul3A_589, %add3A_590 : i32
        %add3A_592 = vector.broadcast %add3A_591 : i32 to vector<16xi32>
        %add3A_593 = arith.addi %mul3A_453, %add3A_592 : vector<16xi32>
        tpu.vector_store_idx %arg9[%add3A_593], %get3A_587 : memref<8720xf32, #tpu.memory_space<vmem>>[vector<16xi32>], vector<16xf32>,
      }
      %scan3A_537 = arith.constant 32 : i32
      %scan3A_538 = arith.constant 0 : i32
      %scan3A_539 = arith.constant 0 : i32
      %scan3A_540 = arith.constant 32 : i32
      %scan3A_541 = arith.addi %scan3A_539, %scan3A_540 : i32
      %scan3A_542 = arith.constant 1 : i32
      scf.for %scan3A_582 = %scan3A_539 to %scan3A_541 step %scan3A_542  : i32 {
        %mul3A_583 = arith.constant 16 : i32
        %mul3A_584 = arith.muli %scan3A_582, %mul3A_583 : i32
        %get3A = arith.constant 14 : i32
        %get3A_585 = arith.index_cast %get3A : i32 to index
        %get3A_586 = arith.index_cast %mul3A_584 : i32 to index
        %get3A_587 = tpu.vector_load %arg5[%get3A_585, %get3A_586] {strides = array<i32>} : memref<16x515xf32, #tpu.memory_space<vmem>>, vector<16xf32>,
        %mul3A_588 = arith.constant 272 : i32
        %mul3A_589 = arith.muli %scan3A_582, %mul3A_588 : i32
        %add3A_590 = arith.constant 14 : i32
        %add3A_591 = arith.addi %mul3A_589, %add3A_590 : i32
        %add3A_592 = vector.broadcast %add3A_591 : i32 to vector<16xi32>
        %add3A_593 = arith.addi %mul3A_453, %add3A_592 : vector<16xi32>
        tpu.vector_store_idx %arg9[%add3A_593], %get3A_587 : memref<8720xf32, #tpu.memory_space<vmem>>[vector<16xi32>], vector<16xf32>,
      }
      %scan3A_543 = arith.constant 32 : i32
      %scan3A_544 = arith.constant 0 : i32
      %scan3A_545 = arith.constant 0 : i32
      %scan3A_546 = arith.constant 32 : i32
      %scan3A_547 = arith.addi %scan3A_545, %scan3A_546 : i32
      %scan3A_548 = arith.constant 1 : i32
      scf.for %scan3A_582 = %scan3A_545 to %scan3A_547 step %scan3A_548  : i32 {
        %mul3A_583 = arith.constant 16 : i32
        %mul3A_584 = arith.muli %scan3A_582, %mul3A_583 : i32
        %get3A = arith.constant 15 : i32
        %get3A_585 = arith.index_cast %get3A : i32 to index
        %get3A_586 = arith.index_cast %mul3A_584 : i32 to index
        %get3A_587 = tpu.vector_load %arg5[%get3A_585, %get3A_586] {strides = array<i32>} : memref<16x515xf32, #tpu.memory_space<vmem>>, vector<16xf32>,
        %mul3A_588 = arith.constant 272 : i32
        %mul3A_589 = arith.muli %scan3A_582, %mul3A_588 : i32
        %add3A_590 = arith.constant 15 : i32
        %add3A_591 = arith.addi %mul3A_589, %add3A_590 : i32
        %add3A_592 = vector.broadcast %add3A_591 : i32 to vector<16xi32>
        %add3A_593 = arith.addi %mul3A_453, %add3A_592 : vector<16xi32>
        tpu.vector_store_idx %arg9[%add3A_593], %get3A_587 : memref<8720xf32, #tpu.memory_space<vmem>>[vector<16xi32>], vector<16xf32>,
      }
      %scan3A_549 = arith.constant 32 : i32
      %scan3A_550 = arith.constant 0 : i32
      %scan3A_551 = arith.constant 0 : i32
      %scan3A_552 = arith.constant 64 : i32
      %scan3A_553 = arith.addi %scan3A_551, %scan3A_552 : i32
      %scan3A_554 = arith.constant 1 : i32
      scf.for %scan3A_582 = %scan3A_551 to %scan3A_553 step %scan3A_554  : i32 {
        %jit3A_583 = arith.constant 8 : i32
        %div3A = arith.divsi %scan3A_582, %jit3A_583 : i32
        %sign3A = arith.constant 0 : i32
        %sign3A_584 = arith.cmpi sgt, %scan3A_582, %sign3A : i32
        %sign3A_585 = arith.extui %sign3A_584 : i1 to i32
        %sign3A_586 = arith.constant 0 : i32
        %sign3A_587 = arith.cmpi slt, %scan3A_582, %sign3A_586 : i32
        %sign3A_588 = arith.extui %sign3A_587 : i1 to i32
        %sign3A_589 = arith.subi %sign3A_585, %sign3A_588 : i32
        %sign3A_590 = arith.constant 0 : i32
        %sign3A_591 = arith.cmpi sgt, %jit3A_583, %sign3A_590 : i32
        %sign3A_592 = arith.extui %sign3A_591 : i1 to i32
        %sign3A_593 = arith.constant 0 : i32
        %sign3A_594 = arith.cmpi slt, %jit3A_583, %sign3A_593 : i32
        %sign3A_595 = arith.extui %sign3A_594 : i1 to i32
        %sign3A_596 = arith.subi %sign3A_592, %sign3A_595 : i32
        %ne3A = arith.cmpi ne, %sign3A_589, %sign3A_596 : i32
        %rem3A = arith.remsi %scan3A_582, %jit3A_583 : i32
        %ne3A_597 = arith.constant 0 : i32
        %ne3A_598 = arith.cmpi ne, %rem3A, %ne3A_597 : i32
        %and3A = arith.andi %ne3A, %ne3A_598 : i1
        %sub3A_599 = arith.constant 1 : i32
        %sub3A_600 = arith.subi %div3A, %sub3A_599 : i32
        %select_n3A_601 = arith.select %and3A, %sub3A_600, %div3A : i32
        %jit3A_602 = arith.constant 8 : i32
        %eq3A_603 = arith.constant 0 : i32
        %eq3A_604 = arith.cmpi eq, %jit3A_602, %eq3A_603 : i32
        %jit3A_605 = arith.constant 1 : i32
        %select_n3A_606 = arith.select %eq3A_604, %jit3A_605, %jit3A_602 : i32
        %rem3A_607 = arith.remsi %scan3A_582, %select_n3A_606 : i32
        %ne3A_608 = arith.constant 0 : i32
        %ne3A_609 = arith.cmpi ne, %rem3A_607, %ne3A_608 : i32
        %lt3A_610 = arith.constant 0 : i32
        %lt3A_611 = arith.cmpi slt, %rem3A_607, %lt3A_610 : i32
        %lt3A_612 = arith.constant 0 : i32
        %lt3A_613 = arith.cmpi slt, %select_n3A_606, %lt3A_612 : i32
        %ne3A_614 = arith.xori %lt3A_611, %lt3A_613 : i1
        %and3A_615 = arith.andi %ne3A_614, %ne3A_609 : i1
        %add3A_616 = arith.addi %rem3A_607, %select_n3A_606 : i32
        %select_n3A_617 = arith.select %and3A_615, %add3A_616, %rem3A_607 : i32
        %mul3A_618 = arith.constant 8 : i32
        %mul3A_619 = arith.muli %scan3A_582, %mul3A_618 : i32
        %add3A_620 = arith.constant 0 : i32
        %add3A_621 = arith.addi %mul3A_619, %add3A_620 : i32
        %mul3A_622 = arith.constant 17 : i32
        %mul3A_623 = arith.muli %add3A_621, %mul3A_622 : i32
        %get3A = arith.index_cast %mul3A_623 : i32 to index
        %get3A_624 = tpu.vector_load %arg9[%get3A] {strides = array<i32>} : memref<8720xf32, #tpu.memory_space<vmem>>, vector<16xf32>,
        %swap3A = arith.constant 0 : i32
        %swap3A_625 = tpu.memref_slice %arg7[%select_n3A_601, %select_n3A_617, %swap3A] : memref<8x8x128xf32, #tpu.memory_space<vmem>> -> memref<1x1x128xf32, #tpu.memory_space<vmem>>
        %swap3A_626 = tpu.memref_squeeze %swap3A_625 : memref<1x1x128xf32, #tpu.memory_space<vmem>> -> memref<128xf32, #tpu.memory_space<vmem>>
        %swap3A_627 = arith.constant 0 : index
        %swap3A_628 = tpu.vector_load %swap3A_626[%swap3A_627] {strides = array<i32>} : memref<128xf32, #tpu.memory_space<vmem>>, vector<16xf32>,
        tpu.vector_store %swap3A_626[%swap3A_627], %get3A_624 {strides = array<i32>} : memref<128xf32, #tpu.memory_space<vmem>>, vector<16xf32>,
        %mul3A_629 = arith.constant 8 : i32
        %mul3A_630 = arith.muli %scan3A_582, %mul3A_629 : i32
        %add3A_631 = arith.constant 1 : i32
        %add3A_632 = arith.addi %mul3A_630, %add3A_631 : i32
        %mul3A_633 = arith.constant 17 : i32
        %mul3A_634 = arith.muli %add3A_632, %mul3A_633 : i32
        %get3A_635 = arith.index_cast %mul3A_634 : i32 to index
        %get3A_636 = tpu.vector_load %arg9[%get3A_635] {strides = array<i32>} : memref<8720xf32, #tpu.memory_space<vmem>>, vector<16xf32>,
        %swap3A_637 = arith.constant 0 : i32
        %swap3A_638 = tpu.memref_slice %arg7[%select_n3A_601, %select_n3A_617, %swap3A_637] : memref<8x8x128xf32, #tpu.memory_space<vmem>> -> memref<1x1x128xf32, #tpu.memory_space<vmem>>
        %swap3A_639 = tpu.memref_squeeze %swap3A_638 : memref<1x1x128xf32, #tpu.memory_space<vmem>> -> memref<128xf32, #tpu.memory_space<vmem>>
        %swap3A_640 = arith.constant 16 : index
        %swap3A_641 = tpu.vector_load %swap3A_639[%swap3A_640] {strides = array<i32>} : memref<128xf32, #tpu.memory_space<vmem>>, vector<16xf32>,
        tpu.vector_store %swap3A_639[%swap3A_640], %get3A_636 {strides = array<i32>} : memref<128xf32, #tpu.memory_space<vmem>>, vector<16xf32>,
        %mul3A_642 = arith.constant 8 : i32
        %mul3A_643 = arith.muli %scan3A_582, %mul3A_642 : i32
        %add3A_644 = arith.constant 2 : i32
        %add3A_645 = arith.addi %mul3A_643, %add3A_644 : i32
        %mul3A_646 = arith.constant 17 : i32
        %mul3A_647 = arith.muli %add3A_645, %mul3A_646 : i32
        %get3A_648 = arith.index_cast %mul3A_647 : i32 to index
        %get3A_649 = tpu.vector_load %arg9[%get3A_648] {strides = array<i32>} : memref<8720xf32, #tpu.memory_space<vmem>>, vector<16xf32>,
        %swap3A_650 = arith.constant 0 : i32
        %swap3A_651 = tpu.memref_slice %arg7[%select_n3A_601, %select_n3A_617, %swap3A_650] : memref<8x8x128xf32, #tpu.memory_space<vmem>> -> memref<1x1x128xf32, #tpu.memory_space<vmem>>
        %swap3A_652 = tpu.memref_squeeze %swap3A_651 : memref<1x1x128xf32, #tpu.memory_space<vmem>> -> memref<128xf32, #tpu.memory_space<vmem>>
        %swap3A_653 = arith.constant 32 : index
        %swap3A_654 = tpu.vector_load %swap3A_652[%swap3A_653] {strides = array<i32>} : memref<128xf32, #tpu.memory_space<vmem>>, vector<16xf32>,
        tpu.vector_store %swap3A_652[%swap3A_653], %get3A_649 {strides = array<i32>} : memref<128xf32, #tpu.memory_space<vmem>>, vector<16xf32>,
        %mul3A_655 = arith.constant 8 : i32
        %mul3A_656 = arith.muli %scan3A_582, %mul3A_655 : i32
        %add3A_657 = arith.constant 3 : i32
        %add3A_658 = arith.addi %mul3A_656, %add3A_657 : i32
        %mul3A_659 = arith.constant 17 : i32
        %mul3A_660 = arith.muli %add3A_658, %mul3A_659 : i32
        %get3A_661 = arith.index_cast %mul3A_660 : i32 to index
        %get3A_662 = tpu.vector_load %arg9[%get3A_661] {strides = array<i32>} : memref<8720xf32, #tpu.memory_space<vmem>>, vector<16xf32>,
        %swap3A_663 = arith.constant 0 : i32
        %swap3A_664 = tpu.memref_slice %arg7[%select_n3A_601, %select_n3A_617, %swap3A_663] : memref<8x8x128xf32, #tpu.memory_space<vmem>> -> memref<1x1x128xf32, #tpu.memory_space<vmem>>
        %swap3A_665 = tpu.memref_squeeze %swap3A_664 : memref<1x1x128xf32, #tpu.memory_space<vmem>> -> memref<128xf32, #tpu.memory_space<vmem>>
        %swap3A_666 = arith.constant 48 : index
        %swap3A_667 = tpu.vector_load %swap3A_665[%swap3A_666] {strides = array<i32>} : memref<128xf32, #tpu.memory_space<vmem>>, vector<16xf32>,
        tpu.vector_store %swap3A_665[%swap3A_666], %get3A_662 {strides = array<i32>} : memref<128xf32, #tpu.memory_space<vmem>>, vector<16xf32>,
        %mul3A_668 = arith.constant 8 : i32
        %mul3A_669 = arith.muli %scan3A_582, %mul3A_668 : i32
        %add3A_670 = arith.constant 4 : i32
        %add3A_671 = arith.addi %mul3A_669, %add3A_670 : i32
        %mul3A_672 = arith.constant 17 : i32
        %mul3A_673 = arith.muli %add3A_671, %mul3A_672 : i32
        %get3A_674 = arith.index_cast %mul3A_673 : i32 to index
        %get3A_675 = tpu.vector_load %arg9[%get3A_674] {strides = array<i32>} : memref<8720xf32, #tpu.memory_space<vmem>>, vector<16xf32>,
        %swap3A_676 = arith.constant 0 : i32
        %swap3A_677 = tpu.memref_slice %arg7[%select_n3A_601, %select_n3A_617, %swap3A_676] : memref<8x8x128xf32, #tpu.memory_space<vmem>> -> memref<1x1x128xf32, #tpu.memory_space<vmem>>
        %swap3A_678 = tpu.memref_squeeze %swap3A_677 : memref<1x1x128xf32, #tpu.memory_space<vmem>> -> memref<128xf32, #tpu.memory_space<vmem>>
        %swap3A_679 = arith.constant 64 : index
        %swap3A_680 = tpu.vector_load %swap3A_678[%swap3A_679] {strides = array<i32>} : memref<128xf32, #tpu.memory_space<vmem>>, vector<16xf32>,
        tpu.vector_store %swap3A_678[%swap3A_679], %get3A_675 {strides = array<i32>} : memref<128xf32, #tpu.memory_space<vmem>>, vector<16xf32>,
        %mul3A_681 = arith.constant 8 : i32
        %mul3A_682 = arith.muli %scan3A_582, %mul3A_681 : i32
        %add3A_683 = arith.constant 5 : i32
        %add3A_684 = arith.addi %mul3A_682, %add3A_683 : i32
        %mul3A_685 = arith.constant 17 : i32
        %mul3A_686 = arith.muli %add3A_684, %mul3A_685 : i32
        %get3A_687 = arith.index_cast %mul3A_686 : i32 to index
        %get3A_688 = tpu.vector_load %arg9[%get3A_687] {strides = array<i32>} : memref<8720xf32, #tpu.memory_space<vmem>>, vector<16xf32>,
        %swap3A_689 = arith.constant 0 : i32
        %swap3A_690 = tpu.memref_slice %arg7[%select_n3A_601, %select_n3A_617, %swap3A_689] : memref<8x8x128xf32, #tpu.memory_space<vmem>> -> memref<1x1x128xf32, #tpu.memory_space<vmem>>
        %swap3A_691 = tpu.memref_squeeze %swap3A_690 : memref<1x1x128xf32, #tpu.memory_space<vmem>> -> memref<128xf32, #tpu.memory_space<vmem>>
        %swap3A_692 = arith.constant 80 : index
        %swap3A_693 = tpu.vector_load %swap3A_691[%swap3A_692] {strides = array<i32>} : memref<128xf32, #tpu.memory_space<vmem>>, vector<16xf32>,
        tpu.vector_store %swap3A_691[%swap3A_692], %get3A_688 {strides = array<i32>} : memref<128xf32, #tpu.memory_space<vmem>>, vector<16xf32>,
        %mul3A_694 = arith.constant 8 : i32
        %mul3A_695 = arith.muli %scan3A_582, %mul3A_694 : i32
        %add3A_696 = arith.constant 6 : i32
        %add3A_697 = arith.addi %mul3A_695, %add3A_696 : i32
        %mul3A_698 = arith.constant 17 : i32
        %mul3A_699 = arith.muli %add3A_697, %mul3A_698 : i32
        %get3A_700 = arith.index_cast %mul3A_699 : i32 to index
        %get3A_701 = tpu.vector_load %arg9[%get3A_700] {strides = array<i32>} : memref<8720xf32, #tpu.memory_space<vmem>>, vector<16xf32>,
        %swap3A_702 = arith.constant 0 : i32
        %swap3A_703 = tpu.memref_slice %arg7[%select_n3A_601, %select_n3A_617, %swap3A_702] : memref<8x8x128xf32, #tpu.memory_space<vmem>> -> memref<1x1x128xf32, #tpu.memory_space<vmem>>
        %swap3A_704 = tpu.memref_squeeze %swap3A_703 : memref<1x1x128xf32, #tpu.memory_space<vmem>> -> memref<128xf32, #tpu.memory_space<vmem>>
        %swap3A_705 = arith.constant 96 : index
        %swap3A_706 = tpu.vector_load %swap3A_704[%swap3A_705] {strides = array<i32>} : memref<128xf32, #tpu.memory_space<vmem>>, vector<16xf32>,
        tpu.vector_store %swap3A_704[%swap3A_705], %get3A_701 {strides = array<i32>} : memref<128xf32, #tpu.memory_space<vmem>>, vector<16xf32>,
        %mul3A_707 = arith.constant 8 : i32
        %mul3A_708 = arith.muli %scan3A_582, %mul3A_707 : i32
        %add3A_709 = arith.constant 7 : i32
        %add3A_710 = arith.addi %mul3A_708, %add3A_709 : i32
        %mul3A_711 = arith.constant 17 : i32
        %mul3A_712 = arith.muli %add3A_710, %mul3A_711 : i32
        %get3A_713 = arith.index_cast %mul3A_712 : i32 to index
        %get3A_714 = tpu.vector_load %arg9[%get3A_713] {strides = array<i32>} : memref<8720xf32, #tpu.memory_space<vmem>>, vector<16xf32>,
        %swap3A_715 = arith.constant 0 : i32
        %swap3A_716 = tpu.memref_slice %arg7[%select_n3A_601, %select_n3A_617, %swap3A_715] : memref<8x8x128xf32, #tpu.memory_space<vmem>> -> memref<1x1x128xf32, #tpu.memory_space<vmem>>
        %swap3A_717 = tpu.memref_squeeze %swap3A_716 : memref<1x1x128xf32, #tpu.memory_space<vmem>> -> memref<128xf32, #tpu.memory_space<vmem>>
        %swap3A_718 = arith.constant 112 : index
        %swap3A_719 = tpu.vector_load %swap3A_717[%swap3A_718] {strides = array<i32>} : memref<128xf32, #tpu.memory_space<vmem>>, vector<16xf32>,
        tpu.vector_store %swap3A_717[%swap3A_718], %get3A_714 {strides = array<i32>} : memref<128xf32, #tpu.memory_space<vmem>>, vector<16xf32>,
      }
      %scan3A_555 = arith.constant 64 : i32
      %mul3A_556 = arith.constant 8 : i32
      %mul3A_557 = arith.muli %add3A_421, %mul3A_556 : i32
      %dma_start3A_558 = arith.constant 0 : i32
      %dma_start3A_559 = arith.constant 0 : i32
      %dma_start3A_560 = arith.constant 0 : i32
      %dma_start3A_561 = tpu.memref_slice %arg7[%dma_start3A_558, %dma_start3A_559, %dma_start3A_560] : memref<8x8x128xf32, #tpu.memory_space<vmem>> -> memref<8x8x128xf32, #tpu.memory_space<vmem>>
      %dma_start3A_562 = arith.constant 0 : i32
      %dma_start3A_563 = arith.constant 0 : i32
      %dma_start3A_564 = tpu.memref_slice %arg3[%mul3A_557, %dma_start3A_562, %dma_start3A_563] : memref<15625x8x128xf32, #tpu.memory_space<hbm>> -> memref<8x8x128xf32, #tpu.memory_space<hbm>>
      %dma_start3A_565 = arith.constant 0 : i32
      %dma_start3A_566 = arith.constant 0 : i32
      %dma_start3A_567 = tpu.memref_slice %arg3[%mul3A_557, %dma_start3A_565, %dma_start3A_566] : memref<15625x8x128xf32, #tpu.memory_space<hbm>> -> memref<8x8x128xf32, #tpu.memory_space<hbm>>
      %dma_start3A_568 = arith.constant 0 : i32
      %dma_start3A_569 = arith.constant 0 : i32
      %dma_start3A_570 = arith.constant 0 : i32
      %dma_start3A_571 = tpu.memref_slice %arg7[%dma_start3A_568, %dma_start3A_569, %dma_start3A_570] : memref<8x8x128xf32, #tpu.memory_space<vmem>> -> memref<8x8x128xf32, #tpu.memory_space<vmem>>
      tpu.enqueue_dma source(%dma_start3A_571 : memref<8x8x128xf32, #tpu.memory_space<vmem>>) target(%dma_start3A_567 : memref<8x8x128xf32, #tpu.memory_space<hbm>>) target_semaphore(%arg13 : memref<!tpu.dma_semaphore, #tpu.memory_space<semaphore_mem>>)
      %mul3A_572 = arith.constant 2 : i32
      %mul3A_573 = arith.muli %mul3A_572, %scan3A_252 : i32
      %add3A_574 = arith.constant 1 : i32
      %add3A_575 = arith.addi %mul3A_573, %add3A_574 : i32
      %add3A_576 = arith.constant 2 : i32
      %add3A_577 = arith.addi %add3A_575, %add3A_576 : i32
      %lt3A_578 = arith.cmpi slt, %add3A_577, %select_n3A : i32
      %convert_element_type3A_579 = arith.extui %lt3A_578 : i1 to i32
      %cond3A_580 = arith.constant 0 : i32
      %cond3A_581 = arith.cmpi ne, %convert_element_type3A_579, %cond3A_580 : i32
      scf.if %cond3A_581 {
        %add3A_582 = arith.constant 2 : i32
        %add3A_583 = arith.addi %add3A_421, %add3A_582 : i32
        %mul3A_584 = arith.constant 512 : i32
        %mul3A_585 = arith.muli %add3A_583, %mul3A_584 : i32
        %mul3A_586 = arith.constant 512 : i32
        %mul3A_587 = arith.muli %add3A_583, %mul3A_586 : i32
        %dma_start3A_588 = arith.constant 0 : i32
        %dma_start3A_589 = arith.constant 0 : i32
        %dma_start3A_590 = tpu.memref_slice %arg5[%dma_start3A_588, %dma_start3A_589] : memref<16x515xf32, #tpu.memory_space<vmem>> -> memref<8x512xf32, #tpu.memory_space<vmem>>
        %dma_start3A_591 = arith.constant 0 : i32
        %dma_start3A_592 = tpu.memref_slice %arg2[%dma_start3A_591, %mul3A_585] : memref<16x1000000xf32, #tpu.memory_space<hbm>> -> memref<8x512xf32, #tpu.memory_space<hbm>>
        %dma_start3A_593 = arith.constant 0 : i32
        %dma_start3A_594 = arith.constant 0 : i32
        %dma_start3A_595 = tpu.memref_slice %arg5[%dma_start3A_593, %dma_start3A_594] : memref<16x515xf32, #tpu.memory_space<vmem>> -> memref<8x512xf32, #tpu.memory_space<vmem>>
        %dma_start3A_596 = arith.constant 0 : i32
        %dma_start3A_597 = tpu.memref_slice %arg2[%dma_start3A_596, %mul3A_585] : memref<16x1000000xf32, #tpu.memory_space<hbm>> -> memref<8x512xf32, #tpu.memory_space<hbm>>
        tpu.enqueue_dma source(%dma_start3A_597 : memref<8x512xf32, #tpu.memory_space<hbm>>) target(%dma_start3A_595 : memref<8x512xf32, #tpu.memory_space<vmem>>) target_semaphore(%arg11 : memref<!tpu.dma_semaphore, #tpu.memory_space<semaphore_mem>>)
        %dma_start3A_598 = arith.constant 8 : i32
        %dma_start3A_599 = arith.constant 0 : i32
        %dma_start3A_600 = tpu.memref_slice %arg5[%dma_start3A_598, %dma_start3A_599] : memref<16x515xf32, #tpu.memory_space<vmem>> -> memref<8x512xf32, #tpu.memory_space<vmem>>
        %dma_start3A_601 = arith.constant 8 : i32
        %dma_start3A_602 = tpu.memref_slice %arg2[%dma_start3A_601, %mul3A_587] : memref<16x1000000xf32, #tpu.memory_space<hbm>> -> memref<8x512xf32, #tpu.memory_space<hbm>>
        %dma_start3A_603 = arith.constant 8 : i32
        %dma_start3A_604 = arith.constant 0 : i32
        %dma_start3A_605 = tpu.memref_slice %arg5[%dma_start3A_603, %dma_start3A_604] : memref<16x515xf32, #tpu.memory_space<vmem>> -> memref<8x512xf32, #tpu.memory_space<vmem>>
        %dma_start3A_606 = arith.constant 8 : i32
        %dma_start3A_607 = tpu.memref_slice %arg2[%dma_start3A_606, %mul3A_587] : memref<16x1000000xf32, #tpu.memory_space<hbm>> -> memref<8x512xf32, #tpu.memory_space<hbm>>
        tpu.enqueue_dma source(%dma_start3A_607 : memref<8x512xf32, #tpu.memory_space<hbm>>) target(%dma_start3A_605 : memref<8x512xf32, #tpu.memory_space<vmem>>) target_semaphore(%arg11 : memref<!tpu.dma_semaphore, #tpu.memory_space<semaphore_mem>>)
      } else {
      }
    }
    %scan3A_60 = arith.constant 30 : i32
    %add3A_61 = arith.constant 60 : i32
    %add3A_62 = arith.addi %add3A_4, %add3A_61 : i32
    %mul3A_63 = arith.constant 512 : i32
    %mul3A_64 = arith.muli %add3A_62, %mul3A_63 : i32
    %mul3A_65 = arith.constant 512 : i32
    %mul3A_66 = arith.muli %add3A_62, %mul3A_65 : i32
    %dma_wait3A = arith.constant 0 : i32
    %dma_wait3A_67 = arith.constant 0 : i32
    %dma_wait3A_68 = tpu.memref_slice %arg4[%dma_wait3A, %dma_wait3A_67] : memref<16x515xf32, #tpu.memory_space<vmem>> -> memref<8x512xf32, #tpu.memory_space<vmem>>
    %dma_wait3A_69 = arith.constant 0 : i32
    %dma_wait3A_70 = tpu.memref_slice %arg2[%dma_wait3A_69, %mul3A_64] : memref<16x1000000xf32, #tpu.memory_space<hbm>> -> memref<8x512xf32, #tpu.memory_space<hbm>>
    %dma_wait3A_71 = arith.constant 0 : i32
    %dma_wait3A_72 = arith.constant 0 : i32
    %dma_wait3A_73 = tpu.memref_slice %arg4[%dma_wait3A_71, %dma_wait3A_72] : memref<16x515xf32, #tpu.memory_space<vmem>> -> memref<8x512xf32, #tpu.memory_space<vmem>>
    %dma_wait3A_74 = arith.constant 0 : i32
    %dma_wait3A_75 = tpu.memref_slice %arg2[%dma_wait3A_74, %mul3A_64] : memref<16x1000000xf32, #tpu.memory_space<hbm>> -> memref<8x512xf32, #tpu.memory_space<hbm>>
    tpu.wait_dma2 semaphore(%arg10 : memref<!tpu.dma_semaphore, #tpu.memory_space<semaphore_mem>>) src(%dma_wait3A_75 : memref<8x512xf32, #tpu.memory_space<hbm>>) dst(%dma_wait3A_73 : memref<8x512xf32, #tpu.memory_space<vmem>>)
    %dma_wait3A_76 = arith.constant 8 : i32
    %dma_wait3A_77 = arith.constant 0 : i32
    %dma_wait3A_78 = tpu.memref_slice %arg4[%dma_wait3A_76, %dma_wait3A_77] : memref<16x515xf32, #tpu.memory_space<vmem>> -> memref<8x512xf32, #tpu.memory_space<vmem>>
    %dma_wait3A_79 = arith.constant 8 : i32
    %dma_wait3A_80 = tpu.memref_slice %arg2[%dma_wait3A_79, %mul3A_66] : memref<16x1000000xf32, #tpu.memory_space<hbm>> -> memref<8x512xf32, #tpu.memory_space<hbm>>
    %dma_wait3A_81 = arith.constant 8 : i32
    %dma_wait3A_82 = arith.constant 0 : i32
    %dma_wait3A_83 = tpu.memref_slice %arg4[%dma_wait3A_81, %dma_wait3A_82] : memref<16x515xf32, #tpu.memory_space<vmem>> -> memref<8x512xf32, #tpu.memory_space<vmem>>
    %dma_wait3A_84 = arith.constant 8 : i32
    %dma_wait3A_85 = tpu.memref_slice %arg2[%dma_wait3A_84, %mul3A_66] : memref<16x1000000xf32, #tpu.memory_space<hbm>> -> memref<8x512xf32, #tpu.memory_space<hbm>>
    tpu.wait_dma2 semaphore(%arg10 : memref<!tpu.dma_semaphore, #tpu.memory_space<semaphore_mem>>) src(%dma_wait3A_85 : memref<8x512xf32, #tpu.memory_space<hbm>>) dst(%dma_wait3A_83 : memref<8x512xf32, #tpu.memory_space<vmem>>)
    %sub3A = arith.constant 2 : i32
    %sub3A_86 = arith.subi %add3A_62, %sub3A : i32
    %mul3A_87 = arith.constant 8 : i32
    %mul3A_88 = arith.muli %sub3A_86, %mul3A_87 : i32
    %dma_wait3A_89 = arith.constant 0 : i32
    %dma_wait3A_90 = arith.constant 0 : i32
    %dma_wait3A_91 = arith.constant 0 : i32
    %dma_wait3A_92 = tpu.memref_slice %arg6[%dma_wait3A_89, %dma_wait3A_90, %dma_wait3A_91] : memref<8x8x128xf32, #tpu.memory_space<vmem>> -> memref<8x8x128xf32, #tpu.memory_space<vmem>>
    %dma_wait3A_93 = arith.constant 0 : i32
    %dma_wait3A_94 = arith.constant 0 : i32
    %dma_wait3A_95 = tpu.memref_slice %arg3[%mul3A_88, %dma_wait3A_93, %dma_wait3A_94] : memref<15625x8x128xf32, #tpu.memory_space<hbm>> -> memref<8x8x128xf32, #tpu.memory_space<hbm>>
    %dma_wait3A_96 = arith.constant 0 : i32
    %dma_wait3A_97 = arith.constant 0 : i32
    %dma_wait3A_98 = tpu.memref_slice %arg3[%mul3A_88, %dma_wait3A_96, %dma_wait3A_97] : memref<15625x8x128xf32, #tpu.memory_space<hbm>> -> memref<8x8x128xf32, #tpu.memory_space<hbm>>
    %dma_wait3A_99 = arith.constant 0 : i32
    %dma_wait3A_100 = arith.constant 0 : i32
    %dma_wait3A_101 = arith.constant 0 : i32
    %dma_wait3A_102 = tpu.memref_slice %arg6[%dma_wait3A_99, %dma_wait3A_100, %dma_wait3A_101] : memref<8x8x128xf32, #tpu.memory_space<vmem>> -> memref<8x8x128xf32, #tpu.memory_space<vmem>>
    tpu.wait_dma2 semaphore(%arg12 : memref<!tpu.dma_semaphore, #tpu.memory_space<semaphore_mem>>) src(%dma_wait3A_102 : memref<8x8x128xf32, #tpu.memory_space<vmem>>) dst(%dma_wait3A_98 : memref<8x8x128xf32, #tpu.memory_space<hbm>>)
    %mul3A_103 = arith.constant 17 : i32
    %mul3A_104 = vector.broadcast %mul3A_103 : i32 to vector<16xi32>
    %mul3A_105 = arith.muli %iota3A, %mul3A_104 : vector<16xi32>
    %scan3A_106 = arith.constant 0 : i32
    %scan3A_107 = arith.constant 0 : i32
    %scan3A_108 = arith.constant 32 : i32
    %scan3A_109 = arith.addi %scan3A_107, %scan3A_108 : i32
    %scan3A_110 = arith.constant 1 : i32
    scf.for %scan3A_252 = %scan3A_107 to %scan3A_109 step %scan3A_110  : i32 {
      %mul3A_253 = arith.constant 16 : i32
      %mul3A_254 = arith.muli %scan3A_252, %mul3A_253 : i32
      %get3A = arith.constant 0 : i32
      %get3A_255 = arith.index_cast %get3A : i32 to index
      %get3A_256 = arith.index_cast %mul3A_254 : i32 to index
      %get3A_257 = tpu.vector_load %arg4[%get3A_255, %get3A_256] {strides = array<i32>} : memref<16x515xf32, #tpu.memory_space<vmem>>, vector<16xf32>,
      %mul3A_258 = arith.constant 272 : i32
      %mul3A_259 = arith.muli %scan3A_252, %mul3A_258 : i32
      %add3A_260 = arith.constant 0 : i32
      %add3A_261 = arith.addi %mul3A_259, %add3A_260 : i32
      %add3A_262 = vector.broadcast %add3A_261 : i32 to vector<16xi32>
      %add3A_263 = arith.addi %mul3A_105, %add3A_262 : vector<16xi32>
      tpu.vector_store_idx %arg8[%add3A_263], %get3A_257 : memref<8720xf32, #tpu.memory_space<vmem>>[vector<16xi32>], vector<16xf32>,
    }
    %scan3A_111 = arith.constant 32 : i32
    %scan3A_112 = arith.constant 0 : i32
    %scan3A_113 = arith.constant 0 : i32
    %scan3A_114 = arith.constant 32 : i32
    %scan3A_115 = arith.addi %scan3A_113, %scan3A_114 : i32
    %scan3A_116 = arith.constant 1 : i32
    scf.for %scan3A_252 = %scan3A_113 to %scan3A_115 step %scan3A_116  : i32 {
      %mul3A_253 = arith.constant 16 : i32
      %mul3A_254 = arith.muli %scan3A_252, %mul3A_253 : i32
      %get3A = arith.constant 1 : i32
      %get3A_255 = arith.index_cast %get3A : i32 to index
      %get3A_256 = arith.index_cast %mul3A_254 : i32 to index
      %get3A_257 = tpu.vector_load %arg4[%get3A_255, %get3A_256] {strides = array<i32>} : memref<16x515xf32, #tpu.memory_space<vmem>>, vector<16xf32>,
      %mul3A_258 = arith.constant 272 : i32
      %mul3A_259 = arith.muli %scan3A_252, %mul3A_258 : i32
      %add3A_260 = arith.constant 1 : i32
      %add3A_261 = arith.addi %mul3A_259, %add3A_260 : i32
      %add3A_262 = vector.broadcast %add3A_261 : i32 to vector<16xi32>
      %add3A_263 = arith.addi %mul3A_105, %add3A_262 : vector<16xi32>
      tpu.vector_store_idx %arg8[%add3A_263], %get3A_257 : memref<8720xf32, #tpu.memory_space<vmem>>[vector<16xi32>], vector<16xf32>,
    }
    %scan3A_117 = arith.constant 32 : i32
    %scan3A_118 = arith.constant 0 : i32
    %scan3A_119 = arith.constant 0 : i32
    %scan3A_120 = arith.constant 32 : i32
    %scan3A_121 = arith.addi %scan3A_119, %scan3A_120 : i32
    %scan3A_122 = arith.constant 1 : i32
    scf.for %scan3A_252 = %scan3A_119 to %scan3A_121 step %scan3A_122  : i32 {
      %mul3A_253 = arith.constant 16 : i32
      %mul3A_254 = arith.muli %scan3A_252, %mul3A_253 : i32
      %get3A = arith.constant 2 : i32
      %get3A_255 = arith.index_cast %get3A : i32 to index
      %get3A_256 = arith.index_cast %mul3A_254 : i32 to index
      %get3A_257 = tpu.vector_load %arg4[%get3A_255, %get3A_256] {strides = array<i32>} : memref<16x515xf32, #tpu.memory_space<vmem>>, vector<16xf32>,
      %mul3A_258 = arith.constant 272 : i32
      %mul3A_259 = arith.muli %scan3A_252, %mul3A_258 : i32
      %add3A_260 = arith.constant 2 : i32
      %add3A_261 = arith.addi %mul3A_259, %add3A_260 : i32
      %add3A_262 = vector.broadcast %add3A_261 : i32 to vector<16xi32>
      %add3A_263 = arith.addi %mul3A_105, %add3A_262 : vector<16xi32>
      tpu.vector_store_idx %arg8[%add3A_263], %get3A_257 : memref<8720xf32, #tpu.memory_space<vmem>>[vector<16xi32>], vector<16xf32>,
    }
    %scan3A_123 = arith.constant 32 : i32
    %scan3A_124 = arith.constant 0 : i32
    %scan3A_125 = arith.constant 0 : i32
    %scan3A_126 = arith.constant 32 : i32
    %scan3A_127 = arith.addi %scan3A_125, %scan3A_126 : i32
    %scan3A_128 = arith.constant 1 : i32
    scf.for %scan3A_252 = %scan3A_125 to %scan3A_127 step %scan3A_128  : i32 {
      %mul3A_253 = arith.constant 16 : i32
      %mul3A_254 = arith.muli %scan3A_252, %mul3A_253 : i32
      %get3A = arith.constant 3 : i32
      %get3A_255 = arith.index_cast %get3A : i32 to index
      %get3A_256 = arith.index_cast %mul3A_254 : i32 to index
      %get3A_257 = tpu.vector_load %arg4[%get3A_255, %get3A_256] {strides = array<i32>} : memref<16x515xf32, #tpu.memory_space<vmem>>, vector<16xf32>,
      %mul3A_258 = arith.constant 272 : i32
      %mul3A_259 = arith.muli %scan3A_252, %mul3A_258 : i32
      %add3A_260 = arith.constant 3 : i32
      %add3A_261 = arith.addi %mul3A_259, %add3A_260 : i32
      %add3A_262 = vector.broadcast %add3A_261 : i32 to vector<16xi32>
      %add3A_263 = arith.addi %mul3A_105, %add3A_262 : vector<16xi32>
      tpu.vector_store_idx %arg8[%add3A_263], %get3A_257 : memref<8720xf32, #tpu.memory_space<vmem>>[vector<16xi32>], vector<16xf32>,
    }
    %scan3A_129 = arith.constant 32 : i32
    %scan3A_130 = arith.constant 0 : i32
    %scan3A_131 = arith.constant 0 : i32
    %scan3A_132 = arith.constant 32 : i32
    %scan3A_133 = arith.addi %scan3A_131, %scan3A_132 : i32
    %scan3A_134 = arith.constant 1 : i32
    scf.for %scan3A_252 = %scan3A_131 to %scan3A_133 step %scan3A_134  : i32 {
      %mul3A_253 = arith.constant 16 : i32
      %mul3A_254 = arith.muli %scan3A_252, %mul3A_253 : i32
      %get3A = arith.constant 4 : i32
      %get3A_255 = arith.index_cast %get3A : i32 to index
      %get3A_256 = arith.index_cast %mul3A_254 : i32 to index
      %get3A_257 = tpu.vector_load %arg4[%get3A_255, %get3A_256] {strides = array<i32>} : memref<16x515xf32, #tpu.memory_space<vmem>>, vector<16xf32>,
      %mul3A_258 = arith.constant 272 : i32
      %mul3A_259 = arith.muli %scan3A_252, %mul3A_258 : i32
      %add3A_260 = arith.constant 4 : i32
      %add3A_261 = arith.addi %mul3A_259, %add3A_260 : i32
      %add3A_262 = vector.broadcast %add3A_261 : i32 to vector<16xi32>
      %add3A_263 = arith.addi %mul3A_105, %add3A_262 : vector<16xi32>
      tpu.vector_store_idx %arg8[%add3A_263], %get3A_257 : memref<8720xf32, #tpu.memory_space<vmem>>[vector<16xi32>], vector<16xf32>,
    }
    %scan3A_135 = arith.constant 32 : i32
    %scan3A_136 = arith.constant 0 : i32
    %scan3A_137 = arith.constant 0 : i32
    %scan3A_138 = arith.constant 32 : i32
    %scan3A_139 = arith.addi %scan3A_137, %scan3A_138 : i32
    %scan3A_140 = arith.constant 1 : i32
    scf.for %scan3A_252 = %scan3A_137 to %scan3A_139 step %scan3A_140  : i32 {
      %mul3A_253 = arith.constant 16 : i32
      %mul3A_254 = arith.muli %scan3A_252, %mul3A_253 : i32
      %get3A = arith.constant 5 : i32
      %get3A_255 = arith.index_cast %get3A : i32 to index
      %get3A_256 = arith.index_cast %mul3A_254 : i32 to index
      %get3A_257 = tpu.vector_load %arg4[%get3A_255, %get3A_256] {strides = array<i32>} : memref<16x515xf32, #tpu.memory_space<vmem>>, vector<16xf32>,
      %mul3A_258 = arith.constant 272 : i32
      %mul3A_259 = arith.muli %scan3A_252, %mul3A_258 : i32
      %add3A_260 = arith.constant 5 : i32
      %add3A_261 = arith.addi %mul3A_259, %add3A_260 : i32
      %add3A_262 = vector.broadcast %add3A_261 : i32 to vector<16xi32>
      %add3A_263 = arith.addi %mul3A_105, %add3A_262 : vector<16xi32>
      tpu.vector_store_idx %arg8[%add3A_263], %get3A_257 : memref<8720xf32, #tpu.memory_space<vmem>>[vector<16xi32>], vector<16xf32>,
    }
    %scan3A_141 = arith.constant 32 : i32
    %scan3A_142 = arith.constant 0 : i32
    %scan3A_143 = arith.constant 0 : i32
    %scan3A_144 = arith.constant 32 : i32
    %scan3A_145 = arith.addi %scan3A_143, %scan3A_144 : i32
    %scan3A_146 = arith.constant 1 : i32
    scf.for %scan3A_252 = %scan3A_143 to %scan3A_145 step %scan3A_146  : i32 {
      %mul3A_253 = arith.constant 16 : i32
      %mul3A_254 = arith.muli %scan3A_252, %mul3A_253 : i32
      %get3A = arith.constant 6 : i32
      %get3A_255 = arith.index_cast %get3A : i32 to index
      %get3A_256 = arith.index_cast %mul3A_254 : i32 to index
      %get3A_257 = tpu.vector_load %arg4[%get3A_255, %get3A_256] {strides = array<i32>} : memref<16x515xf32, #tpu.memory_space<vmem>>, vector<16xf32>,
      %mul3A_258 = arith.constant 272 : i32
      %mul3A_259 = arith.muli %scan3A_252, %mul3A_258 : i32
      %add3A_260 = arith.constant 6 : i32
      %add3A_261 = arith.addi %mul3A_259, %add3A_260 : i32
      %add3A_262 = vector.broadcast %add3A_261 : i32 to vector<16xi32>
      %add3A_263 = arith.addi %mul3A_105, %add3A_262 : vector<16xi32>
      tpu.vector_store_idx %arg8[%add3A_263], %get3A_257 : memref<8720xf32, #tpu.memory_space<vmem>>[vector<16xi32>], vector<16xf32>,
    }
    %scan3A_147 = arith.constant 32 : i32
    %scan3A_148 = arith.constant 0 : i32
    %scan3A_149 = arith.constant 0 : i32
    %scan3A_150 = arith.constant 32 : i32
    %scan3A_151 = arith.addi %scan3A_149, %scan3A_150 : i32
    %scan3A_152 = arith.constant 1 : i32
    scf.for %scan3A_252 = %scan3A_149 to %scan3A_151 step %scan3A_152  : i32 {
      %mul3A_253 = arith.constant 16 : i32
      %mul3A_254 = arith.muli %scan3A_252, %mul3A_253 : i32
      %get3A = arith.constant 7 : i32
      %get3A_255 = arith.index_cast %get3A : i32 to index
      %get3A_256 = arith.index_cast %mul3A_254 : i32 to index
      %get3A_257 = tpu.vector_load %arg4[%get3A_255, %get3A_256] {strides = array<i32>} : memref<16x515xf32, #tpu.memory_space<vmem>>, vector<16xf32>,
      %mul3A_258 = arith.constant 272 : i32
      %mul3A_259 = arith.muli %scan3A_252, %mul3A_258 : i32
      %add3A_260 = arith.constant 7 : i32
      %add3A_261 = arith.addi %mul3A_259, %add3A_260 : i32
      %add3A_262 = vector.broadcast %add3A_261 : i32 to vector<16xi32>
      %add3A_263 = arith.addi %mul3A_105, %add3A_262 : vector<16xi32>
      tpu.vector_store_idx %arg8[%add3A_263], %get3A_257 : memref<8720xf32, #tpu.memory_space<vmem>>[vector<16xi32>], vector<16xf32>,
    }
    %scan3A_153 = arith.constant 32 : i32
    %scan3A_154 = arith.constant 0 : i32
    %scan3A_155 = arith.constant 0 : i32
    %scan3A_156 = arith.constant 32 : i32
    %scan3A_157 = arith.addi %scan3A_155, %scan3A_156 : i32
    %scan3A_158 = arith.constant 1 : i32
    scf.for %scan3A_252 = %scan3A_155 to %scan3A_157 step %scan3A_158  : i32 {
      %mul3A_253 = arith.constant 16 : i32
      %mul3A_254 = arith.muli %scan3A_252, %mul3A_253 : i32
      %get3A = arith.constant 8 : i32
      %get3A_255 = arith.index_cast %get3A : i32 to index
      %get3A_256 = arith.index_cast %mul3A_254 : i32 to index
      %get3A_257 = tpu.vector_load %arg4[%get3A_255, %get3A_256] {strides = array<i32>} : memref<16x515xf32, #tpu.memory_space<vmem>>, vector<16xf32>,
      %mul3A_258 = arith.constant 272 : i32
      %mul3A_259 = arith.muli %scan3A_252, %mul3A_258 : i32
      %add3A_260 = arith.constant 8 : i32
      %add3A_261 = arith.addi %mul3A_259, %add3A_260 : i32
      %add3A_262 = vector.broadcast %add3A_261 : i32 to vector<16xi32>
      %add3A_263 = arith.addi %mul3A_105, %add3A_262 : vector<16xi32>
      tpu.vector_store_idx %arg8[%add3A_263], %get3A_257 : memref<8720xf32, #tpu.memory_space<vmem>>[vector<16xi32>], vector<16xf32>,
    }
    %scan3A_159 = arith.constant 32 : i32
    %scan3A_160 = arith.constant 0 : i32
    %scan3A_161 = arith.constant 0 : i32
    %scan3A_162 = arith.constant 32 : i32
    %scan3A_163 = arith.addi %scan3A_161, %scan3A_162 : i32
    %scan3A_164 = arith.constant 1 : i32
    scf.for %scan3A_252 = %scan3A_161 to %scan3A_163 step %scan3A_164  : i32 {
      %mul3A_253 = arith.constant 16 : i32
      %mul3A_254 = arith.muli %scan3A_252, %mul3A_253 : i32
      %get3A = arith.constant 9 : i32
      %get3A_255 = arith.index_cast %get3A : i32 to index
      %get3A_256 = arith.index_cast %mul3A_254 : i32 to index
      %get3A_257 = tpu.vector_load %arg4[%get3A_255, %get3A_256] {strides = array<i32>} : memref<16x515xf32, #tpu.memory_space<vmem>>, vector<16xf32>,
      %mul3A_258 = arith.constant 272 : i32
      %mul3A_259 = arith.muli %scan3A_252, %mul3A_258 : i32
      %add3A_260 = arith.constant 9 : i32
      %add3A_261 = arith.addi %mul3A_259, %add3A_260 : i32
      %add3A_262 = vector.broadcast %add3A_261 : i32 to vector<16xi32>
      %add3A_263 = arith.addi %mul3A_105, %add3A_262 : vector<16xi32>
      tpu.vector_store_idx %arg8[%add3A_263], %get3A_257 : memref<8720xf32, #tpu.memory_space<vmem>>[vector<16xi32>], vector<16xf32>,
    }
    %scan3A_165 = arith.constant 32 : i32
    %scan3A_166 = arith.constant 0 : i32
    %scan3A_167 = arith.constant 0 : i32
    %scan3A_168 = arith.constant 32 : i32
    %scan3A_169 = arith.addi %scan3A_167, %scan3A_168 : i32
    %scan3A_170 = arith.constant 1 : i32
    scf.for %scan3A_252 = %scan3A_167 to %scan3A_169 step %scan3A_170  : i32 {
      %mul3A_253 = arith.constant 16 : i32
      %mul3A_254 = arith.muli %scan3A_252, %mul3A_253 : i32
      %get3A = arith.constant 10 : i32
      %get3A_255 = arith.index_cast %get3A : i32 to index
      %get3A_256 = arith.index_cast %mul3A_254 : i32 to index
      %get3A_257 = tpu.vector_load %arg4[%get3A_255, %get3A_256] {strides = array<i32>} : memref<16x515xf32, #tpu.memory_space<vmem>>, vector<16xf32>,
      %mul3A_258 = arith.constant 272 : i32
      %mul3A_259 = arith.muli %scan3A_252, %mul3A_258 : i32
      %add3A_260 = arith.constant 10 : i32
      %add3A_261 = arith.addi %mul3A_259, %add3A_260 : i32
      %add3A_262 = vector.broadcast %add3A_261 : i32 to vector<16xi32>
      %add3A_263 = arith.addi %mul3A_105, %add3A_262 : vector<16xi32>
      tpu.vector_store_idx %arg8[%add3A_263], %get3A_257 : memref<8720xf32, #tpu.memory_space<vmem>>[vector<16xi32>], vector<16xf32>,
    }
    %scan3A_171 = arith.constant 32 : i32
    %scan3A_172 = arith.constant 0 : i32
    %scan3A_173 = arith.constant 0 : i32
    %scan3A_174 = arith.constant 32 : i32
    %scan3A_175 = arith.addi %scan3A_173, %scan3A_174 : i32
    %scan3A_176 = arith.constant 1 : i32
    scf.for %scan3A_252 = %scan3A_173 to %scan3A_175 step %scan3A_176  : i32 {
      %mul3A_253 = arith.constant 16 : i32
      %mul3A_254 = arith.muli %scan3A_252, %mul3A_253 : i32
      %get3A = arith.constant 11 : i32
      %get3A_255 = arith.index_cast %get3A : i32 to index
      %get3A_256 = arith.index_cast %mul3A_254 : i32 to index
      %get3A_257 = tpu.vector_load %arg4[%get3A_255, %get3A_256] {strides = array<i32>} : memref<16x515xf32, #tpu.memory_space<vmem>>, vector<16xf32>,
      %mul3A_258 = arith.constant 272 : i32
      %mul3A_259 = arith.muli %scan3A_252, %mul3A_258 : i32
      %add3A_260 = arith.constant 11 : i32
      %add3A_261 = arith.addi %mul3A_259, %add3A_260 : i32
      %add3A_262 = vector.broadcast %add3A_261 : i32 to vector<16xi32>
      %add3A_263 = arith.addi %mul3A_105, %add3A_262 : vector<16xi32>
      tpu.vector_store_idx %arg8[%add3A_263], %get3A_257 : memref<8720xf32, #tpu.memory_space<vmem>>[vector<16xi32>], vector<16xf32>,
    }
    %scan3A_177 = arith.constant 32 : i32
    %scan3A_178 = arith.constant 0 : i32
    %scan3A_179 = arith.constant 0 : i32
    %scan3A_180 = arith.constant 32 : i32
    %scan3A_181 = arith.addi %scan3A_179, %scan3A_180 : i32
    %scan3A_182 = arith.constant 1 : i32
    scf.for %scan3A_252 = %scan3A_179 to %scan3A_181 step %scan3A_182  : i32 {
      %mul3A_253 = arith.constant 16 : i32
      %mul3A_254 = arith.muli %scan3A_252, %mul3A_253 : i32
      %get3A = arith.constant 12 : i32
      %get3A_255 = arith.index_cast %get3A : i32 to index
      %get3A_256 = arith.index_cast %mul3A_254 : i32 to index
      %get3A_257 = tpu.vector_load %arg4[%get3A_255, %get3A_256] {strides = array<i32>} : memref<16x515xf32, #tpu.memory_space<vmem>>, vector<16xf32>,
      %mul3A_258 = arith.constant 272 : i32
      %mul3A_259 = arith.muli %scan3A_252, %mul3A_258 : i32
      %add3A_260 = arith.constant 12 : i32
      %add3A_261 = arith.addi %mul3A_259, %add3A_260 : i32
      %add3A_262 = vector.broadcast %add3A_261 : i32 to vector<16xi32>
      %add3A_263 = arith.addi %mul3A_105, %add3A_262 : vector<16xi32>
      tpu.vector_store_idx %arg8[%add3A_263], %get3A_257 : memref<8720xf32, #tpu.memory_space<vmem>>[vector<16xi32>], vector<16xf32>,
    }
    %scan3A_183 = arith.constant 32 : i32
    %scan3A_184 = arith.constant 0 : i32
    %scan3A_185 = arith.constant 0 : i32
    %scan3A_186 = arith.constant 32 : i32
    %scan3A_187 = arith.addi %scan3A_185, %scan3A_186 : i32
    %scan3A_188 = arith.constant 1 : i32
    scf.for %scan3A_252 = %scan3A_185 to %scan3A_187 step %scan3A_188  : i32 {
      %mul3A_253 = arith.constant 16 : i32
      %mul3A_254 = arith.muli %scan3A_252, %mul3A_253 : i32
      %get3A = arith.constant 13 : i32
      %get3A_255 = arith.index_cast %get3A : i32 to index
      %get3A_256 = arith.index_cast %mul3A_254 : i32 to index
      %get3A_257 = tpu.vector_load %arg4[%get3A_255, %get3A_256] {strides = array<i32>} : memref<16x515xf32, #tpu.memory_space<vmem>>, vector<16xf32>,
      %mul3A_258 = arith.constant 272 : i32
      %mul3A_259 = arith.muli %scan3A_252, %mul3A_258 : i32
      %add3A_260 = arith.constant 13 : i32
      %add3A_261 = arith.addi %mul3A_259, %add3A_260 : i32
      %add3A_262 = vector.broadcast %add3A_261 : i32 to vector<16xi32>
      %add3A_263 = arith.addi %mul3A_105, %add3A_262 : vector<16xi32>
      tpu.vector_store_idx %arg8[%add3A_263], %get3A_257 : memref<8720xf32, #tpu.memory_space<vmem>>[vector<16xi32>], vector<16xf32>,
    }
    %scan3A_189 = arith.constant 32 : i32
    %scan3A_190 = arith.constant 0 : i32
    %scan3A_191 = arith.constant 0 : i32
    %scan3A_192 = arith.constant 32 : i32
    %scan3A_193 = arith.addi %scan3A_191, %scan3A_192 : i32
    %scan3A_194 = arith.constant 1 : i32
    scf.for %scan3A_252 = %scan3A_191 to %scan3A_193 step %scan3A_194  : i32 {
      %mul3A_253 = arith.constant 16 : i32
      %mul3A_254 = arith.muli %scan3A_252, %mul3A_253 : i32
      %get3A = arith.constant 14 : i32
      %get3A_255 = arith.index_cast %get3A : i32 to index
      %get3A_256 = arith.index_cast %mul3A_254 : i32 to index
      %get3A_257 = tpu.vector_load %arg4[%get3A_255, %get3A_256] {strides = array<i32>} : memref<16x515xf32, #tpu.memory_space<vmem>>, vector<16xf32>,
      %mul3A_258 = arith.constant 272 : i32
      %mul3A_259 = arith.muli %scan3A_252, %mul3A_258 : i32
      %add3A_260 = arith.constant 14 : i32
      %add3A_261 = arith.addi %mul3A_259, %add3A_260 : i32
      %add3A_262 = vector.broadcast %add3A_261 : i32 to vector<16xi32>
      %add3A_263 = arith.addi %mul3A_105, %add3A_262 : vector<16xi32>
      tpu.vector_store_idx %arg8[%add3A_263], %get3A_257 : memref<8720xf32, #tpu.memory_space<vmem>>[vector<16xi32>], vector<16xf32>,
    }
    %scan3A_195 = arith.constant 32 : i32
    %scan3A_196 = arith.constant 0 : i32
    %scan3A_197 = arith.constant 0 : i32
    %scan3A_198 = arith.constant 32 : i32
    %scan3A_199 = arith.addi %scan3A_197, %scan3A_198 : i32
    %scan3A_200 = arith.constant 1 : i32
    scf.for %scan3A_252 = %scan3A_197 to %scan3A_199 step %scan3A_200  : i32 {
      %mul3A_253 = arith.constant 16 : i32
      %mul3A_254 = arith.muli %scan3A_252, %mul3A_253 : i32
      %get3A = arith.constant 15 : i32
      %get3A_255 = arith.index_cast %get3A : i32 to index
      %get3A_256 = arith.index_cast %mul3A_254 : i32 to index
      %get3A_257 = tpu.vector_load %arg4[%get3A_255, %get3A_256] {strides = array<i32>} : memref<16x515xf32, #tpu.memory_space<vmem>>, vector<16xf32>,
      %mul3A_258 = arith.constant 272 : i32
      %mul3A_259 = arith.muli %scan3A_252, %mul3A_258 : i32
      %add3A_260 = arith.constant 15 : i32
      %add3A_261 = arith.addi %mul3A_259, %add3A_260 : i32
      %add3A_262 = vector.broadcast %add3A_261 : i32 to vector<16xi32>
      %add3A_263 = arith.addi %mul3A_105, %add3A_262 : vector<16xi32>
      tpu.vector_store_idx %arg8[%add3A_263], %get3A_257 : memref<8720xf32, #tpu.memory_space<vmem>>[vector<16xi32>], vector<16xf32>,
    }
    %scan3A_201 = arith.constant 32 : i32
    %scan3A_202 = arith.constant 0 : i32
    %scan3A_203 = arith.constant 0 : i32
    %scan3A_204 = arith.constant 64 : i32
    %scan3A_205 = arith.addi %scan3A_203, %scan3A_204 : i32
    %scan3A_206 = arith.constant 1 : i32
    scf.for %scan3A_252 = %scan3A_203 to %scan3A_205 step %scan3A_206  : i32 {
      %jit3A_253 = arith.constant 8 : i32
      %div3A = arith.divsi %scan3A_252, %jit3A_253 : i32
      %sign3A = arith.constant 0 : i32
      %sign3A_254 = arith.cmpi sgt, %scan3A_252, %sign3A : i32
      %sign3A_255 = arith.extui %sign3A_254 : i1 to i32
      %sign3A_256 = arith.constant 0 : i32
      %sign3A_257 = arith.cmpi slt, %scan3A_252, %sign3A_256 : i32
      %sign3A_258 = arith.extui %sign3A_257 : i1 to i32
      %sign3A_259 = arith.subi %sign3A_255, %sign3A_258 : i32
      %sign3A_260 = arith.constant 0 : i32
      %sign3A_261 = arith.cmpi sgt, %jit3A_253, %sign3A_260 : i32
      %sign3A_262 = arith.extui %sign3A_261 : i1 to i32
      %sign3A_263 = arith.constant 0 : i32
      %sign3A_264 = arith.cmpi slt, %jit3A_253, %sign3A_263 : i32
      %sign3A_265 = arith.extui %sign3A_264 : i1 to i32
      %sign3A_266 = arith.subi %sign3A_262, %sign3A_265 : i32
      %ne3A = arith.cmpi ne, %sign3A_259, %sign3A_266 : i32
      %rem3A = arith.remsi %scan3A_252, %jit3A_253 : i32
      %ne3A_267 = arith.constant 0 : i32
      %ne3A_268 = arith.cmpi ne, %rem3A, %ne3A_267 : i32
      %and3A = arith.andi %ne3A, %ne3A_268 : i1
      %sub3A_269 = arith.constant 1 : i32
      %sub3A_270 = arith.subi %div3A, %sub3A_269 : i32
      %select_n3A_271 = arith.select %and3A, %sub3A_270, %div3A : i32
      %jit3A_272 = arith.constant 8 : i32
      %eq3A_273 = arith.constant 0 : i32
      %eq3A_274 = arith.cmpi eq, %jit3A_272, %eq3A_273 : i32
      %jit3A_275 = arith.constant 1 : i32
      %select_n3A_276 = arith.select %eq3A_274, %jit3A_275, %jit3A_272 : i32
      %rem3A_277 = arith.remsi %scan3A_252, %select_n3A_276 : i32
      %ne3A_278 = arith.constant 0 : i32
      %ne3A_279 = arith.cmpi ne, %rem3A_277, %ne3A_278 : i32
      %lt3A_280 = arith.constant 0 : i32
      %lt3A_281 = arith.cmpi slt, %rem3A_277, %lt3A_280 : i32
      %lt3A_282 = arith.constant 0 : i32
      %lt3A_283 = arith.cmpi slt, %select_n3A_276, %lt3A_282 : i32
      %ne3A_284 = arith.xori %lt3A_281, %lt3A_283 : i1
      %and3A_285 = arith.andi %ne3A_284, %ne3A_279 : i1
      %add3A_286 = arith.addi %rem3A_277, %select_n3A_276 : i32
      %select_n3A_287 = arith.select %and3A_285, %add3A_286, %rem3A_277 : i32
      %mul3A_288 = arith.constant 8 : i32
      %mul3A_289 = arith.muli %scan3A_252, %mul3A_288 : i32
      %add3A_290 = arith.constant 0 : i32
      %add3A_291 = arith.addi %mul3A_289, %add3A_290 : i32
      %mul3A_292 = arith.constant 17 : i32
      %mul3A_293 = arith.muli %add3A_291, %mul3A_292 : i32
      %get3A = arith.index_cast %mul3A_293 : i32 to index
      %get3A_294 = tpu.vector_load %arg8[%get3A] {strides = array<i32>} : memref<8720xf32, #tpu.memory_space<vmem>>, vector<16xf32>,
      %swap3A = arith.constant 0 : i32
      %swap3A_295 = tpu.memref_slice %arg6[%select_n3A_271, %select_n3A_287, %swap3A] : memref<8x8x128xf32, #tpu.memory_space<vmem>> -> memref<1x1x128xf32, #tpu.memory_space<vmem>>
      %swap3A_296 = tpu.memref_squeeze %swap3A_295 : memref<1x1x128xf32, #tpu.memory_space<vmem>> -> memref<128xf32, #tpu.memory_space<vmem>>
      %swap3A_297 = arith.constant 0 : index
      %swap3A_298 = tpu.vector_load %swap3A_296[%swap3A_297] {strides = array<i32>} : memref<128xf32, #tpu.memory_space<vmem>>, vector<16xf32>,
      tpu.vector_store %swap3A_296[%swap3A_297], %get3A_294 {strides = array<i32>} : memref<128xf32, #tpu.memory_space<vmem>>, vector<16xf32>,
      %mul3A_299 = arith.constant 8 : i32
      %mul3A_300 = arith.muli %scan3A_252, %mul3A_299 : i32
      %add3A_301 = arith.constant 1 : i32
      %add3A_302 = arith.addi %mul3A_300, %add3A_301 : i32
      %mul3A_303 = arith.constant 17 : i32
      %mul3A_304 = arith.muli %add3A_302, %mul3A_303 : i32
      %get3A_305 = arith.index_cast %mul3A_304 : i32 to index
      %get3A_306 = tpu.vector_load %arg8[%get3A_305] {strides = array<i32>} : memref<8720xf32, #tpu.memory_space<vmem>>, vector<16xf32>,
      %swap3A_307 = arith.constant 0 : i32
      %swap3A_308 = tpu.memref_slice %arg6[%select_n3A_271, %select_n3A_287, %swap3A_307] : memref<8x8x128xf32, #tpu.memory_space<vmem>> -> memref<1x1x128xf32, #tpu.memory_space<vmem>>
      %swap3A_309 = tpu.memref_squeeze %swap3A_308 : memref<1x1x128xf32, #tpu.memory_space<vmem>> -> memref<128xf32, #tpu.memory_space<vmem>>
      %swap3A_310 = arith.constant 16 : index
      %swap3A_311 = tpu.vector_load %swap3A_309[%swap3A_310] {strides = array<i32>} : memref<128xf32, #tpu.memory_space<vmem>>, vector<16xf32>,
      tpu.vector_store %swap3A_309[%swap3A_310], %get3A_306 {strides = array<i32>} : memref<128xf32, #tpu.memory_space<vmem>>, vector<16xf32>,
      %mul3A_312 = arith.constant 8 : i32
      %mul3A_313 = arith.muli %scan3A_252, %mul3A_312 : i32
      %add3A_314 = arith.constant 2 : i32
      %add3A_315 = arith.addi %mul3A_313, %add3A_314 : i32
      %mul3A_316 = arith.constant 17 : i32
      %mul3A_317 = arith.muli %add3A_315, %mul3A_316 : i32
      %get3A_318 = arith.index_cast %mul3A_317 : i32 to index
      %get3A_319 = tpu.vector_load %arg8[%get3A_318] {strides = array<i32>} : memref<8720xf32, #tpu.memory_space<vmem>>, vector<16xf32>,
      %swap3A_320 = arith.constant 0 : i32
      %swap3A_321 = tpu.memref_slice %arg6[%select_n3A_271, %select_n3A_287, %swap3A_320] : memref<8x8x128xf32, #tpu.memory_space<vmem>> -> memref<1x1x128xf32, #tpu.memory_space<vmem>>
      %swap3A_322 = tpu.memref_squeeze %swap3A_321 : memref<1x1x128xf32, #tpu.memory_space<vmem>> -> memref<128xf32, #tpu.memory_space<vmem>>
      %swap3A_323 = arith.constant 32 : index
      %swap3A_324 = tpu.vector_load %swap3A_322[%swap3A_323] {strides = array<i32>} : memref<128xf32, #tpu.memory_space<vmem>>, vector<16xf32>,
      tpu.vector_store %swap3A_322[%swap3A_323], %get3A_319 {strides = array<i32>} : memref<128xf32, #tpu.memory_space<vmem>>, vector<16xf32>,
      %mul3A_325 = arith.constant 8 : i32
      %mul3A_326 = arith.muli %scan3A_252, %mul3A_325 : i32
      %add3A_327 = arith.constant 3 : i32
      %add3A_328 = arith.addi %mul3A_326, %add3A_327 : i32
      %mul3A_329 = arith.constant 17 : i32
      %mul3A_330 = arith.muli %add3A_328, %mul3A_329 : i32
      %get3A_331 = arith.index_cast %mul3A_330 : i32 to index
      %get3A_332 = tpu.vector_load %arg8[%get3A_331] {strides = array<i32>} : memref<8720xf32, #tpu.memory_space<vmem>>, vector<16xf32>,
      %swap3A_333 = arith.constant 0 : i32
      %swap3A_334 = tpu.memref_slice %arg6[%select_n3A_271, %select_n3A_287, %swap3A_333] : memref<8x8x128xf32, #tpu.memory_space<vmem>> -> memref<1x1x128xf32, #tpu.memory_space<vmem>>
      %swap3A_335 = tpu.memref_squeeze %swap3A_334 : memref<1x1x128xf32, #tpu.memory_space<vmem>> -> memref<128xf32, #tpu.memory_space<vmem>>
      %swap3A_336 = arith.constant 48 : index
      %swap3A_337 = tpu.vector_load %swap3A_335[%swap3A_336] {strides = array<i32>} : memref<128xf32, #tpu.memory_space<vmem>>, vector<16xf32>,
      tpu.vector_store %swap3A_335[%swap3A_336], %get3A_332 {strides = array<i32>} : memref<128xf32, #tpu.memory_space<vmem>>, vector<16xf32>,
      %mul3A_338 = arith.constant 8 : i32
      %mul3A_339 = arith.muli %scan3A_252, %mul3A_338 : i32
      %add3A_340 = arith.constant 4 : i32
      %add3A_341 = arith.addi %mul3A_339, %add3A_340 : i32
      %mul3A_342 = arith.constant 17 : i32
      %mul3A_343 = arith.muli %add3A_341, %mul3A_342 : i32
      %get3A_344 = arith.index_cast %mul3A_343 : i32 to index
      %get3A_345 = tpu.vector_load %arg8[%get3A_344] {strides = array<i32>} : memref<8720xf32, #tpu.memory_space<vmem>>, vector<16xf32>,
      %swap3A_346 = arith.constant 0 : i32
      %swap3A_347 = tpu.memref_slice %arg6[%select_n3A_271, %select_n3A_287, %swap3A_346] : memref<8x8x128xf32, #tpu.memory_space<vmem>> -> memref<1x1x128xf32, #tpu.memory_space<vmem>>
      %swap3A_348 = tpu.memref_squeeze %swap3A_347 : memref<1x1x128xf32, #tpu.memory_space<vmem>> -> memref<128xf32, #tpu.memory_space<vmem>>
      %swap3A_349 = arith.constant 64 : index
      %swap3A_350 = tpu.vector_load %swap3A_348[%swap3A_349] {strides = array<i32>} : memref<128xf32, #tpu.memory_space<vmem>>, vector<16xf32>,
      tpu.vector_store %swap3A_348[%swap3A_349], %get3A_345 {strides = array<i32>} : memref<128xf32, #tpu.memory_space<vmem>>, vector<16xf32>,
      %mul3A_351 = arith.constant 8 : i32
      %mul3A_352 = arith.muli %scan3A_252, %mul3A_351 : i32
      %add3A_353 = arith.constant 5 : i32
      %add3A_354 = arith.addi %mul3A_352, %add3A_353 : i32
      %mul3A_355 = arith.constant 17 : i32
      %mul3A_356 = arith.muli %add3A_354, %mul3A_355 : i32
      %get3A_357 = arith.index_cast %mul3A_356 : i32 to index
      %get3A_358 = tpu.vector_load %arg8[%get3A_357] {strides = array<i32>} : memref<8720xf32, #tpu.memory_space<vmem>>, vector<16xf32>,
      %swap3A_359 = arith.constant 0 : i32
      %swap3A_360 = tpu.memref_slice %arg6[%select_n3A_271, %select_n3A_287, %swap3A_359] : memref<8x8x128xf32, #tpu.memory_space<vmem>> -> memref<1x1x128xf32, #tpu.memory_space<vmem>>
      %swap3A_361 = tpu.memref_squeeze %swap3A_360 : memref<1x1x128xf32, #tpu.memory_space<vmem>> -> memref<128xf32, #tpu.memory_space<vmem>>
      %swap3A_362 = arith.constant 80 : index
      %swap3A_363 = tpu.vector_load %swap3A_361[%swap3A_362] {strides = array<i32>} : memref<128xf32, #tpu.memory_space<vmem>>, vector<16xf32>,
      tpu.vector_store %swap3A_361[%swap3A_362], %get3A_358 {strides = array<i32>} : memref<128xf32, #tpu.memory_space<vmem>>, vector<16xf32>,
      %mul3A_364 = arith.constant 8 : i32
      %mul3A_365 = arith.muli %scan3A_252, %mul3A_364 : i32
      %add3A_366 = arith.constant 6 : i32
      %add3A_367 = arith.addi %mul3A_365, %add3A_366 : i32
      %mul3A_368 = arith.constant 17 : i32
      %mul3A_369 = arith.muli %add3A_367, %mul3A_368 : i32
      %get3A_370 = arith.index_cast %mul3A_369 : i32 to index
      %get3A_371 = tpu.vector_load %arg8[%get3A_370] {strides = array<i32>} : memref<8720xf32, #tpu.memory_space<vmem>>, vector<16xf32>,
      %swap3A_372 = arith.constant 0 : i32
      %swap3A_373 = tpu.memref_slice %arg6[%select_n3A_271, %select_n3A_287, %swap3A_372] : memref<8x8x128xf32, #tpu.memory_space<vmem>> -> memref<1x1x128xf32, #tpu.memory_space<vmem>>
      %swap3A_374 = tpu.memref_squeeze %swap3A_373 : memref<1x1x128xf32, #tpu.memory_space<vmem>> -> memref<128xf32, #tpu.memory_space<vmem>>
      %swap3A_375 = arith.constant 96 : index
      %swap3A_376 = tpu.vector_load %swap3A_374[%swap3A_375] {strides = array<i32>} : memref<128xf32, #tpu.memory_space<vmem>>, vector<16xf32>,
      tpu.vector_store %swap3A_374[%swap3A_375], %get3A_371 {strides = array<i32>} : memref<128xf32, #tpu.memory_space<vmem>>, vector<16xf32>,
      %mul3A_377 = arith.constant 8 : i32
      %mul3A_378 = arith.muli %scan3A_252, %mul3A_377 : i32
      %add3A_379 = arith.constant 7 : i32
      %add3A_380 = arith.addi %mul3A_378, %add3A_379 : i32
      %mul3A_381 = arith.constant 17 : i32
      %mul3A_382 = arith.muli %add3A_380, %mul3A_381 : i32
      %get3A_383 = arith.index_cast %mul3A_382 : i32 to index
      %get3A_384 = tpu.vector_load %arg8[%get3A_383] {strides = array<i32>} : memref<8720xf32, #tpu.memory_space<vmem>>, vector<16xf32>,
      %swap3A_385 = arith.constant 0 : i32
      %swap3A_386 = tpu.memref_slice %arg6[%select_n3A_271, %select_n3A_287, %swap3A_385] : memref<8x8x128xf32, #tpu.memory_space<vmem>> -> memref<1x1x128xf32, #tpu.memory_space<vmem>>
      %swap3A_387 = tpu.memref_squeeze %swap3A_386 : memref<1x1x128xf32, #tpu.memory_space<vmem>> -> memref<128xf32, #tpu.memory_space<vmem>>
      %swap3A_388 = arith.constant 112 : index
      %swap3A_389 = tpu.vector_load %swap3A_387[%swap3A_388] {strides = array<i32>} : memref<128xf32, #tpu.memory_space<vmem>>, vector<16xf32>,
      tpu.vector_store %swap3A_387[%swap3A_388], %get3A_384 {strides = array<i32>} : memref<128xf32, #tpu.memory_space<vmem>>, vector<16xf32>,
    }
    %scan3A_207 = arith.constant 64 : i32
    %mul3A_208 = arith.constant 8 : i32
    %mul3A_209 = arith.muli %add3A_62, %mul3A_208 : i32
    %dma_start3A_210 = arith.constant 0 : i32
    %dma_start3A_211 = arith.constant 0 : i32
    %dma_start3A_212 = arith.constant 0 : i32
    %dma_start3A_213 = tpu.memref_slice %arg6[%dma_start3A_210, %dma_start3A_211, %dma_start3A_212] : memref<8x8x128xf32, #tpu.memory_space<vmem>> -> memref<8x8x128xf32, #tpu.memory_space<vmem>>
    %dma_start3A_214 = arith.constant 0 : i32
    %dma_start3A_215 = arith.constant 0 : i32
    %dma_start3A_216 = tpu.memref_slice %arg3[%mul3A_209, %dma_start3A_214, %dma_start3A_215] : memref<15625x8x128xf32, #tpu.memory_space<hbm>> -> memref<8x8x128xf32, #tpu.memory_space<hbm>>
    %dma_start3A_217 = arith.constant 0 : i32
    %dma_start3A_218 = arith.constant 0 : i32
    %dma_start3A_219 = tpu.memref_slice %arg3[%mul3A_209, %dma_start3A_217, %dma_start3A_218] : memref<15625x8x128xf32, #tpu.memory_space<hbm>> -> memref<8x8x128xf32, #tpu.memory_space<hbm>>
    %dma_start3A_220 = arith.constant 0 : i32
    %dma_start3A_221 = arith.constant 0 : i32
    %dma_start3A_222 = arith.constant 0 : i32
    %dma_start3A_223 = tpu.memref_slice %arg6[%dma_start3A_220, %dma_start3A_221, %dma_start3A_222] : memref<8x8x128xf32, #tpu.memory_space<vmem>> -> memref<8x8x128xf32, #tpu.memory_space<vmem>>
    tpu.enqueue_dma source(%dma_start3A_223 : memref<8x8x128xf32, #tpu.memory_space<vmem>>) target(%dma_start3A_219 : memref<8x8x128xf32, #tpu.memory_space<hbm>>) target_semaphore(%arg12 : memref<!tpu.dma_semaphore, #tpu.memory_space<semaphore_mem>>)
    %eq3A = arith.constant 62 : i32
    %eq3A_224 = arith.cmpi eq, %select_n3A, %eq3A : i32
    %convert_element_type3A = arith.extui %eq3A_224 : i1 to i32
    %cond3A = arith.constant 0 : i32
    %cond3A_225 = arith.cmpi ne, %convert_element_type3A, %cond3A : i32
    scf.if %cond3A_225 {
      %add3A_252 = arith.constant 61 : i32
      %add3A_253 = arith.addi %add3A_4, %add3A_252 : i32
      %mul3A_254 = arith.constant 512 : i32
      %mul3A_255 = arith.muli %add3A_253, %mul3A_254 : i32
      %mul3A_256 = arith.constant 512 : i32
      %mul3A_257 = arith.muli %add3A_253, %mul3A_256 : i32
      %dma_wait3A_258 = arith.constant 0 : i32
      %dma_wait3A_259 = arith.constant 0 : i32
      %dma_wait3A_260 = tpu.memref_slice %arg5[%dma_wait3A_258, %dma_wait3A_259] : memref<16x515xf32, #tpu.memory_space<vmem>> -> memref<8x512xf32, #tpu.memory_space<vmem>>
      %dma_wait3A_261 = arith.constant 0 : i32
      %dma_wait3A_262 = tpu.memref_slice %arg2[%dma_wait3A_261, %mul3A_255] : memref<16x1000000xf32, #tpu.memory_space<hbm>> -> memref<8x512xf32, #tpu.memory_space<hbm>>
      %dma_wait3A_263 = arith.constant 0 : i32
      %dma_wait3A_264 = arith.constant 0 : i32
      %dma_wait3A_265 = tpu.memref_slice %arg5[%dma_wait3A_263, %dma_wait3A_264] : memref<16x515xf32, #tpu.memory_space<vmem>> -> memref<8x512xf32, #tpu.memory_space<vmem>>
      %dma_wait3A_266 = arith.constant 0 : i32
      %dma_wait3A_267 = tpu.memref_slice %arg2[%dma_wait3A_266, %mul3A_255] : memref<16x1000000xf32, #tpu.memory_space<hbm>> -> memref<8x512xf32, #tpu.memory_space<hbm>>
      tpu.wait_dma2 semaphore(%arg11 : memref<!tpu.dma_semaphore, #tpu.memory_space<semaphore_mem>>) src(%dma_wait3A_267 : memref<8x512xf32, #tpu.memory_space<hbm>>) dst(%dma_wait3A_265 : memref<8x512xf32, #tpu.memory_space<vmem>>)
      %dma_wait3A_268 = arith.constant 8 : i32
      %dma_wait3A_269 = arith.constant 0 : i32
      %dma_wait3A_270 = tpu.memref_slice %arg5[%dma_wait3A_268, %dma_wait3A_269] : memref<16x515xf32, #tpu.memory_space<vmem>> -> memref<8x512xf32, #tpu.memory_space<vmem>>
      %dma_wait3A_271 = arith.constant 8 : i32
      %dma_wait3A_272 = tpu.memref_slice %arg2[%dma_wait3A_271, %mul3A_257] : memref<16x1000000xf32, #tpu.memory_space<hbm>> -> memref<8x512xf32, #tpu.memory_space<hbm>>
      %dma_wait3A_273 = arith.constant 8 : i32
      %dma_wait3A_274 = arith.constant 0 : i32
      %dma_wait3A_275 = tpu.memref_slice %arg5[%dma_wait3A_273, %dma_wait3A_274] : memref<16x515xf32, #tpu.memory_space<vmem>> -> memref<8x512xf32, #tpu.memory_space<vmem>>
      %dma_wait3A_276 = arith.constant 8 : i32
      %dma_wait3A_277 = tpu.memref_slice %arg2[%dma_wait3A_276, %mul3A_257] : memref<16x1000000xf32, #tpu.memory_space<hbm>> -> memref<8x512xf32, #tpu.memory_space<hbm>>
      tpu.wait_dma2 semaphore(%arg11 : memref<!tpu.dma_semaphore, #tpu.memory_space<semaphore_mem>>) src(%dma_wait3A_277 : memref<8x512xf32, #tpu.memory_space<hbm>>) dst(%dma_wait3A_275 : memref<8x512xf32, #tpu.memory_space<vmem>>)
      %sub3A_278 = arith.constant 2 : i32
      %sub3A_279 = arith.subi %add3A_253, %sub3A_278 : i32
      %mul3A_280 = arith.constant 8 : i32
      %mul3A_281 = arith.muli %sub3A_279, %mul3A_280 : i32
      %dma_wait3A_282 = arith.constant 0 : i32
      %dma_wait3A_283 = arith.constant 0 : i32
      %dma_wait3A_284 = arith.constant 0 : i32
      %dma_wait3A_285 = tpu.memref_slice %arg7[%dma_wait3A_282, %dma_wait3A_283, %dma_wait3A_284] : memref<8x8x128xf32, #tpu.memory_space<vmem>> -> memref<8x8x128xf32, #tpu.memory_space<vmem>>
      %dma_wait3A_286 = arith.constant 0 : i32
      %dma_wait3A_287 = arith.constant 0 : i32
      %dma_wait3A_288 = tpu.memref_slice %arg3[%mul3A_281, %dma_wait3A_286, %dma_wait3A_287] : memref<15625x8x128xf32, #tpu.memory_space<hbm>> -> memref<8x8x128xf32, #tpu.memory_space<hbm>>
      %dma_wait3A_289 = arith.constant 0 : i32
      %dma_wait3A_290 = arith.constant 0 : i32
      %dma_wait3A_291 = tpu.memref_slice %arg3[%mul3A_281, %dma_wait3A_289, %dma_wait3A_290] : memref<15625x8x128xf32, #tpu.memory_space<hbm>> -> memref<8x8x128xf32, #tpu.memory_space<hbm>>
      %dma_wait3A_292 = arith.constant 0 : i32
      %dma_wait3A_293 = arith.constant 0 : i32
      %dma_wait3A_294 = arith.constant 0 : i32
      %dma_wait3A_295 = tpu.memref_slice %arg7[%dma_wait3A_292, %dma_wait3A_293, %dma_wait3A_294] : memref<8x8x128xf32, #tpu.memory_space<vmem>> -> memref<8x8x128xf32, #tpu.memory_space<vmem>>
      tpu.wait_dma2 semaphore(%arg13 : memref<!tpu.dma_semaphore, #tpu.memory_space<semaphore_mem>>) src(%dma_wait3A_295 : memref<8x8x128xf32, #tpu.memory_space<vmem>>) dst(%dma_wait3A_291 : memref<8x8x128xf32, #tpu.memory_space<hbm>>)
      %mul3A_296 = arith.constant 17 : i32
      %mul3A_297 = vector.broadcast %mul3A_296 : i32 to vector<16xi32>
      %mul3A_298 = arith.muli %iota3A, %mul3A_297 : vector<16xi32>
      %scan3A_299 = arith.constant 0 : i32
      %scan3A_300 = arith.constant 0 : i32
      %scan3A_301 = arith.constant 32 : i32
      %scan3A_302 = arith.addi %scan3A_300, %scan3A_301 : i32
      %scan3A_303 = arith.constant 1 : i32
      scf.for %scan3A_433 = %scan3A_300 to %scan3A_302 step %scan3A_303  : i32 {
        %mul3A_434 = arith.constant 16 : i32
        %mul3A_435 = arith.muli %scan3A_433, %mul3A_434 : i32
        %get3A = arith.constant 0 : i32
        %get3A_436 = arith.index_cast %get3A : i32 to index
        %get3A_437 = arith.index_cast %mul3A_435 : i32 to index
        %get3A_438 = tpu.vector_load %arg5[%get3A_436, %get3A_437] {strides = array<i32>} : memref<16x515xf32, #tpu.memory_space<vmem>>, vector<16xf32>,
        %mul3A_439 = arith.constant 272 : i32
        %mul3A_440 = arith.muli %scan3A_433, %mul3A_439 : i32
        %add3A_441 = arith.constant 0 : i32
        %add3A_442 = arith.addi %mul3A_440, %add3A_441 : i32
        %add3A_443 = vector.broadcast %add3A_442 : i32 to vector<16xi32>
        %add3A_444 = arith.addi %mul3A_298, %add3A_443 : vector<16xi32>
        tpu.vector_store_idx %arg9[%add3A_444], %get3A_438 : memref<8720xf32, #tpu.memory_space<vmem>>[vector<16xi32>], vector<16xf32>,
      }
      %scan3A_304 = arith.constant 32 : i32
      %scan3A_305 = arith.constant 0 : i32
      %scan3A_306 = arith.constant 0 : i32
      %scan3A_307 = arith.constant 32 : i32
      %scan3A_308 = arith.addi %scan3A_306, %scan3A_307 : i32
      %scan3A_309 = arith.constant 1 : i32
      scf.for %scan3A_433 = %scan3A_306 to %scan3A_308 step %scan3A_309  : i32 {
        %mul3A_434 = arith.constant 16 : i32
        %mul3A_435 = arith.muli %scan3A_433, %mul3A_434 : i32
        %get3A = arith.constant 1 : i32
        %get3A_436 = arith.index_cast %get3A : i32 to index
        %get3A_437 = arith.index_cast %mul3A_435 : i32 to index
        %get3A_438 = tpu.vector_load %arg5[%get3A_436, %get3A_437] {strides = array<i32>} : memref<16x515xf32, #tpu.memory_space<vmem>>, vector<16xf32>,
        %mul3A_439 = arith.constant 272 : i32
        %mul3A_440 = arith.muli %scan3A_433, %mul3A_439 : i32
        %add3A_441 = arith.constant 1 : i32
        %add3A_442 = arith.addi %mul3A_440, %add3A_441 : i32
        %add3A_443 = vector.broadcast %add3A_442 : i32 to vector<16xi32>
        %add3A_444 = arith.addi %mul3A_298, %add3A_443 : vector<16xi32>
        tpu.vector_store_idx %arg9[%add3A_444], %get3A_438 : memref<8720xf32, #tpu.memory_space<vmem>>[vector<16xi32>], vector<16xf32>,
      }
      %scan3A_310 = arith.constant 32 : i32
      %scan3A_311 = arith.constant 0 : i32
      %scan3A_312 = arith.constant 0 : i32
      %scan3A_313 = arith.constant 32 : i32
      %scan3A_314 = arith.addi %scan3A_312, %scan3A_313 : i32
      %scan3A_315 = arith.constant 1 : i32
      scf.for %scan3A_433 = %scan3A_312 to %scan3A_314 step %scan3A_315  : i32 {
        %mul3A_434 = arith.constant 16 : i32
        %mul3A_435 = arith.muli %scan3A_433, %mul3A_434 : i32
        %get3A = arith.constant 2 : i32
        %get3A_436 = arith.index_cast %get3A : i32 to index
        %get3A_437 = arith.index_cast %mul3A_435 : i32 to index
        %get3A_438 = tpu.vector_load %arg5[%get3A_436, %get3A_437] {strides = array<i32>} : memref<16x515xf32, #tpu.memory_space<vmem>>, vector<16xf32>,
        %mul3A_439 = arith.constant 272 : i32
        %mul3A_440 = arith.muli %scan3A_433, %mul3A_439 : i32
        %add3A_441 = arith.constant 2 : i32
        %add3A_442 = arith.addi %mul3A_440, %add3A_441 : i32
        %add3A_443 = vector.broadcast %add3A_442 : i32 to vector<16xi32>
        %add3A_444 = arith.addi %mul3A_298, %add3A_443 : vector<16xi32>
        tpu.vector_store_idx %arg9[%add3A_444], %get3A_438 : memref<8720xf32, #tpu.memory_space<vmem>>[vector<16xi32>], vector<16xf32>,
      }
      %scan3A_316 = arith.constant 32 : i32
      %scan3A_317 = arith.constant 0 : i32
      %scan3A_318 = arith.constant 0 : i32
      %scan3A_319 = arith.constant 32 : i32
      %scan3A_320 = arith.addi %scan3A_318, %scan3A_319 : i32
      %scan3A_321 = arith.constant 1 : i32
      scf.for %scan3A_433 = %scan3A_318 to %scan3A_320 step %scan3A_321  : i32 {
        %mul3A_434 = arith.constant 16 : i32
        %mul3A_435 = arith.muli %scan3A_433, %mul3A_434 : i32
        %get3A = arith.constant 3 : i32
        %get3A_436 = arith.index_cast %get3A : i32 to index
        %get3A_437 = arith.index_cast %mul3A_435 : i32 to index
        %get3A_438 = tpu.vector_load %arg5[%get3A_436, %get3A_437] {strides = array<i32>} : memref<16x515xf32, #tpu.memory_space<vmem>>, vector<16xf32>,
        %mul3A_439 = arith.constant 272 : i32
        %mul3A_440 = arith.muli %scan3A_433, %mul3A_439 : i32
        %add3A_441 = arith.constant 3 : i32
        %add3A_442 = arith.addi %mul3A_440, %add3A_441 : i32
        %add3A_443 = vector.broadcast %add3A_442 : i32 to vector<16xi32>
        %add3A_444 = arith.addi %mul3A_298, %add3A_443 : vector<16xi32>
        tpu.vector_store_idx %arg9[%add3A_444], %get3A_438 : memref<8720xf32, #tpu.memory_space<vmem>>[vector<16xi32>], vector<16xf32>,
      }
      %scan3A_322 = arith.constant 32 : i32
      %scan3A_323 = arith.constant 0 : i32
      %scan3A_324 = arith.constant 0 : i32
      %scan3A_325 = arith.constant 32 : i32
      %scan3A_326 = arith.addi %scan3A_324, %scan3A_325 : i32
      %scan3A_327 = arith.constant 1 : i32
      scf.for %scan3A_433 = %scan3A_324 to %scan3A_326 step %scan3A_327  : i32 {
        %mul3A_434 = arith.constant 16 : i32
        %mul3A_435 = arith.muli %scan3A_433, %mul3A_434 : i32
        %get3A = arith.constant 4 : i32
        %get3A_436 = arith.index_cast %get3A : i32 to index
        %get3A_437 = arith.index_cast %mul3A_435 : i32 to index
        %get3A_438 = tpu.vector_load %arg5[%get3A_436, %get3A_437] {strides = array<i32>} : memref<16x515xf32, #tpu.memory_space<vmem>>, vector<16xf32>,
        %mul3A_439 = arith.constant 272 : i32
        %mul3A_440 = arith.muli %scan3A_433, %mul3A_439 : i32
        %add3A_441 = arith.constant 4 : i32
        %add3A_442 = arith.addi %mul3A_440, %add3A_441 : i32
        %add3A_443 = vector.broadcast %add3A_442 : i32 to vector<16xi32>
        %add3A_444 = arith.addi %mul3A_298, %add3A_443 : vector<16xi32>
        tpu.vector_store_idx %arg9[%add3A_444], %get3A_438 : memref<8720xf32, #tpu.memory_space<vmem>>[vector<16xi32>], vector<16xf32>,
      }
      %scan3A_328 = arith.constant 32 : i32
      %scan3A_329 = arith.constant 0 : i32
      %scan3A_330 = arith.constant 0 : i32
      %scan3A_331 = arith.constant 32 : i32
      %scan3A_332 = arith.addi %scan3A_330, %scan3A_331 : i32
      %scan3A_333 = arith.constant 1 : i32
      scf.for %scan3A_433 = %scan3A_330 to %scan3A_332 step %scan3A_333  : i32 {
        %mul3A_434 = arith.constant 16 : i32
        %mul3A_435 = arith.muli %scan3A_433, %mul3A_434 : i32
        %get3A = arith.constant 5 : i32
        %get3A_436 = arith.index_cast %get3A : i32 to index
        %get3A_437 = arith.index_cast %mul3A_435 : i32 to index
        %get3A_438 = tpu.vector_load %arg5[%get3A_436, %get3A_437] {strides = array<i32>} : memref<16x515xf32, #tpu.memory_space<vmem>>, vector<16xf32>,
        %mul3A_439 = arith.constant 272 : i32
        %mul3A_440 = arith.muli %scan3A_433, %mul3A_439 : i32
        %add3A_441 = arith.constant 5 : i32
        %add3A_442 = arith.addi %mul3A_440, %add3A_441 : i32
        %add3A_443 = vector.broadcast %add3A_442 : i32 to vector<16xi32>
        %add3A_444 = arith.addi %mul3A_298, %add3A_443 : vector<16xi32>
        tpu.vector_store_idx %arg9[%add3A_444], %get3A_438 : memref<8720xf32, #tpu.memory_space<vmem>>[vector<16xi32>], vector<16xf32>,
      }
      %scan3A_334 = arith.constant 32 : i32
      %scan3A_335 = arith.constant 0 : i32
      %scan3A_336 = arith.constant 0 : i32
      %scan3A_337 = arith.constant 32 : i32
      %scan3A_338 = arith.addi %scan3A_336, %scan3A_337 : i32
      %scan3A_339 = arith.constant 1 : i32
      scf.for %scan3A_433 = %scan3A_336 to %scan3A_338 step %scan3A_339  : i32 {
        %mul3A_434 = arith.constant 16 : i32
        %mul3A_435 = arith.muli %scan3A_433, %mul3A_434 : i32
        %get3A = arith.constant 6 : i32
        %get3A_436 = arith.index_cast %get3A : i32 to index
        %get3A_437 = arith.index_cast %mul3A_435 : i32 to index
        %get3A_438 = tpu.vector_load %arg5[%get3A_436, %get3A_437] {strides = array<i32>} : memref<16x515xf32, #tpu.memory_space<vmem>>, vector<16xf32>,
        %mul3A_439 = arith.constant 272 : i32
        %mul3A_440 = arith.muli %scan3A_433, %mul3A_439 : i32
        %add3A_441 = arith.constant 6 : i32
        %add3A_442 = arith.addi %mul3A_440, %add3A_441 : i32
        %add3A_443 = vector.broadcast %add3A_442 : i32 to vector<16xi32>
        %add3A_444 = arith.addi %mul3A_298, %add3A_443 : vector<16xi32>
        tpu.vector_store_idx %arg9[%add3A_444], %get3A_438 : memref<8720xf32, #tpu.memory_space<vmem>>[vector<16xi32>], vector<16xf32>,
      }
      %scan3A_340 = arith.constant 32 : i32
      %scan3A_341 = arith.constant 0 : i32
      %scan3A_342 = arith.constant 0 : i32
      %scan3A_343 = arith.constant 32 : i32
      %scan3A_344 = arith.addi %scan3A_342, %scan3A_343 : i32
      %scan3A_345 = arith.constant 1 : i32
      scf.for %scan3A_433 = %scan3A_342 to %scan3A_344 step %scan3A_345  : i32 {
        %mul3A_434 = arith.constant 16 : i32
        %mul3A_435 = arith.muli %scan3A_433, %mul3A_434 : i32
        %get3A = arith.constant 7 : i32
        %get3A_436 = arith.index_cast %get3A : i32 to index
        %get3A_437 = arith.index_cast %mul3A_435 : i32 to index
        %get3A_438 = tpu.vector_load %arg5[%get3A_436, %get3A_437] {strides = array<i32>} : memref<16x515xf32, #tpu.memory_space<vmem>>, vector<16xf32>,
        %mul3A_439 = arith.constant 272 : i32
        %mul3A_440 = arith.muli %scan3A_433, %mul3A_439 : i32
        %add3A_441 = arith.constant 7 : i32
        %add3A_442 = arith.addi %mul3A_440, %add3A_441 : i32
        %add3A_443 = vector.broadcast %add3A_442 : i32 to vector<16xi32>
        %add3A_444 = arith.addi %mul3A_298, %add3A_443 : vector<16xi32>
        tpu.vector_store_idx %arg9[%add3A_444], %get3A_438 : memref<8720xf32, #tpu.memory_space<vmem>>[vector<16xi32>], vector<16xf32>,
      }
      %scan3A_346 = arith.constant 32 : i32
      %scan3A_347 = arith.constant 0 : i32
      %scan3A_348 = arith.constant 0 : i32
      %scan3A_349 = arith.constant 32 : i32
      %scan3A_350 = arith.addi %scan3A_348, %scan3A_349 : i32
      %scan3A_351 = arith.constant 1 : i32
      scf.for %scan3A_433 = %scan3A_348 to %scan3A_350 step %scan3A_351  : i32 {
        %mul3A_434 = arith.constant 16 : i32
        %mul3A_435 = arith.muli %scan3A_433, %mul3A_434 : i32
        %get3A = arith.constant 8 : i32
        %get3A_436 = arith.index_cast %get3A : i32 to index
        %get3A_437 = arith.index_cast %mul3A_435 : i32 to index
        %get3A_438 = tpu.vector_load %arg5[%get3A_436, %get3A_437] {strides = array<i32>} : memref<16x515xf32, #tpu.memory_space<vmem>>, vector<16xf32>,
        %mul3A_439 = arith.constant 272 : i32
        %mul3A_440 = arith.muli %scan3A_433, %mul3A_439 : i32
        %add3A_441 = arith.constant 8 : i32
        %add3A_442 = arith.addi %mul3A_440, %add3A_441 : i32
        %add3A_443 = vector.broadcast %add3A_442 : i32 to vector<16xi32>
        %add3A_444 = arith.addi %mul3A_298, %add3A_443 : vector<16xi32>
        tpu.vector_store_idx %arg9[%add3A_444], %get3A_438 : memref<8720xf32, #tpu.memory_space<vmem>>[vector<16xi32>], vector<16xf32>,
      }
      %scan3A_352 = arith.constant 32 : i32
      %scan3A_353 = arith.constant 0 : i32
      %scan3A_354 = arith.constant 0 : i32
      %scan3A_355 = arith.constant 32 : i32
      %scan3A_356 = arith.addi %scan3A_354, %scan3A_355 : i32
      %scan3A_357 = arith.constant 1 : i32
      scf.for %scan3A_433 = %scan3A_354 to %scan3A_356 step %scan3A_357  : i32 {
        %mul3A_434 = arith.constant 16 : i32
        %mul3A_435 = arith.muli %scan3A_433, %mul3A_434 : i32
        %get3A = arith.constant 9 : i32
        %get3A_436 = arith.index_cast %get3A : i32 to index
        %get3A_437 = arith.index_cast %mul3A_435 : i32 to index
        %get3A_438 = tpu.vector_load %arg5[%get3A_436, %get3A_437] {strides = array<i32>} : memref<16x515xf32, #tpu.memory_space<vmem>>, vector<16xf32>,
        %mul3A_439 = arith.constant 272 : i32
        %mul3A_440 = arith.muli %scan3A_433, %mul3A_439 : i32
        %add3A_441 = arith.constant 9 : i32
        %add3A_442 = arith.addi %mul3A_440, %add3A_441 : i32
        %add3A_443 = vector.broadcast %add3A_442 : i32 to vector<16xi32>
        %add3A_444 = arith.addi %mul3A_298, %add3A_443 : vector<16xi32>
        tpu.vector_store_idx %arg9[%add3A_444], %get3A_438 : memref<8720xf32, #tpu.memory_space<vmem>>[vector<16xi32>], vector<16xf32>,
      }
      %scan3A_358 = arith.constant 32 : i32
      %scan3A_359 = arith.constant 0 : i32
      %scan3A_360 = arith.constant 0 : i32
      %scan3A_361 = arith.constant 32 : i32
      %scan3A_362 = arith.addi %scan3A_360, %scan3A_361 : i32
      %scan3A_363 = arith.constant 1 : i32
      scf.for %scan3A_433 = %scan3A_360 to %scan3A_362 step %scan3A_363  : i32 {
        %mul3A_434 = arith.constant 16 : i32
        %mul3A_435 = arith.muli %scan3A_433, %mul3A_434 : i32
        %get3A = arith.constant 10 : i32
        %get3A_436 = arith.index_cast %get3A : i32 to index
        %get3A_437 = arith.index_cast %mul3A_435 : i32 to index
        %get3A_438 = tpu.vector_load %arg5[%get3A_436, %get3A_437] {strides = array<i32>} : memref<16x515xf32, #tpu.memory_space<vmem>>, vector<16xf32>,
        %mul3A_439 = arith.constant 272 : i32
        %mul3A_440 = arith.muli %scan3A_433, %mul3A_439 : i32
        %add3A_441 = arith.constant 10 : i32
        %add3A_442 = arith.addi %mul3A_440, %add3A_441 : i32
        %add3A_443 = vector.broadcast %add3A_442 : i32 to vector<16xi32>
        %add3A_444 = arith.addi %mul3A_298, %add3A_443 : vector<16xi32>
        tpu.vector_store_idx %arg9[%add3A_444], %get3A_438 : memref<8720xf32, #tpu.memory_space<vmem>>[vector<16xi32>], vector<16xf32>,
      }
      %scan3A_364 = arith.constant 32 : i32
      %scan3A_365 = arith.constant 0 : i32
      %scan3A_366 = arith.constant 0 : i32
      %scan3A_367 = arith.constant 32 : i32
      %scan3A_368 = arith.addi %scan3A_366, %scan3A_367 : i32
      %scan3A_369 = arith.constant 1 : i32
      scf.for %scan3A_433 = %scan3A_366 to %scan3A_368 step %scan3A_369  : i32 {
        %mul3A_434 = arith.constant 16 : i32
        %mul3A_435 = arith.muli %scan3A_433, %mul3A_434 : i32
        %get3A = arith.constant 11 : i32
        %get3A_436 = arith.index_cast %get3A : i32 to index
        %get3A_437 = arith.index_cast %mul3A_435 : i32 to index
        %get3A_438 = tpu.vector_load %arg5[%get3A_436, %get3A_437] {strides = array<i32>} : memref<16x515xf32, #tpu.memory_space<vmem>>, vector<16xf32>,
        %mul3A_439 = arith.constant 272 : i32
        %mul3A_440 = arith.muli %scan3A_433, %mul3A_439 : i32
        %add3A_441 = arith.constant 11 : i32
        %add3A_442 = arith.addi %mul3A_440, %add3A_441 : i32
        %add3A_443 = vector.broadcast %add3A_442 : i32 to vector<16xi32>
        %add3A_444 = arith.addi %mul3A_298, %add3A_443 : vector<16xi32>
        tpu.vector_store_idx %arg9[%add3A_444], %get3A_438 : memref<8720xf32, #tpu.memory_space<vmem>>[vector<16xi32>], vector<16xf32>,
      }
      %scan3A_370 = arith.constant 32 : i32
      %scan3A_371 = arith.constant 0 : i32
      %scan3A_372 = arith.constant 0 : i32
      %scan3A_373 = arith.constant 32 : i32
      %scan3A_374 = arith.addi %scan3A_372, %scan3A_373 : i32
      %scan3A_375 = arith.constant 1 : i32
      scf.for %scan3A_433 = %scan3A_372 to %scan3A_374 step %scan3A_375  : i32 {
        %mul3A_434 = arith.constant 16 : i32
        %mul3A_435 = arith.muli %scan3A_433, %mul3A_434 : i32
        %get3A = arith.constant 12 : i32
        %get3A_436 = arith.index_cast %get3A : i32 to index
        %get3A_437 = arith.index_cast %mul3A_435 : i32 to index
        %get3A_438 = tpu.vector_load %arg5[%get3A_436, %get3A_437] {strides = array<i32>} : memref<16x515xf32, #tpu.memory_space<vmem>>, vector<16xf32>,
        %mul3A_439 = arith.constant 272 : i32
        %mul3A_440 = arith.muli %scan3A_433, %mul3A_439 : i32
        %add3A_441 = arith.constant 12 : i32
        %add3A_442 = arith.addi %mul3A_440, %add3A_441 : i32
        %add3A_443 = vector.broadcast %add3A_442 : i32 to vector<16xi32>
        %add3A_444 = arith.addi %mul3A_298, %add3A_443 : vector<16xi32>
        tpu.vector_store_idx %arg9[%add3A_444], %get3A_438 : memref<8720xf32, #tpu.memory_space<vmem>>[vector<16xi32>], vector<16xf32>,
      }
      %scan3A_376 = arith.constant 32 : i32
      %scan3A_377 = arith.constant 0 : i32
      %scan3A_378 = arith.constant 0 : i32
      %scan3A_379 = arith.constant 32 : i32
      %scan3A_380 = arith.addi %scan3A_378, %scan3A_379 : i32
      %scan3A_381 = arith.constant 1 : i32
      scf.for %scan3A_433 = %scan3A_378 to %scan3A_380 step %scan3A_381  : i32 {
        %mul3A_434 = arith.constant 16 : i32
        %mul3A_435 = arith.muli %scan3A_433, %mul3A_434 : i32
        %get3A = arith.constant 13 : i32
        %get3A_436 = arith.index_cast %get3A : i32 to index
        %get3A_437 = arith.index_cast %mul3A_435 : i32 to index
        %get3A_438 = tpu.vector_load %arg5[%get3A_436, %get3A_437] {strides = array<i32>} : memref<16x515xf32, #tpu.memory_space<vmem>>, vector<16xf32>,
        %mul3A_439 = arith.constant 272 : i32
        %mul3A_440 = arith.muli %scan3A_433, %mul3A_439 : i32
        %add3A_441 = arith.constant 13 : i32
        %add3A_442 = arith.addi %mul3A_440, %add3A_441 : i32
        %add3A_443 = vector.broadcast %add3A_442 : i32 to vector<16xi32>
        %add3A_444 = arith.addi %mul3A_298, %add3A_443 : vector<16xi32>
        tpu.vector_store_idx %arg9[%add3A_444], %get3A_438 : memref<8720xf32, #tpu.memory_space<vmem>>[vector<16xi32>], vector<16xf32>,
      }
      %scan3A_382 = arith.constant 32 : i32
      %scan3A_383 = arith.constant 0 : i32
      %scan3A_384 = arith.constant 0 : i32
      %scan3A_385 = arith.constant 32 : i32
      %scan3A_386 = arith.addi %scan3A_384, %scan3A_385 : i32
      %scan3A_387 = arith.constant 1 : i32
      scf.for %scan3A_433 = %scan3A_384 to %scan3A_386 step %scan3A_387  : i32 {
        %mul3A_434 = arith.constant 16 : i32
        %mul3A_435 = arith.muli %scan3A_433, %mul3A_434 : i32
        %get3A = arith.constant 14 : i32
        %get3A_436 = arith.index_cast %get3A : i32 to index
        %get3A_437 = arith.index_cast %mul3A_435 : i32 to index
        %get3A_438 = tpu.vector_load %arg5[%get3A_436, %get3A_437] {strides = array<i32>} : memref<16x515xf32, #tpu.memory_space<vmem>>, vector<16xf32>,
        %mul3A_439 = arith.constant 272 : i32
        %mul3A_440 = arith.muli %scan3A_433, %mul3A_439 : i32
        %add3A_441 = arith.constant 14 : i32
        %add3A_442 = arith.addi %mul3A_440, %add3A_441 : i32
        %add3A_443 = vector.broadcast %add3A_442 : i32 to vector<16xi32>
        %add3A_444 = arith.addi %mul3A_298, %add3A_443 : vector<16xi32>
        tpu.vector_store_idx %arg9[%add3A_444], %get3A_438 : memref<8720xf32, #tpu.memory_space<vmem>>[vector<16xi32>], vector<16xf32>,
      }
      %scan3A_388 = arith.constant 32 : i32
      %scan3A_389 = arith.constant 0 : i32
      %scan3A_390 = arith.constant 0 : i32
      %scan3A_391 = arith.constant 32 : i32
      %scan3A_392 = arith.addi %scan3A_390, %scan3A_391 : i32
      %scan3A_393 = arith.constant 1 : i32
      scf.for %scan3A_433 = %scan3A_390 to %scan3A_392 step %scan3A_393  : i32 {
        %mul3A_434 = arith.constant 16 : i32
        %mul3A_435 = arith.muli %scan3A_433, %mul3A_434 : i32
        %get3A = arith.constant 15 : i32
        %get3A_436 = arith.index_cast %get3A : i32 to index
        %get3A_437 = arith.index_cast %mul3A_435 : i32 to index
        %get3A_438 = tpu.vector_load %arg5[%get3A_436, %get3A_437] {strides = array<i32>} : memref<16x515xf32, #tpu.memory_space<vmem>>, vector<16xf32>,
        %mul3A_439 = arith.constant 272 : i32
        %mul3A_440 = arith.muli %scan3A_433, %mul3A_439 : i32
        %add3A_441 = arith.constant 15 : i32
        %add3A_442 = arith.addi %mul3A_440, %add3A_441 : i32
        %add3A_443 = vector.broadcast %add3A_442 : i32 to vector<16xi32>
        %add3A_444 = arith.addi %mul3A_298, %add3A_443 : vector<16xi32>
        tpu.vector_store_idx %arg9[%add3A_444], %get3A_438 : memref<8720xf32, #tpu.memory_space<vmem>>[vector<16xi32>], vector<16xf32>,
      }
      %scan3A_394 = arith.constant 32 : i32
      %scan3A_395 = arith.constant 0 : i32
      %scan3A_396 = arith.constant 0 : i32
      %scan3A_397 = arith.constant 64 : i32
      %scan3A_398 = arith.addi %scan3A_396, %scan3A_397 : i32
      %scan3A_399 = arith.constant 1 : i32
      scf.for %scan3A_433 = %scan3A_396 to %scan3A_398 step %scan3A_399  : i32 {
        %jit3A_434 = arith.constant 8 : i32
        %div3A = arith.divsi %scan3A_433, %jit3A_434 : i32
        %sign3A = arith.constant 0 : i32
        %sign3A_435 = arith.cmpi sgt, %scan3A_433, %sign3A : i32
        %sign3A_436 = arith.extui %sign3A_435 : i1 to i32
        %sign3A_437 = arith.constant 0 : i32
        %sign3A_438 = arith.cmpi slt, %scan3A_433, %sign3A_437 : i32
        %sign3A_439 = arith.extui %sign3A_438 : i1 to i32
        %sign3A_440 = arith.subi %sign3A_436, %sign3A_439 : i32
        %sign3A_441 = arith.constant 0 : i32
        %sign3A_442 = arith.cmpi sgt, %jit3A_434, %sign3A_441 : i32
        %sign3A_443 = arith.extui %sign3A_442 : i1 to i32
        %sign3A_444 = arith.constant 0 : i32
        %sign3A_445 = arith.cmpi slt, %jit3A_434, %sign3A_444 : i32
        %sign3A_446 = arith.extui %sign3A_445 : i1 to i32
        %sign3A_447 = arith.subi %sign3A_443, %sign3A_446 : i32
        %ne3A = arith.cmpi ne, %sign3A_440, %sign3A_447 : i32
        %rem3A = arith.remsi %scan3A_433, %jit3A_434 : i32
        %ne3A_448 = arith.constant 0 : i32
        %ne3A_449 = arith.cmpi ne, %rem3A, %ne3A_448 : i32
        %and3A = arith.andi %ne3A, %ne3A_449 : i1
        %sub3A_450 = arith.constant 1 : i32
        %sub3A_451 = arith.subi %div3A, %sub3A_450 : i32
        %select_n3A_452 = arith.select %and3A, %sub3A_451, %div3A : i32
        %jit3A_453 = arith.constant 8 : i32
        %eq3A_454 = arith.constant 0 : i32
        %eq3A_455 = arith.cmpi eq, %jit3A_453, %eq3A_454 : i32
        %jit3A_456 = arith.constant 1 : i32
        %select_n3A_457 = arith.select %eq3A_455, %jit3A_456, %jit3A_453 : i32
        %rem3A_458 = arith.remsi %scan3A_433, %select_n3A_457 : i32
        %ne3A_459 = arith.constant 0 : i32
        %ne3A_460 = arith.cmpi ne, %rem3A_458, %ne3A_459 : i32
        %lt3A_461 = arith.constant 0 : i32
        %lt3A_462 = arith.cmpi slt, %rem3A_458, %lt3A_461 : i32
        %lt3A_463 = arith.constant 0 : i32
        %lt3A_464 = arith.cmpi slt, %select_n3A_457, %lt3A_463 : i32
        %ne3A_465 = arith.xori %lt3A_462, %lt3A_464 : i1
        %and3A_466 = arith.andi %ne3A_465, %ne3A_460 : i1
        %add3A_467 = arith.addi %rem3A_458, %select_n3A_457 : i32
        %select_n3A_468 = arith.select %and3A_466, %add3A_467, %rem3A_458 : i32
        %mul3A_469 = arith.constant 8 : i32
        %mul3A_470 = arith.muli %scan3A_433, %mul3A_469 : i32
        %add3A_471 = arith.constant 0 : i32
        %add3A_472 = arith.addi %mul3A_470, %add3A_471 : i32
        %mul3A_473 = arith.constant 17 : i32
        %mul3A_474 = arith.muli %add3A_472, %mul3A_473 : i32
        %get3A = arith.index_cast %mul3A_474 : i32 to index
        %get3A_475 = tpu.vector_load %arg9[%get3A] {strides = array<i32>} : memref<8720xf32, #tpu.memory_space<vmem>>, vector<16xf32>,
        %swap3A = arith.constant 0 : i32
        %swap3A_476 = tpu.memref_slice %arg7[%select_n3A_452, %select_n3A_468, %swap3A] : memref<8x8x128xf32, #tpu.memory_space<vmem>> -> memref<1x1x128xf32, #tpu.memory_space<vmem>>
        %swap3A_477 = tpu.memref_squeeze %swap3A_476 : memref<1x1x128xf32, #tpu.memory_space<vmem>> -> memref<128xf32, #tpu.memory_space<vmem>>
        %swap3A_478 = arith.constant 0 : index
        %swap3A_479 = tpu.vector_load %swap3A_477[%swap3A_478] {strides = array<i32>} : memref<128xf32, #tpu.memory_space<vmem>>, vector<16xf32>,
        tpu.vector_store %swap3A_477[%swap3A_478], %get3A_475 {strides = array<i32>} : memref<128xf32, #tpu.memory_space<vmem>>, vector<16xf32>,
        %mul3A_480 = arith.constant 8 : i32
        %mul3A_481 = arith.muli %scan3A_433, %mul3A_480 : i32
        %add3A_482 = arith.constant 1 : i32
        %add3A_483 = arith.addi %mul3A_481, %add3A_482 : i32
        %mul3A_484 = arith.constant 17 : i32
        %mul3A_485 = arith.muli %add3A_483, %mul3A_484 : i32
        %get3A_486 = arith.index_cast %mul3A_485 : i32 to index
        %get3A_487 = tpu.vector_load %arg9[%get3A_486] {strides = array<i32>} : memref<8720xf32, #tpu.memory_space<vmem>>, vector<16xf32>,
        %swap3A_488 = arith.constant 0 : i32
        %swap3A_489 = tpu.memref_slice %arg7[%select_n3A_452, %select_n3A_468, %swap3A_488] : memref<8x8x128xf32, #tpu.memory_space<vmem>> -> memref<1x1x128xf32, #tpu.memory_space<vmem>>
        %swap3A_490 = tpu.memref_squeeze %swap3A_489 : memref<1x1x128xf32, #tpu.memory_space<vmem>> -> memref<128xf32, #tpu.memory_space<vmem>>
        %swap3A_491 = arith.constant 16 : index
        %swap3A_492 = tpu.vector_load %swap3A_490[%swap3A_491] {strides = array<i32>} : memref<128xf32, #tpu.memory_space<vmem>>, vector<16xf32>,
        tpu.vector_store %swap3A_490[%swap3A_491], %get3A_487 {strides = array<i32>} : memref<128xf32, #tpu.memory_space<vmem>>, vector<16xf32>,
        %mul3A_493 = arith.constant 8 : i32
        %mul3A_494 = arith.muli %scan3A_433, %mul3A_493 : i32
        %add3A_495 = arith.constant 2 : i32
        %add3A_496 = arith.addi %mul3A_494, %add3A_495 : i32
        %mul3A_497 = arith.constant 17 : i32
        %mul3A_498 = arith.muli %add3A_496, %mul3A_497 : i32
        %get3A_499 = arith.index_cast %mul3A_498 : i32 to index
        %get3A_500 = tpu.vector_load %arg9[%get3A_499] {strides = array<i32>} : memref<8720xf32, #tpu.memory_space<vmem>>, vector<16xf32>,
        %swap3A_501 = arith.constant 0 : i32
        %swap3A_502 = tpu.memref_slice %arg7[%select_n3A_452, %select_n3A_468, %swap3A_501] : memref<8x8x128xf32, #tpu.memory_space<vmem>> -> memref<1x1x128xf32, #tpu.memory_space<vmem>>
        %swap3A_503 = tpu.memref_squeeze %swap3A_502 : memref<1x1x128xf32, #tpu.memory_space<vmem>> -> memref<128xf32, #tpu.memory_space<vmem>>
        %swap3A_504 = arith.constant 32 : index
        %swap3A_505 = tpu.vector_load %swap3A_503[%swap3A_504] {strides = array<i32>} : memref<128xf32, #tpu.memory_space<vmem>>, vector<16xf32>,
        tpu.vector_store %swap3A_503[%swap3A_504], %get3A_500 {strides = array<i32>} : memref<128xf32, #tpu.memory_space<vmem>>, vector<16xf32>,
        %mul3A_506 = arith.constant 8 : i32
        %mul3A_507 = arith.muli %scan3A_433, %mul3A_506 : i32
        %add3A_508 = arith.constant 3 : i32
        %add3A_509 = arith.addi %mul3A_507, %add3A_508 : i32
        %mul3A_510 = arith.constant 17 : i32
        %mul3A_511 = arith.muli %add3A_509, %mul3A_510 : i32
        %get3A_512 = arith.index_cast %mul3A_511 : i32 to index
        %get3A_513 = tpu.vector_load %arg9[%get3A_512] {strides = array<i32>} : memref<8720xf32, #tpu.memory_space<vmem>>, vector<16xf32>,
        %swap3A_514 = arith.constant 0 : i32
        %swap3A_515 = tpu.memref_slice %arg7[%select_n3A_452, %select_n3A_468, %swap3A_514] : memref<8x8x128xf32, #tpu.memory_space<vmem>> -> memref<1x1x128xf32, #tpu.memory_space<vmem>>
        %swap3A_516 = tpu.memref_squeeze %swap3A_515 : memref<1x1x128xf32, #tpu.memory_space<vmem>> -> memref<128xf32, #tpu.memory_space<vmem>>
        %swap3A_517 = arith.constant 48 : index
        %swap3A_518 = tpu.vector_load %swap3A_516[%swap3A_517] {strides = array<i32>} : memref<128xf32, #tpu.memory_space<vmem>>, vector<16xf32>,
        tpu.vector_store %swap3A_516[%swap3A_517], %get3A_513 {strides = array<i32>} : memref<128xf32, #tpu.memory_space<vmem>>, vector<16xf32>,
        %mul3A_519 = arith.constant 8 : i32
        %mul3A_520 = arith.muli %scan3A_433, %mul3A_519 : i32
        %add3A_521 = arith.constant 4 : i32
        %add3A_522 = arith.addi %mul3A_520, %add3A_521 : i32
        %mul3A_523 = arith.constant 17 : i32
        %mul3A_524 = arith.muli %add3A_522, %mul3A_523 : i32
        %get3A_525 = arith.index_cast %mul3A_524 : i32 to index
        %get3A_526 = tpu.vector_load %arg9[%get3A_525] {strides = array<i32>} : memref<8720xf32, #tpu.memory_space<vmem>>, vector<16xf32>,
        %swap3A_527 = arith.constant 0 : i32
        %swap3A_528 = tpu.memref_slice %arg7[%select_n3A_452, %select_n3A_468, %swap3A_527] : memref<8x8x128xf32, #tpu.memory_space<vmem>> -> memref<1x1x128xf32, #tpu.memory_space<vmem>>
        %swap3A_529 = tpu.memref_squeeze %swap3A_528 : memref<1x1x128xf32, #tpu.memory_space<vmem>> -> memref<128xf32, #tpu.memory_space<vmem>>
        %swap3A_530 = arith.constant 64 : index
        %swap3A_531 = tpu.vector_load %swap3A_529[%swap3A_530] {strides = array<i32>} : memref<128xf32, #tpu.memory_space<vmem>>, vector<16xf32>,
        tpu.vector_store %swap3A_529[%swap3A_530], %get3A_526 {strides = array<i32>} : memref<128xf32, #tpu.memory_space<vmem>>, vector<16xf32>,
        %mul3A_532 = arith.constant 8 : i32
        %mul3A_533 = arith.muli %scan3A_433, %mul3A_532 : i32
        %add3A_534 = arith.constant 5 : i32
        %add3A_535 = arith.addi %mul3A_533, %add3A_534 : i32
        %mul3A_536 = arith.constant 17 : i32
        %mul3A_537 = arith.muli %add3A_535, %mul3A_536 : i32
        %get3A_538 = arith.index_cast %mul3A_537 : i32 to index
        %get3A_539 = tpu.vector_load %arg9[%get3A_538] {strides = array<i32>} : memref<8720xf32, #tpu.memory_space<vmem>>, vector<16xf32>,
        %swap3A_540 = arith.constant 0 : i32
        %swap3A_541 = tpu.memref_slice %arg7[%select_n3A_452, %select_n3A_468, %swap3A_540] : memref<8x8x128xf32, #tpu.memory_space<vmem>> -> memref<1x1x128xf32, #tpu.memory_space<vmem>>
        %swap3A_542 = tpu.memref_squeeze %swap3A_541 : memref<1x1x128xf32, #tpu.memory_space<vmem>> -> memref<128xf32, #tpu.memory_space<vmem>>
        %swap3A_543 = arith.constant 80 : index
        %swap3A_544 = tpu.vector_load %swap3A_542[%swap3A_543] {strides = array<i32>} : memref<128xf32, #tpu.memory_space<vmem>>, vector<16xf32>,
        tpu.vector_store %swap3A_542[%swap3A_543], %get3A_539 {strides = array<i32>} : memref<128xf32, #tpu.memory_space<vmem>>, vector<16xf32>,
        %mul3A_545 = arith.constant 8 : i32
        %mul3A_546 = arith.muli %scan3A_433, %mul3A_545 : i32
        %add3A_547 = arith.constant 6 : i32
        %add3A_548 = arith.addi %mul3A_546, %add3A_547 : i32
        %mul3A_549 = arith.constant 17 : i32
        %mul3A_550 = arith.muli %add3A_548, %mul3A_549 : i32
        %get3A_551 = arith.index_cast %mul3A_550 : i32 to index
        %get3A_552 = tpu.vector_load %arg9[%get3A_551] {strides = array<i32>} : memref<8720xf32, #tpu.memory_space<vmem>>, vector<16xf32>,
        %swap3A_553 = arith.constant 0 : i32
        %swap3A_554 = tpu.memref_slice %arg7[%select_n3A_452, %select_n3A_468, %swap3A_553] : memref<8x8x128xf32, #tpu.memory_space<vmem>> -> memref<1x1x128xf32, #tpu.memory_space<vmem>>
        %swap3A_555 = tpu.memref_squeeze %swap3A_554 : memref<1x1x128xf32, #tpu.memory_space<vmem>> -> memref<128xf32, #tpu.memory_space<vmem>>
        %swap3A_556 = arith.constant 96 : index
        %swap3A_557 = tpu.vector_load %swap3A_555[%swap3A_556] {strides = array<i32>} : memref<128xf32, #tpu.memory_space<vmem>>, vector<16xf32>,
        tpu.vector_store %swap3A_555[%swap3A_556], %get3A_552 {strides = array<i32>} : memref<128xf32, #tpu.memory_space<vmem>>, vector<16xf32>,
        %mul3A_558 = arith.constant 8 : i32
        %mul3A_559 = arith.muli %scan3A_433, %mul3A_558 : i32
        %add3A_560 = arith.constant 7 : i32
        %add3A_561 = arith.addi %mul3A_559, %add3A_560 : i32
        %mul3A_562 = arith.constant 17 : i32
        %mul3A_563 = arith.muli %add3A_561, %mul3A_562 : i32
        %get3A_564 = arith.index_cast %mul3A_563 : i32 to index
        %get3A_565 = tpu.vector_load %arg9[%get3A_564] {strides = array<i32>} : memref<8720xf32, #tpu.memory_space<vmem>>, vector<16xf32>,
        %swap3A_566 = arith.constant 0 : i32
        %swap3A_567 = tpu.memref_slice %arg7[%select_n3A_452, %select_n3A_468, %swap3A_566] : memref<8x8x128xf32, #tpu.memory_space<vmem>> -> memref<1x1x128xf32, #tpu.memory_space<vmem>>
        %swap3A_568 = tpu.memref_squeeze %swap3A_567 : memref<1x1x128xf32, #tpu.memory_space<vmem>> -> memref<128xf32, #tpu.memory_space<vmem>>
        %swap3A_569 = arith.constant 112 : index
        %swap3A_570 = tpu.vector_load %swap3A_568[%swap3A_569] {strides = array<i32>} : memref<128xf32, #tpu.memory_space<vmem>>, vector<16xf32>,
        tpu.vector_store %swap3A_568[%swap3A_569], %get3A_565 {strides = array<i32>} : memref<128xf32, #tpu.memory_space<vmem>>, vector<16xf32>,
      }
      %scan3A_400 = arith.constant 64 : i32
      %mul3A_401 = arith.constant 8 : i32
      %mul3A_402 = arith.muli %add3A_253, %mul3A_401 : i32
      %dma_start3A_403 = arith.constant 0 : i32
      %dma_start3A_404 = arith.constant 0 : i32
      %dma_start3A_405 = arith.constant 0 : i32
      %dma_start3A_406 = tpu.memref_slice %arg7[%dma_start3A_403, %dma_start3A_404, %dma_start3A_405] : memref<8x8x128xf32, #tpu.memory_space<vmem>> -> memref<8x8x128xf32, #tpu.memory_space<vmem>>
      %dma_start3A_407 = arith.constant 0 : i32
      %dma_start3A_408 = arith.constant 0 : i32
      %dma_start3A_409 = tpu.memref_slice %arg3[%mul3A_402, %dma_start3A_407, %dma_start3A_408] : memref<15625x8x128xf32, #tpu.memory_space<hbm>> -> memref<8x8x128xf32, #tpu.memory_space<hbm>>
      %dma_start3A_410 = arith.constant 0 : i32
      %dma_start3A_411 = arith.constant 0 : i32
      %dma_start3A_412 = tpu.memref_slice %arg3[%mul3A_402, %dma_start3A_410, %dma_start3A_411] : memref<15625x8x128xf32, #tpu.memory_space<hbm>> -> memref<8x8x128xf32, #tpu.memory_space<hbm>>
      %dma_start3A_413 = arith.constant 0 : i32
      %dma_start3A_414 = arith.constant 0 : i32
      %dma_start3A_415 = arith.constant 0 : i32
      %dma_start3A_416 = tpu.memref_slice %arg7[%dma_start3A_413, %dma_start3A_414, %dma_start3A_415] : memref<8x8x128xf32, #tpu.memory_space<vmem>> -> memref<8x8x128xf32, #tpu.memory_space<vmem>>
      tpu.enqueue_dma source(%dma_start3A_416 : memref<8x8x128xf32, #tpu.memory_space<vmem>>) target(%dma_start3A_412 : memref<8x8x128xf32, #tpu.memory_space<hbm>>) target_semaphore(%arg13 : memref<!tpu.dma_semaphore, #tpu.memory_space<semaphore_mem>>)
      %mul3A_417 = arith.constant 8 : i32
      %mul3A_418 = arith.muli %add3A_253, %mul3A_417 : i32
      %dma_wait3A_419 = arith.constant 0 : i32
      %dma_wait3A_420 = arith.constant 0 : i32
      %dma_wait3A_421 = arith.constant 0 : i32
      %dma_wait3A_422 = tpu.memref_slice %arg7[%dma_wait3A_419, %dma_wait3A_420, %dma_wait3A_421] : memref<8x8x128xf32, #tpu.memory_space<vmem>> -> memref<8x8x128xf32, #tpu.memory_space<vmem>>
      %dma_wait3A_423 = arith.constant 0 : i32
      %dma_wait3A_424 = arith.constant 0 : i32
      %dma_wait3A_425 = tpu.memref_slice %arg3[%mul3A_418, %dma_wait3A_423, %dma_wait3A_424] : memref<15625x8x128xf32, #tpu.memory_space<hbm>> -> memref<8x8x128xf32, #tpu.memory_space<hbm>>
      %dma_wait3A_426 = arith.constant 0 : i32
      %dma_wait3A_427 = arith.constant 0 : i32
      %dma_wait3A_428 = tpu.memref_slice %arg3[%mul3A_418, %dma_wait3A_426, %dma_wait3A_427] : memref<15625x8x128xf32, #tpu.memory_space<hbm>> -> memref<8x8x128xf32, #tpu.memory_space<hbm>>
      %dma_wait3A_429 = arith.constant 0 : i32
      %dma_wait3A_430 = arith.constant 0 : i32
      %dma_wait3A_431 = arith.constant 0 : i32
      %dma_wait3A_432 = tpu.memref_slice %arg7[%dma_wait3A_429, %dma_wait3A_430, %dma_wait3A_431] : memref<8x8x128xf32, #tpu.memory_space<vmem>> -> memref<8x8x128xf32, #tpu.memory_space<vmem>>
      tpu.wait_dma2 semaphore(%arg13 : memref<!tpu.dma_semaphore, #tpu.memory_space<semaphore_mem>>) src(%dma_wait3A_432 : memref<8x8x128xf32, #tpu.memory_space<vmem>>) dst(%dma_wait3A_428 : memref<8x8x128xf32, #tpu.memory_space<hbm>>)
    } else {
    }
    %eq3A_226 = arith.constant 61 : i32
    %eq3A_227 = arith.cmpi eq, %select_n3A, %eq3A_226 : i32
    %convert_element_type3A_228 = arith.extui %eq3A_227 : i1 to i32
    %cond3A_229 = arith.constant 0 : i32
    %cond3A_230 = arith.cmpi ne, %convert_element_type3A_228, %cond3A_229 : i32
    scf.if %cond3A_230 {
      %add3A_252 = arith.constant 59 : i32
      %add3A_253 = arith.addi %add3A_4, %add3A_252 : i32
      %mul3A_254 = arith.constant 8 : i32
      %mul3A_255 = arith.muli %add3A_253, %mul3A_254 : i32
      %dma_wait3A_256 = arith.constant 0 : i32
      %dma_wait3A_257 = arith.constant 0 : i32
      %dma_wait3A_258 = arith.constant 0 : i32
      %dma_wait3A_259 = tpu.memref_slice %arg7[%dma_wait3A_256, %dma_wait3A_257, %dma_wait3A_258] : memref<8x8x128xf32, #tpu.memory_space<vmem>> -> memref<8x8x128xf32, #tpu.memory_space<vmem>>
      %dma_wait3A_260 = arith.constant 0 : i32
      %dma_wait3A_261 = arith.constant 0 : i32
      %dma_wait3A_262 = tpu.memref_slice %arg3[%mul3A_255, %dma_wait3A_260, %dma_wait3A_261] : memref<15625x8x128xf32, #tpu.memory_space<hbm>> -> memref<8x8x128xf32, #tpu.memory_space<hbm>>
      %dma_wait3A_263 = arith.constant 0 : i32
      %dma_wait3A_264 = arith.constant 0 : i32
      %dma_wait3A_265 = tpu.memref_slice %arg3[%mul3A_255, %dma_wait3A_263, %dma_wait3A_264] : memref<15625x8x128xf32, #tpu.memory_space<hbm>> -> memref<8x8x128xf32, #tpu.memory_space<hbm>>
      %dma_wait3A_266 = arith.constant 0 : i32
      %dma_wait3A_267 = arith.constant 0 : i32
      %dma_wait3A_268 = arith.constant 0 : i32
      %dma_wait3A_269 = tpu.memref_slice %arg7[%dma_wait3A_266, %dma_wait3A_267, %dma_wait3A_268] : memref<8x8x128xf32, #tpu.memory_space<vmem>> -> memref<8x8x128xf32, #tpu.memory_space<vmem>>
      tpu.wait_dma2 semaphore(%arg13 : memref<!tpu.dma_semaphore, #tpu.memory_space<semaphore_mem>>) src(%dma_wait3A_269 : memref<8x8x128xf32, #tpu.memory_space<vmem>>) dst(%dma_wait3A_265 : memref<8x8x128xf32, #tpu.memory_space<hbm>>)
    } else {
    }
    %mul3A_231 = arith.constant 8 : i32
    %mul3A_232 = arith.muli %add3A_62, %mul3A_231 : i32
    %dma_wait3A_233 = arith.constant 0 : i32
    %dma_wait3A_234 = arith.constant 0 : i32
    %dma_wait3A_235 = arith.constant 0 : i32
    %dma_wait3A_236 = tpu.memref_slice %arg6[%dma_wait3A_233, %dma_wait3A_234, %dma_wait3A_235] : memref<8x8x128xf32, #tpu.memory_space<vmem>> -> memref<8x8x128xf32, #tpu.memory_space<vmem>>
    %dma_wait3A_237 = arith.constant 0 : i32
    %dma_wait3A_238 = arith.constant 0 : i32
    %dma_wait3A_239 = tpu.memref_slice %arg3[%mul3A_232, %dma_wait3A_237, %dma_wait3A_238] : memref<15625x8x128xf32, #tpu.memory_space<hbm>> -> memref<8x8x128xf32, #tpu.memory_space<hbm>>
    %dma_wait3A_240 = arith.constant 0 : i32
    %dma_wait3A_241 = arith.constant 0 : i32
    %dma_wait3A_242 = tpu.memref_slice %arg3[%mul3A_232, %dma_wait3A_240, %dma_wait3A_241] : memref<15625x8x128xf32, #tpu.memory_space<hbm>> -> memref<8x8x128xf32, #tpu.memory_space<hbm>>
    %dma_wait3A_243 = arith.constant 0 : i32
    %dma_wait3A_244 = arith.constant 0 : i32
    %dma_wait3A_245 = arith.constant 0 : i32
    %dma_wait3A_246 = tpu.memref_slice %arg6[%dma_wait3A_243, %dma_wait3A_244, %dma_wait3A_245] : memref<8x8x128xf32, #tpu.memory_space<vmem>> -> memref<8x8x128xf32, #tpu.memory_space<vmem>>
    tpu.wait_dma2 semaphore(%arg12 : memref<!tpu.dma_semaphore, #tpu.memory_space<semaphore_mem>>) src(%dma_wait3A_246 : memref<8x8x128xf32, #tpu.memory_space<vmem>>) dst(%dma_wait3A_242 : memref<8x8x128xf32, #tpu.memory_space<hbm>>)
    %eq3A_247 = arith.constant 31 : i32
    %eq3A_248 = arith.cmpi eq, %add3A, %eq3A_247 : i32
    %convert_element_type3A_249 = arith.extui %eq3A_248 : i1 to i32
    %cond3A_250 = arith.constant 0 : i32
    %cond3A_251 = arith.cmpi ne, %convert_element_type3A_249, %cond3A_250 : i32
    scf.if %cond3A_251 {
      %mul3A_252 = arith.constant 7812 : i32
      %mul3A_253 = arith.constant 128 : i32
      %mul3A_254 = arith.muli %mul3A_252, %mul3A_253 : i32
      %mul3A_255 = arith.constant 7812 : i32
      %mul3A_256 = arith.constant 128 : i32
      %mul3A_257 = arith.muli %mul3A_255, %mul3A_256 : i32
      %dma_start3A_258 = arith.constant 0 : i32
      %dma_start3A_259 = arith.constant 0 : i32
      %dma_start3A_260 = tpu.memref_slice %arg4[%dma_start3A_258, %dma_start3A_259] : memref<16x515xf32, #tpu.memory_space<vmem>> -> memref<8x128xf32, #tpu.memory_space<vmem>>
      %dma_start3A_261 = arith.constant 0 : i32
      %dma_start3A_262 = tpu.memref_slice %arg2[%dma_start3A_261, %mul3A_254] : memref<16x1000000xf32, #tpu.memory_space<hbm>> -> memref<8x128xf32, #tpu.memory_space<hbm>>
      %dma_start3A_263 = arith.constant 0 : i32
      %dma_start3A_264 = arith.constant 0 : i32
      %dma_start3A_265 = tpu.memref_slice %arg4[%dma_start3A_263, %dma_start3A_264] : memref<16x515xf32, #tpu.memory_space<vmem>> -> memref<8x128xf32, #tpu.memory_space<vmem>>
      %dma_start3A_266 = arith.constant 0 : i32
      %dma_start3A_267 = tpu.memref_slice %arg2[%dma_start3A_266, %mul3A_254] : memref<16x1000000xf32, #tpu.memory_space<hbm>> -> memref<8x128xf32, #tpu.memory_space<hbm>>
      tpu.enqueue_dma source(%dma_start3A_267 : memref<8x128xf32, #tpu.memory_space<hbm>>) target(%dma_start3A_265 : memref<8x128xf32, #tpu.memory_space<vmem>>) target_semaphore(%arg10 : memref<!tpu.dma_semaphore, #tpu.memory_space<semaphore_mem>>)
      %dma_start3A_268 = arith.constant 8 : i32
      %dma_start3A_269 = arith.constant 0 : i32
      %dma_start3A_270 = tpu.memref_slice %arg4[%dma_start3A_268, %dma_start3A_269] : memref<16x515xf32, #tpu.memory_space<vmem>> -> memref<8x128xf32, #tpu.memory_space<vmem>>
      %dma_start3A_271 = arith.constant 8 : i32
      %dma_start3A_272 = tpu.memref_slice %arg2[%dma_start3A_271, %mul3A_257] : memref<16x1000000xf32, #tpu.memory_space<hbm>> -> memref<8x128xf32, #tpu.memory_space<hbm>>
      %dma_start3A_273 = arith.constant 8 : i32
      %dma_start3A_274 = arith.constant 0 : i32
      %dma_start3A_275 = tpu.memref_slice %arg4[%dma_start3A_273, %dma_start3A_274] : memref<16x515xf32, #tpu.memory_space<vmem>> -> memref<8x128xf32, #tpu.memory_space<vmem>>
      %dma_start3A_276 = arith.constant 8 : i32
      %dma_start3A_277 = tpu.memref_slice %arg2[%dma_start3A_276, %mul3A_257] : memref<16x1000000xf32, #tpu.memory_space<hbm>> -> memref<8x128xf32, #tpu.memory_space<hbm>>
      tpu.enqueue_dma source(%dma_start3A_277 : memref<8x128xf32, #tpu.memory_space<hbm>>) target(%dma_start3A_275 : memref<8x128xf32, #tpu.memory_space<vmem>>) target_semaphore(%arg10 : memref<!tpu.dma_semaphore, #tpu.memory_space<semaphore_mem>>)
      %dma_wait3A_278 = arith.constant 0 : i32
      %dma_wait3A_279 = arith.constant 0 : i32
      %dma_wait3A_280 = tpu.memref_slice %arg4[%dma_wait3A_278, %dma_wait3A_279] : memref<16x515xf32, #tpu.memory_space<vmem>> -> memref<8x128xf32, #tpu.memory_space<vmem>>
      %dma_wait3A_281 = arith.constant 0 : i32
      %dma_wait3A_282 = tpu.memref_slice %arg2[%dma_wait3A_281, %mul3A_254] : memref<16x1000000xf32, #tpu.memory_space<hbm>> -> memref<8x128xf32, #tpu.memory_space<hbm>>
      %dma_wait3A_283 = arith.constant 0 : i32
      %dma_wait3A_284 = arith.constant 0 : i32
      %dma_wait3A_285 = tpu.memref_slice %arg4[%dma_wait3A_283, %dma_wait3A_284] : memref<16x515xf32, #tpu.memory_space<vmem>> -> memref<8x128xf32, #tpu.memory_space<vmem>>
      %dma_wait3A_286 = arith.constant 0 : i32
      %dma_wait3A_287 = tpu.memref_slice %arg2[%dma_wait3A_286, %mul3A_254] : memref<16x1000000xf32, #tpu.memory_space<hbm>> -> memref<8x128xf32, #tpu.memory_space<hbm>>
      tpu.wait_dma2 semaphore(%arg10 : memref<!tpu.dma_semaphore, #tpu.memory_space<semaphore_mem>>) src(%dma_wait3A_287 : memref<8x128xf32, #tpu.memory_space<hbm>>) dst(%dma_wait3A_285 : memref<8x128xf32, #tpu.memory_space<vmem>>)
      %dma_wait3A_288 = arith.constant 8 : i32
      %dma_wait3A_289 = arith.constant 0 : i32
      %dma_wait3A_290 = tpu.memref_slice %arg4[%dma_wait3A_288, %dma_wait3A_289] : memref<16x515xf32, #tpu.memory_space<vmem>> -> memref<8x128xf32, #tpu.memory_space<vmem>>
      %dma_wait3A_291 = arith.constant 8 : i32
      %dma_wait3A_292 = tpu.memref_slice %arg2[%dma_wait3A_291, %mul3A_257] : memref<16x1000000xf32, #tpu.memory_space<hbm>> -> memref<8x128xf32, #tpu.memory_space<hbm>>
      %dma_wait3A_293 = arith.constant 8 : i32
      %dma_wait3A_294 = arith.constant 0 : i32
      %dma_wait3A_295 = tpu.memref_slice %arg4[%dma_wait3A_293, %dma_wait3A_294] : memref<16x515xf32, #tpu.memory_space<vmem>> -> memref<8x128xf32, #tpu.memory_space<vmem>>
      %dma_wait3A_296 = arith.constant 8 : i32
      %dma_wait3A_297 = tpu.memref_slice %arg2[%dma_wait3A_296, %mul3A_257] : memref<16x1000000xf32, #tpu.memory_space<hbm>> -> memref<8x128xf32, #tpu.memory_space<hbm>>
      tpu.wait_dma2 semaphore(%arg10 : memref<!tpu.dma_semaphore, #tpu.memory_space<semaphore_mem>>) src(%dma_wait3A_297 : memref<8x128xf32, #tpu.memory_space<hbm>>) dst(%dma_wait3A_295 : memref<8x128xf32, #tpu.memory_space<vmem>>)
      %mul3A_298 = arith.constant 17 : i32
      %mul3A_299 = vector.broadcast %mul3A_298 : i32 to vector<16xi32>
      %mul3A_300 = arith.muli %iota3A, %mul3A_299 : vector<16xi32>
      %scan3A_301 = arith.constant 0 : i32
      %scan3A_302 = arith.constant 0 : i32
      %scan3A_303 = arith.constant 4 : i32
      %scan3A_304 = arith.addi %scan3A_302, %scan3A_303 : i32
      %scan3A_305 = arith.constant 1 : i32
      scf.for %scan3A_435 = %scan3A_302 to %scan3A_304 step %scan3A_305  : i32 {
        %mul3A_436 = arith.constant 16 : i32
        %mul3A_437 = arith.muli %scan3A_435, %mul3A_436 : i32
        %get3A = arith.constant 0 : i32
        %get3A_438 = arith.index_cast %get3A : i32 to index
        %get3A_439 = arith.index_cast %mul3A_437 : i32 to index
        %get3A_440 = tpu.vector_load %arg4[%get3A_438, %get3A_439] {strides = array<i32>} : memref<16x515xf32, #tpu.memory_space<vmem>>, vector<16xf32>,
        %mul3A_441 = arith.constant 272 : i32
        %mul3A_442 = arith.muli %scan3A_435, %mul3A_441 : i32
        %add3A_443 = arith.constant 0 : i32
        %add3A_444 = arith.addi %mul3A_442, %add3A_443 : i32
        %add3A_445 = vector.broadcast %add3A_444 : i32 to vector<16xi32>
        %add3A_446 = arith.addi %mul3A_300, %add3A_445 : vector<16xi32>
        tpu.vector_store_idx %arg8[%add3A_446], %get3A_440 : memref<8720xf32, #tpu.memory_space<vmem>>[vector<16xi32>], vector<16xf32>,
      }
      %scan3A_306 = arith.constant 4 : i32
      %scan3A_307 = arith.constant 0 : i32
      %scan3A_308 = arith.constant 0 : i32
      %scan3A_309 = arith.constant 4 : i32
      %scan3A_310 = arith.addi %scan3A_308, %scan3A_309 : i32
      %scan3A_311 = arith.constant 1 : i32
      scf.for %scan3A_435 = %scan3A_308 to %scan3A_310 step %scan3A_311  : i32 {
        %mul3A_436 = arith.constant 16 : i32
        %mul3A_437 = arith.muli %scan3A_435, %mul3A_436 : i32
        %get3A = arith.constant 1 : i32
        %get3A_438 = arith.index_cast %get3A : i32 to index
        %get3A_439 = arith.index_cast %mul3A_437 : i32 to index
        %get3A_440 = tpu.vector_load %arg4[%get3A_438, %get3A_439] {strides = array<i32>} : memref<16x515xf32, #tpu.memory_space<vmem>>, vector<16xf32>,
        %mul3A_441 = arith.constant 272 : i32
        %mul3A_442 = arith.muli %scan3A_435, %mul3A_441 : i32
        %add3A_443 = arith.constant 1 : i32
        %add3A_444 = arith.addi %mul3A_442, %add3A_443 : i32
        %add3A_445 = vector.broadcast %add3A_444 : i32 to vector<16xi32>
        %add3A_446 = arith.addi %mul3A_300, %add3A_445 : vector<16xi32>
        tpu.vector_store_idx %arg8[%add3A_446], %get3A_440 : memref<8720xf32, #tpu.memory_space<vmem>>[vector<16xi32>], vector<16xf32>,
      }
      %scan3A_312 = arith.constant 4 : i32
      %scan3A_313 = arith.constant 0 : i32
      %scan3A_314 = arith.constant 0 : i32
      %scan3A_315 = arith.constant 4 : i32
      %scan3A_316 = arith.addi %scan3A_314, %scan3A_315 : i32
      %scan3A_317 = arith.constant 1 : i32
      scf.for %scan3A_435 = %scan3A_314 to %scan3A_316 step %scan3A_317  : i32 {
        %mul3A_436 = arith.constant 16 : i32
        %mul3A_437 = arith.muli %scan3A_435, %mul3A_436 : i32
        %get3A = arith.constant 2 : i32
        %get3A_438 = arith.index_cast %get3A : i32 to index
        %get3A_439 = arith.index_cast %mul3A_437 : i32 to index
        %get3A_440 = tpu.vector_load %arg4[%get3A_438, %get3A_439] {strides = array<i32>} : memref<16x515xf32, #tpu.memory_space<vmem>>, vector<16xf32>,
        %mul3A_441 = arith.constant 272 : i32
        %mul3A_442 = arith.muli %scan3A_435, %mul3A_441 : i32
        %add3A_443 = arith.constant 2 : i32
        %add3A_444 = arith.addi %mul3A_442, %add3A_443 : i32
        %add3A_445 = vector.broadcast %add3A_444 : i32 to vector<16xi32>
        %add3A_446 = arith.addi %mul3A_300, %add3A_445 : vector<16xi32>
        tpu.vector_store_idx %arg8[%add3A_446], %get3A_440 : memref<8720xf32, #tpu.memory_space<vmem>>[vector<16xi32>], vector<16xf32>,
      }
      %scan3A_318 = arith.constant 4 : i32
      %scan3A_319 = arith.constant 0 : i32
      %scan3A_320 = arith.constant 0 : i32
      %scan3A_321 = arith.constant 4 : i32
      %scan3A_322 = arith.addi %scan3A_320, %scan3A_321 : i32
      %scan3A_323 = arith.constant 1 : i32
      scf.for %scan3A_435 = %scan3A_320 to %scan3A_322 step %scan3A_323  : i32 {
        %mul3A_436 = arith.constant 16 : i32
        %mul3A_437 = arith.muli %scan3A_435, %mul3A_436 : i32
        %get3A = arith.constant 3 : i32
        %get3A_438 = arith.index_cast %get3A : i32 to index
        %get3A_439 = arith.index_cast %mul3A_437 : i32 to index
        %get3A_440 = tpu.vector_load %arg4[%get3A_438, %get3A_439] {strides = array<i32>} : memref<16x515xf32, #tpu.memory_space<vmem>>, vector<16xf32>,
        %mul3A_441 = arith.constant 272 : i32
        %mul3A_442 = arith.muli %scan3A_435, %mul3A_441 : i32
        %add3A_443 = arith.constant 3 : i32
        %add3A_444 = arith.addi %mul3A_442, %add3A_443 : i32
        %add3A_445 = vector.broadcast %add3A_444 : i32 to vector<16xi32>
        %add3A_446 = arith.addi %mul3A_300, %add3A_445 : vector<16xi32>
        tpu.vector_store_idx %arg8[%add3A_446], %get3A_440 : memref<8720xf32, #tpu.memory_space<vmem>>[vector<16xi32>], vector<16xf32>,
      }
      %scan3A_324 = arith.constant 4 : i32
      %scan3A_325 = arith.constant 0 : i32
      %scan3A_326 = arith.constant 0 : i32
      %scan3A_327 = arith.constant 4 : i32
      %scan3A_328 = arith.addi %scan3A_326, %scan3A_327 : i32
      %scan3A_329 = arith.constant 1 : i32
      scf.for %scan3A_435 = %scan3A_326 to %scan3A_328 step %scan3A_329  : i32 {
        %mul3A_436 = arith.constant 16 : i32
        %mul3A_437 = arith.muli %scan3A_435, %mul3A_436 : i32
        %get3A = arith.constant 4 : i32
        %get3A_438 = arith.index_cast %get3A : i32 to index
        %get3A_439 = arith.index_cast %mul3A_437 : i32 to index
        %get3A_440 = tpu.vector_load %arg4[%get3A_438, %get3A_439] {strides = array<i32>} : memref<16x515xf32, #tpu.memory_space<vmem>>, vector<16xf32>,
        %mul3A_441 = arith.constant 272 : i32
        %mul3A_442 = arith.muli %scan3A_435, %mul3A_441 : i32
        %add3A_443 = arith.constant 4 : i32
        %add3A_444 = arith.addi %mul3A_442, %add3A_443 : i32
        %add3A_445 = vector.broadcast %add3A_444 : i32 to vector<16xi32>
        %add3A_446 = arith.addi %mul3A_300, %add3A_445 : vector<16xi32>
        tpu.vector_store_idx %arg8[%add3A_446], %get3A_440 : memref<8720xf32, #tpu.memory_space<vmem>>[vector<16xi32>], vector<16xf32>,
      }
      %scan3A_330 = arith.constant 4 : i32
      %scan3A_331 = arith.constant 0 : i32
      %scan3A_332 = arith.constant 0 : i32
      %scan3A_333 = arith.constant 4 : i32
      %scan3A_334 = arith.addi %scan3A_332, %scan3A_333 : i32
      %scan3A_335 = arith.constant 1 : i32
      scf.for %scan3A_435 = %scan3A_332 to %scan3A_334 step %scan3A_335  : i32 {
        %mul3A_436 = arith.constant 16 : i32
        %mul3A_437 = arith.muli %scan3A_435, %mul3A_436 : i32
        %get3A = arith.constant 5 : i32
        %get3A_438 = arith.index_cast %get3A : i32 to index
        %get3A_439 = arith.index_cast %mul3A_437 : i32 to index
        %get3A_440 = tpu.vector_load %arg4[%get3A_438, %get3A_439] {strides = array<i32>} : memref<16x515xf32, #tpu.memory_space<vmem>>, vector<16xf32>,
        %mul3A_441 = arith.constant 272 : i32
        %mul3A_442 = arith.muli %scan3A_435, %mul3A_441 : i32
        %add3A_443 = arith.constant 5 : i32
        %add3A_444 = arith.addi %mul3A_442, %add3A_443 : i32
        %add3A_445 = vector.broadcast %add3A_444 : i32 to vector<16xi32>
        %add3A_446 = arith.addi %mul3A_300, %add3A_445 : vector<16xi32>
        tpu.vector_store_idx %arg8[%add3A_446], %get3A_440 : memref<8720xf32, #tpu.memory_space<vmem>>[vector<16xi32>], vector<16xf32>,
      }
      %scan3A_336 = arith.constant 4 : i32
      %scan3A_337 = arith.constant 0 : i32
      %scan3A_338 = arith.constant 0 : i32
      %scan3A_339 = arith.constant 4 : i32
      %scan3A_340 = arith.addi %scan3A_338, %scan3A_339 : i32
      %scan3A_341 = arith.constant 1 : i32
      scf.for %scan3A_435 = %scan3A_338 to %scan3A_340 step %scan3A_341  : i32 {
        %mul3A_436 = arith.constant 16 : i32
        %mul3A_437 = arith.muli %scan3A_435, %mul3A_436 : i32
        %get3A = arith.constant 6 : i32
        %get3A_438 = arith.index_cast %get3A : i32 to index
        %get3A_439 = arith.index_cast %mul3A_437 : i32 to index
        %get3A_440 = tpu.vector_load %arg4[%get3A_438, %get3A_439] {strides = array<i32>} : memref<16x515xf32, #tpu.memory_space<vmem>>, vector<16xf32>,
        %mul3A_441 = arith.constant 272 : i32
        %mul3A_442 = arith.muli %scan3A_435, %mul3A_441 : i32
        %add3A_443 = arith.constant 6 : i32
        %add3A_444 = arith.addi %mul3A_442, %add3A_443 : i32
        %add3A_445 = vector.broadcast %add3A_444 : i32 to vector<16xi32>
        %add3A_446 = arith.addi %mul3A_300, %add3A_445 : vector<16xi32>
        tpu.vector_store_idx %arg8[%add3A_446], %get3A_440 : memref<8720xf32, #tpu.memory_space<vmem>>[vector<16xi32>], vector<16xf32>,
      }
      %scan3A_342 = arith.constant 4 : i32
      %scan3A_343 = arith.constant 0 : i32
      %scan3A_344 = arith.constant 0 : i32
      %scan3A_345 = arith.constant 4 : i32
      %scan3A_346 = arith.addi %scan3A_344, %scan3A_345 : i32
      %scan3A_347 = arith.constant 1 : i32
      scf.for %scan3A_435 = %scan3A_344 to %scan3A_346 step %scan3A_347  : i32 {
        %mul3A_436 = arith.constant 16 : i32
        %mul3A_437 = arith.muli %scan3A_435, %mul3A_436 : i32
        %get3A = arith.constant 7 : i32
        %get3A_438 = arith.index_cast %get3A : i32 to index
        %get3A_439 = arith.index_cast %mul3A_437 : i32 to index
        %get3A_440 = tpu.vector_load %arg4[%get3A_438, %get3A_439] {strides = array<i32>} : memref<16x515xf32, #tpu.memory_space<vmem>>, vector<16xf32>,
        %mul3A_441 = arith.constant 272 : i32
        %mul3A_442 = arith.muli %scan3A_435, %mul3A_441 : i32
        %add3A_443 = arith.constant 7 : i32
        %add3A_444 = arith.addi %mul3A_442, %add3A_443 : i32
        %add3A_445 = vector.broadcast %add3A_444 : i32 to vector<16xi32>
        %add3A_446 = arith.addi %mul3A_300, %add3A_445 : vector<16xi32>
        tpu.vector_store_idx %arg8[%add3A_446], %get3A_440 : memref<8720xf32, #tpu.memory_space<vmem>>[vector<16xi32>], vector<16xf32>,
      }
      %scan3A_348 = arith.constant 4 : i32
      %scan3A_349 = arith.constant 0 : i32
      %scan3A_350 = arith.constant 0 : i32
      %scan3A_351 = arith.constant 4 : i32
      %scan3A_352 = arith.addi %scan3A_350, %scan3A_351 : i32
      %scan3A_353 = arith.constant 1 : i32
      scf.for %scan3A_435 = %scan3A_350 to %scan3A_352 step %scan3A_353  : i32 {
        %mul3A_436 = arith.constant 16 : i32
        %mul3A_437 = arith.muli %scan3A_435, %mul3A_436 : i32
        %get3A = arith.constant 8 : i32
        %get3A_438 = arith.index_cast %get3A : i32 to index
        %get3A_439 = arith.index_cast %mul3A_437 : i32 to index
        %get3A_440 = tpu.vector_load %arg4[%get3A_438, %get3A_439] {strides = array<i32>} : memref<16x515xf32, #tpu.memory_space<vmem>>, vector<16xf32>,
        %mul3A_441 = arith.constant 272 : i32
        %mul3A_442 = arith.muli %scan3A_435, %mul3A_441 : i32
        %add3A_443 = arith.constant 8 : i32
        %add3A_444 = arith.addi %mul3A_442, %add3A_443 : i32
        %add3A_445 = vector.broadcast %add3A_444 : i32 to vector<16xi32>
        %add3A_446 = arith.addi %mul3A_300, %add3A_445 : vector<16xi32>
        tpu.vector_store_idx %arg8[%add3A_446], %get3A_440 : memref<8720xf32, #tpu.memory_space<vmem>>[vector<16xi32>], vector<16xf32>,
      }
      %scan3A_354 = arith.constant 4 : i32
      %scan3A_355 = arith.constant 0 : i32
      %scan3A_356 = arith.constant 0 : i32
      %scan3A_357 = arith.constant 4 : i32
      %scan3A_358 = arith.addi %scan3A_356, %scan3A_357 : i32
      %scan3A_359 = arith.constant 1 : i32
      scf.for %scan3A_435 = %scan3A_356 to %scan3A_358 step %scan3A_359  : i32 {
        %mul3A_436 = arith.constant 16 : i32
        %mul3A_437 = arith.muli %scan3A_435, %mul3A_436 : i32
        %get3A = arith.constant 9 : i32
        %get3A_438 = arith.index_cast %get3A : i32 to index
        %get3A_439 = arith.index_cast %mul3A_437 : i32 to index
        %get3A_440 = tpu.vector_load %arg4[%get3A_438, %get3A_439] {strides = array<i32>} : memref<16x515xf32, #tpu.memory_space<vmem>>, vector<16xf32>,
        %mul3A_441 = arith.constant 272 : i32
        %mul3A_442 = arith.muli %scan3A_435, %mul3A_441 : i32
        %add3A_443 = arith.constant 9 : i32
        %add3A_444 = arith.addi %mul3A_442, %add3A_443 : i32
        %add3A_445 = vector.broadcast %add3A_444 : i32 to vector<16xi32>
        %add3A_446 = arith.addi %mul3A_300, %add3A_445 : vector<16xi32>
        tpu.vector_store_idx %arg8[%add3A_446], %get3A_440 : memref<8720xf32, #tpu.memory_space<vmem>>[vector<16xi32>], vector<16xf32>,
      }
      %scan3A_360 = arith.constant 4 : i32
      %scan3A_361 = arith.constant 0 : i32
      %scan3A_362 = arith.constant 0 : i32
      %scan3A_363 = arith.constant 4 : i32
      %scan3A_364 = arith.addi %scan3A_362, %scan3A_363 : i32
      %scan3A_365 = arith.constant 1 : i32
      scf.for %scan3A_435 = %scan3A_362 to %scan3A_364 step %scan3A_365  : i32 {
        %mul3A_436 = arith.constant 16 : i32
        %mul3A_437 = arith.muli %scan3A_435, %mul3A_436 : i32
        %get3A = arith.constant 10 : i32
        %get3A_438 = arith.index_cast %get3A : i32 to index
        %get3A_439 = arith.index_cast %mul3A_437 : i32 to index
        %get3A_440 = tpu.vector_load %arg4[%get3A_438, %get3A_439] {strides = array<i32>} : memref<16x515xf32, #tpu.memory_space<vmem>>, vector<16xf32>,
        %mul3A_441 = arith.constant 272 : i32
        %mul3A_442 = arith.muli %scan3A_435, %mul3A_441 : i32
        %add3A_443 = arith.constant 10 : i32
        %add3A_444 = arith.addi %mul3A_442, %add3A_443 : i32
        %add3A_445 = vector.broadcast %add3A_444 : i32 to vector<16xi32>
        %add3A_446 = arith.addi %mul3A_300, %add3A_445 : vector<16xi32>
        tpu.vector_store_idx %arg8[%add3A_446], %get3A_440 : memref<8720xf32, #tpu.memory_space<vmem>>[vector<16xi32>], vector<16xf32>,
      }
      %scan3A_366 = arith.constant 4 : i32
      %scan3A_367 = arith.constant 0 : i32
      %scan3A_368 = arith.constant 0 : i32
      %scan3A_369 = arith.constant 4 : i32
      %scan3A_370 = arith.addi %scan3A_368, %scan3A_369 : i32
      %scan3A_371 = arith.constant 1 : i32
      scf.for %scan3A_435 = %scan3A_368 to %scan3A_370 step %scan3A_371  : i32 {
        %mul3A_436 = arith.constant 16 : i32
        %mul3A_437 = arith.muli %scan3A_435, %mul3A_436 : i32
        %get3A = arith.constant 11 : i32
        %get3A_438 = arith.index_cast %get3A : i32 to index
        %get3A_439 = arith.index_cast %mul3A_437 : i32 to index
        %get3A_440 = tpu.vector_load %arg4[%get3A_438, %get3A_439] {strides = array<i32>} : memref<16x515xf32, #tpu.memory_space<vmem>>, vector<16xf32>,
        %mul3A_441 = arith.constant 272 : i32
        %mul3A_442 = arith.muli %scan3A_435, %mul3A_441 : i32
        %add3A_443 = arith.constant 11 : i32
        %add3A_444 = arith.addi %mul3A_442, %add3A_443 : i32
        %add3A_445 = vector.broadcast %add3A_444 : i32 to vector<16xi32>
        %add3A_446 = arith.addi %mul3A_300, %add3A_445 : vector<16xi32>
        tpu.vector_store_idx %arg8[%add3A_446], %get3A_440 : memref<8720xf32, #tpu.memory_space<vmem>>[vector<16xi32>], vector<16xf32>,
      }
      %scan3A_372 = arith.constant 4 : i32
      %scan3A_373 = arith.constant 0 : i32
      %scan3A_374 = arith.constant 0 : i32
      %scan3A_375 = arith.constant 4 : i32
      %scan3A_376 = arith.addi %scan3A_374, %scan3A_375 : i32
      %scan3A_377 = arith.constant 1 : i32
      scf.for %scan3A_435 = %scan3A_374 to %scan3A_376 step %scan3A_377  : i32 {
        %mul3A_436 = arith.constant 16 : i32
        %mul3A_437 = arith.muli %scan3A_435, %mul3A_436 : i32
        %get3A = arith.constant 12 : i32
        %get3A_438 = arith.index_cast %get3A : i32 to index
        %get3A_439 = arith.index_cast %mul3A_437 : i32 to index
        %get3A_440 = tpu.vector_load %arg4[%get3A_438, %get3A_439] {strides = array<i32>} : memref<16x515xf32, #tpu.memory_space<vmem>>, vector<16xf32>,
        %mul3A_441 = arith.constant 272 : i32
        %mul3A_442 = arith.muli %scan3A_435, %mul3A_441 : i32
        %add3A_443 = arith.constant 12 : i32
        %add3A_444 = arith.addi %mul3A_442, %add3A_443 : i32
        %add3A_445 = vector.broadcast %add3A_444 : i32 to vector<16xi32>
        %add3A_446 = arith.addi %mul3A_300, %add3A_445 : vector<16xi32>
        tpu.vector_store_idx %arg8[%add3A_446], %get3A_440 : memref<8720xf32, #tpu.memory_space<vmem>>[vector<16xi32>], vector<16xf32>,
      }
      %scan3A_378 = arith.constant 4 : i32
      %scan3A_379 = arith.constant 0 : i32
      %scan3A_380 = arith.constant 0 : i32
      %scan3A_381 = arith.constant 4 : i32
      %scan3A_382 = arith.addi %scan3A_380, %scan3A_381 : i32
      %scan3A_383 = arith.constant 1 : i32
      scf.for %scan3A_435 = %scan3A_380 to %scan3A_382 step %scan3A_383  : i32 {
        %mul3A_436 = arith.constant 16 : i32
        %mul3A_437 = arith.muli %scan3A_435, %mul3A_436 : i32
        %get3A = arith.constant 13 : i32
        %get3A_438 = arith.index_cast %get3A : i32 to index
        %get3A_439 = arith.index_cast %mul3A_437 : i32 to index
        %get3A_440 = tpu.vector_load %arg4[%get3A_438, %get3A_439] {strides = array<i32>} : memref<16x515xf32, #tpu.memory_space<vmem>>, vector<16xf32>,
        %mul3A_441 = arith.constant 272 : i32
        %mul3A_442 = arith.muli %scan3A_435, %mul3A_441 : i32
        %add3A_443 = arith.constant 13 : i32
        %add3A_444 = arith.addi %mul3A_442, %add3A_443 : i32
        %add3A_445 = vector.broadcast %add3A_444 : i32 to vector<16xi32>
        %add3A_446 = arith.addi %mul3A_300, %add3A_445 : vector<16xi32>
        tpu.vector_store_idx %arg8[%add3A_446], %get3A_440 : memref<8720xf32, #tpu.memory_space<vmem>>[vector<16xi32>], vector<16xf32>,
      }
      %scan3A_384 = arith.constant 4 : i32
      %scan3A_385 = arith.constant 0 : i32
      %scan3A_386 = arith.constant 0 : i32
      %scan3A_387 = arith.constant 4 : i32
      %scan3A_388 = arith.addi %scan3A_386, %scan3A_387 : i32
      %scan3A_389 = arith.constant 1 : i32
      scf.for %scan3A_435 = %scan3A_386 to %scan3A_388 step %scan3A_389  : i32 {
        %mul3A_436 = arith.constant 16 : i32
        %mul3A_437 = arith.muli %scan3A_435, %mul3A_436 : i32
        %get3A = arith.constant 14 : i32
        %get3A_438 = arith.index_cast %get3A : i32 to index
        %get3A_439 = arith.index_cast %mul3A_437 : i32 to index
        %get3A_440 = tpu.vector_load %arg4[%get3A_438, %get3A_439] {strides = array<i32>} : memref<16x515xf32, #tpu.memory_space<vmem>>, vector<16xf32>,
        %mul3A_441 = arith.constant 272 : i32
        %mul3A_442 = arith.muli %scan3A_435, %mul3A_441 : i32
        %add3A_443 = arith.constant 14 : i32
        %add3A_444 = arith.addi %mul3A_442, %add3A_443 : i32
        %add3A_445 = vector.broadcast %add3A_444 : i32 to vector<16xi32>
        %add3A_446 = arith.addi %mul3A_300, %add3A_445 : vector<16xi32>
        tpu.vector_store_idx %arg8[%add3A_446], %get3A_440 : memref<8720xf32, #tpu.memory_space<vmem>>[vector<16xi32>], vector<16xf32>,
      }
      %scan3A_390 = arith.constant 4 : i32
      %scan3A_391 = arith.constant 0 : i32
      %scan3A_392 = arith.constant 0 : i32
      %scan3A_393 = arith.constant 4 : i32
      %scan3A_394 = arith.addi %scan3A_392, %scan3A_393 : i32
      %scan3A_395 = arith.constant 1 : i32
      scf.for %scan3A_435 = %scan3A_392 to %scan3A_394 step %scan3A_395  : i32 {
        %mul3A_436 = arith.constant 16 : i32
        %mul3A_437 = arith.muli %scan3A_435, %mul3A_436 : i32
        %get3A = arith.constant 15 : i32
        %get3A_438 = arith.index_cast %get3A : i32 to index
        %get3A_439 = arith.index_cast %mul3A_437 : i32 to index
        %get3A_440 = tpu.vector_load %arg4[%get3A_438, %get3A_439] {strides = array<i32>} : memref<16x515xf32, #tpu.memory_space<vmem>>, vector<16xf32>,
        %mul3A_441 = arith.constant 272 : i32
        %mul3A_442 = arith.muli %scan3A_435, %mul3A_441 : i32
        %add3A_443 = arith.constant 15 : i32
        %add3A_444 = arith.addi %mul3A_442, %add3A_443 : i32
        %add3A_445 = vector.broadcast %add3A_444 : i32 to vector<16xi32>
        %add3A_446 = arith.addi %mul3A_300, %add3A_445 : vector<16xi32>
        tpu.vector_store_idx %arg8[%add3A_446], %get3A_440 : memref<8720xf32, #tpu.memory_space<vmem>>[vector<16xi32>], vector<16xf32>,
      }
      %scan3A_396 = arith.constant 4 : i32
      %scan3A_397 = arith.constant 0 : i32
      %scan3A_398 = arith.constant 0 : i32
      %scan3A_399 = arith.constant 8 : i32
      %scan3A_400 = arith.addi %scan3A_398, %scan3A_399 : i32
      %scan3A_401 = arith.constant 1 : i32
      scf.for %scan3A_435 = %scan3A_398 to %scan3A_400 step %scan3A_401  : i32 {
        %jit3A_436 = arith.constant 8 : i32
        %div3A = arith.divsi %scan3A_435, %jit3A_436 : i32
        %sign3A = arith.constant 0 : i32
        %sign3A_437 = arith.cmpi sgt, %scan3A_435, %sign3A : i32
        %sign3A_438 = arith.extui %sign3A_437 : i1 to i32
        %sign3A_439 = arith.constant 0 : i32
        %sign3A_440 = arith.cmpi slt, %scan3A_435, %sign3A_439 : i32
        %sign3A_441 = arith.extui %sign3A_440 : i1 to i32
        %sign3A_442 = arith.subi %sign3A_438, %sign3A_441 : i32
        %sign3A_443 = arith.constant 0 : i32
        %sign3A_444 = arith.cmpi sgt, %jit3A_436, %sign3A_443 : i32
        %sign3A_445 = arith.extui %sign3A_444 : i1 to i32
        %sign3A_446 = arith.constant 0 : i32
        %sign3A_447 = arith.cmpi slt, %jit3A_436, %sign3A_446 : i32
        %sign3A_448 = arith.extui %sign3A_447 : i1 to i32
        %sign3A_449 = arith.subi %sign3A_445, %sign3A_448 : i32
        %ne3A = arith.cmpi ne, %sign3A_442, %sign3A_449 : i32
        %rem3A = arith.remsi %scan3A_435, %jit3A_436 : i32
        %ne3A_450 = arith.constant 0 : i32
        %ne3A_451 = arith.cmpi ne, %rem3A, %ne3A_450 : i32
        %and3A = arith.andi %ne3A, %ne3A_451 : i1
        %sub3A_452 = arith.constant 1 : i32
        %sub3A_453 = arith.subi %div3A, %sub3A_452 : i32
        %select_n3A_454 = arith.select %and3A, %sub3A_453, %div3A : i32
        %jit3A_455 = arith.constant 8 : i32
        %eq3A_456 = arith.constant 0 : i32
        %eq3A_457 = arith.cmpi eq, %jit3A_455, %eq3A_456 : i32
        %jit3A_458 = arith.constant 1 : i32
        %select_n3A_459 = arith.select %eq3A_457, %jit3A_458, %jit3A_455 : i32
        %rem3A_460 = arith.remsi %scan3A_435, %select_n3A_459 : i32
        %ne3A_461 = arith.constant 0 : i32
        %ne3A_462 = arith.cmpi ne, %rem3A_460, %ne3A_461 : i32
        %lt3A_463 = arith.constant 0 : i32
        %lt3A_464 = arith.cmpi slt, %rem3A_460, %lt3A_463 : i32
        %lt3A_465 = arith.constant 0 : i32
        %lt3A_466 = arith.cmpi slt, %select_n3A_459, %lt3A_465 : i32
        %ne3A_467 = arith.xori %lt3A_464, %lt3A_466 : i1
        %and3A_468 = arith.andi %ne3A_467, %ne3A_462 : i1
        %add3A_469 = arith.addi %rem3A_460, %select_n3A_459 : i32
        %select_n3A_470 = arith.select %and3A_468, %add3A_469, %rem3A_460 : i32
        %mul3A_471 = arith.constant 8 : i32
        %mul3A_472 = arith.muli %scan3A_435, %mul3A_471 : i32
        %add3A_473 = arith.constant 0 : i32
        %add3A_474 = arith.addi %mul3A_472, %add3A_473 : i32
        %mul3A_475 = arith.constant 17 : i32
        %mul3A_476 = arith.muli %add3A_474, %mul3A_475 : i32
        %get3A = arith.index_cast %mul3A_476 : i32 to index
        %get3A_477 = tpu.vector_load %arg8[%get3A] {strides = array<i32>} : memref<8720xf32, #tpu.memory_space<vmem>>, vector<16xf32>,
        %swap3A = arith.constant 0 : i32
        %swap3A_478 = tpu.memref_slice %arg6[%select_n3A_454, %select_n3A_470, %swap3A] : memref<8x8x128xf32, #tpu.memory_space<vmem>> -> memref<1x1x128xf32, #tpu.memory_space<vmem>>
        %swap3A_479 = tpu.memref_squeeze %swap3A_478 : memref<1x1x128xf32, #tpu.memory_space<vmem>> -> memref<128xf32, #tpu.memory_space<vmem>>
        %swap3A_480 = arith.constant 0 : index
        %swap3A_481 = tpu.vector_load %swap3A_479[%swap3A_480] {strides = array<i32>} : memref<128xf32, #tpu.memory_space<vmem>>, vector<16xf32>,
        tpu.vector_store %swap3A_479[%swap3A_480], %get3A_477 {strides = array<i32>} : memref<128xf32, #tpu.memory_space<vmem>>, vector<16xf32>,
        %mul3A_482 = arith.constant 8 : i32
        %mul3A_483 = arith.muli %scan3A_435, %mul3A_482 : i32
        %add3A_484 = arith.constant 1 : i32
        %add3A_485 = arith.addi %mul3A_483, %add3A_484 : i32
        %mul3A_486 = arith.constant 17 : i32
        %mul3A_487 = arith.muli %add3A_485, %mul3A_486 : i32
        %get3A_488 = arith.index_cast %mul3A_487 : i32 to index
        %get3A_489 = tpu.vector_load %arg8[%get3A_488] {strides = array<i32>} : memref<8720xf32, #tpu.memory_space<vmem>>, vector<16xf32>,
        %swap3A_490 = arith.constant 0 : i32
        %swap3A_491 = tpu.memref_slice %arg6[%select_n3A_454, %select_n3A_470, %swap3A_490] : memref<8x8x128xf32, #tpu.memory_space<vmem>> -> memref<1x1x128xf32, #tpu.memory_space<vmem>>
        %swap3A_492 = tpu.memref_squeeze %swap3A_491 : memref<1x1x128xf32, #tpu.memory_space<vmem>> -> memref<128xf32, #tpu.memory_space<vmem>>
        %swap3A_493 = arith.constant 16 : index
        %swap3A_494 = tpu.vector_load %swap3A_492[%swap3A_493] {strides = array<i32>} : memref<128xf32, #tpu.memory_space<vmem>>, vector<16xf32>,
        tpu.vector_store %swap3A_492[%swap3A_493], %get3A_489 {strides = array<i32>} : memref<128xf32, #tpu.memory_space<vmem>>, vector<16xf32>,
        %mul3A_495 = arith.constant 8 : i32
        %mul3A_496 = arith.muli %scan3A_435, %mul3A_495 : i32
        %add3A_497 = arith.constant 2 : i32
        %add3A_498 = arith.addi %mul3A_496, %add3A_497 : i32
        %mul3A_499 = arith.constant 17 : i32
        %mul3A_500 = arith.muli %add3A_498, %mul3A_499 : i32
        %get3A_501 = arith.index_cast %mul3A_500 : i32 to index
        %get3A_502 = tpu.vector_load %arg8[%get3A_501] {strides = array<i32>} : memref<8720xf32, #tpu.memory_space<vmem>>, vector<16xf32>,
        %swap3A_503 = arith.constant 0 : i32
        %swap3A_504 = tpu.memref_slice %arg6[%select_n3A_454, %select_n3A_470, %swap3A_503] : memref<8x8x128xf32, #tpu.memory_space<vmem>> -> memref<1x1x128xf32, #tpu.memory_space<vmem>>
        %swap3A_505 = tpu.memref_squeeze %swap3A_504 : memref<1x1x128xf32, #tpu.memory_space<vmem>> -> memref<128xf32, #tpu.memory_space<vmem>>
        %swap3A_506 = arith.constant 32 : index
        %swap3A_507 = tpu.vector_load %swap3A_505[%swap3A_506] {strides = array<i32>} : memref<128xf32, #tpu.memory_space<vmem>>, vector<16xf32>,
        tpu.vector_store %swap3A_505[%swap3A_506], %get3A_502 {strides = array<i32>} : memref<128xf32, #tpu.memory_space<vmem>>, vector<16xf32>,
        %mul3A_508 = arith.constant 8 : i32
        %mul3A_509 = arith.muli %scan3A_435, %mul3A_508 : i32
        %add3A_510 = arith.constant 3 : i32
        %add3A_511 = arith.addi %mul3A_509, %add3A_510 : i32
        %mul3A_512 = arith.constant 17 : i32
        %mul3A_513 = arith.muli %add3A_511, %mul3A_512 : i32
        %get3A_514 = arith.index_cast %mul3A_513 : i32 to index
        %get3A_515 = tpu.vector_load %arg8[%get3A_514] {strides = array<i32>} : memref<8720xf32, #tpu.memory_space<vmem>>, vector<16xf32>,
        %swap3A_516 = arith.constant 0 : i32
        %swap3A_517 = tpu.memref_slice %arg6[%select_n3A_454, %select_n3A_470, %swap3A_516] : memref<8x8x128xf32, #tpu.memory_space<vmem>> -> memref<1x1x128xf32, #tpu.memory_space<vmem>>
        %swap3A_518 = tpu.memref_squeeze %swap3A_517 : memref<1x1x128xf32, #tpu.memory_space<vmem>> -> memref<128xf32, #tpu.memory_space<vmem>>
        %swap3A_519 = arith.constant 48 : index
        %swap3A_520 = tpu.vector_load %swap3A_518[%swap3A_519] {strides = array<i32>} : memref<128xf32, #tpu.memory_space<vmem>>, vector<16xf32>,
        tpu.vector_store %swap3A_518[%swap3A_519], %get3A_515 {strides = array<i32>} : memref<128xf32, #tpu.memory_space<vmem>>, vector<16xf32>,
        %mul3A_521 = arith.constant 8 : i32
        %mul3A_522 = arith.muli %scan3A_435, %mul3A_521 : i32
        %add3A_523 = arith.constant 4 : i32
        %add3A_524 = arith.addi %mul3A_522, %add3A_523 : i32
        %mul3A_525 = arith.constant 17 : i32
        %mul3A_526 = arith.muli %add3A_524, %mul3A_525 : i32
        %get3A_527 = arith.index_cast %mul3A_526 : i32 to index
        %get3A_528 = tpu.vector_load %arg8[%get3A_527] {strides = array<i32>} : memref<8720xf32, #tpu.memory_space<vmem>>, vector<16xf32>,
        %swap3A_529 = arith.constant 0 : i32
        %swap3A_530 = tpu.memref_slice %arg6[%select_n3A_454, %select_n3A_470, %swap3A_529] : memref<8x8x128xf32, #tpu.memory_space<vmem>> -> memref<1x1x128xf32, #tpu.memory_space<vmem>>
        %swap3A_531 = tpu.memref_squeeze %swap3A_530 : memref<1x1x128xf32, #tpu.memory_space<vmem>> -> memref<128xf32, #tpu.memory_space<vmem>>
        %swap3A_532 = arith.constant 64 : index
        %swap3A_533 = tpu.vector_load %swap3A_531[%swap3A_532] {strides = array<i32>} : memref<128xf32, #tpu.memory_space<vmem>>, vector<16xf32>,
        tpu.vector_store %swap3A_531[%swap3A_532], %get3A_528 {strides = array<i32>} : memref<128xf32, #tpu.memory_space<vmem>>, vector<16xf32>,
        %mul3A_534 = arith.constant 8 : i32
        %mul3A_535 = arith.muli %scan3A_435, %mul3A_534 : i32
        %add3A_536 = arith.constant 5 : i32
        %add3A_537 = arith.addi %mul3A_535, %add3A_536 : i32
        %mul3A_538 = arith.constant 17 : i32
        %mul3A_539 = arith.muli %add3A_537, %mul3A_538 : i32
        %get3A_540 = arith.index_cast %mul3A_539 : i32 to index
        %get3A_541 = tpu.vector_load %arg8[%get3A_540] {strides = array<i32>} : memref<8720xf32, #tpu.memory_space<vmem>>, vector<16xf32>,
        %swap3A_542 = arith.constant 0 : i32
        %swap3A_543 = tpu.memref_slice %arg6[%select_n3A_454, %select_n3A_470, %swap3A_542] : memref<8x8x128xf32, #tpu.memory_space<vmem>> -> memref<1x1x128xf32, #tpu.memory_space<vmem>>
        %swap3A_544 = tpu.memref_squeeze %swap3A_543 : memref<1x1x128xf32, #tpu.memory_space<vmem>> -> memref<128xf32, #tpu.memory_space<vmem>>
        %swap3A_545 = arith.constant 80 : index
        %swap3A_546 = tpu.vector_load %swap3A_544[%swap3A_545] {strides = array<i32>} : memref<128xf32, #tpu.memory_space<vmem>>, vector<16xf32>,
        tpu.vector_store %swap3A_544[%swap3A_545], %get3A_541 {strides = array<i32>} : memref<128xf32, #tpu.memory_space<vmem>>, vector<16xf32>,
        %mul3A_547 = arith.constant 8 : i32
        %mul3A_548 = arith.muli %scan3A_435, %mul3A_547 : i32
        %add3A_549 = arith.constant 6 : i32
        %add3A_550 = arith.addi %mul3A_548, %add3A_549 : i32
        %mul3A_551 = arith.constant 17 : i32
        %mul3A_552 = arith.muli %add3A_550, %mul3A_551 : i32
        %get3A_553 = arith.index_cast %mul3A_552 : i32 to index
        %get3A_554 = tpu.vector_load %arg8[%get3A_553] {strides = array<i32>} : memref<8720xf32, #tpu.memory_space<vmem>>, vector<16xf32>,
        %swap3A_555 = arith.constant 0 : i32
        %swap3A_556 = tpu.memref_slice %arg6[%select_n3A_454, %select_n3A_470, %swap3A_555] : memref<8x8x128xf32, #tpu.memory_space<vmem>> -> memref<1x1x128xf32, #tpu.memory_space<vmem>>
        %swap3A_557 = tpu.memref_squeeze %swap3A_556 : memref<1x1x128xf32, #tpu.memory_space<vmem>> -> memref<128xf32, #tpu.memory_space<vmem>>
        %swap3A_558 = arith.constant 96 : index
        %swap3A_559 = tpu.vector_load %swap3A_557[%swap3A_558] {strides = array<i32>} : memref<128xf32, #tpu.memory_space<vmem>>, vector<16xf32>,
        tpu.vector_store %swap3A_557[%swap3A_558], %get3A_554 {strides = array<i32>} : memref<128xf32, #tpu.memory_space<vmem>>, vector<16xf32>,
        %mul3A_560 = arith.constant 8 : i32
        %mul3A_561 = arith.muli %scan3A_435, %mul3A_560 : i32
        %add3A_562 = arith.constant 7 : i32
        %add3A_563 = arith.addi %mul3A_561, %add3A_562 : i32
        %mul3A_564 = arith.constant 17 : i32
        %mul3A_565 = arith.muli %add3A_563, %mul3A_564 : i32
        %get3A_566 = arith.index_cast %mul3A_565 : i32 to index
        %get3A_567 = tpu.vector_load %arg8[%get3A_566] {strides = array<i32>} : memref<8720xf32, #tpu.memory_space<vmem>>, vector<16xf32>,
        %swap3A_568 = arith.constant 0 : i32
        %swap3A_569 = tpu.memref_slice %arg6[%select_n3A_454, %select_n3A_470, %swap3A_568] : memref<8x8x128xf32, #tpu.memory_space<vmem>> -> memref<1x1x128xf32, #tpu.memory_space<vmem>>
        %swap3A_570 = tpu.memref_squeeze %swap3A_569 : memref<1x1x128xf32, #tpu.memory_space<vmem>> -> memref<128xf32, #tpu.memory_space<vmem>>
        %swap3A_571 = arith.constant 112 : index
        %swap3A_572 = tpu.vector_load %swap3A_570[%swap3A_571] {strides = array<i32>} : memref<128xf32, #tpu.memory_space<vmem>>, vector<16xf32>,
        tpu.vector_store %swap3A_570[%swap3A_571], %get3A_567 {strides = array<i32>} : memref<128xf32, #tpu.memory_space<vmem>>, vector<16xf32>,
      }
      %scan3A_402 = arith.constant 8 : i32
      %dma_start3A_403 = arith.constant 0 : i32
      %dma_start3A_404 = arith.constant 0 : i32
      %dma_start3A_405 = arith.constant 0 : i32
      %dma_start3A_406 = tpu.memref_slice %arg6[%dma_start3A_403, %dma_start3A_404, %dma_start3A_405] : memref<8x8x128xf32, #tpu.memory_space<vmem>> -> memref<1x8x128xf32, #tpu.memory_space<vmem>>
      %dma_start3A_407 = arith.constant 15624 : i32
      %dma_start3A_408 = arith.constant 0 : i32
      %dma_start3A_409 = arith.constant 0 : i32
      %dma_start3A_410 = tpu.memref_slice %arg3[%dma_start3A_407, %dma_start3A_408, %dma_start3A_409] : memref<15625x8x128xf32, #tpu.memory_space<hbm>> -> memref<1x8x128xf32, #tpu.memory_space<hbm>>
      %dma_start3A_411 = arith.constant 15624 : i32
      %dma_start3A_412 = arith.constant 0 : i32
      %dma_start3A_413 = arith.constant 0 : i32
      %dma_start3A_414 = tpu.memref_slice %arg3[%dma_start3A_411, %dma_start3A_412, %dma_start3A_413] : memref<15625x8x128xf32, #tpu.memory_space<hbm>> -> memref<1x8x128xf32, #tpu.memory_space<hbm>>
      %dma_start3A_415 = arith.constant 0 : i32
      %dma_start3A_416 = arith.constant 0 : i32
      %dma_start3A_417 = arith.constant 0 : i32
      %dma_start3A_418 = tpu.memref_slice %arg6[%dma_start3A_415, %dma_start3A_416, %dma_start3A_417] : memref<8x8x128xf32, #tpu.memory_space<vmem>> -> memref<1x8x128xf32, #tpu.memory_space<vmem>>
      tpu.enqueue_dma source(%dma_start3A_418 : memref<1x8x128xf32, #tpu.memory_space<vmem>>) target(%dma_start3A_414 : memref<1x8x128xf32, #tpu.memory_space<hbm>>) target_semaphore(%arg12 : memref<!tpu.dma_semaphore, #tpu.memory_space<semaphore_mem>>)
      %dma_wait3A_419 = arith.constant 0 : i32
      %dma_wait3A_420 = arith.constant 0 : i32
      %dma_wait3A_421 = arith.constant 0 : i32
      %dma_wait3A_422 = tpu.memref_slice %arg6[%dma_wait3A_419, %dma_wait3A_420, %dma_wait3A_421] : memref<8x8x128xf32, #tpu.memory_space<vmem>> -> memref<1x8x128xf32, #tpu.memory_space<vmem>>
      %dma_wait3A_423 = arith.constant 15624 : i32
      %dma_wait3A_424 = arith.constant 0 : i32
      %dma_wait3A_425 = arith.constant 0 : i32
      %dma_wait3A_426 = tpu.memref_slice %arg3[%dma_wait3A_423, %dma_wait3A_424, %dma_wait3A_425] : memref<15625x8x128xf32, #tpu.memory_space<hbm>> -> memref<1x8x128xf32, #tpu.memory_space<hbm>>
      %dma_wait3A_427 = arith.constant 15624 : i32
      %dma_wait3A_428 = arith.constant 0 : i32
      %dma_wait3A_429 = arith.constant 0 : i32
      %dma_wait3A_430 = tpu.memref_slice %arg3[%dma_wait3A_427, %dma_wait3A_428, %dma_wait3A_429] : memref<15625x8x128xf32, #tpu.memory_space<hbm>> -> memref<1x8x128xf32, #tpu.memory_space<hbm>>
      %dma_wait3A_431 = arith.constant 0 : i32
      %dma_wait3A_432 = arith.constant 0 : i32
      %dma_wait3A_433 = arith.constant 0 : i32
      %dma_wait3A_434 = tpu.memref_slice %arg6[%dma_wait3A_431, %dma_wait3A_432, %dma_wait3A_433] : memref<8x8x128xf32, #tpu.memory_space<vmem>> -> memref<1x8x128xf32, #tpu.memory_space<vmem>>
      tpu.wait_dma2 semaphore(%arg12 : memref<!tpu.dma_semaphore, #tpu.memory_space<semaphore_mem>>) src(%dma_wait3A_434 : memref<1x8x128xf32, #tpu.memory_space<vmem>>) dst(%dma_wait3A_430 : memref<1x8x128xf32, #tpu.memory_space<hbm>>)
    } else {
    }
    return
  }
}

</mosaic_0001>

<sc_bundles>
// kernel: _sc_detile.3.cloned.1.call-start
scs
__scs_entry_jumppad:
0x0: {  	(pc) =	sbr.rel $0x88, $3  }
0x1: {  	(tag) =	ssettag $0x0;
	lr =	simm.s32 $0x1  }
0x2: {  	[smem:$0x3FA0] =	sst lr;
	_ =	strace $0xD0000000  }
0x3: {  	_ = 	snop  }
0x4: {  	_ = 	snop  }
0x5: {  	_ = 	snop  }
0x6: {  	_ = 	snop  }
0x7: {  	_ = 	snop  }
__scs_overlays_trampoline_lowered:
0x8: {  	[smem:$0x3FAF] =	sst s0  }
0x9: {  	[smem:$0x3FB0] =	sst s1  }
0xa: {  	[smem:$0x3FB1] =	sst s2  }
0xb: {  	[smem:$0x3FB2] =	sst s3  }
0xc: {  	[smem:$0x3FB3] =	sst s4  }
0xd: {  	[smem:$0x3FB4] =	sst s5  }
0xe: {  	[smem:$0x3FB5] =	sst s6  }
0xf: {  	[smem:$0x3FB6] =	sst s7  }
0x10: {  	[smem:$0x3FB7] =	sst s8  }
0x11: {  	[smem:$0x3FB8] =	sst s9;
	s0 =	simm.s32 @!p0 $0x0  }
0x12: {  	s1 =	sld [smem:$0x3F9E];
	s0 =	simm.s32 @p0 $0x1  }
0x13: {  	[smem:$0x3FB9] =	sst s0;
	s0 =	simm.s32 @!p1 $0x0  }
0x14: {  	s2 =	sld [smem:$0x3F9D];
	s0 =	simm.s32 @p1 $0x1  }
0x15: {  	[smem:$0x3FBA] =	sst s0;
	s0 =	simm.s32 @!p2 $0x0  }
0x16: {  	s3 =	sld [smem:$0x3FDB];
	s0 =	simm.s32 @p2 $0x1  }
0x17: {  	s4 =	simm.s32 $0x1BF5;
	[smem:$0x3FBC] =	sst s0  }
0x18: {  	s0 =	sld [smem:$0x3F9F];
	_ =	swait.ge [sflag:s4], $0x0  }
0x19: {  	s7 =	sld [smem:$0x3FA0]  }
0x1a: {  	s8 =	sadd.s32 $0xFFFFE003, lr  }
0x1b: {  	s9 =	sadd.s32 $0xFFFFFEF7, lr;
	s5 =	simm.s32 $0xFFFFFFFF;
	p2 =	slt.u32 s8, $0xFFFFF086  }
0x1c: {  	p1 =	slt.u32 s9, $0xF7A;
	s5 =	simm.s32 @!p2 $0x0  }
0x1d: {  	s5 =	simm.s32 @p1 $0x1;
	p0 =	seq.s32 s7, s2  }
0x1e: {  	s7 =	smul.u32 @!p0 $0xF7A, s2;
	p2 =	seq.s32 @!p0 s5, $0x0  }
0x1f: {  	s9 =	smul.u32 $0xF7A, s1;
	s8 =	simm.s32 @!p0 $0x1BF5;
	p2 =	por !p2, p0  }
0x20: {  	[sflag:s8] =	ssyncset.s32 @!p0 $0xFFFFF086;
	s6 =	sadd.s32 @!p0 s3, s7;
	s7 =	simm.s32 @!p0 $0x108  }
0x21: {  	s3 =	sadd.s32 s3, s9;
	s6 =	sadd.s32 @!p0 $0x88, s6;
	s7 =	simm.s32 @p2 $0x1082  }
0x22: {  	[simem:s7], [sflag:s8] =	dma.local @!p0 [hbm:s6], $0xF7A  }
0x23: {  	s9 =	sor.u32 $0xD0000000, s2;
	s6 =	simm.s32 $0x108;
	_ =	swait.ge @!p0 [sflag:s8], $0x0  }
0x24: {  	s3 =	sadd.s32 $0x88, s3;
	s6 =	simm.s32 @!p1 $0x1082;
	[sflag:s4] =	ssyncset.s32 $0xFFFFF086  }
0x25: {  	[simem:s6], [sflag:s4] =	dma.local [hbm:s3], $0xF7A  }
0x26: {  	[smem:$0x3FA0] =	sst s1;
	(tag) =	ssettag s2;
	_ =	strace s9  }
0x27: {  	s1 =	sld [smem:$0x3FB0]  }
0x28: {  	s2 =	sld [smem:$0x3FB1]  }
0x29: {  	s4 =	sld [smem:$0x3FB3]  }
0x2a: {  	p0 =	seq.s32 s5, $0x0;
	s5 =	sld [smem:$0x3FB4]  }
0x2b: {  	s6 =	sld [smem:$0x3FB5]  }
0x2c: {  	s7 =	sld [smem:$0x3FB6]  }
0x2d: {  	s3 =	simm.s32 $0x108;
	s8 =	sld [smem:$0x3FB7]  }
0x2e: {  	s3 =	simm.s32 @!p0 $0x1082;
	s9 =	sld [smem:$0x3FB8]  }
0x2f: {  	lr =	sadd.s32 s0, s3;
	s0 =	sld [smem:$0x3FAF]  }
0x30: {  	s3 =	sld [smem:$0x3FB2]  }
0x31: {  	[smem:$0x3FBB] =	sst s10  }
0x32: {  	s10 =	sld [smem:$0x3FB9];
	_ =	sdelay $0x3  }
0x33: {  	p0 =	seq.s32 s10, $0x1;
	s10 =	sld [smem:$0x3FBB];
	_ =	sdelay $0x3  }
0x34: {  	[smem:$0x3FBB] =	sst s10  }
0x35: {  	s10 =	sld [smem:$0x3FBA];
	_ =	sdelay $0x3  }
0x36: {  	p1 =	seq.s32 s10, $0x1;
	s10 =	sld [smem:$0x3FBB];
	_ =	sdelay $0x3  }
0x37: {  	[smem:$0x3FBB] =	sst s10  }
0x38: {  	s10 =	sld [smem:$0x3FBC]  }
0x39: {  	_ = 	snop;
	(pc) =	sbr.ind lr, $3  }
0x3a: {  	_ = 	snop  }
0x3b: {  	_ = 	snop  }
0x3c: {  	p2 =	seq.s32 s10, $0x1;
	s10 =	sld [smem:$0x3FBB]  }
0x3d: {  	_ =	shalt  }
0x3e: {  	_ =	shalt  }
0x3f: {  	_ =	shalt  }
0x40: {  	_ =	shalt  }
0x41: {  	_ =	shalt  }
0x42: {  	_ =	shalt  }
0x43: {  	_ =	shalt  }
0x44: {  	_ =	shalt  }
0x45: {  	_ =	shalt  }
0x46: {  	_ =	shalt  }
0x47: {  	_ =	shalt  }
0x48: {  	_ =	shalt  }
0x49: {  	_ =	shalt  }
0x4a: {  	_ =	shalt  }
0x4b: {  	_ =	shalt  }
0x4c: {  	_ =	shalt  }
0x4d: {  	_ =	shalt  }
0x4e: {  	_ =	shalt  }
0x4f: {  	_ =	shalt  }
0x50: {  	_ =	shalt  }
0x51: {  	_ =	shalt  }
0x52: {  	_ =	shalt  }
0x53: {  	_ =	shalt  }
0x54: {  	_ =	shalt  }
0x55: {  	_ =	shalt  }
0x56: {  	_ =	shalt  }
0x57: {  	_ =	shalt  }
0x58: {  	_ =	shalt  }
0x59: {  	_ =	shalt  }
0x5a: {  	_ =	shalt  }
0x5b: {  	_ =	shalt  }
0x5c: {  	_ =	shalt  }
0x5d: {  	_ =	shalt  }
0x5e: {  	_ =	shalt  }
0x5f: {  	_ =	shalt  }
0x60: {  	_ =	shalt  }
0x61: {  	_ =	shalt  }
0x62: {  	_ =	shalt  }
0x63: {  	_ =	shalt  }
0x64: {  	_ =	shalt  }
0x65: {  	_ =	shalt  }
0x66: {  	_ =	shalt  }
0x67: {  	_ =	shalt  }
0x68: {  	_ =	shalt  }
0x69: {  	_ =	shalt  }
0x6a: {  	_ =	shalt  }
0x6b: {  	_ =	shalt  }
0x6c: {  	_ =	shalt  }
0x6d: {  	_ =	shalt  }
0x6e: {  	_ =	shalt  }
0x6f: {  	_ =	shalt  }
0x70: {  	_ =	shalt  }
0x71: {  	_ =	shalt  }
0x72: {  	_ =	shalt  }
0x73: {  	_ =	shalt  }
0x74: {  	_ =	shalt  }
0x75: {  	_ =	shalt  }
0x76: {  	_ =	shalt  }
0x77: {  	_ =	shalt  }
0x78: {  	_ =	shalt  }
0x79: {  	_ =	shalt  }
0x7a: {  	_ =	shalt  }
0x7b: {  	_ =	shalt  }
0x7c: {  	_ =	shalt  }
0x7d: {  	_ =	shalt  }
0x7e: {  	_ =	shalt  }
0x7f: {  	_ =	shalt  }
0x80: {  	_ =	shalt  }
0x81: {  	_ =	shalt  }
0x82: {  	_ =	shalt  }
0x83: {  	_ =	shalt  }
0x84: {  	_ =	shalt  }
0x85: {  	_ =	shalt  }
0x86: {  	_ =	shalt  }
0x87: {  	_ =	shalt  }
.Lfunc_end0:
.L_simem_size_0:
called_computation_lowered:
.L_overlay_start_0:
0x88: {  	s2 =	sld [smem:$0x3FD9]  }
0x89: {  	s3 =	sld [smem:$0x3FFE];
	_ =	sdelay $0x1  }
0x8a: {  	s1 =	srdreg.scid  }
0x8b: {  	s0 =	sand.u32 $0x1, s1  }
0x8c: {  	s18 =	sshll.u32 s0, $0xA;
	s2 =	sadd.s32 s3, s2  }
0x8d: {  	s2 =	sadd.s32 s2, s18  }
0x8e: {  	[smem:$0x3FC7] =	sst s2  }
0x8f: {  	_ = 	snop  }
0x90: {  	s2 =	sld [smem:$0x3FC9]  }
0x91: {  	s19 =	sld [smem:$0x3FD0];
	(tm) =	ssettm $0x1  }
0x92: {  	s4 =	sld [smem:$0x3FFB];
	_ =	sdelay $0x3  }
0x93: {  	_ =	strace s4  }
0x94: {  	s4 =	sld [smem:$0x3FFC];
	_ =	sdelay $0x3  }
0x95: {  	_ =	strace s4  }
0x96: {  	s4 =	sld [smem:$0x3FFD];
	_ =	sdelay $0x3  }
0x97: {  	_ =	strace s4  }
0x98: {  	_ =	strace $0x8FFFFFFF  }
0x99: {  	s20 =	sld [smem:$0x3FDB];
	_ =	sdelay $0x1  }
0x9a: {  	s5 =	simm.s32 $_scs_section_size  }
0x9b: {  	s6 =	simm.s32 $_size__tile_overlayer_lowered;
	s7 =	simm.s32 $_tile_overlayer_lowered  }
0x9c: {  	s23 =	simm.s32 $0x1BFF;
	s22 =	sshll.u32 s7, $0x1;
	s4 =	sadd.s32 s5, s20  }
0x9d: {  	s8 =	simm.s32 $0x0;
	s21 =	sshll.u32 s6, $0x1;
	s6 =	sadd.s32 s22, s4  }
0x9e: {  	[timem:s8], [sflag:s23] =	dma.local [hbm:s6], s21  }
0x9f: {  	_ =	swait.ge [sflag:s23], s21  }
0xa0: {  	s5 =	ssub.s32 $0x0, s21;
	[sflag:s23] =	ssyncset.done $0x0  }
0xa1: {  	[sflag:s23] =	ssyncadd.s32 s5;
	_ =	sdelay $0x1  }
0xa2: {  	s24 =	simm.s32 $0x1B8B  }
0xa3: {  	_ =	swait.ge [sflag:s24], $0x1  }
0xa4: {  	[sflag:s24] =	ssyncset.done $0x0  }
0xa5: {  	s25 =	simm.s32 $0x1B8E;
	[sflag:s24] =	ssyncadd.s32 $0xFFFFFFFF  }
0xa6: {  	s26 =	simm.s32 $execute0_lowered;
	[smem:$0x3FD2] =	sst s25  }
0xa7: {  	s5 =	sshll.u32 s26, $0x1;
	_ =	strace $0x80000046;
	[dreg:$0x1] =	wrdreg $0xFFFFFFFF  }
0xa8: {  	s28 =	simm.s32 $_size_execute0_lowered;
	s4 =	sadd.s32 s4, s5;
	[dreg:$0x0] =	wrdreg $0x0  }
0xa9: {  	s5 =	sshll.u32 s28, $0x1;
	[dreg:$0x2] =	wrdreg s4  }
0xaa: {  	[dreg:$0x3] =	wrdreg s5  }
0xab: {  	[dreg:$0x4] =	wrdreg $0xC0  }
0xac: {  	_ =	task [dreg:s8], $0x5FFFF  }
0xad: {  	[dreg:$0x1] =	wrdreg $0xFFFFFFFF  }
0xae: {  	[dreg:$0x0] =	wrdreg $0x60  }
0xaf: {  	[dreg:$0x2] =	wrdreg s2  }
0xb0: {  	[dreg:$0x3] =	wrdreg s19  }
0xb1: {  	[dreg:$0x4] =	wrdreg $0x9  }
0xb2: {  	_ =	task.clear_ibuf [dreg:s8], $0x5FFFF;
	_ =	strace $0x90000046  }
0xb3: {  	s29 =	simm.s32 $0x9;
	_ =	strace $0x80000048  }
0xb4: {  	_ =	swait.ge [sflag:s29], $0x1  }
0xb5: {  	[sflag:s29] =	ssyncadd.s32 $0xFFFFFFFF  }
0xb6: {  	_ =	strace $0x90000048  }
0xb7: {  	_ =	sfence  }
0xb8: {  	s30 =	sld [smem:$0x0];
	_ =	sdelay $0x2  }
0xb9: {  	s31 =	sshll.u32 s1, $0xD;
	s1 =	sshrl.u32 s1, $0x2  }
0xba: {  	s3 =	sand.u32 $0x4000, s31;
	s1 =	sadd.s32 s1, s30  }
0xbb: {  	s0 =	sor.u32 s3, s0;
	s1 =	sshll.u32 s1, $0x11  }
0xbc: {  	s0 =	sor.u32 s1, s0  }
0xbd: {  	s0 =	sadd.s32 $0x8F2B, s0  }
0xbe: {  	[sflag:s0] =	ssyncadd.remote.s32 $0x1  }
0xbf: {  	_ =	sfence.sel $0xFFFF  }
0xc0: {  	[dreg:$0x0] =	wrdreg $0xFFFFFFFF;
	(pc) =	sbr.abs _section_cstart, $3  }
0xc1: {  	[dreg:$0x1] =	wrdreg $0xFFFFFFFF  }
0xc2: {  	_ =	task.clear_ibuf [dreg:s8], $0x2FFFF;
	_ =	strace $0x9FFFFFFF  }
0xc3: {  	(tm) =	ssettm $0x7FFFFFFF  }
tec
execute0_lowered:
.L_overlay_start_1:
0x0: {  	(tag) =	ssettag $0x1  }
0x1: {  	v0 =	vlaneseq.u32  }
0x2: {  	v0 =	vmul.u32 $0x11, v0;
	_ =	sdelay $0x1  }
0x3: {  	v1 =	vadd.s32 $0x110, v0;
	v6 =	vadd.s32 $0x221, v0;
	v7 =	vadd.s32 $0x331, v0  }
0x4: {  	v8 =	vadd.s32 $0x2, v0;
	v9 =	vadd.s32 $0x112, v0;
	v10 =	vadd.s32 $0x222, v0  }
0x5: {  	s0 =	rddreg [dreg:$0x0];
	s1 =	srdreg.scid;
	v11 =	vadd.s32 $0x332, v0;
	v12 =	vadd.s32 $0x3, v0;
	v13 =	vadd.s32 $0x113, v0  }
0x6: {  	s4 =	stileid.u32;
	s3 =	rddreg [dreg:$0x1];
	v14 =	vadd.s32 $0x223, v0;
	v15 =	vadd.s32 $0x333, v0;
	v16 =	vadd.s32 $0x4, v0  }
0x7: {  	s6 =	simm.s32 $0x1;
	s11 =	simm.s32 $0x3E;
	s14 =	simm.s32 $0x1;
	v17 =	vadd.s32 $0x114, v0;
	v18 =	vadd.s32 $0x224, v0;
	v19 =	vadd.s32 $0x334, v0  }
0x8: {  	s28 =	simm.s32 $0x7000;
	s2 =	sand.u32 $0x1, s1;
	s19 =	sshll.u32 s4, $0x1;
	v20 =	vadd.s32 $0x5, v0;
	v21 =	vadd.s32 $0x115, v0;
	v22 =	vadd.s32 $0x225, v0  }
0x9: {  	s29 =	simm.s32 $0x3;
	s30 =	simm.s32 $0x4;
	s1 =	sor.u32 s2, s19;
	v23 =	vadd.s32 $0x335, v0;
	v24 =	vadd.s32 $0x6, v0;
	v25 =	vadd.s32 $0x116, v0  }
0xa: {  	s31 =	simm.s32 $0x0;
	s5 =	smul.u32 $0x3D, s1;
	p0 =	sne.s32 s1, $0x0;
	v26 =	vadd.s32 $0x226, v0;
	v27 =	vadd.s32 $0x336, v0;
	v28 =	vadd.s32 $0x7, v0  }
0xb: {  	s4 =	simm.s32 $0x0;
	s23 =	sadd.s32 $0xF400, s3;
	v29 =	vadd.s32 $0x117, v0;
	v30 =	vadd.s32 $0x227, v0;
	[tilespmem:$0x1FFB0] =	vst v1;
	v1 =	vadd.s32 $0x220, v0;
	s6 =	simm.s32 @!p0 $0x0  }
0xc: {  	s24 =	sadd.s32 $0x1E8480, s0;
	s25 =	sadd.s32 $0xF4200, s0;
	v31 =	vadd.s32 $0x337, v0;
	v32 =	vadd.s32 $0x8, v0;
	[tilespmem:$0x1FFC0] =	vst v1;
	v1 =	vadd.s32 $0x330, v0;
	s5 =	sadd.s32 s6, s5  }
0xd: {  	s26 =	sadd.s32 $0x1E8400, s3;
	s2 =	ssub.s32 $0x2, s2;
	v33 =	vadd.s32 $0x118, v0;
	v34 =	vadd.s32 $0x228, v0;
	[tilespmem:$0x1FFD0] =	vst v1;
	v1 =	vadd.s32 $0x1, v0;
	s6 =	sshll.u32 s5, $0x9  }
0xe: {  	[smem:$0x7FF] =	sst s4;
	s7 =	sshrl.u32 s2, $0x1;
	v35 =	vadd.s32 $0x338, v0;
	v36 =	vadd.s32 $0x9, v0;
	[tilespmem:$0x1FFE0] =	vst v1;
	v1 =	vadd.s32 $0x111, v0;
	s6 =	sadd.s32 s0, s6  }
0xf: {  	p1 =	seq.s32 s1, $0x0;
	v37 =	vadd.s32 $0x119, v0;
	v38 =	vadd.s32 $0x229, v0;
	v39 =	vadd.s32 $0x339, v0;
	s2 =	ssub.s32 s2, s7;
	[tilespmem:$0x1FFF0] =	vst v1;
	s20 =	sadd.s32 $0xF4280, s6  }
0x10: {  	v40 =	vadd.s32 $0xA, v0;
	v41 =	vadd.s32 $0x11A, v0;
	v42 =	vadd.s32 $0x22A, v0;
	s21 =	sadd.s32 $0x200, s6;
	_ =	strace $0x80000047;
	[dreg:$0x3] =	wrdreg s20  }
0x11: {  	v43 =	vadd.s32 $0x33A, v0;
	v44 =	vadd.s32 $0xB, v0;
	v45 =	vadd.s32 $0x11B, v0;
	s11 =	simm.s32 @!p1 $0x3D;
	s22 =	sadd.s32 $0xF4480, s6;
	[dreg:$0x4] =	wrdreg s21  }
0x12: {  	v46 =	vadd.s32 $0x22B, v0;
	v47 =	vadd.s32 $0x33B, v0;
	v48 =	vadd.s32 $0xC, v0;
	p1 =	sne.s32 s1, $0x1F;
	s10 =	sadd.s32 $0xFFFFFFFE, s11;
	[dreg:$0x5] =	wrdreg s22  }
.Ltmp0:
0x13: {  	v49 =	vadd.s32 $0x11C, v0;
	v50 =	vadd.s32 $0x22C, v0;
	v51 =	vadd.s32 $0x33C, v0;
	s11 =	sadd.s32 $0xFFFFFFFD, s11;
	[dreg:$0x6] =	wrdreg s23;
	(pc) =	sbr.rel .LBB2_1-.Ltmp0, $4  }
0x14: {  	v52 =	vadd.s32 $0xD, v0;
	v53 =	vadd.s32 $0x11D, v0;
	v54 =	vadd.s32 $0x22D, v0;
	s19 =	smax.u32 s2, $0x1;
	s12 =	sshll.u32 s5, $0xA;
	[dreg:$0x7] =	wrdreg s24  }
0x15: {  	v55 =	vadd.s32 $0x33D, v0;
	v56 =	vadd.s32 $0xE, v0;
	v57 =	vadd.s32 $0x11E, v0;
	s13 =	sadd.s32 s3, s12;
	s12 =	sadd.s32 $0x400, s3;
	[dreg:$0x8] =	wrdreg s25  }
0x16: {  	v58 =	vadd.s32 $0x22E, v0;
	v59 =	vadd.s32 $0x33E, v0;
	v60 =	vadd.s32 $0xF, v0;
	s13 =	sadd.s32 $0xF000, s13;
	[dreg:$0x9] =	wrdreg s26;
	s23 =	simm.s32 $0x9000  }
0x17: {  	v61 =	vadd.s32 $0x11F, v0;
	v62 =	vadd.s32 $0x22F, v0;
	v63 =	vadd.s32 $0x33F, v0;
	s24 =	simm.s32 $0x5000;
	s25 =	simm.s32 $0x2;
	s26 =	simm.s32 $0xB280  }
.LBB2_143:
0x18: {  	s31 =	sadd.s32 $0x1, s31  }
0x19: {  	p2 =	sne.s32 s31, s19  }
.Ltmp1:
0x1a: {  	_ = 	snop;
	(pc) =	sbr.rel @!p2 .LBB2_144-.Ltmp1, $1  }
0x1b: {  	_ =	sdelay $0x3  }
.LBB2_1:
0x1c: {  	[tilespmem:s4], [sflag:$0x1] =	stream.linear.gather [hbm4b:s6+s4], $0x1000, $0x38;
	[tilespmem:$0xD500] =	vst v63  }
0x1d: {  	s1 =	rddreg [dreg:$0x3];
	s2 =	simm.s32 $0x1400  }
0x1e: {  	[tilespmem:s2], [sflag:$0x1] =	stream.linear.gather [hbm4b:s1+s4], $0x1000, $0x38;
	[tilespmem:$0xD500] =	vst v63  }
0x1f: {  	s18 =	rddreg [dreg:$0x4];
	s20 =	simm.s32 $0x2800  }
0x20: {  	[tilespmem:s20], [sflag:$0x2] =	stream.linear.gather [hbm4b:s18+s4], $0x1000, $0x38;
	[tilespmem:$0xD500] =	vst v63  }
0x21: {  	s21 =	rddreg [dreg:$0x5];
	s22 =	simm.s32 $0x3C00;
	s2 =	simm.s32 $0x0  }
0x22: {  	[tilespmem:s22], [sflag:$0x2] =	stream.linear.gather [hbm4b:s21+s4], $0x1000, $0x38;
	[tilespmem:$0xD500] =	vst v63  }
.LBB2_2:
0x23: {  	_ =	swait.ge [sflag:s14], $0x1000  }
0x24: {  	[sflag:s14] =	ssyncset.done $0x0  }
0x25: {  	[sflag:s14] =	ssyncadd.s32 $0xFFFFF000  }
0x26: {  	_ =	swait.ge [sflag:s14], $0x1000  }
0x27: {  	p2 =	seq.s32 s2, $0x0;
	[sflag:s14] =	ssyncset.done $0x0  }
0x28: {  	s17 =	simm.s32 @!p2 $0x3;
	[sflag:s14] =	ssyncadd.s32 $0xFFFFF000  }
0x29: {  	s1 =	sshll.u32 s2, $0x1;
	s15 =	simm.s32 $0x0;
	_ =	swait.ge @!p2 [sflag:s17], $0x2000  }
0x2a: {  	s18 =	sand.u32 $0x70, s15;
	s20 =	sand.u32 $0xC00, s15;
	[sflag:s17] =	ssyncset.done @!p2 $0x0  }
0x2b: {  	s21 =	simm.s32 $0x0;
	[sflag:s17] =	ssyncadd.s32 @!p2 $0xFFFFE000;
	s17 =	sor.u32 s18, s20  }
0x2c: {  	s16 =	sadd.s32 s5, s1;
	v2 =	vadd.s32 s15, v0;
	s18 =	simm.s32 $0x10;
	s20 =	simm.s32 $0x0;
	v1 =	vld [tilespmem:s17+$0x0]  }
.LBB2_3:
0x2d: {  	p3 =	sne.s32 s18, $0x1F0  }
.Ltmp2:
0x2e: {  	_ = 	snop;
	(pc) =	sbr.rel @p3 .LBB2_3-.Ltmp2, $4  }
0x2f: {  	s20 =	sadd.s32 $0x80, s20  }
0x30: {  	s22 =	sand.u32 $0x70, s18;
	s7 =	sand.u32 $0xC00, s20  }
0x31: {  	s21 =	sadd.s32 $0x110, s21;
	s7 =	sor.u32 s22, s7;
	[tilespmem:v2+s23+$0x0] =	vst.idx.msk $0xffff, v1  }
0x32: {  	s18 =	sadd.s32 $0x10, s18;
	v2 =	vadd.s32 s21, v0;
	v1 =	vld [tilespmem:s7+$0x0]  }
0x33: {  	_ =	sdelay $0x3  }
0x34: {  	s7 =	simm.s32 $0x1;
	[tilespmem:v2+s23+$0x0] =	vst.idx.msk $0xffff, v1  }
0x35: {  	v2 =	vadd.s32 s7, v0;
	v1 =	vld [tilespmem:s17+$0x80]  }
0x36: {  	s18 =	simm.s32 $0x111;
	s17 =	simm.s32 $0x10  }
.LBB2_5:
0x37: {  	s7 =	sand.u32 $0x70, s17  }
0x38: {  	s15 =	sadd.s32 $0x80, s15;
	s20 =	smov.u32 s18;
	p3 =	sne.s32 s18, $0x20F1  }
.Ltmp3:
0x39: {  	s18 =	sadd.s32 $0x110, s18;
	s21 =	sand.u32 $0xC00, s15;
	(pc) =	sbr.rel @p3 .LBB2_5-.Ltmp3, $3  }
0x3a: {  	s7 =	sor.u32 s7, s21;
	[tilespmem:v2+s23+$0x0] =	vst.idx.msk $0xffff, v1  }
0x3b: {  	v2 =	vadd.s32 s20, v0;
	v1 =	vld [tilespmem:s7+$0x80];
	_ =	sdelay $0x1  }
0x3c: {  	s17 =	sadd.s32 $0x10, s17  }
0x3d: {  	_ =	sdelay $0x1  }
0x3e: {  	s15 =	simm.s32 $0x0  }
0x3f: {  	s7 =	sand.u32 $0x70, s15;
	s17 =	sand.u32 $0xC00, s15  }
0x40: {  	s20 =	simm.s32 $0x2;
	[tilespmem:v2+s23+$0x0] =	vst.idx.msk $0xffff, v1;
	s17 =	sor.u32 s7, s17  }
0x41: {  	v2 =	vadd.s32 s20, v0;
	v1 =	vld [tilespmem:s17+$0x100]  }
0x42: {  	s18 =	simm.s32 $0x112;
	s21 =	simm.s32 $0x10;
	s22 =	simm.s32 $0x0  }
.LBB2_7:
0x43: {  	s7 =	sand.u32 $0x70, s21  }
0x44: {  	s22 =	sadd.s32 $0x80, s22;
	s20 =	smov.u32 s18;
	p3 =	sne.s32 s18, $0x20F2  }
.Ltmp4:
0x45: {  	s18 =	sadd.s32 $0x110, s18;
	s8 =	sand.u32 $0xC00, s22;
	(pc) =	sbr.rel @p3 .LBB2_7-.Ltmp4, $3  }
0x46: {  	s7 =	sor.u32 s7, s8;
	[tilespmem:v2+s23+$0x0] =	vst.idx.msk $0xffff, v1  }
0x47: {  	v2 =	vadd.s32 s20, v0;
	v1 =	vld [tilespmem:s7+$0x100];
	_ =	sdelay $0x1  }
0x48: {  	s21 =	sadd.s32 $0x10, s21  }
0x49: {  	_ =	sdelay $0x3  }
0x4a: {  	s7 =	simm.s32 $0x3;
	[tilespmem:v2+s23+$0x0] =	vst.idx.msk $0xffff, v1  }
0x4b: {  	v2 =	vadd.s32 s7, v0;
	v1 =	vld [tilespmem:s17+$0x180]  }
0x4c: {  	s18 =	simm.s32 $0x113;
	s17 =	simm.s32 $0x10  }
.LBB2_9:
0x4d: {  	s7 =	sand.u32 $0x70, s17  }
0x4e: {  	s15 =	sadd.s32 $0x80, s15;
	s8 =	smov.u32 s18;
	p3 =	sne.s32 s18, $0x20F3  }
.Ltmp5:
0x4f: {  	s18 =	sadd.s32 $0x110, s18;
	s20 =	sand.u32 $0xC00, s15;
	(pc) =	sbr.rel @p3 .LBB2_9-.Ltmp5, $3  }
0x50: {  	s7 =	sor.u32 s7, s20;
	[tilespmem:v2+s23+$0x0] =	vst.idx.msk $0xffff, v1  }
0x51: {  	v2 =	vadd.s32 s8, v0;
	v1 =	vld [tilespmem:s7+$0x180];
	_ =	sdelay $0x1  }
0x52: {  	s17 =	sadd.s32 $0x10, s17  }
0x53: {  	_ =	sdelay $0x1  }
0x54: {  	s15 =	simm.s32 $0x0  }
0x55: {  	s7 =	sand.u32 $0x70, s15;
	s8 =	sand.u32 $0xC00, s15  }
0x56: {  	s20 =	simm.s32 $0x4;
	[tilespmem:v2+s23+$0x0] =	vst.idx.msk $0xffff, v1;
	s17 =	sor.u32 s7, s8  }
0x57: {  	v2 =	vadd.s32 s20, v0;
	v1 =	vld [tilespmem:s17+$0x200]  }
0x58: {  	s18 =	simm.s32 $0x114;
	s21 =	simm.s32 $0x10;
	s22 =	simm.s32 $0x0  }
.LBB2_11:
0x59: {  	s7 =	sand.u32 $0x70, s21  }
0x5a: {  	s22 =	sadd.s32 $0x80, s22;
	s8 =	smov.u32 s18;
	p3 =	sne.s32 s18, $0x20F4  }
.Ltmp6:
0x5b: {  	s18 =	sadd.s32 $0x110, s18;
	s20 =	sand.u32 $0xC00, s22;
	(pc) =	sbr.rel @p3 .LBB2_11-.Ltmp6, $3  }
0x5c: {  	s7 =	sor.u32 s7, s20;
	[tilespmem:v2+s23+$0x0] =	vst.idx.msk $0xffff, v1  }
0x5d: {  	v2 =	vadd.s32 s8, v0;
	v1 =	vld [tilespmem:s7+$0x200];
	_ =	sdelay $0x1  }
0x5e: {  	s21 =	sadd.s32 $0x10, s21  }
0x5f: {  	_ =	sdelay $0x3  }
0x60: {  	s7 =	simm.s32 $0x5;
	[tilespmem:v2+s23+$0x0] =	vst.idx.msk $0xffff, v1  }
0x61: {  	v2 =	vadd.s32 s7, v0;
	v1 =	vld [tilespmem:s17+$0x280]  }
0x62: {  	s18 =	simm.s32 $0x115;
	s17 =	simm.s32 $0x10  }
.LBB2_13:
0x63: {  	s7 =	sand.u32 $0x70, s17  }
0x64: {  	s15 =	sadd.s32 $0x80, s15;
	s8 =	smov.u32 s18;
	p3 =	sne.s32 s18, $0x20F5  }
.Ltmp7:
0x65: {  	s18 =	sadd.s32 $0x110, s18;
	s20 =	sand.u32 $0xC00, s15;
	(pc) =	sbr.rel @p3 .LBB2_13-.Ltmp7, $3  }
0x66: {  	s7 =	sor.u32 s7, s20;
	[tilespmem:v2+s23+$0x0] =	vst.idx.msk $0xffff, v1  }
0x67: {  	v2 =	vadd.s32 s8, v0;
	v1 =	vld [tilespmem:s7+$0x280];
	_ =	sdelay $0x1  }
0x68: {  	s17 =	sadd.s32 $0x10, s17  }
0x69: {  	_ =	sdelay $0x1  }
0x6a: {  	s15 =	simm.s32 $0x0  }
0x6b: {  	s7 =	sand.u32 $0x70, s15;
	s8 =	sand.u32 $0xC00, s15  }
0x6c: {  	s18 =	simm.s32 $0x6;
	[tilespmem:v2+s23+$0x0] =	vst.idx.msk $0xffff, v1;
	s7 =	sor.u32 s7, s8  }
0x6d: {  	v2 =	vadd.s32 s18, v0;
	v1 =	vld [tilespmem:s7+$0x300]  }
0x6e: {  	s17 =	simm.s32 $0x116;
	s21 =	simm.s32 $0x0;
	s18 =	simm.s32 $0x10  }
.LBB2_15:
0x6f: {  	s7 =	sand.u32 $0x70, s18  }
0x70: {  	s21 =	sadd.s32 $0x80, s21;
	s8 =	smov.u32 s17;
	p3 =	sne.s32 s17, $0x20F6  }
.Ltmp8:
0x71: {  	s17 =	sadd.s32 $0x110, s17;
	s20 =	sand.u32 $0xC00, s21;
	(pc) =	sbr.rel @p3 .LBB2_15-.Ltmp8, $3  }
0x72: {  	s7 =	sor.u32 s7, s20;
	[tilespmem:v2+s23+$0x0] =	vst.idx.msk $0xffff, v1  }
0x73: {  	v2 =	vadd.s32 s8, v0;
	v1 =	vld [tilespmem:s7+$0x300];
	_ =	sdelay $0x1  }
0x74: {  	s18 =	sadd.s32 $0x10, s18  }
0x75: {  	_ =	sdelay $0x2  }
0x76: {  	s7 =	sor.u32 s15, s15  }
0x77: {  	s8 =	simm.s32 $0x7;
	s7 =	sor.u32 $0x380, s7;
	[tilespmem:v2+s23+$0x0] =	vst.idx.msk $0xffff, v1  }
0x78: {  	v2 =	vadd.s32 s8, v0;
	v1 =	vld [tilespmem:s7+$0x0];
	_ =	sdelay $0x1  }
0x79: {  	s15 =	simm.s32 $0x117;
	s17 =	simm.s32 $0x80;
	s18 =	simm.s32 $0x10  }
.LBB2_17:
0x7a: {  	s7 =	sor.u32 s17, s18  }
0x7b: {  	p3 =	sne.s32 s15, $0x20F7;
	s8 =	smov.u32 s15;
	s15 =	sadd.s32 $0x110, s15  }
.Ltmp9:
0x7c: {  	s7 =	sor.u32 $0x380, s7;
	[tilespmem:v2+s23+$0x0] =	vst.idx.msk $0xffff, v1;
	(pc) =	sbr.rel @p3 .LBB2_17-.Ltmp9, $2  }
0x7d: {  	v2 =	vadd.s32 s8, v0;
	v1 =	vld [tilespmem:s7+$0x0];
	_ =	sdelay $0x2  }
0x7e: {  	s17 =	sadd.s32 $0x80, s17;
	s18 =	sadd.s32 $0x10, s18  }
0x7f: {  	_ =	sdelay $0x1  }
0x80: {  	s15 =	simm.s32 $0x0  }
0x81: {  	s7 =	sand.u32 $0x70, s15;
	s8 =	sand.u32 $0xC00, s15  }
0x82: {  	s20 =	simm.s32 $0x8;
	[tilespmem:v2+s23+$0x0] =	vst.idx.msk $0xffff, v1;
	s17 =	sor.u32 s7, s8  }
0x83: {  	v2 =	vadd.s32 s20, v0;
	v1 =	vld [tilespmem:s17+$0x1400]  }
0x84: {  	s18 =	simm.s32 $0x118;
	s21 =	simm.s32 $0x10;
	s22 =	simm.s32 $0x0  }
.LBB2_19:
0x85: {  	s7 =	sand.u32 $0x70, s21  }
0x86: {  	s22 =	sadd.s32 $0x80, s22;
	s8 =	smov.u32 s18;
	p3 =	sne.s32 s18, $0x20F8  }
.Ltmp10:
0x87: {  	s18 =	sadd.s32 $0x110, s18;
	s20 =	sand.u32 $0xC00, s22;
	(pc) =	sbr.rel @p3 .LBB2_19-.Ltmp10, $3  }
0x88: {  	s7 =	sor.u32 s7, s20;
	[tilespmem:v2+s23+$0x0] =	vst.idx.msk $0xffff, v1  }
0x89: {  	v2 =	vadd.s32 s8, v0;
	v1 =	vld [tilespmem:s7+$0x1400];
	_ =	sdelay $0x1  }
0x8a: {  	s21 =	sadd.s32 $0x10, s21  }
0x8b: {  	_ =	sdelay $0x3  }
0x8c: {  	s7 =	simm.s32 $0x9;
	[tilespmem:v2+s23+$0x0] =	vst.idx.msk $0xffff, v1  }
0x8d: {  	v2 =	vadd.s32 s7, v0;
	v1 =	vld [tilespmem:s17+$0x1480]  }
0x8e: {  	s18 =	simm.s32 $0x119;
	s17 =	simm.s32 $0x10  }
.LBB2_21:
0x8f: {  	s7 =	sand.u32 $0x70, s17  }
0x90: {  	s15 =	sadd.s32 $0x80, s15;
	s8 =	smov.u32 s18;
	p3 =	sne.s32 s18, $0x20F9  }
.Ltmp11:
0x91: {  	s18 =	sadd.s32 $0x110, s18;
	s20 =	sand.u32 $0xC00, s15;
	(pc) =	sbr.rel @p3 .LBB2_21-.Ltmp11, $3  }
0x92: {  	s7 =	sor.u32 s7, s20;
	[tilespmem:v2+s23+$0x0] =	vst.idx.msk $0xffff, v1  }
0x93: {  	v2 =	vadd.s32 s8, v0;
	v1 =	vld [tilespmem:s7+$0x1480];
	_ =	sdelay $0x1  }
0x94: {  	s17 =	sadd.s32 $0x10, s17  }
0x95: {  	_ =	sdelay $0x1  }
0x96: {  	s15 =	simm.s32 $0x0  }
0x97: {  	s7 =	sand.u32 $0x70, s15;
	s8 =	sand.u32 $0xC00, s15  }
0x98: {  	s20 =	simm.s32 $0xA;
	[tilespmem:v2+s23+$0x0] =	vst.idx.msk $0xffff, v1;
	s17 =	sor.u32 s7, s8  }
0x99: {  	v2 =	vadd.s32 s20, v0;
	v1 =	vld [tilespmem:s17+$0x1500]  }
0x9a: {  	s18 =	simm.s32 $0x11A;
	s21 =	simm.s32 $0x10;
	s22 =	simm.s32 $0x0  }
.LBB2_23:
0x9b: {  	s7 =	sand.u32 $0x70, s21  }
0x9c: {  	s22 =	sadd.s32 $0x80, s22;
	s8 =	smov.u32 s18;
	p3 =	sne.s32 s18, $0x20FA  }
.Ltmp12:
0x9d: {  	s18 =	sadd.s32 $0x110, s18;
	s20 =	sand.u32 $0xC00, s22;
	(pc) =	sbr.rel @p3 .LBB2_23-.Ltmp12, $3  }
0x9e: {  	s7 =	sor.u32 s7, s20;
	[tilespmem:v2+s23+$0x0] =	vst.idx.msk $0xffff, v1  }
0x9f: {  	v2 =	vadd.s32 s8, v0;
	v1 =	vld [tilespmem:s7+$0x1500];
	_ =	sdelay $0x1  }
0xa0: {  	s21 =	sadd.s32 $0x10, s21  }
0xa1: {  	_ =	sdelay $0x3  }
0xa2: {  	s7 =	simm.s32 $0xB;
	[tilespmem:v2+s23+$0x0] =	vst.idx.msk $0xffff, v1  }
0xa3: {  	v2 =	vadd.s32 s7, v0;
	v1 =	vld [tilespmem:s17+$0x1580]  }
0xa4: {  	s18 =	simm.s32 $0x11B;
	s17 =	simm.s32 $0x10  }
.LBB2_25:
0xa5: {  	s7 =	sand.u32 $0x70, s17  }
0xa6: {  	s15 =	sadd.s32 $0x80, s15;
	s8 =	smov.u32 s18;
	p3 =	sne.s32 s18, $0x20FB  }
.Ltmp13:
0xa7: {  	s18 =	sadd.s32 $0x110, s18;
	s20 =	sand.u32 $0xC00, s15;
	(pc) =	sbr.rel @p3 .LBB2_25-.Ltmp13, $3  }
0xa8: {  	s7 =	sor.u32 s7, s20;
	[tilespmem:v2+s23+$0x0] =	vst.idx.msk $0xffff, v1  }
0xa9: {  	v2 =	vadd.s32 s8, v0;
	v1 =	vld [tilespmem:s7+$0x1580];
	_ =	sdelay $0x1  }
0xaa: {  	s17 =	sadd.s32 $0x10, s17  }
0xab: {  	_ =	sdelay $0x1  }
0xac: {  	s15 =	simm.s32 $0x0  }
0xad: {  	s7 =	sand.u32 $0x70, s15;
	s8 =	sand.u32 $0xC00, s15  }
0xae: {  	s20 =	simm.s32 $0xC;
	[tilespmem:v2+s23+$0x0] =	vst.idx.msk $0xffff, v1;
	s17 =	sor.u32 s7, s8  }
0xaf: {  	v2 =	vadd.s32 s20, v0;
	v1 =	vld [tilespmem:s17+$0x1600]  }
0xb0: {  	s18 =	simm.s32 $0x11C;
	s21 =	simm.s32 $0x10;
	s22 =	simm.s32 $0x0  }
.LBB2_27:
0xb1: {  	s7 =	sand.u32 $0x70, s21  }
0xb2: {  	s22 =	sadd.s32 $0x80, s22;
	s8 =	smov.u32 s18;
	p3 =	sne.s32 s18, $0x20FC  }
.Ltmp14:
0xb3: {  	s18 =	sadd.s32 $0x110, s18;
	s20 =	sand.u32 $0xC00, s22;
	(pc) =	sbr.rel @p3 .LBB2_27-.Ltmp14, $3  }
0xb4: {  	s7 =	sor.u32 s7, s20;
	[tilespmem:v2+s23+$0x0] =	vst.idx.msk $0xffff, v1  }
0xb5: {  	v2 =	vadd.s32 s8, v0;
	v1 =	vld [tilespmem:s7+$0x1600];
	_ =	sdelay $0x1  }
0xb6: {  	s21 =	sadd.s32 $0x10, s21  }
0xb7: {  	_ =	sdelay $0x3  }
0xb8: {  	s7 =	simm.s32 $0xD;
	[tilespmem:v2+s23+$0x0] =	vst.idx.msk $0xffff, v1  }
0xb9: {  	v2 =	vadd.s32 s7, v0;
	v1 =	vld [tilespmem:s17+$0x1680]  }
0xba: {  	s18 =	simm.s32 $0x11D;
	s17 =	simm.s32 $0x10  }
.LBB2_29:
0xbb: {  	s7 =	sand.u32 $0x70, s17  }
0xbc: {  	s15 =	sadd.s32 $0x80, s15;
	s8 =	smov.u32 s18;
	p3 =	sne.s32 s18, $0x20FD  }
.Ltmp15:
0xbd: {  	s18 =	sadd.s32 $0x110, s18;
	s20 =	sand.u32 $0xC00, s15;
	(pc) =	sbr.rel @p3 .LBB2_29-.Ltmp15, $3  }
0xbe: {  	s7 =	sor.u32 s7, s20;
	[tilespmem:v2+s23+$0x0] =	vst.idx.msk $0xffff, v1  }
0xbf: {  	v2 =	vadd.s32 s8, v0;
	v1 =	vld [tilespmem:s7+$0x1680];
	_ =	sdelay $0x1  }
0xc0: {  	s17 =	sadd.s32 $0x10, s17  }
0xc1: {  	_ =	sdelay $0x1  }
0xc2: {  	s15 =	simm.s32 $0x0  }
0xc3: {  	s7 =	sand.u32 $0x70, s15;
	s8 =	sand.u32 $0xC00, s15  }
0xc4: {  	s20 =	simm.s32 $0xE;
	[tilespmem:v2+s23+$0x0] =	vst.idx.msk $0xffff, v1;
	s17 =	sor.u32 s7, s8  }
0xc5: {  	v2 =	vadd.s32 s20, v0;
	v1 =	vld [tilespmem:s17+$0x1700]  }
0xc6: {  	s18 =	simm.s32 $0x11E;
	s21 =	simm.s32 $0x10;
	s22 =	simm.s32 $0x0  }
.LBB2_31:
0xc7: {  	s7 =	sand.u32 $0x70, s21  }
0xc8: {  	s22 =	sadd.s32 $0x80, s22;
	s8 =	smov.u32 s18;
	p3 =	sne.s32 s18, $0x20FE  }
.Ltmp16:
0xc9: {  	s18 =	sadd.s32 $0x110, s18;
	s20 =	sand.u32 $0xC00, s22;
	(pc) =	sbr.rel @p3 .LBB2_31-.Ltmp16, $3  }
0xca: {  	s7 =	sor.u32 s7, s20;
	[tilespmem:v2+s23+$0x0] =	vst.idx.msk $0xffff, v1  }
0xcb: {  	v2 =	vadd.s32 s8, v0;
	v1 =	vld [tilespmem:s7+$0x1700];
	_ =	sdelay $0x1  }
0xcc: {  	s21 =	sadd.s32 $0x10, s21  }
0xcd: {  	_ =	sdelay $0x3  }
0xce: {  	s7 =	simm.s32 $0xF;
	[tilespmem:v2+s23+$0x0] =	vst.idx.msk $0xffff, v1  }
0xcf: {  	v2 =	vadd.s32 s7, v0;
	v1 =	vld [tilespmem:s17+$0x1780]  }
0xd0: {  	s18 =	simm.s32 $0x11F;
	s17 =	simm.s32 $0x10  }
.LBB2_33:
0xd1: {  	s7 =	sand.u32 $0x70, s17  }
0xd2: {  	s15 =	sadd.s32 $0x80, s15;
	s8 =	smov.u32 s18;
	p3 =	sne.s32 s18, $0x20FF  }
.Ltmp17:
0xd3: {  	s18 =	sadd.s32 $0x110, s18;
	s20 =	sand.u32 $0xC00, s15;
	(pc) =	sbr.rel @p3 .LBB2_33-.Ltmp17, $3  }
0xd4: {  	s7 =	sor.u32 s7, s20;
	[tilespmem:v2+s23+$0x0] =	vst.idx.msk $0xffff, v1  }
0xd5: {  	v2 =	vadd.s32 s8, v0;
	v1 =	vld [tilespmem:s7+$0x1780];
	_ =	sdelay $0x1  }
0xd6: {  	s17 =	sadd.s32 $0x10, s17  }
0xd7: {  	_ =	sdelay $0x3  }
0xd8: {  	s7 =	simm.s32 $0x9044;
	[tilespmem:v2+s23+$0x0] =	vst.idx.msk $0xffff, v1  }
0xd9: {  	v1 =	vld [tilespmem:s7+$0xFFFFFFBC]  }
0xda: {  	s17 =	simm.s32 $0x0  }
0xdb: {  	s8 =	sand.u32 $0x7000, s17  }
0xdc: {  	s15 =	sand.u32 $0x380, s17;
	s8 =	sshrl.u32 s8, $0x2  }
0xdd: {  	s8 =	sor.u32 s15, s8  }
0xde: {  	[tilespmem:s8+$0x5000] =	vst v1  }
0xdf: {  	v1 =	vld [tilespmem:s7+$0xFFFFFFCD];
	_ =	sdelay $0x4  }
0xe0: {  	[tilespmem:s8+$0x5010] =	vst v1  }
0xe1: {  	v1 =	vld [tilespmem:s7+$0xFFFFFFDE];
	_ =	sdelay $0x4  }
0xe2: {  	[tilespmem:s8+$0x5020] =	vst v1  }
0xe3: {  	v1 =	vld [tilespmem:s7+$0xFFFFFFEF];
	_ =	sdelay $0x4  }
0xe4: {  	[tilespmem:s8+$0x5030] =	vst v1  }
0xe5: {  	v1 =	vld [tilespmem:s7+$0x0];
	_ =	sdelay $0x4  }
0xe6: {  	[tilespmem:s8+$0x5040] =	vst v1  }
0xe7: {  	v1 =	vld [tilespmem:s7+$0x11];
	_ =	sdelay $0x4  }
0xe8: {  	[tilespmem:s8+$0x5050] =	vst v1  }
0xe9: {  	v1 =	vld [tilespmem:s7+$0x22];
	_ =	sdelay $0x4  }
0xea: {  	[tilespmem:s8+$0x5060] =	vst v1  }
0xeb: {  	v1 =	vld [tilespmem:s7+$0x33];
	_ =	sdelay $0x4  }
0xec: {  	s18 =	simm.s32 $0x90CC;
	[tilespmem:s8+$0x5070] =	vst v1  }
0xed: {  	s21 =	simm.s32 $0x400;
	s15 =	simm.s32 $0x200;
	v1 =	vld [tilespmem:s18+$0xFFFFFFBC]  }
.LBB2_35:
0xee: {  	p3 =	sne.s32 s21, $0x7E00  }
0xef: {  	s7 =	sand.u32 $0x7000, s15;
	s17 =	sadd.s32 $0x80, s17;
	s15 =	smov.u32 s21  }
0xf0: {  	s8 =	sand.u32 $0x380, s17;
	s7 =	sshrl.u32 s7, $0x2  }
0xf1: {  	s7 =	sor.u32 s8, s7  }
0xf2: {  	[tilespmem:s7+$0x5000] =	vst v1  }
0xf3: {  	v1 =	vld [tilespmem:s18+$0xFFFFFFCD];
	_ =	sdelay $0x4  }
0xf4: {  	[tilespmem:s7+$0x5010] =	vst v1  }
0xf5: {  	v1 =	vld [tilespmem:s18+$0xFFFFFFDE];
	_ =	sdelay $0x4  }
0xf6: {  	[tilespmem:s7+$0x5020] =	vst v1  }
0xf7: {  	v1 =	vld [tilespmem:s18+$0xFFFFFFEF];
	_ =	sdelay $0x4  }
0xf8: {  	[tilespmem:s7+$0x5030] =	vst v1  }
0xf9: {  	v1 =	vld [tilespmem:s18+$0x0];
	_ =	sdelay $0x4  }
0xfa: {  	[tilespmem:s7+$0x5040] =	vst v1  }
0xfb: {  	v1 =	vld [tilespmem:s18+$0x11];
	_ =	sdelay $0x4  }
0xfc: {  	[tilespmem:s7+$0x5050] =	vst v1  }
0xfd: {  	v1 =	vld [tilespmem:s18+$0x22];
	_ =	sdelay $0x4  }
0xfe: {  	[tilespmem:s7+$0x5060] =	vst v1  }
0xff: {  	v1 =	vld [tilespmem:s18+$0x33];
	_ =	sdelay $0x1  }
.Ltmp18:
0x100: {  	(pc) =	sbr.rel @p3 .LBB2_35-.Ltmp18, $3  }
0x101: {  	_ =	sdelay $0x1  }
0x102: {  	s18 =	sadd.s32 $0x88, s18;
	[tilespmem:s7+$0x5070] =	vst v1  }
0x103: {  	s21 =	sadd.s32 $0x200, s21;
	v1 =	vld [tilespmem:s18+$0xFFFFFFBC]  }
0x104: {  	_ = 	snop  }
0x105: {  	s7 =	sand.u32 $0x7000, s15;
	s8 =	sadd.s32 $0x80, s17  }
0x106: {  	s8 =	sand.u32 $0x380, s8;
	s7 =	sshrl.u32 s7, $0x2  }
0x107: {  	s7 =	sor.u32 s8, s7  }
0x108: {  	[tilespmem:s7+$0x5000] =	vst v1  }
0x109: {  	v1 =	vld [tilespmem:s18+$0xFFFFFFCD];
	_ =	sdelay $0x4  }
0x10a: {  	[tilespmem:s7+$0x5010] =	vst v1  }
0x10b: {  	v1 =	vld [tilespmem:s18+$0xFFFFFFDE];
	_ =	sdelay $0x4  }
0x10c: {  	[tilespmem:s7+$0x5020] =	vst v1  }
0x10d: {  	v1 =	vld [tilespmem:s18+$0xFFFFFFEF];
	_ =	sdelay $0x4  }
0x10e: {  	[tilespmem:s7+$0x5030] =	vst v1  }
0x10f: {  	v1 =	vld [tilespmem:s18+$0x0];
	_ =	sdelay $0x4  }
0x110: {  	[tilespmem:s7+$0x5040] =	vst v1  }
0x111: {  	v1 =	vld [tilespmem:s18+$0x11];
	_ =	sdelay $0x4  }
0x112: {  	[tilespmem:s7+$0x5050] =	vst v1  }
0x113: {  	v1 =	vld [tilespmem:s18+$0x22];
	_ =	sdelay $0x4  }
0x114: {  	[tilespmem:s7+$0x5060] =	vst v1  }
0x115: {  	v1 =	vld [tilespmem:s18+$0x33];
	_ =	sdelay $0x2  }
0x116: {  	s17 =	sshll.u32 s16, $0xA  }
0x117: {  	p3 =	sge.u32 s1, s10;
	s18 =	sand.u32 $0x1FFFFC00, s17  }
0x118: {  	s20 =	sadd.s32 s3, s18;
	[tilespmem:s7+$0x5070] =	vst v1;
	s7 =	sshll.u32 @!p3 s16, $0x9  }
0x119: {  	[hbm4b:s20+s4] =	stream.linear.scatter [tilespmem:s24], [sflag:$0x3], $0x2000, $0x38;
	[tilespmem:$0xD500] =	vst v63  }
0x11a: {  	s7 =	sand.u32 @!p3 $0x1FFFFE00, s7  }
0x11b: {  	s7 =	sadd.s32 @!p3 s0, s7  }
0x11c: {  	s15 =	simm.s32 @!p3 $0x0;
	s8 =	sadd.s32 @!p3 $0x400, s7  }
0x11d: {  	[tilespmem:s15], [sflag:$0x1] =	stream.linear.gather @!p3 [hbm4b:s8+s15], $0x1000, $0x38;
	[tilespmem:$0xD500] =	vst v63  }
0x11e: {  	s7 =	sadd.s32 @!p3 $0xF4680, s7;
	s8 =	simm.s32 @!p3 $0x1400  }
0x11f: {  	[tilespmem:s8], [sflag:$0x1] =	stream.linear.gather @!p3 [hbm4b:s7+s15], $0x1000, $0x38;
	[tilespmem:$0xD500] =	vst v63  }
0x120: {  	_ =	swait.ge [sflag:s25], $0x1000  }
0x121: {  	[sflag:s25] =	ssyncset.done $0x0  }
0x122: {  	[sflag:s25] =	ssyncadd.s32 $0xFFFFF000  }
0x123: {  	_ =	swait.ge [sflag:s25], $0x1000  }
0x124: {  	[sflag:s25] =	ssyncset.done $0x0  }
0x125: {  	s7 =	simm.s32 @!p2 $0x4;
	[sflag:s25] =	ssyncadd.s32 $0xFFFFF000  }
0x126: {  	s15 =	simm.s32 $0x0;
	_ =	swait.ge @!p2 [sflag:s7], $0x2000  }
0x127: {  	s21 =	sand.u32 $0x70, s15;
	s22 =	sand.u32 $0xC00, s15;
	[sflag:s7] =	ssyncset.done @!p2 $0x0  }
0x128: {  	s18 =	sor.u32 s21, s22;
	[sflag:s7] =	ssyncadd.s32 @!p2 $0xFFFFE000  }
0x129: {  	s20 =	simm.s32 $0x0;
	v2 =	vadd.s32 s15, v0;
	s21 =	simm.s32 $0x10;
	s22 =	simm.s32 $0x0;
	v1 =	vld [tilespmem:s18+$0x2800]  }
.LBB2_37:
0x12a: {  	p2 =	sne.s32 s21, $0x1F0  }
.Ltmp19:
0x12b: {  	_ = 	snop;
	(pc) =	sbr.rel @p2 .LBB2_37-.Ltmp19, $4  }
0x12c: {  	s20 =	sadd.s32 $0x80, s20  }
0x12d: {  	s7 =	sand.u32 $0x70, s21;
	s8 =	sand.u32 $0xC00, s20  }
0x12e: {  	s22 =	sadd.s32 $0x110, s22;
	s7 =	sor.u32 s7, s8;
	[tilespmem:v2+s26+$0x0] =	vst.idx.msk $0xffff, v1  }
0x12f: {  	s21 =	sadd.s32 $0x10, s21;
	v2 =	vadd.s32 s22, v0;
	v1 =	vld [tilespmem:s7+$0x2800]  }
0x130: {  	_ =	sdelay $0x3  }
0x131: {  	s7 =	simm.s32 $0x1;
	[tilespmem:v2+s26+$0x0] =	vst.idx.msk $0xffff, v1  }
0x132: {  	v2 =	vadd.s32 s7, v0;
	v1 =	vld [tilespmem:s18+$0x2880]  }
0x133: {  	s21 =	simm.s32 $0x111;
	s18 =	simm.s32 $0x10  }
.LBB2_39:
0x134: {  	s7 =	sand.u32 $0x70, s18  }
0x135: {  	s15 =	sadd.s32 $0x80, s15;
	s8 =	smov.u32 s21;
	p2 =	sne.s32 s21, $0x20F1  }
.Ltmp20:
0x136: {  	s21 =	sadd.s32 $0x110, s21;
	s20 =	sand.u32 $0xC00, s15;
	(pc) =	sbr.rel @p2 .LBB2_39-.Ltmp20, $3  }
0x137: {  	s7 =	sor.u32 s7, s20;
	[tilespmem:v2+s26+$0x0] =	vst.idx.msk $0xffff, v1  }
0x138: {  	v2 =	vadd.s32 s8, v0;
	v1 =	vld [tilespmem:s7+$0x2880];
	_ =	sdelay $0x1  }
0x139: {  	s18 =	sadd.s32 $0x10, s18  }
0x13a: {  	_ =	sdelay $0x1  }
0x13b: {  	s15 =	simm.s32 $0x0  }
0x13c: {  	s7 =	sand.u32 $0x70, s15;
	s8 =	sand.u32 $0xC00, s15  }
0x13d: {  	s20 =	simm.s32 $0x2;
	[tilespmem:v2+s26+$0x0] =	vst.idx.msk $0xffff, v1;
	s18 =	sor.u32 s7, s8  }
0x13e: {  	v2 =	vadd.s32 s20, v0;
	v1 =	vld [tilespmem:s18+$0x2900]  }
0x13f: {  	s21 =	simm.s32 $0x112;
	s22 =	simm.s32 $0x10;
	s20 =	simm.s32 $0x0  }
.LBB2_41:
0x140: {  	s7 =	sand.u32 $0x70, s22  }
0x141: {  	s20 =	sadd.s32 $0x80, s20;
	s8 =	smov.u32 s21;
	p2 =	sne.s32 s21, $0x20F2  }
.Ltmp21:
0x142: {  	s21 =	sadd.s32 $0x110, s21;
	s9 =	sand.u32 $0xC00, s20;
	(pc) =	sbr.rel @p2 .LBB2_41-.Ltmp21, $3  }
0x143: {  	s7 =	sor.u32 s7, s9;
	[tilespmem:v2+s26+$0x0] =	vst.idx.msk $0xffff, v1  }
0x144: {  	v2 =	vadd.s32 s8, v0;
	v1 =	vld [tilespmem:s7+$0x2900];
	_ =	sdelay $0x1  }
0x145: {  	s22 =	sadd.s32 $0x10, s22  }
0x146: {  	_ =	sdelay $0x3  }
0x147: {  	s7 =	simm.s32 $0x3;
	[tilespmem:v2+s26+$0x0] =	vst.idx.msk $0xffff, v1  }
0x148: {  	v2 =	vadd.s32 s7, v0;
	v1 =	vld [tilespmem:s18+$0x2980]  }
0x149: {  	s21 =	simm.s32 $0x113;
	s18 =	simm.s32 $0x10  }
.LBB2_43:
0x14a: {  	s7 =	sand.u32 $0x70, s18  }
0x14b: {  	s15 =	sadd.s32 $0x80, s15;
	s8 =	smov.u32 s21;
	p2 =	sne.s32 s21, $0x20F3  }
.Ltmp22:
0x14c: {  	s21 =	sadd.s32 $0x110, s21;
	s9 =	sand.u32 $0xC00, s15;
	(pc) =	sbr.rel @p2 .LBB2_43-.Ltmp22, $3  }
0x14d: {  	s7 =	sor.u32 s7, s9;
	[tilespmem:v2+s26+$0x0] =	vst.idx.msk $0xffff, v1  }
0x14e: {  	v2 =	vadd.s32 s8, v0;
	v1 =	vld [tilespmem:s7+$0x2980];
	_ =	sdelay $0x1  }
0x14f: {  	s18 =	sadd.s32 $0x10, s18  }
0x150: {  	_ =	sdelay $0x1  }
0x151: {  	s15 =	simm.s32 $0x0  }
0x152: {  	s7 =	sand.u32 $0x70, s15;
	s8 =	sand.u32 $0xC00, s15  }
0x153: {  	s9 =	simm.s32 $0x4;
	[tilespmem:v2+s26+$0x0] =	vst.idx.msk $0xffff, v1;
	s18 =	sor.u32 s7, s8  }
0x154: {  	v2 =	vadd.s32 s9, v0;
	v1 =	vld [tilespmem:s18+$0x2A00]  }
0x155: {  	s21 =	simm.s32 $0x114;
	s22 =	simm.s32 $0x10;
	s20 =	simm.s32 $0x0  }
.LBB2_45:
0x156: {  	s7 =	sand.u32 $0x70, s22  }
0x157: {  	s20 =	sadd.s32 $0x80, s20;
	s8 =	smov.u32 s21;
	p2 =	sne.s32 s21, $0x20F4  }
.Ltmp23:
0x158: {  	s21 =	sadd.s32 $0x110, s21;
	s9 =	sand.u32 $0xC00, s20;
	(pc) =	sbr.rel @p2 .LBB2_45-.Ltmp23, $3  }
0x159: {  	s7 =	sor.u32 s7, s9;
	[tilespmem:v2+s26+$0x0] =	vst.idx.msk $0xffff, v1  }
0x15a: {  	v2 =	vadd.s32 s8, v0;
	v1 =	vld [tilespmem:s7+$0x2A00];
	_ =	sdelay $0x1  }
0x15b: {  	s22 =	sadd.s32 $0x10, s22  }
0x15c: {  	_ =	sdelay $0x3  }
0x15d: {  	s7 =	simm.s32 $0x5;
	[tilespmem:v2+s26+$0x0] =	vst.idx.msk $0xffff, v1  }
0x15e: {  	v2 =	vadd.s32 s7, v0;
	v1 =	vld [tilespmem:s18+$0x2A80]  }
0x15f: {  	s21 =	simm.s32 $0x115;
	s18 =	simm.s32 $0x10  }
.LBB2_47:
0x160: {  	s7 =	sand.u32 $0x70, s18  }
0x161: {  	s15 =	sadd.s32 $0x80, s15;
	s8 =	smov.u32 s21;
	p2 =	sne.s32 s21, $0x20F5  }
.Ltmp24:
0x162: {  	s21 =	sadd.s32 $0x110, s21;
	s9 =	sand.u32 $0xC00, s15;
	(pc) =	sbr.rel @p2 .LBB2_47-.Ltmp24, $3  }
0x163: {  	s7 =	sor.u32 s7, s9;
	[tilespmem:v2+s26+$0x0] =	vst.idx.msk $0xffff, v1  }
0x164: {  	v2 =	vadd.s32 s8, v0;
	v1 =	vld [tilespmem:s7+$0x2A80];
	_ =	sdelay $0x1  }
0x165: {  	s18 =	sadd.s32 $0x10, s18  }
0x166: {  	_ =	sdelay $0x1  }
0x167: {  	s15 =	simm.s32 $0x0  }
0x168: {  	s7 =	sand.u32 $0x70, s15;
	s8 =	sand.u32 $0xC00, s15  }
0x169: {  	s9 =	simm.s32 $0x6;
	[tilespmem:v2+s26+$0x0] =	vst.idx.msk $0xffff, v1;
	s7 =	sor.u32 s7, s8  }
0x16a: {  	v2 =	vadd.s32 s9, v0;
	v1 =	vld [tilespmem:s7+$0x2B00]  }
0x16b: {  	s18 =	simm.s32 $0x116;
	s21 =	simm.s32 $0x10;
	s20 =	simm.s32 $0x0  }
.LBB2_49:
0x16c: {  	s7 =	sand.u32 $0x70, s21  }
0x16d: {  	s20 =	sadd.s32 $0x80, s20;
	s8 =	smov.u32 s18;
	p2 =	sne.s32 s18, $0x20F6  }
.Ltmp25:
0x16e: {  	s18 =	sadd.s32 $0x110, s18;
	s9 =	sand.u32 $0xC00, s20;
	(pc) =	sbr.rel @p2 .LBB2_49-.Ltmp25, $3  }
0x16f: {  	s7 =	sor.u32 s7, s9;
	[tilespmem:v2+s26+$0x0] =	vst.idx.msk $0xffff, v1  }
0x170: {  	v2 =	vadd.s32 s8, v0;
	v1 =	vld [tilespmem:s7+$0x2B00];
	_ =	sdelay $0x1  }
0x171: {  	s21 =	sadd.s32 $0x10, s21  }
0x172: {  	_ =	sdelay $0x2  }
0x173: {  	s7 =	sor.u32 s15, s15  }
0x174: {  	s8 =	simm.s32 $0x7;
	s7 =	sor.u32 $0x380, s7;
	[tilespmem:v2+s26+$0x0] =	vst.idx.msk $0xffff, v1  }
0x175: {  	v2 =	vadd.s32 s8, v0;
	v1 =	vld [tilespmem:s7+$0x2800];
	_ =	sdelay $0x1  }
0x176: {  	s15 =	simm.s32 $0x117;
	s18 =	simm.s32 $0x80;
	s20 =	simm.s32 $0x10  }
.LBB2_51:
0x177: {  	s7 =	sor.u32 s18, s20  }
0x178: {  	p2 =	sne.s32 s15, $0x20F7;
	s8 =	smov.u32 s15;
	s15 =	sadd.s32 $0x110, s15  }
.Ltmp26:
0x179: {  	s7 =	sor.u32 $0x380, s7;
	[tilespmem:v2+s26+$0x0] =	vst.idx.msk $0xffff, v1;
	(pc) =	sbr.rel @p2 .LBB2_51-.Ltmp26, $2  }
0x17a: {  	v2 =	vadd.s32 s8, v0;
	v1 =	vld [tilespmem:s7+$0x2800];
	_ =	sdelay $0x2  }
0x17b: {  	s18 =	sadd.s32 $0x80, s18;
	s20 =	sadd.s32 $0x10, s20  }
0x17c: {  	_ =	sdelay $0x1  }
0x17d: {  	s15 =	simm.s32 $0x0  }
0x17e: {  	s7 =	sand.u32 $0x70, s15;
	s8 =	sand.u32 $0xC00, s15  }
0x17f: {  	s9 =	simm.s32 $0x8;
	[tilespmem:v2+s26+$0x0] =	vst.idx.msk $0xffff, v1;
	s18 =	sor.u32 s7, s8  }
0x180: {  	v2 =	vadd.s32 s9, v0;
	v1 =	vld [tilespmem:s18+$0x3C00]  }
0x181: {  	s21 =	simm.s32 $0x118;
	s22 =	simm.s32 $0x10;
	s20 =	simm.s32 $0x0  }
.LBB2_53:
0x182: {  	s7 =	sand.u32 $0x70, s22  }
0x183: {  	s20 =	sadd.s32 $0x80, s20;
	s8 =	smov.u32 s21;
	p2 =	sne.s32 s21, $0x20F8  }
.Ltmp27:
0x184: {  	s21 =	sadd.s32 $0x110, s21;
	s9 =	sand.u32 $0xC00, s20;
	(pc) =	sbr.rel @p2 .LBB2_53-.Ltmp27, $3  }
0x185: {  	s7 =	sor.u32 s7, s9;
	[tilespmem:v2+s26+$0x0] =	vst.idx.msk $0xffff, v1  }
0x186: {  	v2 =	vadd.s32 s8, v0;
	v1 =	vld [tilespmem:s7+$0x3C00];
	_ =	sdelay $0x1  }
0x187: {  	s22 =	sadd.s32 $0x10, s22  }
0x188: {  	_ =	sdelay $0x3  }
0x189: {  	s7 =	simm.s32 $0x9;
	[tilespmem:v2+s26+$0x0] =	vst.idx.msk $0xffff, v1  }
0x18a: {  	v2 =	vadd.s32 s7, v0;
	v1 =	vld [tilespmem:s18+$0x3C80]  }
0x18b: {  	s21 =	simm.s32 $0x119;
	s18 =	simm.s32 $0x10  }
.LBB2_55:
0x18c: {  	s7 =	sand.u32 $0x70, s18  }
0x18d: {  	s15 =	sadd.s32 $0x80, s15;
	s8 =	smov.u32 s21;
	p2 =	sne.s32 s21, $0x20F9  }
.Ltmp28:
0x18e: {  	s21 =	sadd.s32 $0x110, s21;
	s9 =	sand.u32 $0xC00, s15;
	(pc) =	sbr.rel @p2 .LBB2_55-.Ltmp28, $3  }
0x18f: {  	s7 =	sor.u32 s7, s9;
	[tilespmem:v2+s26+$0x0] =	vst.idx.msk $0xffff, v1  }
0x190: {  	v2 =	vadd.s32 s8, v0;
	v1 =	vld [tilespmem:s7+$0x3C80];
	_ =	sdelay $0x1  }
0x191: {  	s18 =	sadd.s32 $0x10, s18  }
0x192: {  	_ =	sdelay $0x1  }
0x193: {  	s15 =	simm.s32 $0x0  }
0x194: {  	s7 =	sand.u32 $0x70, s15;
	s8 =	sand.u32 $0xC00, s15  }
0x195: {  	s9 =	simm.s32 $0xA;
	[tilespmem:v2+s26+$0x0] =	vst.idx.msk $0xffff, v1;
	s18 =	sor.u32 s7, s8  }
0x196: {  	v2 =	vadd.s32 s9, v0;
	v1 =	vld [tilespmem:s18+$0x3D00]  }
0x197: {  	s21 =	simm.s32 $0x11A;
	s22 =	simm.s32 $0x10;
	s20 =	simm.s32 $0x0  }
.LBB2_57:
0x198: {  	s7 =	sand.u32 $0x70, s22  }
0x199: {  	s20 =	sadd.s32 $0x80, s20;
	s8 =	smov.u32 s21;
	p2 =	sne.s32 s21, $0x20FA  }
.Ltmp29:
0x19a: {  	s21 =	sadd.s32 $0x110, s21;
	s9 =	sand.u32 $0xC00, s20;
	(pc) =	sbr.rel @p2 .LBB2_57-.Ltmp29, $3  }
0x19b: {  	s7 =	sor.u32 s7, s9;
	[tilespmem:v2+s26+$0x0] =	vst.idx.msk $0xffff, v1  }
0x19c: {  	v2 =	vadd.s32 s8, v0;
	v1 =	vld [tilespmem:s7+$0x3D00];
	_ =	sdelay $0x1  }
0x19d: {  	s22 =	sadd.s32 $0x10, s22  }
0x19e: {  	_ =	sdelay $0x3  }
0x19f: {  	s7 =	simm.s32 $0xB;
	[tilespmem:v2+s26+$0x0] =	vst.idx.msk $0xffff, v1  }
0x1a0: {  	v2 =	vadd.s32 s7, v0;
	v1 =	vld [tilespmem:s18+$0x3D80]  }
0x1a1: {  	s21 =	simm.s32 $0x11B;
	s18 =	simm.s32 $0x10  }
.LBB2_59:
0x1a2: {  	s7 =	sand.u32 $0x70, s18  }
0x1a3: {  	s15 =	sadd.s32 $0x80, s15;
	s8 =	smov.u32 s21;
	p2 =	sne.s32 s21, $0x20FB  }
.Ltmp30:
0x1a4: {  	s21 =	sadd.s32 $0x110, s21;
	s9 =	sand.u32 $0xC00, s15;
	(pc) =	sbr.rel @p2 .LBB2_59-.Ltmp30, $3  }
0x1a5: {  	s7 =	sor.u32 s7, s9;
	[tilespmem:v2+s26+$0x0] =	vst.idx.msk $0xffff, v1  }
0x1a6: {  	v2 =	vadd.s32 s8, v0;
	v1 =	vld [tilespmem:s7+$0x3D80];
	_ =	sdelay $0x1  }
0x1a7: {  	s18 =	sadd.s32 $0x10, s18  }
0x1a8: {  	_ =	sdelay $0x1  }
0x1a9: {  	s15 =	simm.s32 $0x0  }
0x1aa: {  	s7 =	sand.u32 $0x70, s15;
	s8 =	sand.u32 $0xC00, s15  }
0x1ab: {  	s9 =	simm.s32 $0xC;
	[tilespmem:v2+s26+$0x0] =	vst.idx.msk $0xffff, v1;
	s18 =	sor.u32 s7, s8  }
0x1ac: {  	v2 =	vadd.s32 s9, v0;
	v1 =	vld [tilespmem:s18+$0x3E00]  }
0x1ad: {  	s21 =	simm.s32 $0x11C;
	s22 =	simm.s32 $0x10;
	s20 =	simm.s32 $0x0  }
.LBB2_61:
0x1ae: {  	s7 =	sand.u32 $0x70, s22  }
0x1af: {  	s20 =	sadd.s32 $0x80, s20;
	s8 =	smov.u32 s21;
	p2 =	sne.s32 s21, $0x20FC  }
.Ltmp31:
0x1b0: {  	s21 =	sadd.s32 $0x110, s21;
	s9 =	sand.u32 $0xC00, s20;
	(pc) =	sbr.rel @p2 .LBB2_61-.Ltmp31, $3  }
0x1b1: {  	s7 =	sor.u32 s7, s9;
	[tilespmem:v2+s26+$0x0] =	vst.idx.msk $0xffff, v1  }
0x1b2: {  	v2 =	vadd.s32 s8, v0;
	v1 =	vld [tilespmem:s7+$0x3E00];
	_ =	sdelay $0x1  }
0x1b3: {  	s22 =	sadd.s32 $0x10, s22  }
0x1b4: {  	_ =	sdelay $0x3  }
0x1b5: {  	s7 =	simm.s32 $0xD;
	[tilespmem:v2+s26+$0x0] =	vst.idx.msk $0xffff, v1  }
0x1b6: {  	v2 =	vadd.s32 s7, v0;
	v1 =	vld [tilespmem:s18+$0x3E80]  }
0x1b7: {  	s21 =	simm.s32 $0x11D;
	s18 =	simm.s32 $0x10  }
.LBB2_63:
0x1b8: {  	s7 =	sand.u32 $0x70, s18  }
0x1b9: {  	s15 =	sadd.s32 $0x80, s15;
	s8 =	smov.u32 s21;
	p2 =	sne.s32 s21, $0x20FD  }
.Ltmp32:
0x1ba: {  	s21 =	sadd.s32 $0x110, s21;
	s9 =	sand.u32 $0xC00, s15;
	(pc) =	sbr.rel @p2 .LBB2_63-.Ltmp32, $3  }
0x1bb: {  	s7 =	sor.u32 s7, s9;
	[tilespmem:v2+s26+$0x0] =	vst.idx.msk $0xffff, v1  }
0x1bc: {  	v2 =	vadd.s32 s8, v0;
	v1 =	vld [tilespmem:s7+$0x3E80];
	_ =	sdelay $0x1  }
0x1bd: {  	s18 =	sadd.s32 $0x10, s18  }
0x1be: {  	_ =	sdelay $0x1  }
0x1bf: {  	s15 =	simm.s32 $0x0  }
0x1c0: {  	s7 =	sand.u32 $0x70, s15;
	s8 =	sand.u32 $0xC00, s15  }
0x1c1: {  	s9 =	simm.s32 $0xE;
	[tilespmem:v2+s26+$0x0] =	vst.idx.msk $0xffff, v1;
	s18 =	sor.u32 s7, s8  }
0x1c2: {  	v2 =	vadd.s32 s9, v0;
	v1 =	vld [tilespmem:s18+$0x3F00]  }
0x1c3: {  	s21 =	simm.s32 $0x11E;
	s22 =	simm.s32 $0x10;
	s20 =	simm.s32 $0x0  }
.LBB2_65:
0x1c4: {  	s7 =	sand.u32 $0x70, s22  }
0x1c5: {  	s20 =	sadd.s32 $0x80, s20;
	s8 =	smov.u32 s21;
	p2 =	sne.s32 s21, $0x20FE  }
.Ltmp33:
0x1c6: {  	s21 =	sadd.s32 $0x110, s21;
	s9 =	sand.u32 $0xC00, s20;
	(pc) =	sbr.rel @p2 .LBB2_65-.Ltmp33, $3  }
0x1c7: {  	s7 =	sor.u32 s7, s9;
	[tilespmem:v2+s26+$0x0] =	vst.idx.msk $0xffff, v1  }
0x1c8: {  	v2 =	vadd.s32 s8, v0;
	v1 =	vld [tilespmem:s7+$0x3F00];
	_ =	sdelay $0x1  }
0x1c9: {  	s22 =	sadd.s32 $0x10, s22  }
0x1ca: {  	_ =	sdelay $0x3  }
0x1cb: {  	s7 =	simm.s32 $0xF;
	[tilespmem:v2+s26+$0x0] =	vst.idx.msk $0xffff, v1  }
0x1cc: {  	v2 =	vadd.s32 s7, v0;
	v1 =	vld [tilespmem:s18+$0x3F80]  }
0x1cd: {  	s21 =	simm.s32 $0x11F;
	s18 =	simm.s32 $0x10  }
.LBB2_67:
0x1ce: {  	s7 =	sand.u32 $0x70, s18  }
0x1cf: {  	s15 =	sadd.s32 $0x80, s15;
	s8 =	smov.u32 s21;
	p2 =	sne.s32 s21, $0x20FF  }
.Ltmp34:
0x1d0: {  	s21 =	sadd.s32 $0x110, s21;
	s9 =	sand.u32 $0xC00, s15;
	(pc) =	sbr.rel @p2 .LBB2_67-.Ltmp34, $3  }
0x1d1: {  	s7 =	sor.u32 s7, s9;
	[tilespmem:v2+s26+$0x0] =	vst.idx.msk $0xffff, v1  }
0x1d2: {  	v2 =	vadd.s32 s8, v0;
	v1 =	vld [tilespmem:s7+$0x3F80];
	_ =	sdelay $0x1  }
0x1d3: {  	s18 =	sadd.s32 $0x10, s18  }
0x1d4: {  	_ =	sdelay $0x3  }
0x1d5: {  	s7 =	simm.s32 $0xB2C4;
	[tilespmem:v2+s26+$0x0] =	vst.idx.msk $0xffff, v1  }
0x1d6: {  	v1 =	vld [tilespmem:s7+$0xFFFFFFBC]  }
0x1d7: {  	s18 =	simm.s32 $0x0  }
0x1d8: {  	s8 =	sand.u32 $0x7000, s18  }
0x1d9: {  	s9 =	sand.u32 $0x380, s18;
	s8 =	sshrl.u32 s8, $0x2  }
0x1da: {  	s8 =	sor.u32 s9, s8  }
0x1db: {  	[tilespmem:s8+$0x7000] =	vst v1  }
0x1dc: {  	v1 =	vld [tilespmem:s7+$0xFFFFFFCD];
	_ =	sdelay $0x4  }
0x1dd: {  	[tilespmem:s8+$0x7010] =	vst v1  }
0x1de: {  	v1 =	vld [tilespmem:s7+$0xFFFFFFDE];
	_ =	sdelay $0x4  }
0x1df: {  	[tilespmem:s8+$0x7020] =	vst v1  }
0x1e0: {  	v1 =	vld [tilespmem:s7+$0xFFFFFFEF];
	_ =	sdelay $0x4  }
0x1e1: {  	[tilespmem:s8+$0x7030] =	vst v1  }
0x1e2: {  	v1 =	vld [tilespmem:s7+$0x0];
	_ =	sdelay $0x4  }
0x1e3: {  	[tilespmem:s8+$0x7040] =	vst v1  }
0x1e4: {  	v1 =	vld [tilespmem:s7+$0x11];
	_ =	sdelay $0x4  }
0x1e5: {  	[tilespmem:s8+$0x7050] =	vst v1  }
0x1e6: {  	v1 =	vld [tilespmem:s7+$0x22];
	_ =	sdelay $0x4  }
0x1e7: {  	[tilespmem:s8+$0x7060] =	vst v1  }
0x1e8: {  	v1 =	vld [tilespmem:s7+$0x33];
	_ =	sdelay $0x4  }
0x1e9: {  	s15 =	simm.s32 $0xB34C;
	[tilespmem:s8+$0x7070] =	vst v1  }
0x1ea: {  	s21 =	simm.s32 $0x200;
	s22 =	simm.s32 $0x400;
	v1 =	vld [tilespmem:s15+$0xFFFFFFBC]  }
.LBB2_69:
0x1eb: {  	p2 =	sne.s32 s22, $0x7E00  }
0x1ec: {  	s7 =	sand.u32 $0x7000, s21;
	s18 =	sadd.s32 $0x80, s18;
	s21 =	smov.u32 s22  }
0x1ed: {  	s8 =	sand.u32 $0x380, s18;
	s7 =	sshrl.u32 s7, $0x2  }
0x1ee: {  	s7 =	sor.u32 s8, s7  }
0x1ef: {  	[tilespmem:s7+$0x7000] =	vst v1  }
0x1f0: {  	v1 =	vld [tilespmem:s15+$0xFFFFFFCD];
	_ =	sdelay $0x4  }
0x1f1: {  	[tilespmem:s7+$0x7010] =	vst v1  }
0x1f2: {  	v1 =	vld [tilespmem:s15+$0xFFFFFFDE];
	_ =	sdelay $0x4  }
0x1f3: {  	[tilespmem:s7+$0x7020] =	vst v1  }
0x1f4: {  	v1 =	vld [tilespmem:s15+$0xFFFFFFEF];
	_ =	sdelay $0x4  }
0x1f5: {  	[tilespmem:s7+$0x7030] =	vst v1  }
0x1f6: {  	v1 =	vld [tilespmem:s15+$0x0];
	_ =	sdelay $0x4  }
0x1f7: {  	[tilespmem:s7+$0x7040] =	vst v1  }
0x1f8: {  	v1 =	vld [tilespmem:s15+$0x11];
	_ =	sdelay $0x4  }
0x1f9: {  	[tilespmem:s7+$0x7050] =	vst v1  }
0x1fa: {  	v1 =	vld [tilespmem:s15+$0x22];
	_ =	sdelay $0x4  }
0x1fb: {  	[tilespmem:s7+$0x7060] =	vst v1  }
0x1fc: {  	v1 =	vld [tilespmem:s15+$0x33];
	_ =	sdelay $0x1  }
.Ltmp35:
0x1fd: {  	(pc) =	sbr.rel @p2 .LBB2_69-.Ltmp35, $3  }
0x1fe: {  	_ =	sdelay $0x1  }
0x1ff: {  	s15 =	sadd.s32 $0x88, s15;
	[tilespmem:s7+$0x7070] =	vst v1  }
0x200: {  	s22 =	sadd.s32 $0x200, s22;
	v1 =	vld [tilespmem:s15+$0xFFFFFFBC]  }
0x201: {  	_ = 	snop  }
0x202: {  	s7 =	sand.u32 $0x7000, s21;
	s8 =	sadd.s32 $0x80, s18  }
0x203: {  	s8 =	sand.u32 $0x380, s8;
	s7 =	sshrl.u32 s7, $0x2  }
0x204: {  	s7 =	sor.u32 s8, s7  }
0x205: {  	[tilespmem:s7+$0x7000] =	vst v1  }
0x206: {  	v1 =	vld [tilespmem:s15+$0xFFFFFFCD];
	_ =	sdelay $0x4  }
0x207: {  	[tilespmem:s7+$0x7010] =	vst v1  }
0x208: {  	v1 =	vld [tilespmem:s15+$0xFFFFFFDE];
	_ =	sdelay $0x4  }
0x209: {  	[tilespmem:s7+$0x7020] =	vst v1  }
0x20a: {  	v1 =	vld [tilespmem:s15+$0xFFFFFFEF];
	_ =	sdelay $0x4  }
0x20b: {  	[tilespmem:s7+$0x7030] =	vst v1  }
0x20c: {  	v1 =	vld [tilespmem:s15+$0x0];
	_ =	sdelay $0x4  }
0x20d: {  	[tilespmem:s7+$0x7040] =	vst v1  }
0x20e: {  	v1 =	vld [tilespmem:s15+$0x11];
	_ =	sdelay $0x4  }
0x20f: {  	[tilespmem:s7+$0x7050] =	vst v1  }
0x210: {  	v1 =	vld [tilespmem:s15+$0x22];
	_ =	sdelay $0x4  }
0x211: {  	[tilespmem:s7+$0x7060] =	vst v1  }
0x212: {  	v1 =	vld [tilespmem:s15+$0x33];
	_ =	sdelay $0x1  }
0x213: {  	p2 =	sge.u32 s1, s11  }
0x214: {  	s1 =	sshll.u32 @!p2 s16, $0x9  }
0x215: {  	s1 =	sand.u32 @!p2 $0x1FFFFE00, s1  }
0x216: {  	s22 =	sadd.s32 s17, s12;
	s1 =	sadd.s32 @!p2 s0, s1;
	[tilespmem:s7+$0x7070] =	vst v1  }
0x217: {  	[hbm4b:s22+s4] =	stream.linear.scatter [tilespmem:s28], [sflag:$0x4], $0x2000, $0x38;
	[tilespmem:$0xD500] =	vst v63  }
0x218: {  	s9 =	simm.s32 @!p2 $0x2800;
	s8 =	simm.s32 @!p2 $0x0;
	s7 =	sadd.s32 @!p2 $0x600, s1  }
0x219: {  	[tilespmem:s9], [sflag:$0x2] =	stream.linear.gather @!p2 [hbm4b:s7+s8], $0x1000, $0x38;
	[tilespmem:$0xD500] =	vst v63  }
0x21a: {  	s2 =	sadd.s32 $0x1, s2;
	s1 =	sadd.s32 @!p2 $0xF4880, s1;
	s7 =	simm.s32 @!p2 $0x3C00  }
0x21b: {  	[tilespmem:s7], [sflag:$0x2] =	stream.linear.gather @!p2 [hbm4b:s1+s8], $0x1000, $0x38;
	[tilespmem:$0xD500] =	vst v63  }
0x21c: {  	p2 =	sne.s32 s2, $0x1E  }
.Ltmp36:
0x21d: {  	_ = 	snop;
	(pc) =	sbr.rel @p2 .LBB2_2-.Ltmp36, $1  }
0x21e: {  	_ =	sdelay $0x3  }
0x21f: {  	_ =	swait.ge [sflag:s14], $0x1000  }
0x220: {  	[sflag:s14] =	ssyncset.done $0x0  }
0x221: {  	[sflag:s14] =	ssyncadd.s32 $0xFFFFF000  }
0x222: {  	_ =	swait.ge [sflag:s14], $0x1000  }
0x223: {  	[sflag:s14] =	ssyncset.done $0x0  }
0x224: {  	[sflag:s14] =	ssyncadd.s32 $0xFFFFF000  }
0x225: {  	s1 =	simm.s32 $0x0;
	_ =	swait.ge [sflag:s29], $0x2000  }
0x226: {  	s2 =	sand.u32 $0x70, s1;
	s7 =	sand.u32 $0xC00, s1;
	[sflag:s29] =	ssyncset.done $0x0  }
0x227: {  	s2 =	sor.u32 s2, s7;
	[sflag:s29] =	ssyncadd.s32 $0xFFFFE000  }
0x228: {  	s15 =	simm.s32 $0x10;
	s16 =	simm.s32 $0x0;
	s17 =	simm.s32 $0x0;
	v2 =	vadd.s32 s1, v0;
	v1 =	vld [tilespmem:s2+$0x0]  }
.LBB2_72:
0x229: {  	p2 =	sne.s32 s15, $0x1F0  }
.Ltmp37:
0x22a: {  	_ = 	snop;
	(pc) =	sbr.rel @p2 .LBB2_72-.Ltmp37, $4  }
0x22b: {  	s16 =	sadd.s32 $0x80, s16  }
0x22c: {  	s7 =	sand.u32 $0x70, s15;
	s8 =	sand.u32 $0xC00, s16  }
0x22d: {  	s17 =	sadd.s32 $0x110, s17;
	s7 =	sor.u32 s7, s8;
	[tilespmem:v2+s23+$0x0] =	vst.idx.msk $0xffff, v1  }
0x22e: {  	s15 =	sadd.s32 $0x10, s15;
	v2 =	vadd.s32 s17, v0;
	v1 =	vld [tilespmem:s7+$0x0]  }
0x22f: {  	_ =	sdelay $0x3  }
0x230: {  	s7 =	simm.s32 $0x1;
	[tilespmem:v2+s23+$0x0] =	vst.idx.msk $0xffff, v1  }
0x231: {  	v2 =	vadd.s32 s7, v0;
	v1 =	vld [tilespmem:s2+$0x80]  }
0x232: {  	s15 =	simm.s32 $0x111;
	s2 =	simm.s32 $0x10  }
.LBB2_74:
0x233: {  	s7 =	sand.u32 $0x70, s2  }
0x234: {  	s1 =	sadd.s32 $0x80, s1;
	s8 =	smov.u32 s15;
	p2 =	sne.s32 s15, $0x20F1  }
.Ltmp38:
0x235: {  	s15 =	sadd.s32 $0x110, s15;
	s9 =	sand.u32 $0xC00, s1;
	(pc) =	sbr.rel @p2 .LBB2_74-.Ltmp38, $3  }
0x236: {  	s7 =	sor.u32 s7, s9;
	[tilespmem:v2+s23+$0x0] =	vst.idx.msk $0xffff, v1  }
0x237: {  	v2 =	vadd.s32 s8, v0;
	v1 =	vld [tilespmem:s7+$0x80];
	_ =	sdelay $0x1  }
0x238: {  	s2 =	sadd.s32 $0x10, s2  }
0x239: {  	_ =	sdelay $0x1  }
0x23a: {  	s1 =	simm.s32 $0x0  }
0x23b: {  	s2 =	sand.u32 $0x70, s1;
	s7 =	sand.u32 $0xC00, s1  }
0x23c: {  	s8 =	simm.s32 $0x2;
	[tilespmem:v2+s23+$0x0] =	vst.idx.msk $0xffff, v1;
	s2 =	sor.u32 s2, s7  }
0x23d: {  	v2 =	vadd.s32 s8, v0;
	v1 =	vld [tilespmem:s2+$0x100]  }
0x23e: {  	s15 =	simm.s32 $0x112;
	s16 =	simm.s32 $0x10;
	s17 =	simm.s32 $0x0  }
.LBB2_76:
0x23f: {  	s7 =	sand.u32 $0x70, s16  }
0x240: {  	s17 =	sadd.s32 $0x80, s17;
	s8 =	smov.u32 s15;
	p2 =	sne.s32 s15, $0x20F2  }
.Ltmp39:
0x241: {  	s15 =	sadd.s32 $0x110, s15;
	s9 =	sand.u32 $0xC00, s17;
	(pc) =	sbr.rel @p2 .LBB2_76-.Ltmp39, $3  }
0x242: {  	s7 =	sor.u32 s7, s9;
	[tilespmem:v2+s23+$0x0] =	vst.idx.msk $0xffff, v1  }
0x243: {  	v2 =	vadd.s32 s8, v0;
	v1 =	vld [tilespmem:s7+$0x100];
	_ =	sdelay $0x1  }
0x244: {  	s16 =	sadd.s32 $0x10, s16  }
0x245: {  	_ =	sdelay $0x3  }
0x246: {  	s7 =	simm.s32 $0x3;
	[tilespmem:v2+s23+$0x0] =	vst.idx.msk $0xffff, v1  }
0x247: {  	v2 =	vadd.s32 s7, v0;
	v1 =	vld [tilespmem:s2+$0x180]  }
0x248: {  	s15 =	simm.s32 $0x113;
	s2 =	simm.s32 $0x10  }
.LBB2_78:
0x249: {  	s7 =	sand.u32 $0x70, s2  }
0x24a: {  	s1 =	sadd.s32 $0x80, s1;
	s8 =	smov.u32 s15;
	p2 =	sne.s32 s15, $0x20F3  }
.Ltmp40:
0x24b: {  	s15 =	sadd.s32 $0x110, s15;
	s9 =	sand.u32 $0xC00, s1;
	(pc) =	sbr.rel @p2 .LBB2_78-.Ltmp40, $3  }
0x24c: {  	s7 =	sor.u32 s7, s9;
	[tilespmem:v2+s23+$0x0] =	vst.idx.msk $0xffff, v1  }
0x24d: {  	v2 =	vadd.s32 s8, v0;
	v1 =	vld [tilespmem:s7+$0x180];
	_ =	sdelay $0x1  }
0x24e: {  	s2 =	sadd.s32 $0x10, s2  }
0x24f: {  	_ =	sdelay $0x1  }
0x250: {  	s1 =	simm.s32 $0x0  }
0x251: {  	s2 =	sand.u32 $0x70, s1;
	s7 =	sand.u32 $0xC00, s1  }
0x252: {  	s8 =	simm.s32 $0x4;
	[tilespmem:v2+s23+$0x0] =	vst.idx.msk $0xffff, v1;
	s2 =	sor.u32 s2, s7  }
0x253: {  	v2 =	vadd.s32 s8, v0;
	v1 =	vld [tilespmem:s2+$0x200]  }
0x254: {  	s15 =	simm.s32 $0x114;
	s16 =	simm.s32 $0x10;
	s17 =	simm.s32 $0x0  }
.LBB2_80:
0x255: {  	s7 =	sand.u32 $0x70, s16  }
0x256: {  	s17 =	sadd.s32 $0x80, s17;
	s8 =	smov.u32 s15;
	p2 =	sne.s32 s15, $0x20F4  }
.Ltmp41:
0x257: {  	s15 =	sadd.s32 $0x110, s15;
	s9 =	sand.u32 $0xC00, s17;
	(pc) =	sbr.rel @p2 .LBB2_80-.Ltmp41, $3  }
0x258: {  	s7 =	sor.u32 s7, s9;
	[tilespmem:v2+s23+$0x0] =	vst.idx.msk $0xffff, v1  }
0x259: {  	v2 =	vadd.s32 s8, v0;
	v1 =	vld [tilespmem:s7+$0x200];
	_ =	sdelay $0x1  }
0x25a: {  	s16 =	sadd.s32 $0x10, s16  }
0x25b: {  	_ =	sdelay $0x3  }
0x25c: {  	s7 =	simm.s32 $0x5;
	[tilespmem:v2+s23+$0x0] =	vst.idx.msk $0xffff, v1  }
0x25d: {  	v2 =	vadd.s32 s7, v0;
	v1 =	vld [tilespmem:s2+$0x280]  }
0x25e: {  	s15 =	simm.s32 $0x115;
	s2 =	simm.s32 $0x10  }
.LBB2_82:
0x25f: {  	s7 =	sand.u32 $0x70, s2  }
0x260: {  	s1 =	sadd.s32 $0x80, s1;
	s8 =	smov.u32 s15;
	p2 =	sne.s32 s15, $0x20F5  }
.Ltmp42:
0x261: {  	s15 =	sadd.s32 $0x110, s15;
	s9 =	sand.u32 $0xC00, s1;
	(pc) =	sbr.rel @p2 .LBB2_82-.Ltmp42, $3  }
0x262: {  	s7 =	sor.u32 s7, s9;
	[tilespmem:v2+s23+$0x0] =	vst.idx.msk $0xffff, v1  }
0x263: {  	v2 =	vadd.s32 s8, v0;
	v1 =	vld [tilespmem:s7+$0x280];
	_ =	sdelay $0x1  }
0x264: {  	s2 =	sadd.s32 $0x10, s2  }
0x265: {  	_ =	sdelay $0x1  }
0x266: {  	s1 =	simm.s32 $0x0  }
0x267: {  	s2 =	sand.u32 $0x70, s1;
	s7 =	sand.u32 $0xC00, s1  }
0x268: {  	s8 =	simm.s32 $0x6;
	[tilespmem:v2+s23+$0x0] =	vst.idx.msk $0xffff, v1;
	s7 =	sor.u32 s2, s7  }
0x269: {  	v2 =	vadd.s32 s8, v0;
	v1 =	vld [tilespmem:s7+$0x300]  }
0x26a: {  	s15 =	simm.s32 $0x10;
	s16 =	simm.s32 $0x0;
	s2 =	simm.s32 $0x116  }
.LBB2_84:
0x26b: {  	s7 =	sand.u32 $0x70, s15  }
0x26c: {  	s16 =	sadd.s32 $0x80, s16;
	s8 =	smov.u32 s2;
	p2 =	sne.s32 s2, $0x20F6  }
.Ltmp43:
0x26d: {  	s2 =	sadd.s32 $0x110, s2;
	s9 =	sand.u32 $0xC00, s16;
	(pc) =	sbr.rel @p2 .LBB2_84-.Ltmp43, $3  }
0x26e: {  	s7 =	sor.u32 s7, s9;
	[tilespmem:v2+s23+$0x0] =	vst.idx.msk $0xffff, v1  }
0x26f: {  	v2 =	vadd.s32 s8, v0;
	v1 =	vld [tilespmem:s7+$0x300];
	_ =	sdelay $0x1  }
0x270: {  	s15 =	sadd.s32 $0x10, s15  }
0x271: {  	_ =	sdelay $0x2  }
0x272: {  	s1 =	sor.u32 s1, s1  }
0x273: {  	s2 =	simm.s32 $0x7;
	s7 =	sor.u32 $0x380, s1;
	[tilespmem:v2+s23+$0x0] =	vst.idx.msk $0xffff, v1  }
0x274: {  	v2 =	vadd.s32 s2, v0;
	v1 =	vld [tilespmem:s7+$0x0];
	_ =	sdelay $0x1  }
0x275: {  	s15 =	simm.s32 $0x10;
	s1 =	simm.s32 $0x117;
	s2 =	simm.s32 $0x80  }
.LBB2_86:
0x276: {  	s7 =	sor.u32 s2, s15  }
0x277: {  	p2 =	sne.s32 s1, $0x20F7;
	s8 =	smov.u32 s1;
	s1 =	sadd.s32 $0x110, s1  }
.Ltmp44:
0x278: {  	s7 =	sor.u32 $0x380, s7;
	[tilespmem:v2+s23+$0x0] =	vst.idx.msk $0xffff, v1;
	(pc) =	sbr.rel @p2 .LBB2_86-.Ltmp44, $2  }
0x279: {  	v2 =	vadd.s32 s8, v0;
	v1 =	vld [tilespmem:s7+$0x0];
	_ =	sdelay $0x2  }
0x27a: {  	s2 =	sadd.s32 $0x80, s2;
	s15 =	sadd.s32 $0x10, s15  }
0x27b: {  	_ =	sdelay $0x1  }
0x27c: {  	s1 =	simm.s32 $0x0  }
0x27d: {  	s2 =	sand.u32 $0x70, s1;
	s7 =	sand.u32 $0xC00, s1  }
0x27e: {  	s8 =	simm.s32 $0x8;
	[tilespmem:v2+s23+$0x0] =	vst.idx.msk $0xffff, v1;
	s2 =	sor.u32 s2, s7  }
0x27f: {  	v2 =	vadd.s32 s8, v0;
	v1 =	vld [tilespmem:s2+$0x1400]  }
0x280: {  	s15 =	simm.s32 $0x118;
	s16 =	simm.s32 $0x10;
	s17 =	simm.s32 $0x0  }
.LBB2_88:
0x281: {  	s7 =	sand.u32 $0x70, s16  }
0x282: {  	s17 =	sadd.s32 $0x80, s17;
	s8 =	smov.u32 s15;
	p2 =	sne.s32 s15, $0x20F8  }
.Ltmp45:
0x283: {  	s15 =	sadd.s32 $0x110, s15;
	s9 =	sand.u32 $0xC00, s17;
	(pc) =	sbr.rel @p2 .LBB2_88-.Ltmp45, $3  }
0x284: {  	s7 =	sor.u32 s7, s9;
	[tilespmem:v2+s23+$0x0] =	vst.idx.msk $0xffff, v1  }
0x285: {  	v2 =	vadd.s32 s8, v0;
	v1 =	vld [tilespmem:s7+$0x1400];
	_ =	sdelay $0x1  }
0x286: {  	s16 =	sadd.s32 $0x10, s16  }
0x287: {  	_ =	sdelay $0x3  }
0x288: {  	s7 =	simm.s32 $0x9;
	[tilespmem:v2+s23+$0x0] =	vst.idx.msk $0xffff, v1  }
0x289: {  	v2 =	vadd.s32 s7, v0;
	v1 =	vld [tilespmem:s2+$0x1480]  }
0x28a: {  	s15 =	simm.s32 $0x119;
	s2 =	simm.s32 $0x10  }
.LBB2_90:
0x28b: {  	s7 =	sand.u32 $0x70, s2  }
0x28c: {  	s1 =	sadd.s32 $0x80, s1;
	s8 =	smov.u32 s15;
	p2 =	sne.s32 s15, $0x20F9  }
.Ltmp46:
0x28d: {  	s15 =	sadd.s32 $0x110, s15;
	s9 =	sand.u32 $0xC00, s1;
	(pc) =	sbr.rel @p2 .LBB2_90-.Ltmp46, $3  }
0x28e: {  	s7 =	sor.u32 s7, s9;
	[tilespmem:v2+s23+$0x0] =	vst.idx.msk $0xffff, v1  }
0x28f: {  	v2 =	vadd.s32 s8, v0;
	v1 =	vld [tilespmem:s7+$0x1480];
	_ =	sdelay $0x1  }
0x290: {  	s2 =	sadd.s32 $0x10, s2  }
0x291: {  	_ =	sdelay $0x1  }
0x292: {  	s1 =	simm.s32 $0x0  }
0x293: {  	s2 =	sand.u32 $0x70, s1;
	s7 =	sand.u32 $0xC00, s1  }
0x294: {  	s8 =	simm.s32 $0xA;
	[tilespmem:v2+s23+$0x0] =	vst.idx.msk $0xffff, v1;
	s2 =	sor.u32 s2, s7  }
0x295: {  	v2 =	vadd.s32 s8, v0;
	v1 =	vld [tilespmem:s2+$0x1500]  }
0x296: {  	s15 =	simm.s32 $0x11A;
	s16 =	simm.s32 $0x10;
	s17 =	simm.s32 $0x0  }
.LBB2_92:
0x297: {  	s7 =	sand.u32 $0x70, s16  }
0x298: {  	s17 =	sadd.s32 $0x80, s17;
	s8 =	smov.u32 s15;
	p2 =	sne.s32 s15, $0x20FA  }
.Ltmp47:
0x299: {  	s15 =	sadd.s32 $0x110, s15;
	s9 =	sand.u32 $0xC00, s17;
	(pc) =	sbr.rel @p2 .LBB2_92-.Ltmp47, $3  }
0x29a: {  	s7 =	sor.u32 s7, s9;
	[tilespmem:v2+s23+$0x0] =	vst.idx.msk $0xffff, v1  }
0x29b: {  	v2 =	vadd.s32 s8, v0;
	v1 =	vld [tilespmem:s7+$0x1500];
	_ =	sdelay $0x1  }
0x29c: {  	s16 =	sadd.s32 $0x10, s16  }
0x29d: {  	_ =	sdelay $0x3  }
0x29e: {  	s7 =	simm.s32 $0xB;
	[tilespmem:v2+s23+$0x0] =	vst.idx.msk $0xffff, v1  }
0x29f: {  	v2 =	vadd.s32 s7, v0;
	v1 =	vld [tilespmem:s2+$0x1580]  }
0x2a0: {  	s15 =	simm.s32 $0x11B;
	s2 =	simm.s32 $0x10  }
.LBB2_94:
0x2a1: {  	s7 =	sand.u32 $0x70, s2  }
0x2a2: {  	s1 =	sadd.s32 $0x80, s1;
	s8 =	smov.u32 s15;
	p2 =	sne.s32 s15, $0x20FB  }
.Ltmp48:
0x2a3: {  	s15 =	sadd.s32 $0x110, s15;
	s9 =	sand.u32 $0xC00, s1;
	(pc) =	sbr.rel @p2 .LBB2_94-.Ltmp48, $3  }
0x2a4: {  	s7 =	sor.u32 s7, s9;
	[tilespmem:v2+s23+$0x0] =	vst.idx.msk $0xffff, v1  }
0x2a5: {  	v2 =	vadd.s32 s8, v0;
	v1 =	vld [tilespmem:s7+$0x1580];
	_ =	sdelay $0x1  }
0x2a6: {  	s2 =	sadd.s32 $0x10, s2  }
0x2a7: {  	_ =	sdelay $0x1  }
0x2a8: {  	s1 =	simm.s32 $0x0  }
0x2a9: {  	s2 =	sand.u32 $0x70, s1;
	s7 =	sand.u32 $0xC00, s1  }
0x2aa: {  	s8 =	simm.s32 $0xC;
	[tilespmem:v2+s23+$0x0] =	vst.idx.msk $0xffff, v1;
	s2 =	sor.u32 s2, s7  }
0x2ab: {  	v2 =	vadd.s32 s8, v0;
	v1 =	vld [tilespmem:s2+$0x1600]  }
0x2ac: {  	s15 =	simm.s32 $0x11C;
	s16 =	simm.s32 $0x10;
	s17 =	simm.s32 $0x0  }
.LBB2_96:
0x2ad: {  	s7 =	sand.u32 $0x70, s16  }
0x2ae: {  	s17 =	sadd.s32 $0x80, s17;
	s8 =	smov.u32 s15;
	p2 =	sne.s32 s15, $0x20FC  }
.Ltmp49:
0x2af: {  	s15 =	sadd.s32 $0x110, s15;
	s9 =	sand.u32 $0xC00, s17;
	(pc) =	sbr.rel @p2 .LBB2_96-.Ltmp49, $3  }
0x2b0: {  	s7 =	sor.u32 s7, s9;
	[tilespmem:v2+s23+$0x0] =	vst.idx.msk $0xffff, v1  }
0x2b1: {  	v2 =	vadd.s32 s8, v0;
	v1 =	vld [tilespmem:s7+$0x1600];
	_ =	sdelay $0x1  }
0x2b2: {  	s16 =	sadd.s32 $0x10, s16  }
0x2b3: {  	_ =	sdelay $0x3  }
0x2b4: {  	s7 =	simm.s32 $0xD;
	[tilespmem:v2+s23+$0x0] =	vst.idx.msk $0xffff, v1  }
0x2b5: {  	v2 =	vadd.s32 s7, v0;
	v1 =	vld [tilespmem:s2+$0x1680]  }
0x2b6: {  	s15 =	simm.s32 $0x11D;
	s2 =	simm.s32 $0x10  }
.LBB2_98:
0x2b7: {  	s7 =	sand.u32 $0x70, s2  }
0x2b8: {  	s1 =	sadd.s32 $0x80, s1;
	s8 =	smov.u32 s15;
	p2 =	sne.s32 s15, $0x20FD  }
.Ltmp50:
0x2b9: {  	s15 =	sadd.s32 $0x110, s15;
	s9 =	sand.u32 $0xC00, s1;
	(pc) =	sbr.rel @p2 .LBB2_98-.Ltmp50, $3  }
0x2ba: {  	s7 =	sor.u32 s7, s9;
	[tilespmem:v2+s23+$0x0] =	vst.idx.msk $0xffff, v1  }
0x2bb: {  	v2 =	vadd.s32 s8, v0;
	v1 =	vld [tilespmem:s7+$0x1680];
	_ =	sdelay $0x1  }
0x2bc: {  	s2 =	sadd.s32 $0x10, s2  }
0x2bd: {  	_ =	sdelay $0x1  }
0x2be: {  	s1 =	simm.s32 $0x0  }
0x2bf: {  	s2 =	sand.u32 $0x70, s1;
	s7 =	sand.u32 $0xC00, s1  }
0x2c0: {  	s8 =	simm.s32 $0xE;
	[tilespmem:v2+s23+$0x0] =	vst.idx.msk $0xffff, v1;
	s2 =	sor.u32 s2, s7  }
0x2c1: {  	v2 =	vadd.s32 s8, v0;
	v1 =	vld [tilespmem:s2+$0x1700]  }
0x2c2: {  	s15 =	simm.s32 $0x11E;
	s16 =	simm.s32 $0x10;
	s17 =	simm.s32 $0x0  }
.LBB2_100:
0x2c3: {  	s7 =	sand.u32 $0x70, s16  }
0x2c4: {  	s17 =	sadd.s32 $0x80, s17;
	s8 =	smov.u32 s15;
	p2 =	sne.s32 s15, $0x20FE  }
.Ltmp51:
0x2c5: {  	s15 =	sadd.s32 $0x110, s15;
	s9 =	sand.u32 $0xC00, s17;
	(pc) =	sbr.rel @p2 .LBB2_100-.Ltmp51, $3  }
0x2c6: {  	s7 =	sor.u32 s7, s9;
	[tilespmem:v2+s23+$0x0] =	vst.idx.msk $0xffff, v1  }
0x2c7: {  	v2 =	vadd.s32 s8, v0;
	v1 =	vld [tilespmem:s7+$0x1700];
	_ =	sdelay $0x1  }
0x2c8: {  	s16 =	sadd.s32 $0x10, s16  }
0x2c9: {  	_ =	sdelay $0x3  }
0x2ca: {  	s7 =	simm.s32 $0xF;
	[tilespmem:v2+s23+$0x0] =	vst.idx.msk $0xffff, v1  }
0x2cb: {  	v2 =	vadd.s32 s7, v0;
	v1 =	vld [tilespmem:s2+$0x1780]  }
0x2cc: {  	s15 =	simm.s32 $0x11F;
	s2 =	simm.s32 $0x10  }
.LBB2_102:
0x2cd: {  	s7 =	sand.u32 $0x70, s2  }
0x2ce: {  	s1 =	sadd.s32 $0x80, s1;
	s8 =	smov.u32 s15;
	p2 =	sne.s32 s15, $0x20FF  }
.Ltmp52:
0x2cf: {  	s15 =	sadd.s32 $0x110, s15;
	s9 =	sand.u32 $0xC00, s1;
	(pc) =	sbr.rel @p2 .LBB2_102-.Ltmp52, $3  }
0x2d0: {  	s7 =	sor.u32 s7, s9;
	[tilespmem:v2+s23+$0x0] =	vst.idx.msk $0xffff, v1  }
0x2d1: {  	v2 =	vadd.s32 s8, v0;
	v1 =	vld [tilespmem:s7+$0x1780];
	_ =	sdelay $0x1  }
0x2d2: {  	s2 =	sadd.s32 $0x10, s2  }
0x2d3: {  	_ =	sdelay $0x3  }
0x2d4: {  	s2 =	simm.s32 $0x9044;
	[tilespmem:v2+s23+$0x0] =	vst.idx.msk $0xffff, v1  }
0x2d5: {  	v1 =	vld [tilespmem:s2+$0xFFFFFFBC]  }
0x2d6: {  	s1 =	simm.s32 $0x0  }
0x2d7: {  	s7 =	sand.u32 $0x7000, s1  }
0x2d8: {  	s8 =	sand.u32 $0x380, s1;
	s7 =	sshrl.u32 s7, $0x2  }
0x2d9: {  	s7 =	sor.u32 s8, s7  }
0x2da: {  	[tilespmem:s7+$0x5000] =	vst v1  }
0x2db: {  	v1 =	vld [tilespmem:s2+$0xFFFFFFCD];
	_ =	sdelay $0x4  }
0x2dc: {  	[tilespmem:s7+$0x5010] =	vst v1  }
0x2dd: {  	v1 =	vld [tilespmem:s2+$0xFFFFFFDE];
	_ =	sdelay $0x4  }
0x2de: {  	[tilespmem:s7+$0x5020] =	vst v1  }
0x2df: {  	v1 =	vld [tilespmem:s2+$0xFFFFFFEF];
	_ =	sdelay $0x4  }
0x2e0: {  	[tilespmem:s7+$0x5030] =	vst v1  }
0x2e1: {  	v1 =	vld [tilespmem:s2+$0x0];
	_ =	sdelay $0x4  }
0x2e2: {  	[tilespmem:s7+$0x5040] =	vst v1  }
0x2e3: {  	v1 =	vld [tilespmem:s2+$0x11];
	_ =	sdelay $0x4  }
0x2e4: {  	[tilespmem:s7+$0x5050] =	vst v1  }
0x2e5: {  	v1 =	vld [tilespmem:s2+$0x22];
	_ =	sdelay $0x4  }
0x2e6: {  	[tilespmem:s7+$0x5060] =	vst v1  }
0x2e7: {  	v1 =	vld [tilespmem:s2+$0x33];
	_ =	sdelay $0x4  }
0x2e8: {  	s2 =	simm.s32 $0x90CC;
	[tilespmem:s7+$0x5070] =	vst v1  }
0x2e9: {  	s15 =	simm.s32 $0x200;
	s16 =	simm.s32 $0x400;
	v1 =	vld [tilespmem:s2+$0xFFFFFFBC]  }
.LBB2_104:
0x2ea: {  	p2 =	sne.s32 s16, $0x7E00  }
0x2eb: {  	s7 =	sand.u32 $0x7000, s15;
	s1 =	sadd.s32 $0x80, s1;
	s15 =	smov.u32 s16  }
0x2ec: {  	s8 =	sand.u32 $0x380, s1;
	s7 =	sshrl.u32 s7, $0x2  }
0x2ed: {  	s7 =	sor.u32 s8, s7  }
0x2ee: {  	[tilespmem:s7+$0x5000] =	vst v1  }
0x2ef: {  	v1 =	vld [tilespmem:s2+$0xFFFFFFCD];
	_ =	sdelay $0x4  }
0x2f0: {  	[tilespmem:s7+$0x5010] =	vst v1  }
0x2f1: {  	v1 =	vld [tilespmem:s2+$0xFFFFFFDE];
	_ =	sdelay $0x4  }
0x2f2: {  	[tilespmem:s7+$0x5020] =	vst v1  }
0x2f3: {  	v1 =	vld [tilespmem:s2+$0xFFFFFFEF];
	_ =	sdelay $0x4  }
0x2f4: {  	[tilespmem:s7+$0x5030] =	vst v1  }
0x2f5: {  	v1 =	vld [tilespmem:s2+$0x0];
	_ =	sdelay $0x4  }
0x2f6: {  	[tilespmem:s7+$0x5040] =	vst v1  }
0x2f7: {  	v1 =	vld [tilespmem:s2+$0x11];
	_ =	sdelay $0x4  }
0x2f8: {  	[tilespmem:s7+$0x5050] =	vst v1  }
0x2f9: {  	v1 =	vld [tilespmem:s2+$0x22];
	_ =	sdelay $0x4  }
0x2fa: {  	[tilespmem:s7+$0x5060] =	vst v1  }
0x2fb: {  	v1 =	vld [tilespmem:s2+$0x33];
	_ =	sdelay $0x1  }
.Ltmp53:
0x2fc: {  	(pc) =	sbr.rel @p2 .LBB2_104-.Ltmp53, $3  }
0x2fd: {  	_ =	sdelay $0x1  }
0x2fe: {  	s2 =	sadd.s32 $0x88, s2;
	[tilespmem:s7+$0x5070] =	vst v1  }
0x2ff: {  	s16 =	sadd.s32 $0x200, s16;
	v1 =	vld [tilespmem:s2+$0xFFFFFFBC]  }
0x300: {  	_ = 	snop  }
0x301: {  	s7 =	sand.u32 $0x7000, s15;
	s1 =	sadd.s32 $0x80, s1  }
0x302: {  	s1 =	sand.u32 $0x380, s1;
	s7 =	sshrl.u32 s7, $0x2  }
0x303: {  	s1 =	sor.u32 s1, s7  }
0x304: {  	[tilespmem:s1+$0x5000] =	vst v1  }
0x305: {  	v1 =	vld [tilespmem:s2+$0xFFFFFFCD];
	_ =	sdelay $0x4  }
0x306: {  	[tilespmem:s1+$0x5010] =	vst v1  }
0x307: {  	v1 =	vld [tilespmem:s2+$0xFFFFFFDE];
	_ =	sdelay $0x4  }
0x308: {  	[tilespmem:s1+$0x5020] =	vst v1  }
0x309: {  	v1 =	vld [tilespmem:s2+$0xFFFFFFEF];
	_ =	sdelay $0x4  }
0x30a: {  	[tilespmem:s1+$0x5030] =	vst v1  }
0x30b: {  	v1 =	vld [tilespmem:s2+$0x0];
	_ =	sdelay $0x4  }
0x30c: {  	[tilespmem:s1+$0x5040] =	vst v1  }
0x30d: {  	v1 =	vld [tilespmem:s2+$0x11];
	_ =	sdelay $0x4  }
0x30e: {  	[tilespmem:s1+$0x5050] =	vst v1  }
0x30f: {  	v1 =	vld [tilespmem:s2+$0x22];
	_ =	sdelay $0x4  }
0x310: {  	[tilespmem:s1+$0x5060] =	vst v1  }
0x311: {  	v1 =	vld [tilespmem:s2+$0x33];
	_ =	sdelay $0x1  }
.Ltmp54:
0x312: {  	_ = 	snop;
	(pc) =	sbr.rel @!p0 .LBB2_106-.Ltmp54, $3  }
0x313: {  	_ =	sdelay $0x1  }
0x314: {  	[tilespmem:s1+$0x5070] =	vst v1  }
0x315: {  	[hbm4b:s13+s4] =	stream.linear.scatter [tilespmem:s24], [sflag:$0x3], $0x2000, $0x38;
	[tilespmem:$0xD500] =	vst v63  }
0x316: {  	_ =	swait.ge [sflag:s30], $0x2000  }
.Ltmp55:
0x317: {  	[sflag:s30] =	ssyncset.done $0x0;
	(pc) =	sbr.rel @p1 .LBB2_143-.Ltmp55, $4  }
0x318: {  	[sflag:s30] =	ssyncadd.s32 $0xFFFFE000  }
0x319: {  	_ =	swait.ge [sflag:s29], $0x2000  }
0x31a: {  	[sflag:s29] =	ssyncset.done $0x0  }
0x31b: {  	[sflag:s29] =	ssyncadd.s32 $0xFFFFE000  }
0x31c: {  	s1 =	rddreg [dreg:$0x8]  }
0x31d: {  	[tilespmem:s4], [sflag:$0x1] =	stream.linear.gather [hbm4b:s1+s4], $0x400, $0x38;
	[tilespmem:$0xD500] =	vst v63  }
0x31e: {  	s21 =	rddreg [dreg:$0x7];
	s2 =	simm.s32 $0x1400  }
0x31f: {  	[tilespmem:s2], [sflag:$0x1] =	stream.linear.gather [hbm4b:s21+s4], $0x400, $0x38;
	[tilespmem:$0xD500] =	vst v63  }
0x320: {  	_ =	swait.ge [sflag:s14], $0x400  }
0x321: {  	[sflag:s14] =	ssyncset.done $0x0  }
0x322: {  	[sflag:s14] =	ssyncadd.s32 $0xFFFFFC00  }
0x323: {  	_ =	swait.ge [sflag:s14], $0x400  }
0x324: {  	[sflag:s14] =	ssyncset.done $0x0  }
0x325: {  	[sflag:s14] =	ssyncadd.s32 $0xFFFFFC00  }
0x326: {  	v1 =	vld [tilespmem:$0x0];
	_ =	sdelay $0x2  }
0x327: {  	v2 =	vld [tilespmem:$0x1FFB0];
	_ =	sdelay $0x1  }
0x328: {  	[tilespmem:v0+s23+$0x0] =	vst.idx.msk $0xffff, v1  }
0x329: {  	v1 =	vld [tilespmem:$0x10];
	_ =	sdelay $0x4  }
0x32a: {  	[tilespmem:v2+s23+$0x0] =	vst.idx.msk $0xffff, v1;
	v2 =	vld [tilespmem:$0x1FFC0];
	_ =	sdelay $0x2  }
0x32b: {  	v1 =	vld [tilespmem:$0x20];
	_ =	sdelay $0x4  }
0x32c: {  	[tilespmem:v2+s23+$0x0] =	vst.idx.msk $0xffff, v1;
	v2 =	vld [tilespmem:$0x1FFD0];
	_ =	sdelay $0x2  }
0x32d: {  	v1 =	vld [tilespmem:$0x30];
	_ =	sdelay $0x4  }
0x32e: {  	[tilespmem:v2+s23+$0x0] =	vst.idx.msk $0xffff, v1;
	v2 =	vld [tilespmem:$0x1FFE0];
	_ =	sdelay $0x2  }
0x32f: {  	v1 =	vld [tilespmem:$0x80];
	_ =	sdelay $0x4  }
0x330: {  	[tilespmem:v2+s23+$0x0] =	vst.idx.msk $0xffff, v1;
	v2 =	vld [tilespmem:$0x1FFF0];
	_ =	sdelay $0x2  }
0x331: {  	v1 =	vld [tilespmem:$0x90];
	_ =	sdelay $0x4  }
0x332: {  	[tilespmem:v2+s23+$0x0] =	vst.idx.msk $0xffff, v1  }
0x333: {  	v1 =	vld [tilespmem:$0xA0];
	_ =	sdelay $0x4  }
0x334: {  	[tilespmem:v6+s23+$0x0] =	vst.idx.msk $0xffff, v1  }
0x335: {  	v1 =	vld [tilespmem:$0xB0];
	_ =	sdelay $0x4  }
0x336: {  	[tilespmem:v7+s23+$0x0] =	vst.idx.msk $0xffff, v1  }
0x337: {  	v1 =	vld [tilespmem:$0x100];
	_ =	sdelay $0x4  }
0x338: {  	[tilespmem:v8+s23+$0x0] =	vst.idx.msk $0xffff, v1  }
0x339: {  	v1 =	vld [tilespmem:$0x110];
	_ =	sdelay $0x4  }
0x33a: {  	[tilespmem:v9+s23+$0x0] =	vst.idx.msk $0xffff, v1  }
0x33b: {  	v1 =	vld [tilespmem:$0x120];
	_ =	sdelay $0x4  }
0x33c: {  	[tilespmem:v10+s23+$0x0] =	vst.idx.msk $0xffff, v1  }
0x33d: {  	v1 =	vld [tilespmem:$0x130];
	_ =	sdelay $0x4  }
0x33e: {  	[tilespmem:v11+s23+$0x0] =	vst.idx.msk $0xffff, v1  }
0x33f: {  	v1 =	vld [tilespmem:$0x180];
	_ =	sdelay $0x4  }
0x340: {  	[tilespmem:v12+s23+$0x0] =	vst.idx.msk $0xffff, v1  }
0x341: {  	v1 =	vld [tilespmem:$0x190];
	_ =	sdelay $0x4  }
0x342: {  	[tilespmem:v13+s23+$0x0] =	vst.idx.msk $0xffff, v1  }
0x343: {  	v1 =	vld [tilespmem:$0x1A0];
	_ =	sdelay $0x4  }
0x344: {  	[tilespmem:v14+s23+$0x0] =	vst.idx.msk $0xffff, v1  }
0x345: {  	v1 =	vld [tilespmem:$0x1B0];
	_ =	sdelay $0x4  }
0x346: {  	[tilespmem:v15+s23+$0x0] =	vst.idx.msk $0xffff, v1  }
0x347: {  	v1 =	vld [tilespmem:$0x200];
	_ =	sdelay $0x4  }
0x348: {  	[tilespmem:v16+s23+$0x0] =	vst.idx.msk $0xffff, v1  }
0x349: {  	v1 =	vld [tilespmem:$0x210];
	_ =	sdelay $0x4  }
0x34a: {  	[tilespmem:v17+s23+$0x0] =	vst.idx.msk $0xffff, v1  }
0x34b: {  	v1 =	vld [tilespmem:$0x220];
	_ =	sdelay $0x4  }
0x34c: {  	[tilespmem:v18+s23+$0x0] =	vst.idx.msk $0xffff, v1  }
0x34d: {  	v1 =	vld [tilespmem:$0x230];
	_ =	sdelay $0x4  }
0x34e: {  	[tilespmem:v19+s23+$0x0] =	vst.idx.msk $0xffff, v1  }
0x34f: {  	v1 =	vld [tilespmem:$0x280];
	_ =	sdelay $0x4  }
0x350: {  	[tilespmem:v20+s23+$0x0] =	vst.idx.msk $0xffff, v1  }
0x351: {  	v1 =	vld [tilespmem:$0x290];
	_ =	sdelay $0x4  }
0x352: {  	[tilespmem:v21+s23+$0x0] =	vst.idx.msk $0xffff, v1  }
0x353: {  	v1 =	vld [tilespmem:$0x2A0];
	_ =	sdelay $0x4  }
0x354: {  	[tilespmem:v22+s23+$0x0] =	vst.idx.msk $0xffff, v1  }
0x355: {  	v1 =	vld [tilespmem:$0x2B0];
	_ =	sdelay $0x4  }
0x356: {  	[tilespmem:v23+s23+$0x0] =	vst.idx.msk $0xffff, v1  }
0x357: {  	v1 =	vld [tilespmem:$0x300];
	_ =	sdelay $0x4  }
0x358: {  	[tilespmem:v24+s23+$0x0] =	vst.idx.msk $0xffff, v1  }
0x359: {  	v1 =	vld [tilespmem:$0x310];
	_ =	sdelay $0x4  }
0x35a: {  	[tilespmem:v25+s23+$0x0] =	vst.idx.msk $0xffff, v1  }
0x35b: {  	v1 =	vld [tilespmem:$0x320];
	_ =	sdelay $0x4  }
0x35c: {  	[tilespmem:v26+s23+$0x0] =	vst.idx.msk $0xffff, v1  }
0x35d: {  	v1 =	vld [tilespmem:$0x330];
	_ =	sdelay $0x4  }
0x35e: {  	[tilespmem:v27+s23+$0x0] =	vst.idx.msk $0xffff, v1  }
0x35f: {  	v1 =	vld [tilespmem:$0x380];
	_ =	sdelay $0x4  }
0x360: {  	[tilespmem:v28+s23+$0x0] =	vst.idx.msk $0xffff, v1  }
0x361: {  	v1 =	vld [tilespmem:$0x390];
	_ =	sdelay $0x4  }
0x362: {  	[tilespmem:v29+s23+$0x0] =	vst.idx.msk $0xffff, v1  }
0x363: {  	v1 =	vld [tilespmem:$0x3A0];
	_ =	sdelay $0x4  }
0x364: {  	[tilespmem:v30+s23+$0x0] =	vst.idx.msk $0xffff, v1  }
0x365: {  	v1 =	vld [tilespmem:$0x3B0];
	_ =	sdelay $0x4  }
0x366: {  	[tilespmem:v31+s23+$0x0] =	vst.idx.msk $0xffff, v1  }
0x367: {  	v1 =	vld [tilespmem:$0x1400];
	_ =	sdelay $0x4  }
0x368: {  	[tilespmem:v32+s23+$0x0] =	vst.idx.msk $0xffff, v1  }
0x369: {  	v1 =	vld [tilespmem:$0x1410];
	_ =	sdelay $0x4  }
0x36a: {  	[tilespmem:v33+s23+$0x0] =	vst.idx.msk $0xffff, v1  }
0x36b: {  	v1 =	vld [tilespmem:$0x1420];
	_ =	sdelay $0x4  }
0x36c: {  	[tilespmem:v34+s23+$0x0] =	vst.idx.msk $0xffff, v1  }
0x36d: {  	v1 =	vld [tilespmem:$0x1430];
	_ =	sdelay $0x4  }
0x36e: {  	[tilespmem:v35+s23+$0x0] =	vst.idx.msk $0xffff, v1  }
0x36f: {  	v1 =	vld [tilespmem:$0x1480];
	_ =	sdelay $0x4  }
0x370: {  	[tilespmem:v36+s23+$0x0] =	vst.idx.msk $0xffff, v1  }
0x371: {  	v1 =	vld [tilespmem:$0x1490];
	_ =	sdelay $0x4  }
0x372: {  	[tilespmem:v37+s23+$0x0] =	vst.idx.msk $0xffff, v1  }
0x373: {  	v1 =	vld [tilespmem:$0x14A0];
	_ =	sdelay $0x4  }
0x374: {  	[tilespmem:v38+s23+$0x0] =	vst.idx.msk $0xffff, v1  }
0x375: {  	v1 =	vld [tilespmem:$0x14B0];
	_ =	sdelay $0x4  }
0x376: {  	[tilespmem:v39+s23+$0x0] =	vst.idx.msk $0xffff, v1  }
0x377: {  	v1 =	vld [tilespmem:$0x1500];
	_ =	sdelay $0x4  }
0x378: {  	[tilespmem:v40+s23+$0x0] =	vst.idx.msk $0xffff, v1  }
0x379: {  	v1 =	vld [tilespmem:$0x1510];
	_ =	sdelay $0x4  }
0x37a: {  	[tilespmem:v41+s23+$0x0] =	vst.idx.msk $0xffff, v1  }
0x37b: {  	v1 =	vld [tilespmem:$0x1520];
	_ =	sdelay $0x4  }
0x37c: {  	[tilespmem:v42+s23+$0x0] =	vst.idx.msk $0xffff, v1  }
0x37d: {  	v1 =	vld [tilespmem:$0x1530];
	_ =	sdelay $0x4  }
0x37e: {  	[tilespmem:v43+s23+$0x0] =	vst.idx.msk $0xffff, v1  }
0x37f: {  	v1 =	vld [tilespmem:$0x1580];
	_ =	sdelay $0x4  }
0x380: {  	[tilespmem:v44+s23+$0x0] =	vst.idx.msk $0xffff, v1  }
0x381: {  	v1 =	vld [tilespmem:$0x1590];
	_ =	sdelay $0x4  }
0x382: {  	[tilespmem:v45+s23+$0x0] =	vst.idx.msk $0xffff, v1  }
0x383: {  	v1 =	vld [tilespmem:$0x15A0];
	_ =	sdelay $0x4  }
0x384: {  	[tilespmem:v46+s23+$0x0] =	vst.idx.msk $0xffff, v1  }
0x385: {  	v1 =	vld [tilespmem:$0x15B0];
	_ =	sdelay $0x4  }
0x386: {  	[tilespmem:v47+s23+$0x0] =	vst.idx.msk $0xffff, v1  }
0x387: {  	v1 =	vld [tilespmem:$0x1600];
	_ =	sdelay $0x4  }
0x388: {  	[tilespmem:v48+s23+$0x0] =	vst.idx.msk $0xffff, v1  }
0x389: {  	v1 =	vld [tilespmem:$0x1610];
	_ =	sdelay $0x4  }
0x38a: {  	[tilespmem:v49+s23+$0x0] =	vst.idx.msk $0xffff, v1  }
0x38b: {  	v1 =	vld [tilespmem:$0x1620];
	_ =	sdelay $0x4  }
0x38c: {  	[tilespmem:v50+s23+$0x0] =	vst.idx.msk $0xffff, v1  }
0x38d: {  	v1 =	vld [tilespmem:$0x1630];
	_ =	sdelay $0x4  }
0x38e: {  	[tilespmem:v51+s23+$0x0] =	vst.idx.msk $0xffff, v1  }
0x38f: {  	v1 =	vld [tilespmem:$0x1680];
	_ =	sdelay $0x4  }
0x390: {  	[tilespmem:v52+s23+$0x0] =	vst.idx.msk $0xffff, v1  }
0x391: {  	v1 =	vld [tilespmem:$0x1690];
	_ =	sdelay $0x4  }
0x392: {  	[tilespmem:v53+s23+$0x0] =	vst.idx.msk $0xffff, v1  }
0x393: {  	v1 =	vld [tilespmem:$0x16A0];
	_ =	sdelay $0x4  }
0x394: {  	[tilespmem:v54+s23+$0x0] =	vst.idx.msk $0xffff, v1  }
0x395: {  	v1 =	vld [tilespmem:$0x16B0];
	_ =	sdelay $0x4  }
0x396: {  	[tilespmem:v55+s23+$0x0] =	vst.idx.msk $0xffff, v1  }
0x397: {  	v1 =	vld [tilespmem:$0x1700];
	_ =	sdelay $0x4  }
0x398: {  	[tilespmem:v56+s23+$0x0] =	vst.idx.msk $0xffff, v1  }
0x399: {  	v1 =	vld [tilespmem:$0x1710];
	_ =	sdelay $0x4  }
0x39a: {  	[tilespmem:v57+s23+$0x0] =	vst.idx.msk $0xffff, v1  }
0x39b: {  	v1 =	vld [tilespmem:$0x1720];
	_ =	sdelay $0x4  }
0x39c: {  	[tilespmem:v58+s23+$0x0] =	vst.idx.msk $0xffff, v1  }
0x39d: {  	v1 =	vld [tilespmem:$0x1730];
	_ =	sdelay $0x4  }
0x39e: {  	[tilespmem:v59+s23+$0x0] =	vst.idx.msk $0xffff, v1  }
0x39f: {  	v1 =	vld [tilespmem:$0x1780];
	_ =	sdelay $0x4  }
0x3a0: {  	[tilespmem:v60+s23+$0x0] =	vst.idx.msk $0xffff, v1  }
0x3a1: {  	v1 =	vld [tilespmem:$0x1790];
	_ =	sdelay $0x4  }
0x3a2: {  	[tilespmem:v61+s23+$0x0] =	vst.idx.msk $0xffff, v1  }
0x3a3: {  	v1 =	vld [tilespmem:$0x17A0];
	_ =	sdelay $0x4  }
0x3a4: {  	[tilespmem:v62+s23+$0x0] =	vst.idx.msk $0xffff, v1  }
0x3a5: {  	v1 =	vld [tilespmem:$0x17B0];
	_ =	sdelay $0x4  }
0x3a6: {  	[tilespmem:v63+s23+$0x0] =	vst.idx.msk $0xffff, v1  }
0x3a7: {  	v1 =	vld [tilespmem:$0x9000]  }
0x3a8: {  	v2 =	vld [tilespmem:$0x9011]  }
0x3a9: {  	v3 =	vld [tilespmem:$0x9022]  }
0x3aa: {  	v4 =	vld [tilespmem:$0x9033]  }
0x3ab: {  	v5 =	vld [tilespmem:$0x9044]  }
0x3ac: {  	[tilespmem:$0x5000] =	vst v1;
	v1 =	vld [tilespmem:$0x9055]  }
0x3ad: {  	[tilespmem:$0x5010] =	vst v2;
	v2 =	vld [tilespmem:$0x9066]  }
0x3ae: {  	[tilespmem:$0x5020] =	vst v3;
	v3 =	vld [tilespmem:$0x9077]  }
0x3af: {  	[tilespmem:$0x5030] =	vst v4;
	v4 =	vld [tilespmem:$0x9088]  }
0x3b0: {  	[tilespmem:$0x5040] =	vst v5;
	v5 =	vld [tilespmem:$0x9099]  }
0x3b1: {  	[tilespmem:$0x5050] =	vst v1;
	v1 =	vld [tilespmem:$0x90AA]  }
0x3b2: {  	[tilespmem:$0x5060] =	vst v2;
	v2 =	vld [tilespmem:$0x90BB]  }
0x3b3: {  	[tilespmem:$0x5070] =	vst v3;
	v3 =	vld [tilespmem:$0x90CC]  }
0x3b4: {  	[tilespmem:$0x5080] =	vst v4;
	v4 =	vld [tilespmem:$0x90DD]  }
0x3b5: {  	[tilespmem:$0x5090] =	vst v5;
	v5 =	vld [tilespmem:$0x90EE]  }
0x3b6: {  	[tilespmem:$0x50A0] =	vst v1;
	v1 =	vld [tilespmem:$0x90FF]  }
0x3b7: {  	[tilespmem:$0x50B0] =	vst v2;
	v2 =	vld [tilespmem:$0x9110]  }
0x3b8: {  	[tilespmem:$0x50C0] =	vst v3;
	v3 =	vld [tilespmem:$0x9121]  }
0x3b9: {  	[tilespmem:$0x50D0] =	vst v4;
	v4 =	vld [tilespmem:$0x9132]  }
0x3ba: {  	[tilespmem:$0x50E0] =	vst v5;
	v5 =	vld [tilespmem:$0x9143]  }
0x3bb: {  	[tilespmem:$0x50F0] =	vst v1;
	v1 =	vld [tilespmem:$0x9154]  }
0x3bc: {  	[tilespmem:$0x5100] =	vst v2;
	v2 =	vld [tilespmem:$0x9165]  }
0x3bd: {  	[tilespmem:$0x5110] =	vst v3;
	v3 =	vld [tilespmem:$0x9176]  }
0x3be: {  	[tilespmem:$0x5120] =	vst v4;
	v4 =	vld [tilespmem:$0x9187]  }
0x3bf: {  	[tilespmem:$0x5130] =	vst v5;
	v5 =	vld [tilespmem:$0x9198]  }
0x3c0: {  	[tilespmem:$0x5140] =	vst v1;
	v1 =	vld [tilespmem:$0x91A9]  }
0x3c1: {  	[tilespmem:$0x5150] =	vst v2;
	v2 =	vld [tilespmem:$0x91BA]  }
0x3c2: {  	[tilespmem:$0x5160] =	vst v3;
	v3 =	vld [tilespmem:$0x91CB]  }
0x3c3: {  	[tilespmem:$0x5170] =	vst v4;
	v4 =	vld [tilespmem:$0x91DC]  }
0x3c4: {  	[tilespmem:$0x5180] =	vst v5;
	v5 =	vld [tilespmem:$0x91ED]  }
0x3c5: {  	[tilespmem:$0x5190] =	vst v1;
	v1 =	vld [tilespmem:$0x91FE]  }
0x3c6: {  	[tilespmem:$0x51A0] =	vst v2;
	v2 =	vld [tilespmem:$0x920F]  }
0x3c7: {  	[tilespmem:$0x51B0] =	vst v3;
	v3 =	vld [tilespmem:$0x9220]  }
0x3c8: {  	[tilespmem:$0x51C0] =	vst v4;
	v4 =	vld [tilespmem:$0x9231]  }
0x3c9: {  	[tilespmem:$0x51D0] =	vst v5;
	v5 =	vld [tilespmem:$0x9242]  }
0x3ca: {  	[tilespmem:$0x51E0] =	vst v1;
	v1 =	vld [tilespmem:$0x9253]  }
0x3cb: {  	[tilespmem:$0x51F0] =	vst v2;
	v2 =	vld [tilespmem:$0x9264]  }
0x3cc: {  	[tilespmem:$0x5200] =	vst v3;
	v3 =	vld [tilespmem:$0x9275]  }
0x3cd: {  	[tilespmem:$0x5210] =	vst v4;
	v4 =	vld [tilespmem:$0x9286]  }
0x3ce: {  	[tilespmem:$0x5220] =	vst v5;
	v5 =	vld [tilespmem:$0x9297]  }
0x3cf: {  	[tilespmem:$0x5230] =	vst v1;
	v1 =	vld [tilespmem:$0x92A8]  }
0x3d0: {  	[tilespmem:$0x5240] =	vst v2;
	v2 =	vld [tilespmem:$0x92B9]  }
0x3d1: {  	[tilespmem:$0x5250] =	vst v3;
	v3 =	vld [tilespmem:$0x92CA]  }
0x3d2: {  	[tilespmem:$0x5260] =	vst v4;
	v4 =	vld [tilespmem:$0x92DB]  }
0x3d3: {  	[tilespmem:$0x5270] =	vst v5;
	v5 =	vld [tilespmem:$0x92EC]  }
0x3d4: {  	[tilespmem:$0x5280] =	vst v1;
	v1 =	vld [tilespmem:$0x92FD]  }
0x3d5: {  	[tilespmem:$0x5290] =	vst v2;
	v2 =	vld [tilespmem:$0x930E]  }
0x3d6: {  	[tilespmem:$0x52A0] =	vst v3;
	v3 =	vld [tilespmem:$0x931F]  }
0x3d7: {  	[tilespmem:$0x52B0] =	vst v4;
	v4 =	vld [tilespmem:$0x9330]  }
0x3d8: {  	[tilespmem:$0x52C0] =	vst v5;
	v5 =	vld [tilespmem:$0x9341]  }
0x3d9: {  	[tilespmem:$0x52D0] =	vst v1;
	v1 =	vld [tilespmem:$0x9352]  }
0x3da: {  	[tilespmem:$0x52E0] =	vst v2;
	v2 =	vld [tilespmem:$0x9363]  }
0x3db: {  	[tilespmem:$0x52F0] =	vst v3;
	v3 =	vld [tilespmem:$0x9374]  }
0x3dc: {  	[tilespmem:$0x5300] =	vst v4;
	v4 =	vld [tilespmem:$0x9385]  }
0x3dd: {  	[tilespmem:$0x5310] =	vst v5;
	v5 =	vld [tilespmem:$0x9396]  }
0x3de: {  	[tilespmem:$0x5320] =	vst v1;
	v1 =	vld [tilespmem:$0x93A7]  }
0x3df: {  	[tilespmem:$0x5330] =	vst v2;
	v2 =	vld [tilespmem:$0x93B8]  }
0x3e0: {  	[tilespmem:$0x5340] =	vst v3;
	v3 =	vld [tilespmem:$0x93C9]  }
0x3e1: {  	[tilespmem:$0x5350] =	vst v4;
	v4 =	vld [tilespmem:$0x93DA]  }
0x3e2: {  	[tilespmem:$0x5360] =	vst v5;
	v5 =	vld [tilespmem:$0x93EB]  }
0x3e3: {  	[tilespmem:$0x5370] =	vst v1;
	v1 =	vld [tilespmem:$0x93FC]  }
0x3e4: {  	[tilespmem:$0x5380] =	vst v2;
	v2 =	vld [tilespmem:$0x940D]  }
0x3e5: {  	[tilespmem:$0x5390] =	vst v3;
	v3 =	vld [tilespmem:$0x941E]  }
0x3e6: {  	[tilespmem:$0x53A0] =	vst v4;
	v4 =	vld [tilespmem:$0x942F]  }
0x3e7: {  	[tilespmem:$0x53B0] =	vst v5  }
0x3e8: {  	[tilespmem:$0x53C0] =	vst v1  }
0x3e9: {  	[tilespmem:$0x53D0] =	vst v2  }
0x3ea: {  	[tilespmem:$0x53E0] =	vst v3  }
.Ltmp56:
0x3eb: {  	s22 =	rddreg [dreg:$0x9];
	[tilespmem:$0x53F0] =	vst v4;
	(pc) =	sbr.rel .LBB2_143-.Ltmp56, $4  }
0x3ec: {  	[hbm4b:s22+s4] =	stream.linear.scatter [tilespmem:s24], [sflag:$0x3], $0x400, $0x38;
	[tilespmem:$0xD500] =	vst v63  }
0x3ed: {  	_ =	swait.ge [sflag:s29], $0x400  }
0x3ee: {  	[sflag:s29] =	ssyncset.done $0x0  }
0x3ef: {  	[sflag:s29] =	ssyncadd.s32 $0xFFFFFC00  }
.LBB2_106:
0x3f0: {  	_ =	swait.ge [sflag:s25], $0x1000  }
0x3f1: {  	[sflag:s25] =	ssyncset.done $0x0  }
0x3f2: {  	[sflag:s25] =	ssyncadd.s32 $0xFFFFF000  }
0x3f3: {  	_ =	swait.ge [sflag:s25], $0x1000  }
0x3f4: {  	[sflag:s25] =	ssyncset.done $0x0  }
0x3f5: {  	[sflag:s25] =	ssyncadd.s32 $0xFFFFF000  }
0x3f6: {  	s1 =	simm.s32 $0x0;
	_ =	swait.ge [sflag:s30], $0x2000  }
0x3f7: {  	s2 =	sand.u32 $0x70, s1;
	s7 =	sand.u32 $0xC00, s1;
	[sflag:s30] =	ssyncset.done $0x0  }
0x3f8: {  	s2 =	sor.u32 s2, s7;
	[sflag:s30] =	ssyncadd.s32 $0xFFFFE000  }
0x3f9: {  	s15 =	simm.s32 $0x10;
	s16 =	simm.s32 $0x0;
	s17 =	simm.s32 $0x0;
	v2 =	vadd.s32 s1, v0;
	v1 =	vld [tilespmem:s2+$0x2800]  }
.LBB2_107:
0x3fa: {  	p2 =	sne.s32 s15, $0x1F0  }
.Ltmp57:
0x3fb: {  	_ = 	snop;
	(pc) =	sbr.rel @p2 .LBB2_107-.Ltmp57, $4  }
0x3fc: {  	s16 =	sadd.s32 $0x80, s16  }
0x3fd: {  	s7 =	sand.u32 $0x70, s15;
	s8 =	sand.u32 $0xC00, s16  }
0x3fe: {  	s17 =	sadd.s32 $0x110, s17;
	s7 =	sor.u32 s7, s8;
	[tilespmem:v2+s26+$0x0] =	vst.idx.msk $0xffff, v1  }
0x3ff: {  	s15 =	sadd.s32 $0x10, s15;
	v2 =	vadd.s32 s17, v0;
	v1 =	vld [tilespmem:s7+$0x2800]  }
0x400: {  	_ =	sdelay $0x3  }
0x401: {  	s7 =	simm.s32 $0x1;
	[tilespmem:v2+s26+$0x0] =	vst.idx.msk $0xffff, v1  }
0x402: {  	v2 =	vadd.s32 s7, v0;
	v1 =	vld [tilespmem:s2+$0x2880]  }
0x403: {  	s15 =	simm.s32 $0x111;
	s2 =	simm.s32 $0x10  }
.LBB2_109:
0x404: {  	s7 =	sand.u32 $0x70, s2  }
0x405: {  	s1 =	sadd.s32 $0x80, s1;
	s8 =	smov.u32 s15;
	p2 =	sne.s32 s15, $0x20F1  }
.Ltmp58:
0x406: {  	s15 =	sadd.s32 $0x110, s15;
	s9 =	sand.u32 $0xC00, s1;
	(pc) =	sbr.rel @p2 .LBB2_109-.Ltmp58, $3  }
0x407: {  	s7 =	sor.u32 s7, s9;
	[tilespmem:v2+s26+$0x0] =	vst.idx.msk $0xffff, v1  }
0x408: {  	v2 =	vadd.s32 s8, v0;
	v1 =	vld [tilespmem:s7+$0x2880];
	_ =	sdelay $0x1  }
0x409: {  	s2 =	sadd.s32 $0x10, s2  }
0x40a: {  	_ =	sdelay $0x1  }
0x40b: {  	s1 =	simm.s32 $0x0  }
0x40c: {  	s2 =	sand.u32 $0x70, s1;
	s7 =	sand.u32 $0xC00, s1  }
0x40d: {  	s8 =	simm.s32 $0x2;
	[tilespmem:v2+s26+$0x0] =	vst.idx.msk $0xffff, v1;
	s2 =	sor.u32 s2, s7  }
0x40e: {  	v2 =	vadd.s32 s8, v0;
	v1 =	vld [tilespmem:s2+$0x2900]  }
0x40f: {  	s15 =	simm.s32 $0x112;
	s16 =	simm.s32 $0x10;
	s17 =	simm.s32 $0x0  }
.LBB2_111:
0x410: {  	s7 =	sand.u32 $0x70, s16  }
0x411: {  	s17 =	sadd.s32 $0x80, s17;
	s8 =	smov.u32 s15;
	p2 =	sne.s32 s15, $0x20F2  }
.Ltmp59:
0x412: {  	s15 =	sadd.s32 $0x110, s15;
	s9 =	sand.u32 $0xC00, s17;
	(pc) =	sbr.rel @p2 .LBB2_111-.Ltmp59, $3  }
0x413: {  	s7 =	sor.u32 s7, s9;
	[tilespmem:v2+s26+$0x0] =	vst.idx.msk $0xffff, v1  }
0x414: {  	v2 =	vadd.s32 s8, v0;
	v1 =	vld [tilespmem:s7+$0x2900];
	_ =	sdelay $0x1  }
0x415: {  	s16 =	sadd.s32 $0x10, s16  }
0x416: {  	_ =	sdelay $0x3  }
0x417: {  	s7 =	simm.s32 $0x3;
	[tilespmem:v2+s26+$0x0] =	vst.idx.msk $0xffff, v1  }
0x418: {  	v2 =	vadd.s32 s7, v0;
	v1 =	vld [tilespmem:s2+$0x2980]  }
0x419: {  	s15 =	simm.s32 $0x113;
	s2 =	simm.s32 $0x10  }
.LBB2_113:
0x41a: {  	s7 =	sand.u32 $0x70, s2  }
0x41b: {  	s1 =	sadd.s32 $0x80, s1;
	s8 =	smov.u32 s15;
	p2 =	sne.s32 s15, $0x20F3  }
.Ltmp60:
0x41c: {  	s15 =	sadd.s32 $0x110, s15;
	s9 =	sand.u32 $0xC00, s1;
	(pc) =	sbr.rel @p2 .LBB2_113-.Ltmp60, $3  }
0x41d: {  	s7 =	sor.u32 s7, s9;
	[tilespmem:v2+s26+$0x0] =	vst.idx.msk $0xffff, v1  }
0x41e: {  	v2 =	vadd.s32 s8, v0;
	v1 =	vld [tilespmem:s7+$0x2980];
	_ =	sdelay $0x1  }
0x41f: {  	s2 =	sadd.s32 $0x10, s2  }
0x420: {  	_ =	sdelay $0x1  }
0x421: {  	s1 =	simm.s32 $0x0  }
0x422: {  	s2 =	sand.u32 $0x70, s1;
	s7 =	sand.u32 $0xC00, s1  }
0x423: {  	s8 =	simm.s32 $0x4;
	[tilespmem:v2+s26+$0x0] =	vst.idx.msk $0xffff, v1;
	s2 =	sor.u32 s2, s7  }
0x424: {  	v2 =	vadd.s32 s8, v0;
	v1 =	vld [tilespmem:s2+$0x2A00]  }
0x425: {  	s15 =	simm.s32 $0x114;
	s16 =	simm.s32 $0x10;
	s17 =	simm.s32 $0x0  }
.LBB2_115:
0x426: {  	s7 =	sand.u32 $0x70, s16  }
0x427: {  	s17 =	sadd.s32 $0x80, s17;
	s8 =	smov.u32 s15;
	p2 =	sne.s32 s15, $0x20F4  }
.Ltmp61:
0x428: {  	s15 =	sadd.s32 $0x110, s15;
	s9 =	sand.u32 $0xC00, s17;
	(pc) =	sbr.rel @p2 .LBB2_115-.Ltmp61, $3  }
0x429: {  	s7 =	sor.u32 s7, s9;
	[tilespmem:v2+s26+$0x0] =	vst.idx.msk $0xffff, v1  }
0x42a: {  	v2 =	vadd.s32 s8, v0;
	v1 =	vld [tilespmem:s7+$0x2A00];
	_ =	sdelay $0x1  }
0x42b: {  	s16 =	sadd.s32 $0x10, s16  }
0x42c: {  	_ =	sdelay $0x3  }
0x42d: {  	s7 =	simm.s32 $0x5;
	[tilespmem:v2+s26+$0x0] =	vst.idx.msk $0xffff, v1  }
0x42e: {  	v2 =	vadd.s32 s7, v0;
	v1 =	vld [tilespmem:s2+$0x2A80]  }
0x42f: {  	s15 =	simm.s32 $0x115;
	s2 =	simm.s32 $0x10  }
.LBB2_117:
0x430: {  	s7 =	sand.u32 $0x70, s2  }
0x431: {  	s1 =	sadd.s32 $0x80, s1;
	s8 =	smov.u32 s15;
	p2 =	sne.s32 s15, $0x20F5  }
.Ltmp62:
0x432: {  	s15 =	sadd.s32 $0x110, s15;
	s9 =	sand.u32 $0xC00, s1;
	(pc) =	sbr.rel @p2 .LBB2_117-.Ltmp62, $3  }
0x433: {  	s7 =	sor.u32 s7, s9;
	[tilespmem:v2+s26+$0x0] =	vst.idx.msk $0xffff, v1  }
0x434: {  	v2 =	vadd.s32 s8, v0;
	v1 =	vld [tilespmem:s7+$0x2A80];
	_ =	sdelay $0x1  }
0x435: {  	s2 =	sadd.s32 $0x10, s2  }
0x436: {  	_ =	sdelay $0x1  }
0x437: {  	s1 =	simm.s32 $0x0  }
0x438: {  	s2 =	sand.u32 $0x70, s1;
	s7 =	sand.u32 $0xC00, s1  }
0x439: {  	s8 =	simm.s32 $0x6;
	[tilespmem:v2+s26+$0x0] =	vst.idx.msk $0xffff, v1;
	s7 =	sor.u32 s2, s7  }
0x43a: {  	v2 =	vadd.s32 s8, v0;
	v1 =	vld [tilespmem:s7+$0x2B00]  }
0x43b: {  	s15 =	simm.s32 $0x10;
	s16 =	simm.s32 $0x0;
	s2 =	simm.s32 $0x116  }
.LBB2_119:
0x43c: {  	s7 =	sand.u32 $0x70, s15  }
0x43d: {  	s16 =	sadd.s32 $0x80, s16;
	s8 =	smov.u32 s2;
	p2 =	sne.s32 s2, $0x20F6  }
.Ltmp63:
0x43e: {  	s2 =	sadd.s32 $0x110, s2;
	s9 =	sand.u32 $0xC00, s16;
	(pc) =	sbr.rel @p2 .LBB2_119-.Ltmp63, $3  }
0x43f: {  	s7 =	sor.u32 s7, s9;
	[tilespmem:v2+s26+$0x0] =	vst.idx.msk $0xffff, v1  }
0x440: {  	v2 =	vadd.s32 s8, v0;
	v1 =	vld [tilespmem:s7+$0x2B00];
	_ =	sdelay $0x1  }
0x441: {  	s15 =	sadd.s32 $0x10, s15  }
0x442: {  	_ =	sdelay $0x2  }
0x443: {  	s1 =	sor.u32 s1, s1  }
0x444: {  	s2 =	simm.s32 $0x7;
	s7 =	sor.u32 $0x380, s1;
	[tilespmem:v2+s26+$0x0] =	vst.idx.msk $0xffff, v1  }
0x445: {  	v2 =	vadd.s32 s2, v0;
	v1 =	vld [tilespmem:s7+$0x2800];
	_ =	sdelay $0x1  }
0x446: {  	s15 =	simm.s32 $0x10;
	s1 =	simm.s32 $0x117;
	s2 =	simm.s32 $0x80  }
.LBB2_121:
0x447: {  	s7 =	sor.u32 s2, s15  }
0x448: {  	p2 =	sne.s32 s1, $0x20F7;
	s8 =	smov.u32 s1;
	s1 =	sadd.s32 $0x110, s1  }
.Ltmp64:
0x449: {  	s7 =	sor.u32 $0x380, s7;
	[tilespmem:v2+s26+$0x0] =	vst.idx.msk $0xffff, v1;
	(pc) =	sbr.rel @p2 .LBB2_121-.Ltmp64, $2  }
0x44a: {  	v2 =	vadd.s32 s8, v0;
	v1 =	vld [tilespmem:s7+$0x2800];
	_ =	sdelay $0x2  }
0x44b: {  	s2 =	sadd.s32 $0x80, s2;
	s15 =	sadd.s32 $0x10, s15  }
0x44c: {  	_ =	sdelay $0x1  }
0x44d: {  	s1 =	simm.s32 $0x0  }
0x44e: {  	s2 =	sand.u32 $0x70, s1;
	s7 =	sand.u32 $0xC00, s1  }
0x44f: {  	s8 =	simm.s32 $0x8;
	[tilespmem:v2+s26+$0x0] =	vst.idx.msk $0xffff, v1;
	s2 =	sor.u32 s2, s7  }
0x450: {  	v2 =	vadd.s32 s8, v0;
	v1 =	vld [tilespmem:s2+$0x3C00]  }
0x451: {  	s15 =	simm.s32 $0x118;
	s16 =	simm.s32 $0x10;
	s17 =	simm.s32 $0x0  }
.LBB2_123:
0x452: {  	s7 =	sand.u32 $0x70, s16  }
0x453: {  	s17 =	sadd.s32 $0x80, s17;
	s8 =	smov.u32 s15;
	p2 =	sne.s32 s15, $0x20F8  }
.Ltmp65:
0x454: {  	s15 =	sadd.s32 $0x110, s15;
	s9 =	sand.u32 $0xC00, s17;
	(pc) =	sbr.rel @p2 .LBB2_123-.Ltmp65, $3  }
0x455: {  	s7 =	sor.u32 s7, s9;
	[tilespmem:v2+s26+$0x0] =	vst.idx.msk $0xffff, v1  }
0x456: {  	v2 =	vadd.s32 s8, v0;
	v1 =	vld [tilespmem:s7+$0x3C00];
	_ =	sdelay $0x1  }
0x457: {  	s16 =	sadd.s32 $0x10, s16  }
0x458: {  	_ =	sdelay $0x3  }
0x459: {  	s7 =	simm.s32 $0x9;
	[tilespmem:v2+s26+$0x0] =	vst.idx.msk $0xffff, v1  }
0x45a: {  	v2 =	vadd.s32 s7, v0;
	v1 =	vld [tilespmem:s2+$0x3C80]  }
0x45b: {  	s15 =	simm.s32 $0x119;
	s2 =	simm.s32 $0x10  }
.LBB2_125:
0x45c: {  	s7 =	sand.u32 $0x70, s2  }
0x45d: {  	s1 =	sadd.s32 $0x80, s1;
	s8 =	smov.u32 s15;
	p2 =	sne.s32 s15, $0x20F9  }
.Ltmp66:
0x45e: {  	s15 =	sadd.s32 $0x110, s15;
	s9 =	sand.u32 $0xC00, s1;
	(pc) =	sbr.rel @p2 .LBB2_125-.Ltmp66, $3  }
0x45f: {  	s7 =	sor.u32 s7, s9;
	[tilespmem:v2+s26+$0x0] =	vst.idx.msk $0xffff, v1  }
0x460: {  	v2 =	vadd.s32 s8, v0;
	v1 =	vld [tilespmem:s7+$0x3C80];
	_ =	sdelay $0x1  }
0x461: {  	s2 =	sadd.s32 $0x10, s2  }
0x462: {  	_ =	sdelay $0x1  }
0x463: {  	s1 =	simm.s32 $0x0  }
0x464: {  	s2 =	sand.u32 $0x70, s1;
	s7 =	sand.u32 $0xC00, s1  }
0x465: {  	s8 =	simm.s32 $0xA;
	[tilespmem:v2+s26+$0x0] =	vst.idx.msk $0xffff, v1;
	s2 =	sor.u32 s2, s7  }
0x466: {  	v2 =	vadd.s32 s8, v0;
	v1 =	vld [tilespmem:s2+$0x3D00]  }
0x467: {  	s15 =	simm.s32 $0x11A;
	s16 =	simm.s32 $0x10;
	s17 =	simm.s32 $0x0  }
.LBB2_127:
0x468: {  	s7 =	sand.u32 $0x70, s16  }
0x469: {  	s17 =	sadd.s32 $0x80, s17;
	s8 =	smov.u32 s15;
	p2 =	sne.s32 s15, $0x20FA  }
.Ltmp67:
0x46a: {  	s15 =	sadd.s32 $0x110, s15;
	s9 =	sand.u32 $0xC00, s17;
	(pc) =	sbr.rel @p2 .LBB2_127-.Ltmp67, $3  }
0x46b: {  	s7 =	sor.u32 s7, s9;
	[tilespmem:v2+s26+$0x0] =	vst.idx.msk $0xffff, v1  }
0x46c: {  	v2 =	vadd.s32 s8, v0;
	v1 =	vld [tilespmem:s7+$0x3D00];
	_ =	sdelay $0x1  }
0x46d: {  	s16 =	sadd.s32 $0x10, s16  }
0x46e: {  	_ =	sdelay $0x3  }
0x46f: {  	s7 =	simm.s32 $0xB;
	[tilespmem:v2+s26+$0x0] =	vst.idx.msk $0xffff, v1  }
0x470: {  	v2 =	vadd.s32 s7, v0;
	v1 =	vld [tilespmem:s2+$0x3D80]  }
0x471: {  	s15 =	simm.s32 $0x11B;
	s2 =	simm.s32 $0x10  }
.LBB2_129:
0x472: {  	s7 =	sand.u32 $0x70, s2  }
0x473: {  	s1 =	sadd.s32 $0x80, s1;
	s8 =	smov.u32 s15;
	p2 =	sne.s32 s15, $0x20FB  }
.Ltmp68:
0x474: {  	s15 =	sadd.s32 $0x110, s15;
	s9 =	sand.u32 $0xC00, s1;
	(pc) =	sbr.rel @p2 .LBB2_129-.Ltmp68, $3  }
0x475: {  	s7 =	sor.u32 s7, s9;
	[tilespmem:v2+s26+$0x0] =	vst.idx.msk $0xffff, v1  }
0x476: {  	v2 =	vadd.s32 s8, v0;
	v1 =	vld [tilespmem:s7+$0x3D80];
	_ =	sdelay $0x1  }
0x477: {  	s2 =	sadd.s32 $0x10, s2  }
0x478: {  	_ =	sdelay $0x1  }
0x479: {  	s1 =	simm.s32 $0x0  }
0x47a: {  	s2 =	sand.u32 $0x70, s1;
	s7 =	sand.u32 $0xC00, s1  }
0x47b: {  	s8 =	simm.s32 $0xC;
	[tilespmem:v2+s26+$0x0] =	vst.idx.msk $0xffff, v1;
	s2 =	sor.u32 s2, s7  }
0x47c: {  	v2 =	vadd.s32 s8, v0;
	v1 =	vld [tilespmem:s2+$0x3E00]  }
0x47d: {  	s15 =	simm.s32 $0x11C;
	s16 =	simm.s32 $0x10;
	s17 =	simm.s32 $0x0  }
.LBB2_131:
0x47e: {  	s7 =	sand.u32 $0x70, s16  }
0x47f: {  	s17 =	sadd.s32 $0x80, s17;
	s8 =	smov.u32 s15;
	p2 =	sne.s32 s15, $0x20FC  }
.Ltmp69:
0x480: {  	s15 =	sadd.s32 $0x110, s15;
	s9 =	sand.u32 $0xC00, s17;
	(pc) =	sbr.rel @p2 .LBB2_131-.Ltmp69, $3  }
0x481: {  	s7 =	sor.u32 s7, s9;
	[tilespmem:v2+s26+$0x0] =	vst.idx.msk $0xffff, v1  }
0x482: {  	v2 =	vadd.s32 s8, v0;
	v1 =	vld [tilespmem:s7+$0x3E00];
	_ =	sdelay $0x1  }
0x483: {  	s16 =	sadd.s32 $0x10, s16  }
0x484: {  	_ =	sdelay $0x3  }
0x485: {  	s7 =	simm.s32 $0xD;
	[tilespmem:v2+s26+$0x0] =	vst.idx.msk $0xffff, v1  }
0x486: {  	v2 =	vadd.s32 s7, v0;
	v1 =	vld [tilespmem:s2+$0x3E80]  }
0x487: {  	s15 =	simm.s32 $0x11D;
	s2 =	simm.s32 $0x10  }
.LBB2_133:
0x488: {  	s7 =	sand.u32 $0x70, s2  }
0x489: {  	s1 =	sadd.s32 $0x80, s1;
	s8 =	smov.u32 s15;
	p2 =	sne.s32 s15, $0x20FD  }
.Ltmp70:
0x48a: {  	s15 =	sadd.s32 $0x110, s15;
	s9 =	sand.u32 $0xC00, s1;
	(pc) =	sbr.rel @p2 .LBB2_133-.Ltmp70, $3  }
0x48b: {  	s7 =	sor.u32 s7, s9;
	[tilespmem:v2+s26+$0x0] =	vst.idx.msk $0xffff, v1  }
0x48c: {  	v2 =	vadd.s32 s8, v0;
	v1 =	vld [tilespmem:s7+$0x3E80];
	_ =	sdelay $0x1  }
0x48d: {  	s2 =	sadd.s32 $0x10, s2  }
0x48e: {  	_ =	sdelay $0x1  }
0x48f: {  	s1 =	simm.s32 $0x0  }
0x490: {  	s2 =	sand.u32 $0x70, s1;
	s7 =	sand.u32 $0xC00, s1  }
0x491: {  	s8 =	simm.s32 $0xE;
	[tilespmem:v2+s26+$0x0] =	vst.idx.msk $0xffff, v1;
	s2 =	sor.u32 s2, s7  }
0x492: {  	v2 =	vadd.s32 s8, v0;
	v1 =	vld [tilespmem:s2+$0x3F00]  }
0x493: {  	s15 =	simm.s32 $0x11E;
	s16 =	simm.s32 $0x10;
	s17 =	simm.s32 $0x0  }
.LBB2_135:
0x494: {  	s7 =	sand.u32 $0x70, s16  }
0x495: {  	s17 =	sadd.s32 $0x80, s17;
	s8 =	smov.u32 s15;
	p2 =	sne.s32 s15, $0x20FE  }
.Ltmp71:
0x496: {  	s15 =	sadd.s32 $0x110, s15;
	s9 =	sand.u32 $0xC00, s17;
	(pc) =	sbr.rel @p2 .LBB2_135-.Ltmp71, $3  }
0x497: {  	s7 =	sor.u32 s7, s9;
	[tilespmem:v2+s26+$0x0] =	vst.idx.msk $0xffff, v1  }
0x498: {  	v2 =	vadd.s32 s8, v0;
	v1 =	vld [tilespmem:s7+$0x3F00];
	_ =	sdelay $0x1  }
0x499: {  	s16 =	sadd.s32 $0x10, s16  }
0x49a: {  	_ =	sdelay $0x3  }
0x49b: {  	s7 =	simm.s32 $0xF;
	[tilespmem:v2+s26+$0x0] =	vst.idx.msk $0xffff, v1  }
0x49c: {  	v2 =	vadd.s32 s7, v0;
	v1 =	vld [tilespmem:s2+$0x3F80]  }
0x49d: {  	s15 =	simm.s32 $0x11F;
	s2 =	simm.s32 $0x10  }
.LBB2_137:
0x49e: {  	s7 =	sand.u32 $0x70, s2  }
0x49f: {  	s1 =	sadd.s32 $0x80, s1;
	s8 =	smov.u32 s15;
	p2 =	sne.s32 s15, $0x20FF  }
.Ltmp72:
0x4a0: {  	s15 =	sadd.s32 $0x110, s15;
	s9 =	sand.u32 $0xC00, s1;
	(pc) =	sbr.rel @p2 .LBB2_137-.Ltmp72, $3  }
0x4a1: {  	s7 =	sor.u32 s7, s9;
	[tilespmem:v2+s26+$0x0] =	vst.idx.msk $0xffff, v1  }
0x4a2: {  	v2 =	vadd.s32 s8, v0;
	v1 =	vld [tilespmem:s7+$0x3F80];
	_ =	sdelay $0x1  }
0x4a3: {  	s2 =	sadd.s32 $0x10, s2  }
0x4a4: {  	_ =	sdelay $0x3  }
0x4a5: {  	s2 =	simm.s32 $0xB2C4;
	[tilespmem:v2+s26+$0x0] =	vst.idx.msk $0xffff, v1  }
0x4a6: {  	v1 =	vld [tilespmem:s2+$0xFFFFFFBC]  }
0x4a7: {  	s1 =	simm.s32 $0x0  }
0x4a8: {  	s7 =	sand.u32 $0x7000, s1  }
0x4a9: {  	s8 =	sand.u32 $0x380, s1;
	s7 =	sshrl.u32 s7, $0x2  }
0x4aa: {  	s7 =	sor.u32 s8, s7  }
0x4ab: {  	[tilespmem:s7+$0x7000] =	vst v1  }
0x4ac: {  	v1 =	vld [tilespmem:s2+$0xFFFFFFCD];
	_ =	sdelay $0x4  }
0x4ad: {  	[tilespmem:s7+$0x7010] =	vst v1  }
0x4ae: {  	v1 =	vld [tilespmem:s2+$0xFFFFFFDE];
	_ =	sdelay $0x4  }
0x4af: {  	[tilespmem:s7+$0x7020] =	vst v1  }
0x4b0: {  	v1 =	vld [tilespmem:s2+$0xFFFFFFEF];
	_ =	sdelay $0x4  }
0x4b1: {  	[tilespmem:s7+$0x7030] =	vst v1  }
0x4b2: {  	v1 =	vld [tilespmem:s2+$0x0];
	_ =	sdelay $0x4  }
0x4b3: {  	[tilespmem:s7+$0x7040] =	vst v1  }
0x4b4: {  	v1 =	vld [tilespmem:s2+$0x11];
	_ =	sdelay $0x4  }
0x4b5: {  	[tilespmem:s7+$0x7050] =	vst v1  }
0x4b6: {  	v1 =	vld [tilespmem:s2+$0x22];
	_ =	sdelay $0x4  }
0x4b7: {  	[tilespmem:s7+$0x7060] =	vst v1  }
0x4b8: {  	v1 =	vld [tilespmem:s2+$0x33];
	_ =	sdelay $0x4  }
0x4b9: {  	s2 =	simm.s32 $0xB34C;
	[tilespmem:s7+$0x7070] =	vst v1  }
0x4ba: {  	s15 =	simm.s32 $0x200;
	s16 =	simm.s32 $0x400;
	v1 =	vld [tilespmem:s2+$0xFFFFFFBC]  }
.LBB2_139:
0x4bb: {  	p2 =	sne.s32 s16, $0x7E00  }
0x4bc: {  	s7 =	sand.u32 $0x7000, s15;
	s1 =	sadd.s32 $0x80, s1;
	s15 =	smov.u32 s16  }
0x4bd: {  	s8 =	sand.u32 $0x380, s1;
	s7 =	sshrl.u32 s7, $0x2  }
0x4be: {  	s7 =	sor.u32 s8, s7  }
0x4bf: {  	[tilespmem:s7+$0x7000] =	vst v1  }
0x4c0: {  	v1 =	vld [tilespmem:s2+$0xFFFFFFCD];
	_ =	sdelay $0x4  }
0x4c1: {  	[tilespmem:s7+$0x7010] =	vst v1  }
0x4c2: {  	v1 =	vld [tilespmem:s2+$0xFFFFFFDE];
	_ =	sdelay $0x4  }
0x4c3: {  	[tilespmem:s7+$0x7020] =	vst v1  }
0x4c4: {  	v1 =	vld [tilespmem:s2+$0xFFFFFFEF];
	_ =	sdelay $0x4  }
0x4c5: {  	[tilespmem:s7+$0x7030] =	vst v1  }
0x4c6: {  	v1 =	vld [tilespmem:s2+$0x0];
	_ =	sdelay $0x4  }
0x4c7: {  	[tilespmem:s7+$0x7040] =	vst v1  }
0x4c8: {  	v1 =	vld [tilespmem:s2+$0x11];
	_ =	sdelay $0x4  }
0x4c9: {  	[tilespmem:s7+$0x7050] =	vst v1  }
0x4ca: {  	v1 =	vld [tilespmem:s2+$0x22];
	_ =	sdelay $0x4  }
0x4cb: {  	[tilespmem:s7+$0x7060] =	vst v1  }
0x4cc: {  	v1 =	vld [tilespmem:s2+$0x33];
	_ =	sdelay $0x1  }
.Ltmp73:
0x4cd: {  	(pc) =	sbr.rel @p2 .LBB2_139-.Ltmp73, $3  }
0x4ce: {  	_ =	sdelay $0x1  }
0x4cf: {  	s2 =	sadd.s32 $0x88, s2;
	[tilespmem:s7+$0x7070] =	vst v1  }
0x4d0: {  	s16 =	sadd.s32 $0x200, s16;
	v1 =	vld [tilespmem:s2+$0xFFFFFFBC]  }
0x4d1: {  	_ = 	snop  }
0x4d2: {  	s7 =	sand.u32 $0x7000, s15;
	s1 =	sadd.s32 $0x80, s1  }
0x4d3: {  	s1 =	sand.u32 $0x380, s1;
	s7 =	sshrl.u32 s7, $0x2  }
0x4d4: {  	s1 =	sor.u32 s1, s7  }
0x4d5: {  	[tilespmem:s1+$0x7000] =	vst v1  }
0x4d6: {  	v1 =	vld [tilespmem:s2+$0xFFFFFFCD];
	_ =	sdelay $0x4  }
0x4d7: {  	[tilespmem:s1+$0x7010] =	vst v1  }
0x4d8: {  	v1 =	vld [tilespmem:s2+$0xFFFFFFDE];
	_ =	sdelay $0x4  }
0x4d9: {  	[tilespmem:s1+$0x7020] =	vst v1  }
0x4da: {  	v1 =	vld [tilespmem:s2+$0xFFFFFFEF];
	_ =	sdelay $0x4  }
0x4db: {  	[tilespmem:s1+$0x7030] =	vst v1  }
0x4dc: {  	v1 =	vld [tilespmem:s2+$0x0];
	_ =	sdelay $0x4  }
0x4dd: {  	[tilespmem:s1+$0x7040] =	vst v1  }
0x4de: {  	v1 =	vld [tilespmem:s2+$0x11];
	_ =	sdelay $0x4  }
0x4df: {  	[tilespmem:s1+$0x7050] =	vst v1  }
0x4e0: {  	v1 =	vld [tilespmem:s2+$0x22];
	_ =	sdelay $0x4  }
0x4e1: {  	[tilespmem:s1+$0x7060] =	vst v1  }
0x4e2: {  	v1 =	vld [tilespmem:s2+$0x33];
	_ =	sdelay $0x4  }
0x4e3: {  	s22 =	rddreg [dreg:$0x6];
	[tilespmem:s1+$0x7070] =	vst v1  }
0x4e4: {  	[hbm4b:s22+s4] =	stream.linear.scatter [tilespmem:s28], [sflag:$0x4], $0x2000, $0x38;
	[tilespmem:$0xD500] =	vst v63  }
0x4e5: {  	_ =	swait.ge [sflag:s30], $0x2000  }
.Ltmp74:
0x4e6: {  	[sflag:s30] =	ssyncset.done $0x0;
	(pc) =	sbr.rel .LBB2_143-.Ltmp74, $4  }
0x4e7: {  	[sflag:s30] =	ssyncadd.s32 $0xFFFFE000  }
0x4e8: {  	_ =	swait.ge [sflag:s29], $0x2000  }
0x4e9: {  	[sflag:s29] =	ssyncset.done $0x0  }
0x4ea: {  	[sflag:s29] =	ssyncadd.s32 $0xFFFFE000  }
.LBB2_144:
0x4eb: {  	_ =	sfence.sel $0x180000  }
0x4ec: {  	[bflag:$0x0] =	sbarrier.arrive $0xFFFF  }
0x4ed: {  	_ =	strace $0x90000047  }
0x4ee: {  	s0 =	stileid.u32;
	[bflag:$0x2] =	sbarrier.arrive $0xFFFF  }
0x4ef: {  	p0 =	sne.s32 s0, $0x0;
	s0 =	rddreg [dreg:$0x2]  }
0x4f0: {  	s0 =	sadd.s32 @!p0 $0x100000, s0  }
0x4f1: {  	[sflag:s0] =	ssyncadd.tile.s32 @!p0 $0x1;
	_ =	shalt  }
.Lfunc_end2:
_tile_overlayer_lowered:
.L_overlay_start_2:
0x4f2: {  	(tag) =	ssettag $0x2  }
0x4f3: {  	s0 =	rddreg [dreg:$0x0];
	s2 =	stileid.u32  }
0x4f4: {  	s1 =	rddreg [dreg:$0x1];
	p0 =	sne.s32 s2, $0x0  }
0x4f5: {  	s3 =	rddreg [dreg:$0x2];
	[bflag:$0x3] =	sbarrier.arrive $0xFFFF;
	s2 =	simm.s32 @!p0 $0x1C05  }
0x4f6: {  	[timem:s3], [sflag:s2] =	dma.local @!p0 [hbm:s0], s1  }
0x4f7: {  	s0 =	simm.s32 @!p0 $0x5  }
0x4f8: {  	_ =	swait.ge @!p0 [sflag:s0], s1  }
0x4f9: {  	s1 =	ssub.s32 @!p0 $0x0, s1;
	[sflag:s0] =	ssyncset.done @!p0 $0x0  }
0x4fa: {  	[sflag:s0] =	ssyncadd.s32 @!p0 s1  }
0x4fb: {  	[bflag:$0x3] =	sbarrier.arrive $0xFFFF  }
0x4fc: {  	_ =	shalt  }

</sc_bundles>
